<compile_context>
chip_gen: v7x
topology: tpu7x:2x2x1
jax: 0.10.2.dev20260603
libtpu: 0.0.44.dev20260713+nightly
codegen_flags: <defaults>
</compile_context>

<pallas_src>
import functools

import jax
import jax.numpy as jnp
import numpy as np
from jax import lax
from jax.experimental import pallas as pl
from jax.experimental.pallas import tpu as pltpu
from jax.experimental.pallas import tpu_sc as plsc

NUM_CLIENTS = 10000
VOCAB = 100000
D = 64
N_TOKENS = 5
B = 4096
L = 200


NC = 2
NS = 16
NW = NC * NS
ROWS = B * L
ROWS_PER_W = ROWS // NW
CHUNK = 512
N_CHUNKS = ROWS_PER_W // CHUNK


PFX_ROWS = B * N_TOKENS
PFX_PER_W = PFX_ROWS // NW


@functools.lru_cache(maxsize=1)
def _make_sc_kernels():
    mesh = plsc.VectorSubcoreMesh(core_axis_name="c", subcore_axis_name="s")

    @functools.partial(
        pl.kernel,
        out_type=(),
        mesh=mesh,
        scratch_types=[
            pltpu.VMEM((CHUNK,), jnp.int32),
            pltpu.VMEM((CHUNK, D), jnp.float32),
            pltpu.SemaphoreType.DMA,
        ],
        compiler_params=pltpu.CompilerParams(use_tc_tiling_on_sc=False),
    )
    def _token_gather(table_hbm, idx_hbm, out_hbm, idx_v, rows_v, sem):
        wid = lax.axis_index("s") * NC + lax.axis_index("c")
        base = wid * ROWS_PER_W

        @pl.loop(0, N_CHUNKS)
        def _(i):
            off = base + i * CHUNK
            pltpu.sync_copy(idx_hbm.at[pl.ds(off, CHUNK)], idx_v)
            pltpu.async_copy(table_hbm.at[idx_v], rows_v, sem).wait()
            pltpu.sync_copy(rows_v, out_hbm.at[pl.ds(off, CHUNK)])

    @functools.partial(
        pl.kernel,
        out_type=(),
        mesh=mesh,
        scratch_types=[
            pltpu.VMEM((PFX_PER_W,), jnp.int32),
            pltpu.VMEM((PFX_PER_W,), jnp.int32),
            pltpu.VMEM((PFX_PER_W, D), jnp.float32),
            pltpu.SemaphoreType.DMA,
        ],
        compiler_params=pltpu.CompilerParams(use_tc_tiling_on_sc=False),
    )
    def _prefix_scatter(prefix_hbm, gidx_hbm, sidx_hbm, out_hbm,
                        gidx_v, sidx_v, rows_v, sem):
        wid = lax.axis_index("s") * NC + lax.axis_index("c")
        off = wid * PFX_PER_W
        pltpu.sync_copy(gidx_hbm.at[pl.ds(off, PFX_PER_W)], gidx_v)
        pltpu.sync_copy(sidx_hbm.at[pl.ds(off, PFX_PER_W)], sidx_v)
        pltpu.async_copy(prefix_hbm.at[gidx_v], rows_v, sem).wait()
        pltpu.async_copy(rows_v, out_hbm.at[sidx_v], sem).wait()

    return _token_gather, _prefix_scatter



_U32 = jnp.uint32
_MASK32 = 0xFFFFFFFF


def _np_threefry2(k0, k1, c0, c1):
    ks2 = (k0 ^ k1 ^ 0x1BD11BDA) & _MASK32
    x0, x1 = (c0 + k0) & _MASK32, (c1 + k1) & _MASK32
    rot1, rot2 = (13, 15, 26, 6), (17, 29, 16, 24)

    def rounds(x0, x1, rots):
        for r in rots:
            x0 = (x0 + x1) & _MASK32
            x1 = ((x1 << r) | (x1 >> (32 - r))) & _MASK32
            x1 ^= x0
        return x0, x1

    ks = (k0, k1, ks2)
    for i, rots in enumerate((rot1, rot2, rot1, rot2, rot1)):
        x0, x1 = rounds(x0, x1, rots)
        x0 = (x0 + ks[(i + 1) % 3]) & _MASK32
        x1 = (x1 + ks[(i + 2) % 3] + i + 1) & _MASK32
    return x0, x1


_KA = _np_threefry2(0, 42, 0, 0)
_KB = _np_threefry2(0, 42, 0, 1)

_NORM_LO = float(np.nextafter(np.float32(-1.0), np.float32(0.0), dtype=np.float32))
_SQRT2 = float(np.float32(np.sqrt(2)))


def _rotl(x, r):
    return (x << _U32(r)) | (x >> _U32(32 - r))


def _threefry2(k0, k1, c0, c1):
    ks2 = k0 ^ k1 ^ _U32(0x1BD11BDA)
    x0 = c0 + k0
    x1 = c1 + k1
    rot1, rot2 = (13, 15, 26, 6), (17, 29, 16, 24)

    def rounds(x0, x1, rots):
        for r in rots:
            x0 = x0 + x1
            x1 = _rotl(x1, r)
            x1 = x0 ^ x1
        return x0, x1

    x0, x1 = rounds(x0, x1, rot1)
    x0, x1 = x0 + k1, x1 + ks2 + _U32(1)
    x0, x1 = rounds(x0, x1, rot2)
    x0, x1 = x0 + ks2, x1 + k0 + _U32(2)
    x0, x1 = rounds(x0, x1, rot1)
    x0, x1 = x0 + k0, x1 + k1 + _U32(3)
    x0, x1 = rounds(x0, x1, rot2)
    x0, x1 = x0 + k1, x1 + ks2 + _U32(4)
    x0, x1 = rounds(x0, x1, rot1)
    x0, x1 = x0 + ks2, x1 + k0 + _U32(5)
    return x0, x1


def _bits_to_unit(bits):
    fb = (bits >> _U32(9)) | _U32(0x3F800000)
    return lax.bitcast_convert_type(fb, jnp.float32) - jnp.float32(1.0)


def _u01(k0, k1):
    b0, b1 = _threefry2(k0, k1, _U32(0), _U32(0))
    return jnp.maximum(jnp.float32(0.0), _bits_to_unit(b0 ^ b1))


def _unormal(k0, k1):
    b0, b1 = _threefry2(k0, k1, _U32(0), _U32(0))
    f = _bits_to_unit(b0 ^ b1)
    u = f * (jnp.float32(1.0) - jnp.float32(_NORM_LO)) + jnp.float32(_NORM_LO)
    u = jnp.maximum(jnp.float32(_NORM_LO), u)
    return jnp.float32(_SQRT2) * lax.erf_inv(u)


def _gamma_log(K0, K1, alpha):
    one_third = jnp.float32(1.0 / 3.0)
    d = alpha - one_third
    c = one_third / jnp.sqrt(d)
    shp = alpha.shape

    key0, key1 = _threefry2(K0, K1, _U32(0), _U32(0))

    def reject(X, V, U):
        return (U >= 1.0 - jnp.float32(0.0331) * X * X) & (
            jnp.log(U) >= jnp.float32(0.5) * X + d * (1.0 - V + jnp.log(V)))

    def outer_body(state):
        key0, key1, V, active = state
        act = active != 0
        nk0, nk1 = _threefry2(key0, key1, _U32(0), _U32(0))
        xk0, xk1 = _threefry2(key0, key1, _U32(0), _U32(1))
        uk0, uk1 = _threefry2(key0, key1, _U32(0), _U32(2))

        def inner_body(istate):
            xk0, xk1, x, v, need = istate
            nd = need != 0
            nxk0, nxk1 = _threefry2(xk0, xk1, _U32(0), _U32(0))
            sk0, sk1 = _threefry2(xk0, xk1, _U32(0), _U32(1))
            xn = _unormal(sk0, sk1)
            vn = 1.0 + xn * c
            x = jnp.where(nd, xn, x)
            v = jnp.where(nd, vn, v)
            xk0 = jnp.where(nd, nxk0, xk0)
            xk1 = jnp.where(nd, nxk1, xk1)
            return xk0, xk1, x, v, (nd & (v <= 0.0)).astype(jnp.int32)

        istate = (xk0, xk1, jnp.zeros(shp, jnp.float32),
                  jnp.full(shp, -1.0, jnp.float32), active)
        _, _, x, v, _ = lax.while_loop(
            lambda s: jnp.any(s[4] != 0), inner_body, istate)

        Xn = x * x
        Vn = (v * v) * v
        Un = _u01(uk0, uk1)

        V = jnp.where(act, Vn, V)
        key0 = jnp.where(act, nk0, key0)
        key1 = jnp.where(act, nk1, key1)
        active = (act & reject(Xn, Vn, Un)).astype(jnp.int32)
        return key0, key1, V, active

    state = (key0, key1, jnp.ones(shp, jnp.float32),
             jnp.ones(shp, jnp.int32))
    state = lax.while_loop(lambda s: jnp.any(s[3] != 0), outer_body, state)
    return jnp.log(d) + jnp.log(state[2])


NBETA = NUM_CLIENTS * N_TOKENS * D
BETA_COLS = 128
BETA_ROWS = NBETA // BETA_COLS
BETA_BR = 200
BETA_GRID = BETA_ROWS // BETA_BR


def _beta_block_kernel(a_ref, b_ref, o_ref):
    i = pl.program_id(0)
    e0 = i * (BETA_BR * BETA_COLS)
    row = lax.broadcasted_iota(jnp.int32, (BETA_BR, BETA_COLS), 0)
    col = lax.broadcasted_iota(jnp.int32, (BETA_BR, BETA_COLS), 1)
    e = (e0 + row * BETA_COLS + col).astype(jnp.uint32)

    A0, A1 = _threefry2(_U32(_KA[0]), _U32(_KA[1]), _U32(0), e)
    B0, B1 = _threefry2(_U32(_KB[0]), _U32(_KB[1]), _U32(0), e)
    lga = _gamma_log(A0, A1, a_ref[...])
    lgb = _gamma_log(B0, B1, b_ref[...])
    lm = jnp.maximum(lga, lgb)
    ga = jnp.exp(lga - lm)
    gb = jnp.exp(lgb - lm)
    o_ref[...] = ga / (ga + gb)


def _sample_beta(alphas, betas):
    a2 = alphas.reshape(BETA_ROWS, BETA_COLS)
    b2 = betas.reshape(BETA_ROWS, BETA_COLS)
    out = pl.pallas_call(
        _beta_block_kernel,
        out_shape=jax.ShapeDtypeStruct((BETA_ROWS, BETA_COLS), jnp.float32),
        grid=(BETA_GRID,),
        in_specs=[
            pl.BlockSpec((BETA_BR, BETA_COLS), lambda i: (i, 0)),
            pl.BlockSpec((BETA_BR, BETA_COLS), lambda i: (i, 0)),
        ],
        out_specs=pl.BlockSpec((BETA_BR, BETA_COLS), lambda i: (i, 0)),
        compiler_params=pltpu.CompilerParams(
            dimension_semantics=("parallel",)),
    )(a2, b2)
    return out




def kernel(tokens, W, alphas, betas):
    token_gather, prefix_scatter = _make_sc_kernels()

    client = tokens[:, 0]
    pfx_base = ((client + NUM_CLIENTS - 1) % NUM_CLIENTS) * N_TOKENS
    k = jnp.arange(N_TOKENS, dtype=jnp.int32)
    gidx = (pfx_base[:, None] + k[None, :]).reshape(PFX_ROWS)
    sidx = (jnp.arange(B, dtype=jnp.int32)[:, None] * L + k[None, :]).reshape(
        PFX_ROWS)

    out_ref = jax.empty_ref(jax.ShapeDtypeStruct((ROWS, D), jnp.float32))
    token_gather(W, tokens.reshape(ROWS), out_ref)

    prefix_flat = _sample_beta(alphas, betas).reshape(NUM_CLIENTS * N_TOKENS, D)
    prefix_scatter(prefix_flat, gidx, sidx, out_ref)
    return out_ref[...].reshape(B, L, D)

# --- scband reference (transcript-rebuilt; emitter-appended) ---
"""Pipeline reference for scband-soft-client-embedding-16003048145481 (READ-ONLY COPY).

The authoritative reference and input builder live on the scoring server;
editing this copy changes nothing except your own understanding.
"""

import jax, jax.numpy as jnp
import numpy as np

NUM_CLIENTS = 10000
VOCAB = 100000
D = 64
N_TOKENS = 5
B = 4096
L = 200


def setup_inputs(seed: int = 0) -> dict:
    key = jax.random.key(seed)
    k1, k2, k3, k4 = jax.random.split(key, 4)
    # forward arg: tokens[:,0] is client_idx (must be < NUM_CLIENTS); remaining are vocab ids
    tokens = jax.random.randint(k1, (B, L), 0, NUM_CLIENTS, dtype=jnp.int32)
    # learned / buffer params
    W = jax.random.normal(k2, (VOCAB, D), dtype=jnp.float32)  # wte.weight
    alphas = jax.random.uniform(k3, (NUM_CLIENTS, N_TOKENS, D), dtype=jnp.float32, minval=1.0, maxval=2.5)
    betas = jax.random.uniform(k4, (NUM_CLIENTS, N_TOKENS, D), dtype=jnp.float32, minval=4.0, maxval=5.5)
    return {"tokens": tokens, "W": W, "alphas": alphas, "betas": betas}


def reference(tokens, W, alphas, betas):
    # input_embedding = self.wte(tokens[:, n_tokens:])
    input_embedding = jnp.take(W, tokens[:, N_TOKENS:], axis=0)
    # client_idx = tokens[:, 0]
    client_idx = tokens[:, 0]
    # beta_dists.sample() on first call (sample_flag=True); deterministic key stands in for torch RNG
    sample_prefix = jax.random.beta(jax.random.key(42), alphas, betas)
    # prefix = sample_prefix[client_idx - 1]  (negative index wraps, same as torch)
    prefix = sample_prefix[client_idx - 1]
    # torch.cat([prefix, input_embedding], 1) -> [B, L, D]
    return jnp.concatenate([prefix, input_embedding], axis=1)

if __name__ == "__main__":
    import jax
    _d = setup_inputs()
    print(jax.jit(kernel)(*tuple(_d.values())))

</pallas_src>

<mosaic_0001>
#map = affine_map<(d0, d1) -> (0, 0)>
#map1 = affine_map<(d0, d1) -> (0)>
module attributes {stable_mosaic.version = 14 : i64} {
  func.func @new_body(%arg0: i32, %arg1: i32, %arg2: memref<100000x64xf32, #tpu.memory_space<hbm>>, %arg3: memref<819200xi32, #tpu.memory_space<hbm>>, %arg4: memref<819200x64xf32, #tpu.memory_space<hbm>>, %arg5: memref<819200x64xf32, #tpu.memory_space<hbm>>, %arg6: memref<512xi32, #tpu.memory_space<vmem>>, %arg7: memref<512x64xf32, #tpu.memory_space<vmem>>, %arg8: memref<!tpu.dma_semaphore, #tpu.memory_space<semaphore_mem>>) attributes {dimension_semantics = [#tpu.dimension_semantics<core_parallel>, #tpu.dimension_semantics<subcore_parallel>], iteration_bounds = array<i64: 2, 16>, scalar_prefetch = 0 : i64, scratch_operands = 3 : i64, tpu.core_type = #tpu.core_type<sc_vector_subcore>, window_params = [{transform_indices = #map}, {transform_indices = #map1}, {transform_indices = #map}, {transform_indices = #map}]} {
    %mul3A = arith.constant 2 : i32
    %mul3A_0 = arith.muli %arg1, %mul3A : i32
    %add3A = arith.addi %mul3A_0, %arg0 : i32
    %mul3A_1 = arith.constant 25600 : i32
    %mul3A_2 = arith.muli %add3A, %mul3A_1 : i32
    %scan3A = arith.constant 0 : i32
    %scan3A_3 = arith.constant 50 : i32
    %scan3A_4 = arith.addi %scan3A, %scan3A_3 : i32
    %scan3A_5 = arith.constant 1 : i32
    scf.for %scan3A_7 = %scan3A to %scan3A_4 step %scan3A_5  : i32 {
      %mul3A_8 = arith.constant 1 : i32
      %mul3A_9 = arith.muli %scan3A_7, %mul3A_8 : i32
      %add3A_10 = arith.constant 0 : i32
      %add3A_11 = arith.addi %add3A_10, %mul3A_9 : i32
      %mul3A_12 = arith.constant 512 : i32
      %mul3A_13 = arith.muli %add3A_11, %mul3A_12 : i32
      %add3A_14 = arith.addi %mul3A_2, %mul3A_13 : i32
      "tpu.region"() ({
        %run_scoped3A = tpu.sem_alloc : memref<!tpu.dma_semaphore, #tpu.memory_space<semaphore_mem>>
        %dma_start3A_19 = tpu.memref_slice %arg3[%add3A_14] : memref<819200xi32, #tpu.memory_space<hbm>> -> memref<512xi32, #tpu.memory_space<hbm>>
        %dma_start3A_20 = tpu.memref_slice %arg3[%add3A_14] : memref<819200xi32, #tpu.memory_space<hbm>> -> memref<512xi32, #tpu.memory_space<hbm>>
        tpu.enqueue_dma source(%dma_start3A_20 : memref<512xi32, #tpu.memory_space<hbm>>) target(%arg6 : memref<512xi32, #tpu.memory_space<vmem>>) target_semaphore(%run_scoped3A : memref<!tpu.dma_semaphore, #tpu.memory_space<semaphore_mem>>)
        %dma_wait3A_21 = tpu.memref_slice %arg3[%add3A_14] : memref<819200xi32, #tpu.memory_space<hbm>> -> memref<512xi32, #tpu.memory_space<hbm>>
        %dma_wait3A_22 = tpu.memref_slice %arg3[%add3A_14] : memref<819200xi32, #tpu.memory_space<hbm>> -> memref<512xi32, #tpu.memory_space<hbm>>
        tpu.wait_dma2 semaphore(%run_scoped3A : memref<!tpu.dma_semaphore, #tpu.memory_space<semaphore_mem>>) src(%dma_wait3A_22 : memref<512xi32, #tpu.memory_space<hbm>>) dst(%arg6 : memref<512xi32, #tpu.memory_space<vmem>>)
        tpu.yield
      }) : () -> ()
      %dma_start3A = arith.constant 0 : i32
      %dma_start3A_15 = arith.constant 0 : i32
      %dma_start3A_16 = tpu.memref_slice %arg2[%dma_start3A, %dma_start3A_15] : memref<100000x64xf32, #tpu.memory_space<hbm>> -> memref<100000x64xf32, #tpu.memory_space<hbm>>
      tpu.enqueue_indirect_dma source(%dma_start3A_16 : memref<100000x64xf32, #tpu.memory_space<hbm>>) target(%arg7 : memref<512x64xf32, #tpu.memory_space<vmem>>) offsets(%arg6 : memref<512xi32, #tpu.memory_space<vmem>>) semaphore(%arg8 : memref<!tpu.dma_semaphore, #tpu.memory_space<semaphore_mem>>)
      %dma_wait3A = arith.constant 0 : i32
      %dma_wait3A_17 = arith.constant 0 : i32
      %dma_wait3A_18 = tpu.memref_slice %arg2[%dma_wait3A, %dma_wait3A_17] : memref<100000x64xf32, #tpu.memory_space<hbm>> -> memref<100000x64xf32, #tpu.memory_space<hbm>>
      tpu.wait_indirect_dma semaphore(%arg8 : memref<!tpu.dma_semaphore, #tpu.memory_space<semaphore_mem>>) src(%dma_wait3A_18 : memref<100000x64xf32, #tpu.memory_space<hbm>>) dst(%arg7 : memref<512x64xf32, #tpu.memory_space<vmem>>)
      "tpu.region"() ({
        %run_scoped3A = tpu.sem_alloc : memref<!tpu.dma_semaphore, #tpu.memory_space<semaphore_mem>>
        %dma_start3A_19 = arith.constant 0 : i32
        %dma_start3A_20 = tpu.memref_slice %arg4[%add3A_14, %dma_start3A_19] : memref<819200x64xf32, #tpu.memory_space<hbm>> -> memref<512x64xf32, #tpu.memory_space<hbm>>
        %dma_start3A_21 = arith.constant 0 : i32
        %dma_start3A_22 = tpu.memref_slice %arg4[%add3A_14, %dma_start3A_21] : memref<819200x64xf32, #tpu.memory_space<hbm>> -> memref<512x64xf32, #tpu.memory_space<hbm>>
        tpu.enqueue_dma source(%arg7 : memref<512x64xf32, #tpu.memory_space<vmem>>) target(%dma_start3A_22 : memref<512x64xf32, #tpu.memory_space<hbm>>) target_semaphore(%run_scoped3A : memref<!tpu.dma_semaphore, #tpu.memory_space<semaphore_mem>>)
        %dma_wait3A_23 = arith.constant 0 : i32
        %dma_wait3A_24 = tpu.memref_slice %arg4[%add3A_14, %dma_wait3A_23] : memref<819200x64xf32, #tpu.memory_space<hbm>> -> memref<512x64xf32, #tpu.memory_space<hbm>>
        %dma_wait3A_25 = arith.constant 0 : i32
        %dma_wait3A_26 = tpu.memref_slice %arg4[%add3A_14, %dma_wait3A_25] : memref<819200x64xf32, #tpu.memory_space<hbm>> -> memref<512x64xf32, #tpu.memory_space<hbm>>
        tpu.wait_dma2 semaphore(%run_scoped3A : memref<!tpu.dma_semaphore, #tpu.memory_space<semaphore_mem>>) src(%arg7 : memref<512x64xf32, #tpu.memory_space<vmem>>) dst(%dma_wait3A_26 : memref<512x64xf32, #tpu.memory_space<hbm>>)
        tpu.yield
      }) : () -> ()
    }
    %scan3A_6 = arith.constant 50 : i32
    return
  }
}

#map = affine_map<(d0, d1) -> (0, 0)>
#map1 = affine_map<(d0, d1) -> (0)>
module attributes {stable_mosaic.version = 14 : i64} {
  func.func @new_body(%arg0: i32, %arg1: i32, %arg2: memref<50000x64xf32, #tpu.memory_space<hbm>>, %arg3: memref<20480xi32, #tpu.memory_space<hbm>>, %arg4: memref<20480xi32, #tpu.memory_space<hbm>>, %arg5: memref<819200x64xf32, #tpu.memory_space<hbm>>, %arg6: memref<819200x64xf32, #tpu.memory_space<hbm>>, %arg7: memref<640xi32, #tpu.memory_space<vmem>>, %arg8: memref<640xi32, #tpu.memory_space<vmem>>, %arg9: memref<640x64xf32, #tpu.memory_space<vmem>>, %arg10: memref<!tpu.dma_semaphore, #tpu.memory_space<semaphore_mem>>) attributes {dimension_semantics = [#tpu.dimension_semantics<core_parallel>, #tpu.dimension_semantics<subcore_parallel>], iteration_bounds = array<i64: 2, 16>, scalar_prefetch = 0 : i64, scratch_operands = 4 : i64, tpu.core_type = #tpu.core_type<sc_vector_subcore>, window_params = [{transform_indices = #map}, {transform_indices = #map1}, {transform_indices = #map1}, {transform_indices = #map}, {transform_indices = #map}]} {
    %mul3A = arith.constant 2 : i32
    %mul3A_0 = arith.muli %arg1, %mul3A : i32
    %add3A = arith.addi %mul3A_0, %arg0 : i32
    %mul3A_1 = arith.constant 640 : i32
    %mul3A_2 = arith.muli %add3A, %mul3A_1 : i32
    "tpu.region"() ({
      %run_scoped3A = tpu.sem_alloc : memref<!tpu.dma_semaphore, #tpu.memory_space<semaphore_mem>>
      %dma_start3A_13 = tpu.memref_slice %arg3[%mul3A_2] : memref<20480xi32, #tpu.memory_space<hbm>> -> memref<640xi32, #tpu.memory_space<hbm>>
      %dma_start3A_14 = tpu.memref_slice %arg3[%mul3A_2] : memref<20480xi32, #tpu.memory_space<hbm>> -> memref<640xi32, #tpu.memory_space<hbm>>
      tpu.enqueue_dma source(%dma_start3A_14 : memref<640xi32, #tpu.memory_space<hbm>>) target(%arg7 : memref<640xi32, #tpu.memory_space<vmem>>) target_semaphore(%run_scoped3A : memref<!tpu.dma_semaphore, #tpu.memory_space<semaphore_mem>>)
      %dma_wait3A_15 = tpu.memref_slice %arg3[%mul3A_2] : memref<20480xi32, #tpu.memory_space<hbm>> -> memref<640xi32, #tpu.memory_space<hbm>>
      %dma_wait3A_16 = tpu.memref_slice %arg3[%mul3A_2] : memref<20480xi32, #tpu.memory_space<hbm>> -> memref<640xi32, #tpu.memory_space<hbm>>
      tpu.wait_dma2 semaphore(%run_scoped3A : memref<!tpu.dma_semaphore, #tpu.memory_space<semaphore_mem>>) src(%dma_wait3A_16 : memref<640xi32, #tpu.memory_space<hbm>>) dst(%arg7 : memref<640xi32, #tpu.memory_space<vmem>>)
      tpu.yield
    }) : () -> ()
    "tpu.region"() ({
      %run_scoped3A = tpu.sem_alloc : memref<!tpu.dma_semaphore, #tpu.memory_space<semaphore_mem>>
      %dma_start3A_13 = tpu.memref_slice %arg4[%mul3A_2] : memref<20480xi32, #tpu.memory_space<hbm>> -> memref<640xi32, #tpu.memory_space<hbm>>
      %dma_start3A_14 = tpu.memref_slice %arg4[%mul3A_2] : memref<20480xi32, #tpu.memory_space<hbm>> -> memref<640xi32, #tpu.memory_space<hbm>>
      tpu.enqueue_dma source(%dma_start3A_14 : memref<640xi32, #tpu.memory_space<hbm>>) target(%arg8 : memref<640xi32, #tpu.memory_space<vmem>>) target_semaphore(%run_scoped3A : memref<!tpu.dma_semaphore, #tpu.memory_space<semaphore_mem>>)
      %dma_wait3A_15 = tpu.memref_slice %arg4[%mul3A_2] : memref<20480xi32, #tpu.memory_space<hbm>> -> memref<640xi32, #tpu.memory_space<hbm>>
      %dma_wait3A_16 = tpu.memref_slice %arg4[%mul3A_2] : memref<20480xi32, #tpu.memory_space<hbm>> -> memref<640xi32, #tpu.memory_space<hbm>>
      tpu.wait_dma2 semaphore(%run_scoped3A : memref<!tpu.dma_semaphore, #tpu.memory_space<semaphore_mem>>) src(%dma_wait3A_16 : memref<640xi32, #tpu.memory_space<hbm>>) dst(%arg8 : memref<640xi32, #tpu.memory_space<vmem>>)
      tpu.yield
    }) : () -> ()
    %dma_start3A = arith.constant 0 : i32
    %dma_start3A_3 = arith.constant 0 : i32
    %dma_start3A_4 = tpu.memref_slice %arg2[%dma_start3A, %dma_start3A_3] : memref<50000x64xf32, #tpu.memory_space<hbm>> -> memref<50000x64xf32, #tpu.memory_space<hbm>>
    tpu.enqueue_indirect_dma source(%dma_start3A_4 : memref<50000x64xf32, #tpu.memory_space<hbm>>) target(%arg9 : memref<640x64xf32, #tpu.memory_space<vmem>>) offsets(%arg7 : memref<640xi32, #tpu.memory_space<vmem>>) semaphore(%arg10 : memref<!tpu.dma_semaphore, #tpu.memory_space<semaphore_mem>>)
    %dma_wait3A = arith.constant 0 : i32
    %dma_wait3A_5 = arith.constant 0 : i32
    %dma_wait3A_6 = tpu.memref_slice %arg2[%dma_wait3A, %dma_wait3A_5] : memref<50000x64xf32, #tpu.memory_space<hbm>> -> memref<50000x64xf32, #tpu.memory_space<hbm>>
    tpu.wait_indirect_dma semaphore(%arg10 : memref<!tpu.dma_semaphore, #tpu.memory_space<semaphore_mem>>) src(%dma_wait3A_6 : memref<50000x64xf32, #tpu.memory_space<hbm>>) dst(%arg9 : memref<640x64xf32, #tpu.memory_space<vmem>>)
    %dma_start3A_7 = arith.constant 0 : i32
    %dma_start3A_8 = arith.constant 0 : i32
    %dma_start3A_9 = tpu.memref_slice %arg5[%dma_start3A_7, %dma_start3A_8] : memref<819200x64xf32, #tpu.memory_space<hbm>> -> memref<819200x64xf32, #tpu.memory_space<hbm>>
    tpu.enqueue_indirect_dma source(%arg9 : memref<640x64xf32, #tpu.memory_space<vmem>>) target(%dma_start3A_9 : memref<819200x64xf32, #tpu.memory_space<hbm>>) offsets(%arg8 : memref<640xi32, #tpu.memory_space<vmem>>) semaphore(%arg10 : memref<!tpu.dma_semaphore, #tpu.memory_space<semaphore_mem>>)
    %dma_wait3A_10 = arith.constant 0 : i32
    %dma_wait3A_11 = arith.constant 0 : i32
    %dma_wait3A_12 = tpu.memref_slice %arg5[%dma_wait3A_10, %dma_wait3A_11] : memref<819200x64xf32, #tpu.memory_space<hbm>> -> memref<819200x64xf32, #tpu.memory_space<hbm>>
    tpu.wait_indirect_dma semaphore(%arg10 : memref<!tpu.dma_semaphore, #tpu.memory_space<semaphore_mem>>) src(%arg9 : memref<640x64xf32, #tpu.memory_space<vmem>>) dst(%dma_wait3A_12 : memref<819200x64xf32, #tpu.memory_space<hbm>>)
    return
  }
}

module attributes {stable_mosaic.version = 14 : i64} {
  func.func @_beta_block_kernel(%arg0: i32, %arg1: memref<200x128xf32, #tpu.memory_space<vmem>>, %arg2: memref<200x128xf32, #tpu.memory_space<vmem>>, %arg3: memref<200x128xf32, #tpu.memory_space<vmem>>) attributes {dimension_semantics = [#tpu.dimension_semantics<parallel>], iteration_bounds = array<i64: 125>, scalar_prefetch = 0 : i64, scratch_operands = 0 : i64, tpu.core_type = #tpu.core_type<tc>, window_params = [{transform_indices = @transform_0, window_bounds = array<i64: 200, 128>}, {transform_indices = @transform_1, window_bounds = array<i64: 200, 128>}, {transform_indices = @transform_2, window_bounds = array<i64: 200, 128>}]} {
    %mul3A = arith.constant 25600 : i32
    %mul3A_0 = arith.muli %arg0, %mul3A : i32
    %iota3A = tpu.iota {dimensions = array<i32: 0>} : vector<200x128xi32>
    %iota3A_1 = tpu.iota {dimensions = array<i32: 1>} : vector<200x128xi32>
    %mul3A_2 = arith.constant 128 : i32
    %mul3A_3 = vector.broadcast %mul3A_2 : i32 to vector<200x128xi32>
    %mul3A_4 = arith.muli %iota3A, %mul3A_3 : vector<200x128xi32>
    %add3A = vector.broadcast %mul3A_0 : i32 to vector<200x128xi32>
    %add3A_5 = arith.addi %add3A, %mul3A_4 : vector<200x128xi32>
    %add3A_6 = arith.addi %add3A_5, %iota3A_1 : vector<200x128xi32>
    %xor3A = arith.constant 1832780943 : i32
    %xor3A_7 = arith.constant 270669613 : i32
    %xor3A_8 = arith.xori %xor3A, %xor3A_7 : i32
    %xor3A_9 = arith.constant 466688986 : i32
    %xor3A_10 = arith.xori %xor3A_8, %xor3A_9 : i32
    %add3A_11 = arith.constant 0 : i32
    %add3A_12 = arith.constant 1832780943 : i32
    %add3A_13 = arith.addi %add3A_11, %add3A_12 : i32
    %add3A_14 = arith.constant 270669613 : i32
    %add3A_15 = vector.broadcast %add3A_14 : i32 to vector<200x128xi32>
    %add3A_16 = arith.addi %add3A_6, %add3A_15 : vector<200x128xi32>
    %add3A_17 = vector.broadcast %add3A_13 : i32 to vector<200x128xi32>
    %add3A_18 = arith.addi %add3A_17, %add3A_16 : vector<200x128xi32>
    %shift_left3A = arith.constant 13 : i32
    %shift_left3A_19 = vector.broadcast %shift_left3A : i32 to vector<200x128xi32>
    %shift_left3A_20 = arith.shli %add3A_16, %shift_left3A_19 : vector<200x128xi32>
    %shift_right_logical3A = arith.constant 19 : i32
    %shift_right_logical3A_21 = vector.broadcast %shift_right_logical3A : i32 to vector<200x128xi32>
    %shift_right_logical3A_22 = arith.shrui %add3A_16, %shift_right_logical3A_21 : vector<200x128xi32>
    %or3A = arith.ori %shift_left3A_20, %shift_right_logical3A_22 : vector<200x128xi32>
    %xor3A_23 = arith.xori %add3A_18, %or3A : vector<200x128xi32>
    %add3A_24 = arith.addi %add3A_18, %xor3A_23 : vector<200x128xi32>
    %shift_left3A_25 = arith.constant 15 : i32
    %shift_left3A_26 = vector.broadcast %shift_left3A_25 : i32 to vector<200x128xi32>
    %shift_left3A_27 = arith.shli %xor3A_23, %shift_left3A_26 : vector<200x128xi32>
    %shift_right_logical3A_28 = arith.constant 17 : i32
    %shift_right_logical3A_29 = vector.broadcast %shift_right_logical3A_28 : i32 to vector<200x128xi32>
    %shift_right_logical3A_30 = arith.shrui %xor3A_23, %shift_right_logical3A_29 : vector<200x128xi32>
    %or3A_31 = arith.ori %shift_left3A_27, %shift_right_logical3A_30 : vector<200x128xi32>
    %xor3A_32 = arith.xori %add3A_24, %or3A_31 : vector<200x128xi32>
    %add3A_33 = arith.addi %add3A_24, %xor3A_32 : vector<200x128xi32>
    %shift_left3A_34 = arith.constant 26 : i32
    %shift_left3A_35 = vector.broadcast %shift_left3A_34 : i32 to vector<200x128xi32>
    %shift_left3A_36 = arith.shli %xor3A_32, %shift_left3A_35 : vector<200x128xi32>
    %shift_right_logical3A_37 = arith.constant 6 : i32
    %shift_right_logical3A_38 = vector.broadcast %shift_right_logical3A_37 : i32 to vector<200x128xi32>
    %shift_right_logical3A_39 = arith.shrui %xor3A_32, %shift_right_logical3A_38 : vector<200x128xi32>
    %or3A_40 = arith.ori %shift_left3A_36, %shift_right_logical3A_39 : vector<200x128xi32>
    %xor3A_41 = arith.xori %add3A_33, %or3A_40 : vector<200x128xi32>
    %add3A_42 = arith.addi %add3A_33, %xor3A_41 : vector<200x128xi32>
    %shift_left3A_43 = arith.constant 6 : i32
    %shift_left3A_44 = vector.broadcast %shift_left3A_43 : i32 to vector<200x128xi32>
    %shift_left3A_45 = arith.shli %xor3A_41, %shift_left3A_44 : vector<200x128xi32>
    %shift_right_logical3A_46 = arith.constant 26 : i32
    %shift_right_logical3A_47 = vector.broadcast %shift_right_logical3A_46 : i32 to vector<200x128xi32>
    %shift_right_logical3A_48 = arith.shrui %xor3A_41, %shift_right_logical3A_47 : vector<200x128xi32>
    %or3A_49 = arith.ori %shift_left3A_45, %shift_right_logical3A_48 : vector<200x128xi32>
    %xor3A_50 = arith.xori %add3A_42, %or3A_49 : vector<200x128xi32>
    %add3A_51 = arith.constant 270669613 : i32
    %add3A_52 = vector.broadcast %add3A_51 : i32 to vector<200x128xi32>
    %add3A_53 = arith.addi %add3A_42, %add3A_52 : vector<200x128xi32>
    %add3A_54 = vector.broadcast %xor3A_10 : i32 to vector<200x128xi32>
    %add3A_55 = arith.addi %xor3A_50, %add3A_54 : vector<200x128xi32>
    %add3A_56 = arith.constant 1 : i32
    %add3A_57 = vector.broadcast %add3A_56 : i32 to vector<200x128xi32>
    %add3A_58 = arith.addi %add3A_55, %add3A_57 : vector<200x128xi32>
    %add3A_59 = arith.addi %add3A_53, %add3A_58 : vector<200x128xi32>
    %shift_left3A_60 = arith.constant 17 : i32
    %shift_left3A_61 = vector.broadcast %shift_left3A_60 : i32 to vector<200x128xi32>
    %shift_left3A_62 = arith.shli %add3A_58, %shift_left3A_61 : vector<200x128xi32>
    %shift_right_logical3A_63 = arith.constant 15 : i32
    %shift_right_logical3A_64 = vector.broadcast %shift_right_logical3A_63 : i32 to vector<200x128xi32>
    %shift_right_logical3A_65 = arith.shrui %add3A_58, %shift_right_logical3A_64 : vector<200x128xi32>
    %or3A_66 = arith.ori %shift_left3A_62, %shift_right_logical3A_65 : vector<200x128xi32>
    %xor3A_67 = arith.xori %add3A_59, %or3A_66 : vector<200x128xi32>
    %add3A_68 = arith.addi %add3A_59, %xor3A_67 : vector<200x128xi32>
    %shift_left3A_69 = arith.constant 29 : i32
    %shift_left3A_70 = vector.broadcast %shift_left3A_69 : i32 to vector<200x128xi32>
    %shift_left3A_71 = arith.shli %xor3A_67, %shift_left3A_70 : vector<200x128xi32>
    %shift_right_logical3A_72 = arith.constant 3 : i32
    %shift_right_logical3A_73 = vector.broadcast %shift_right_logical3A_72 : i32 to vector<200x128xi32>
    %shift_right_logical3A_74 = arith.shrui %xor3A_67, %shift_right_logical3A_73 : vector<200x128xi32>
    %or3A_75 = arith.ori %shift_left3A_71, %shift_right_logical3A_74 : vector<200x128xi32>
    %xor3A_76 = arith.xori %add3A_68, %or3A_75 : vector<200x128xi32>
    %add3A_77 = arith.addi %add3A_68, %xor3A_76 : vector<200x128xi32>
    %shift_left3A_78 = arith.constant 16 : i32
    %shift_left3A_79 = vector.broadcast %shift_left3A_78 : i32 to vector<200x128xi32>
    %shift_left3A_80 = arith.shli %xor3A_76, %shift_left3A_79 : vector<200x128xi32>
    %shift_right_logical3A_81 = arith.constant 16 : i32
    %shift_right_logical3A_82 = vector.broadcast %shift_right_logical3A_81 : i32 to vector<200x128xi32>
    %shift_right_logical3A_83 = arith.shrui %xor3A_76, %shift_right_logical3A_82 : vector<200x128xi32>
    %or3A_84 = arith.ori %shift_left3A_80, %shift_right_logical3A_83 : vector<200x128xi32>
    %xor3A_85 = arith.xori %add3A_77, %or3A_84 : vector<200x128xi32>
    %add3A_86 = arith.addi %add3A_77, %xor3A_85 : vector<200x128xi32>
    %shift_left3A_87 = arith.constant 24 : i32
    %shift_left3A_88 = vector.broadcast %shift_left3A_87 : i32 to vector<200x128xi32>
    %shift_left3A_89 = arith.shli %xor3A_85, %shift_left3A_88 : vector<200x128xi32>
    %shift_right_logical3A_90 = arith.constant 8 : i32
    %shift_right_logical3A_91 = vector.broadcast %shift_right_logical3A_90 : i32 to vector<200x128xi32>
    %shift_right_logical3A_92 = arith.shrui %xor3A_85, %shift_right_logical3A_91 : vector<200x128xi32>
    %or3A_93 = arith.ori %shift_left3A_89, %shift_right_logical3A_92 : vector<200x128xi32>
    %xor3A_94 = arith.xori %add3A_86, %or3A_93 : vector<200x128xi32>
    %add3A_95 = vector.broadcast %xor3A_10 : i32 to vector<200x128xi32>
    %add3A_96 = arith.addi %add3A_86, %add3A_95 : vector<200x128xi32>
    %add3A_97 = arith.constant 1832780943 : i32
    %add3A_98 = vector.broadcast %add3A_97 : i32 to vector<200x128xi32>
    %add3A_99 = arith.addi %xor3A_94, %add3A_98 : vector<200x128xi32>
    %add3A_100 = arith.constant 2 : i32
    %add3A_101 = vector.broadcast %add3A_100 : i32 to vector<200x128xi32>
    %add3A_102 = arith.addi %add3A_99, %add3A_101 : vector<200x128xi32>
    %add3A_103 = arith.addi %add3A_96, %add3A_102 : vector<200x128xi32>
    %shift_left3A_104 = arith.constant 13 : i32
    %shift_left3A_105 = vector.broadcast %shift_left3A_104 : i32 to vector<200x128xi32>
    %shift_left3A_106 = arith.shli %add3A_102, %shift_left3A_105 : vector<200x128xi32>
    %shift_right_logical3A_107 = arith.constant 19 : i32
    %shift_right_logical3A_108 = vector.broadcast %shift_right_logical3A_107 : i32 to vector<200x128xi32>
    %shift_right_logical3A_109 = arith.shrui %add3A_102, %shift_right_logical3A_108 : vector<200x128xi32>
    %or3A_110 = arith.ori %shift_left3A_106, %shift_right_logical3A_109 : vector<200x128xi32>
    %xor3A_111 = arith.xori %add3A_103, %or3A_110 : vector<200x128xi32>
    %add3A_112 = arith.addi %add3A_103, %xor3A_111 : vector<200x128xi32>
    %shift_left3A_113 = arith.constant 15 : i32
    %shift_left3A_114 = vector.broadcast %shift_left3A_113 : i32 to vector<200x128xi32>
    %shift_left3A_115 = arith.shli %xor3A_111, %shift_left3A_114 : vector<200x128xi32>
    %shift_right_logical3A_116 = arith.constant 17 : i32
    %shift_right_logical3A_117 = vector.broadcast %shift_right_logical3A_116 : i32 to vector<200x128xi32>
    %shift_right_logical3A_118 = arith.shrui %xor3A_111, %shift_right_logical3A_117 : vector<200x128xi32>
    %or3A_119 = arith.ori %shift_left3A_115, %shift_right_logical3A_118 : vector<200x128xi32>
    %xor3A_120 = arith.xori %add3A_112, %or3A_119 : vector<200x128xi32>
    %add3A_121 = arith.addi %add3A_112, %xor3A_120 : vector<200x128xi32>
    %shift_left3A_122 = arith.constant 26 : i32
    %shift_left3A_123 = vector.broadcast %shift_left3A_122 : i32 to vector<200x128xi32>
    %shift_left3A_124 = arith.shli %xor3A_120, %shift_left3A_123 : vector<200x128xi32>
    %shift_right_logical3A_125 = arith.constant 6 : i32
    %shift_right_logical3A_126 = vector.broadcast %shift_right_logical3A_125 : i32 to vector<200x128xi32>
    %shift_right_logical3A_127 = arith.shrui %xor3A_120, %shift_right_logical3A_126 : vector<200x128xi32>
    %or3A_128 = arith.ori %shift_left3A_124, %shift_right_logical3A_127 : vector<200x128xi32>
    %xor3A_129 = arith.xori %add3A_121, %or3A_128 : vector<200x128xi32>
    %add3A_130 = arith.addi %add3A_121, %xor3A_129 : vector<200x128xi32>
    %shift_left3A_131 = arith.constant 6 : i32
    %shift_left3A_132 = vector.broadcast %shift_left3A_131 : i32 to vector<200x128xi32>
    %shift_left3A_133 = arith.shli %xor3A_129, %shift_left3A_132 : vector<200x128xi32>
    %shift_right_logical3A_134 = arith.constant 26 : i32
    %shift_right_logical3A_135 = vector.broadcast %shift_right_logical3A_134 : i32 to vector<200x128xi32>
    %shift_right_logical3A_136 = arith.shrui %xor3A_129, %shift_right_logical3A_135 : vector<200x128xi32>
    %or3A_137 = arith.ori %shift_left3A_133, %shift_right_logical3A_136 : vector<200x128xi32>
    %xor3A_138 = arith.xori %add3A_130, %or3A_137 : vector<200x128xi32>
    %add3A_139 = arith.constant 1832780943 : i32
    %add3A_140 = vector.broadcast %add3A_139 : i32 to vector<200x128xi32>
    %add3A_141 = arith.addi %add3A_130, %add3A_140 : vector<200x128xi32>
    %add3A_142 = arith.constant 270669613 : i32
    %add3A_143 = vector.broadcast %add3A_142 : i32 to vector<200x128xi32>
    %add3A_144 = arith.addi %xor3A_138, %add3A_143 : vector<200x128xi32>
    %add3A_145 = arith.constant 3 : i32
    %add3A_146 = vector.broadcast %add3A_145 : i32 to vector<200x128xi32>
    %add3A_147 = arith.addi %add3A_144, %add3A_146 : vector<200x128xi32>
    %add3A_148 = arith.addi %add3A_141, %add3A_147 : vector<200x128xi32>
    %shift_left3A_149 = arith.constant 17 : i32
    %shift_left3A_150 = vector.broadcast %shift_left3A_149 : i32 to vector<200x128xi32>
    %shift_left3A_151 = arith.shli %add3A_147, %shift_left3A_150 : vector<200x128xi32>
    %shift_right_logical3A_152 = arith.constant 15 : i32
    %shift_right_logical3A_153 = vector.broadcast %shift_right_logical3A_152 : i32 to vector<200x128xi32>
    %shift_right_logical3A_154 = arith.shrui %add3A_147, %shift_right_logical3A_153 : vector<200x128xi32>
    %or3A_155 = arith.ori %shift_left3A_151, %shift_right_logical3A_154 : vector<200x128xi32>
    %xor3A_156 = arith.xori %add3A_148, %or3A_155 : vector<200x128xi32>
    %add3A_157 = arith.addi %add3A_148, %xor3A_156 : vector<200x128xi32>
    %shift_left3A_158 = arith.constant 29 : i32
    %shift_left3A_159 = vector.broadcast %shift_left3A_158 : i32 to vector<200x128xi32>
    %shift_left3A_160 = arith.shli %xor3A_156, %shift_left3A_159 : vector<200x128xi32>
    %shift_right_logical3A_161 = arith.constant 3 : i32
    %shift_right_logical3A_162 = vector.broadcast %shift_right_logical3A_161 : i32 to vector<200x128xi32>
    %shift_right_logical3A_163 = arith.shrui %xor3A_156, %shift_right_logical3A_162 : vector<200x128xi32>
    %or3A_164 = arith.ori %shift_left3A_160, %shift_right_logical3A_163 : vector<200x128xi32>
    %xor3A_165 = arith.xori %add3A_157, %or3A_164 : vector<200x128xi32>
    %add3A_166 = arith.addi %add3A_157, %xor3A_165 : vector<200x128xi32>
    %shift_left3A_167 = arith.constant 16 : i32
    %shift_left3A_168 = vector.broadcast %shift_left3A_167 : i32 to vector<200x128xi32>
    %shift_left3A_169 = arith.shli %xor3A_165, %shift_left3A_168 : vector<200x128xi32>
    %shift_right_logical3A_170 = arith.constant 16 : i32
    %shift_right_logical3A_171 = vector.broadcast %shift_right_logical3A_170 : i32 to vector<200x128xi32>
    %shift_right_logical3A_172 = arith.shrui %xor3A_165, %shift_right_logical3A_171 : vector<200x128xi32>
    %or3A_173 = arith.ori %shift_left3A_169, %shift_right_logical3A_172 : vector<200x128xi32>
    %xor3A_174 = arith.xori %add3A_166, %or3A_173 : vector<200x128xi32>
    %add3A_175 = arith.addi %add3A_166, %xor3A_174 : vector<200x128xi32>
    %shift_left3A_176 = arith.constant 24 : i32
    %shift_left3A_177 = vector.broadcast %shift_left3A_176 : i32 to vector<200x128xi32>
    %shift_left3A_178 = arith.shli %xor3A_174, %shift_left3A_177 : vector<200x128xi32>
    %shift_right_logical3A_179 = arith.constant 8 : i32
    %shift_right_logical3A_180 = vector.broadcast %shift_right_logical3A_179 : i32 to vector<200x128xi32>
    %shift_right_logical3A_181 = arith.shrui %xor3A_174, %shift_right_logical3A_180 : vector<200x128xi32>
    %or3A_182 = arith.ori %shift_left3A_178, %shift_right_logical3A_181 : vector<200x128xi32>
    %xor3A_183 = arith.xori %add3A_175, %or3A_182 : vector<200x128xi32>
    %add3A_184 = arith.constant 270669613 : i32
    %add3A_185 = vector.broadcast %add3A_184 : i32 to vector<200x128xi32>
    %add3A_186 = arith.addi %add3A_175, %add3A_185 : vector<200x128xi32>
    %add3A_187 = vector.broadcast %xor3A_10 : i32 to vector<200x128xi32>
    %add3A_188 = arith.addi %xor3A_183, %add3A_187 : vector<200x128xi32>
    %add3A_189 = arith.constant 4 : i32
    %add3A_190 = vector.broadcast %add3A_189 : i32 to vector<200x128xi32>
    %add3A_191 = arith.addi %add3A_188, %add3A_190 : vector<200x128xi32>
    %add3A_192 = arith.addi %add3A_186, %add3A_191 : vector<200x128xi32>
    %shift_left3A_193 = arith.constant 13 : i32
    %shift_left3A_194 = vector.broadcast %shift_left3A_193 : i32 to vector<200x128xi32>
    %shift_left3A_195 = arith.shli %add3A_191, %shift_left3A_194 : vector<200x128xi32>
    %shift_right_logical3A_196 = arith.constant 19 : i32
    %shift_right_logical3A_197 = vector.broadcast %shift_right_logical3A_196 : i32 to vector<200x128xi32>
    %shift_right_logical3A_198 = arith.shrui %add3A_191, %shift_right_logical3A_197 : vector<200x128xi32>
    %or3A_199 = arith.ori %shift_left3A_195, %shift_right_logical3A_198 : vector<200x128xi32>
    %xor3A_200 = arith.xori %add3A_192, %or3A_199 : vector<200x128xi32>
    %add3A_201 = arith.addi %add3A_192, %xor3A_200 : vector<200x128xi32>
    %shift_left3A_202 = arith.constant 15 : i32
    %shift_left3A_203 = vector.broadcast %shift_left3A_202 : i32 to vector<200x128xi32>
    %shift_left3A_204 = arith.shli %xor3A_200, %shift_left3A_203 : vector<200x128xi32>
    %shift_right_logical3A_205 = arith.constant 17 : i32
    %shift_right_logical3A_206 = vector.broadcast %shift_right_logical3A_205 : i32 to vector<200x128xi32>
    %shift_right_logical3A_207 = arith.shrui %xor3A_200, %shift_right_logical3A_206 : vector<200x128xi32>
    %or3A_208 = arith.ori %shift_left3A_204, %shift_right_logical3A_207 : vector<200x128xi32>
    %xor3A_209 = arith.xori %add3A_201, %or3A_208 : vector<200x128xi32>
    %add3A_210 = arith.addi %add3A_201, %xor3A_209 : vector<200x128xi32>
    %shift_left3A_211 = arith.constant 26 : i32
    %shift_left3A_212 = vector.broadcast %shift_left3A_211 : i32 to vector<200x128xi32>
    %shift_left3A_213 = arith.shli %xor3A_209, %shift_left3A_212 : vector<200x128xi32>
    %shift_right_logical3A_214 = arith.constant 6 : i32
    %shift_right_logical3A_215 = vector.broadcast %shift_right_logical3A_214 : i32 to vector<200x128xi32>
    %shift_right_logical3A_216 = arith.shrui %xor3A_209, %shift_right_logical3A_215 : vector<200x128xi32>
    %or3A_217 = arith.ori %shift_left3A_213, %shift_right_logical3A_216 : vector<200x128xi32>
    %xor3A_218 = arith.xori %add3A_210, %or3A_217 : vector<200x128xi32>
    %add3A_219 = arith.addi %add3A_210, %xor3A_218 : vector<200x128xi32>
    %shift_left3A_220 = arith.constant 6 : i32
    %shift_left3A_221 = vector.broadcast %shift_left3A_220 : i32 to vector<200x128xi32>
    %shift_left3A_222 = arith.shli %xor3A_218, %shift_left3A_221 : vector<200x128xi32>
    %shift_right_logical3A_223 = arith.constant 26 : i32
    %shift_right_logical3A_224 = vector.broadcast %shift_right_logical3A_223 : i32 to vector<200x128xi32>
    %shift_right_logical3A_225 = arith.shrui %xor3A_218, %shift_right_logical3A_224 : vector<200x128xi32>
    %or3A_226 = arith.ori %shift_left3A_222, %shift_right_logical3A_225 : vector<200x128xi32>
    %xor3A_227 = arith.xori %add3A_219, %or3A_226 : vector<200x128xi32>
    %add3A_228 = vector.broadcast %xor3A_10 : i32 to vector<200x128xi32>
    %add3A_229 = arith.addi %add3A_219, %add3A_228 : vector<200x128xi32>
    %add3A_230 = arith.constant 1832780943 : i32
    %add3A_231 = vector.broadcast %add3A_230 : i32 to vector<200x128xi32>
    %add3A_232 = arith.addi %xor3A_227, %add3A_231 : vector<200x128xi32>
    %add3A_233 = arith.constant 5 : i32
    %add3A_234 = vector.broadcast %add3A_233 : i32 to vector<200x128xi32>
    %add3A_235 = arith.addi %add3A_232, %add3A_234 : vector<200x128xi32>
    %xor3A_236 = arith.constant 64467757 : i32
    %xor3A_237 = arith.constant -1378843660 : i32
    %xor3A_238 = arith.xori %xor3A_236, %xor3A_237 : i32
    %xor3A_239 = arith.constant 466688986 : i32
    %xor3A_240 = arith.xori %xor3A_238, %xor3A_239 : i32
    %add3A_241 = arith.constant 0 : i32
    %add3A_242 = arith.constant 64467757 : i32
    %add3A_243 = arith.addi %add3A_241, %add3A_242 : i32
    %add3A_244 = arith.constant -1378843660 : i32
    %add3A_245 = vector.broadcast %add3A_244 : i32 to vector<200x128xi32>
    %add3A_246 = arith.addi %add3A_6, %add3A_245 : vector<200x128xi32>
    %add3A_247 = vector.broadcast %add3A_243 : i32 to vector<200x128xi32>
    %add3A_248 = arith.addi %add3A_247, %add3A_246 : vector<200x128xi32>
    %shift_left3A_249 = arith.constant 13 : i32
    %shift_left3A_250 = vector.broadcast %shift_left3A_249 : i32 to vector<200x128xi32>
    %shift_left3A_251 = arith.shli %add3A_246, %shift_left3A_250 : vector<200x128xi32>
    %shift_right_logical3A_252 = arith.constant 19 : i32
    %shift_right_logical3A_253 = vector.broadcast %shift_right_logical3A_252 : i32 to vector<200x128xi32>
    %shift_right_logical3A_254 = arith.shrui %add3A_246, %shift_right_logical3A_253 : vector<200x128xi32>
    %or3A_255 = arith.ori %shift_left3A_251, %shift_right_logical3A_254 : vector<200x128xi32>
    %xor3A_256 = arith.xori %add3A_248, %or3A_255 : vector<200x128xi32>
    %add3A_257 = arith.addi %add3A_248, %xor3A_256 : vector<200x128xi32>
    %shift_left3A_258 = arith.constant 15 : i32
    %shift_left3A_259 = vector.broadcast %shift_left3A_258 : i32 to vector<200x128xi32>
    %shift_left3A_260 = arith.shli %xor3A_256, %shift_left3A_259 : vector<200x128xi32>
    %shift_right_logical3A_261 = arith.constant 17 : i32
    %shift_right_logical3A_262 = vector.broadcast %shift_right_logical3A_261 : i32 to vector<200x128xi32>
    %shift_right_logical3A_263 = arith.shrui %xor3A_256, %shift_right_logical3A_262 : vector<200x128xi32>
    %or3A_264 = arith.ori %shift_left3A_260, %shift_right_logical3A_263 : vector<200x128xi32>
    %xor3A_265 = arith.xori %add3A_257, %or3A_264 : vector<200x128xi32>
    %add3A_266 = arith.addi %add3A_257, %xor3A_265 : vector<200x128xi32>
    %shift_left3A_267 = arith.constant 26 : i32
    %shift_left3A_268 = vector.broadcast %shift_left3A_267 : i32 to vector<200x128xi32>
    %shift_left3A_269 = arith.shli %xor3A_265, %shift_left3A_268 : vector<200x128xi32>
    %shift_right_logical3A_270 = arith.constant 6 : i32
    %shift_right_logical3A_271 = vector.broadcast %shift_right_logical3A_270 : i32 to vector<200x128xi32>
    %shift_right_logical3A_272 = arith.shrui %xor3A_265, %shift_right_logical3A_271 : vector<200x128xi32>
    %or3A_273 = arith.ori %shift_left3A_269, %shift_right_logical3A_272 : vector<200x128xi32>
    %xor3A_274 = arith.xori %add3A_266, %or3A_273 : vector<200x128xi32>
    %add3A_275 = arith.addi %add3A_266, %xor3A_274 : vector<200x128xi32>
    %shift_left3A_276 = arith.constant 6 : i32
    %shift_left3A_277 = vector.broadcast %shift_left3A_276 : i32 to vector<200x128xi32>
    %shift_left3A_278 = arith.shli %xor3A_274, %shift_left3A_277 : vector<200x128xi32>
    %shift_right_logical3A_279 = arith.constant 26 : i32
    %shift_right_logical3A_280 = vector.broadcast %shift_right_logical3A_279 : i32 to vector<200x128xi32>
    %shift_right_logical3A_281 = arith.shrui %xor3A_274, %shift_right_logical3A_280 : vector<200x128xi32>
    %or3A_282 = arith.ori %shift_left3A_278, %shift_right_logical3A_281 : vector<200x128xi32>
    %xor3A_283 = arith.xori %add3A_275, %or3A_282 : vector<200x128xi32>
    %add3A_284 = arith.constant -1378843660 : i32
    %add3A_285 = vector.broadcast %add3A_284 : i32 to vector<200x128xi32>
    %add3A_286 = arith.addi %add3A_275, %add3A_285 : vector<200x128xi32>
    %add3A_287 = vector.broadcast %xor3A_240 : i32 to vector<200x128xi32>
    %add3A_288 = arith.addi %xor3A_283, %add3A_287 : vector<200x128xi32>
    %add3A_289 = arith.constant 1 : i32
    %add3A_290 = vector.broadcast %add3A_289 : i32 to vector<200x128xi32>
    %add3A_291 = arith.addi %add3A_288, %add3A_290 : vector<200x128xi32>
    %add3A_292 = arith.addi %add3A_286, %add3A_291 : vector<200x128xi32>
    %shift_left3A_293 = arith.constant 17 : i32
    %shift_left3A_294 = vector.broadcast %shift_left3A_293 : i32 to vector<200x128xi32>
    %shift_left3A_295 = arith.shli %add3A_291, %shift_left3A_294 : vector<200x128xi32>
    %shift_right_logical3A_296 = arith.constant 15 : i32
    %shift_right_logical3A_297 = vector.broadcast %shift_right_logical3A_296 : i32 to vector<200x128xi32>
    %shift_right_logical3A_298 = arith.shrui %add3A_291, %shift_right_logical3A_297 : vector<200x128xi32>
    %or3A_299 = arith.ori %shift_left3A_295, %shift_right_logical3A_298 : vector<200x128xi32>
    %xor3A_300 = arith.xori %add3A_292, %or3A_299 : vector<200x128xi32>
    %add3A_301 = arith.addi %add3A_292, %xor3A_300 : vector<200x128xi32>
    %shift_left3A_302 = arith.constant 29 : i32
    %shift_left3A_303 = vector.broadcast %shift_left3A_302 : i32 to vector<200x128xi32>
    %shift_left3A_304 = arith.shli %xor3A_300, %shift_left3A_303 : vector<200x128xi32>
    %shift_right_logical3A_305 = arith.constant 3 : i32
    %shift_right_logical3A_306 = vector.broadcast %shift_right_logical3A_305 : i32 to vector<200x128xi32>
    %shift_right_logical3A_307 = arith.shrui %xor3A_300, %shift_right_logical3A_306 : vector<200x128xi32>
    %or3A_308 = arith.ori %shift_left3A_304, %shift_right_logical3A_307 : vector<200x128xi32>
    %xor3A_309 = arith.xori %add3A_301, %or3A_308 : vector<200x128xi32>
    %add3A_310 = arith.addi %add3A_301, %xor3A_309 : vector<200x128xi32>
    %shift_left3A_311 = arith.constant 16 : i32
    %shift_left3A_312 = vector.broadcast %shift_left3A_311 : i32 to vector<200x128xi32>
    %shift_left3A_313 = arith.shli %xor3A_309, %shift_left3A_312 : vector<200x128xi32>
    %shift_right_logical3A_314 = arith.constant 16 : i32
    %shift_right_logical3A_315 = vector.broadcast %shift_right_logical3A_314 : i32 to vector<200x128xi32>
    %shift_right_logical3A_316 = arith.shrui %xor3A_309, %shift_right_logical3A_315 : vector<200x128xi32>
    %or3A_317 = arith.ori %shift_left3A_313, %shift_right_logical3A_316 : vector<200x128xi32>
    %xor3A_318 = arith.xori %add3A_310, %or3A_317 : vector<200x128xi32>
    %add3A_319 = arith.addi %add3A_310, %xor3A_318 : vector<200x128xi32>
    %shift_left3A_320 = arith.constant 24 : i32
    %shift_left3A_321 = vector.broadcast %shift_left3A_320 : i32 to vector<200x128xi32>
    %shift_left3A_322 = arith.shli %xor3A_318, %shift_left3A_321 : vector<200x128xi32>
    %shift_right_logical3A_323 = arith.constant 8 : i32
    %shift_right_logical3A_324 = vector.broadcast %shift_right_logical3A_323 : i32 to vector<200x128xi32>
    %shift_right_logical3A_325 = arith.shrui %xor3A_318, %shift_right_logical3A_324 : vector<200x128xi32>
    %or3A_326 = arith.ori %shift_left3A_322, %shift_right_logical3A_325 : vector<200x128xi32>
    %xor3A_327 = arith.xori %add3A_319, %or3A_326 : vector<200x128xi32>
    %add3A_328 = vector.broadcast %xor3A_240 : i32 to vector<200x128xi32>
    %add3A_329 = arith.addi %add3A_319, %add3A_328 : vector<200x128xi32>
    %add3A_330 = arith.constant 64467757 : i32
    %add3A_331 = vector.broadcast %add3A_330 : i32 to vector<200x128xi32>
    %add3A_332 = arith.addi %xor3A_327, %add3A_331 : vector<200x128xi32>
    %add3A_333 = arith.constant 2 : i32
    %add3A_334 = vector.broadcast %add3A_333 : i32 to vector<200x128xi32>
    %add3A_335 = arith.addi %add3A_332, %add3A_334 : vector<200x128xi32>
    %add3A_336 = arith.addi %add3A_329, %add3A_335 : vector<200x128xi32>
    %shift_left3A_337 = arith.constant 13 : i32
    %shift_left3A_338 = vector.broadcast %shift_left3A_337 : i32 to vector<200x128xi32>
    %shift_left3A_339 = arith.shli %add3A_335, %shift_left3A_338 : vector<200x128xi32>
    %shift_right_logical3A_340 = arith.constant 19 : i32
    %shift_right_logical3A_341 = vector.broadcast %shift_right_logical3A_340 : i32 to vector<200x128xi32>
    %shift_right_logical3A_342 = arith.shrui %add3A_335, %shift_right_logical3A_341 : vector<200x128xi32>
    %or3A_343 = arith.ori %shift_left3A_339, %shift_right_logical3A_342 : vector<200x128xi32>
    %xor3A_344 = arith.xori %add3A_336, %or3A_343 : vector<200x128xi32>
    %add3A_345 = arith.addi %add3A_336, %xor3A_344 : vector<200x128xi32>
    %shift_left3A_346 = arith.constant 15 : i32
    %shift_left3A_347 = vector.broadcast %shift_left3A_346 : i32 to vector<200x128xi32>
    %shift_left3A_348 = arith.shli %xor3A_344, %shift_left3A_347 : vector<200x128xi32>
    %shift_right_logical3A_349 = arith.constant 17 : i32
    %shift_right_logical3A_350 = vector.broadcast %shift_right_logical3A_349 : i32 to vector<200x128xi32>
    %shift_right_logical3A_351 = arith.shrui %xor3A_344, %shift_right_logical3A_350 : vector<200x128xi32>
    %or3A_352 = arith.ori %shift_left3A_348, %shift_right_logical3A_351 : vector<200x128xi32>
    %xor3A_353 = arith.xori %add3A_345, %or3A_352 : vector<200x128xi32>
    %add3A_354 = arith.addi %add3A_345, %xor3A_353 : vector<200x128xi32>
    %shift_left3A_355 = arith.constant 26 : i32
    %shift_left3A_356 = vector.broadcast %shift_left3A_355 : i32 to vector<200x128xi32>
    %shift_left3A_357 = arith.shli %xor3A_353, %shift_left3A_356 : vector<200x128xi32>
    %shift_right_logical3A_358 = arith.constant 6 : i32
    %shift_right_logical3A_359 = vector.broadcast %shift_right_logical3A_358 : i32 to vector<200x128xi32>
    %shift_right_logical3A_360 = arith.shrui %xor3A_353, %shift_right_logical3A_359 : vector<200x128xi32>
    %or3A_361 = arith.ori %shift_left3A_357, %shift_right_logical3A_360 : vector<200x128xi32>
    %xor3A_362 = arith.xori %add3A_354, %or3A_361 : vector<200x128xi32>
    %add3A_363 = arith.addi %add3A_354, %xor3A_362 : vector<200x128xi32>
    %shift_left3A_364 = arith.constant 6 : i32
    %shift_left3A_365 = vector.broadcast %shift_left3A_364 : i32 to vector<200x128xi32>
    %shift_left3A_366 = arith.shli %xor3A_362, %shift_left3A_365 : vector<200x128xi32>
    %shift_right_logical3A_367 = arith.constant 26 : i32
    %shift_right_logical3A_368 = vector.broadcast %shift_right_logical3A_367 : i32 to vector<200x128xi32>
    %shift_right_logical3A_369 = arith.shrui %xor3A_362, %shift_right_logical3A_368 : vector<200x128xi32>
    %or3A_370 = arith.ori %shift_left3A_366, %shift_right_logical3A_369 : vector<200x128xi32>
    %xor3A_371 = arith.xori %add3A_363, %or3A_370 : vector<200x128xi32>
    %add3A_372 = arith.constant 64467757 : i32
    %add3A_373 = vector.broadcast %add3A_372 : i32 to vector<200x128xi32>
    %add3A_374 = arith.addi %add3A_363, %add3A_373 : vector<200x128xi32>
    %add3A_375 = arith.constant -1378843660 : i32
    %add3A_376 = vector.broadcast %add3A_375 : i32 to vector<200x128xi32>
    %add3A_377 = arith.addi %xor3A_371, %add3A_376 : vector<200x128xi32>
    %add3A_378 = arith.constant 3 : i32
    %add3A_379 = vector.broadcast %add3A_378 : i32 to vector<200x128xi32>
    %add3A_380 = arith.addi %add3A_377, %add3A_379 : vector<200x128xi32>
    %add3A_381 = arith.addi %add3A_374, %add3A_380 : vector<200x128xi32>
    %shift_left3A_382 = arith.constant 17 : i32
    %shift_left3A_383 = vector.broadcast %shift_left3A_382 : i32 to vector<200x128xi32>
    %shift_left3A_384 = arith.shli %add3A_380, %shift_left3A_383 : vector<200x128xi32>
    %shift_right_logical3A_385 = arith.constant 15 : i32
    %shift_right_logical3A_386 = vector.broadcast %shift_right_logical3A_385 : i32 to vector<200x128xi32>
    %shift_right_logical3A_387 = arith.shrui %add3A_380, %shift_right_logical3A_386 : vector<200x128xi32>
    %or3A_388 = arith.ori %shift_left3A_384, %shift_right_logical3A_387 : vector<200x128xi32>
    %xor3A_389 = arith.xori %add3A_381, %or3A_388 : vector<200x128xi32>
    %add3A_390 = arith.addi %add3A_381, %xor3A_389 : vector<200x128xi32>
    %shift_left3A_391 = arith.constant 29 : i32
    %shift_left3A_392 = vector.broadcast %shift_left3A_391 : i32 to vector<200x128xi32>
    %shift_left3A_393 = arith.shli %xor3A_389, %shift_left3A_392 : vector<200x128xi32>
    %shift_right_logical3A_394 = arith.constant 3 : i32
    %shift_right_logical3A_395 = vector.broadcast %shift_right_logical3A_394 : i32 to vector<200x128xi32>
    %shift_right_logical3A_396 = arith.shrui %xor3A_389, %shift_right_logical3A_395 : vector<200x128xi32>
    %or3A_397 = arith.ori %shift_left3A_393, %shift_right_logical3A_396 : vector<200x128xi32>
    %xor3A_398 = arith.xori %add3A_390, %or3A_397 : vector<200x128xi32>
    %add3A_399 = arith.addi %add3A_390, %xor3A_398 : vector<200x128xi32>
    %shift_left3A_400 = arith.constant 16 : i32
    %shift_left3A_401 = vector.broadcast %shift_left3A_400 : i32 to vector<200x128xi32>
    %shift_left3A_402 = arith.shli %xor3A_398, %shift_left3A_401 : vector<200x128xi32>
    %shift_right_logical3A_403 = arith.constant 16 : i32
    %shift_right_logical3A_404 = vector.broadcast %shift_right_logical3A_403 : i32 to vector<200x128xi32>
    %shift_right_logical3A_405 = arith.shrui %xor3A_398, %shift_right_logical3A_404 : vector<200x128xi32>
    %or3A_406 = arith.ori %shift_left3A_402, %shift_right_logical3A_405 : vector<200x128xi32>
    %xor3A_407 = arith.xori %add3A_399, %or3A_406 : vector<200x128xi32>
    %add3A_408 = arith.addi %add3A_399, %xor3A_407 : vector<200x128xi32>
    %shift_left3A_409 = arith.constant 24 : i32
    %shift_left3A_410 = vector.broadcast %shift_left3A_409 : i32 to vector<200x128xi32>
    %shift_left3A_411 = arith.shli %xor3A_407, %shift_left3A_410 : vector<200x128xi32>
    %shift_right_logical3A_412 = arith.constant 8 : i32
    %shift_right_logical3A_413 = vector.broadcast %shift_right_logical3A_412 : i32 to vector<200x128xi32>
    %shift_right_logical3A_414 = arith.shrui %xor3A_407, %shift_right_logical3A_413 : vector<200x128xi32>
    %or3A_415 = arith.ori %shift_left3A_411, %shift_right_logical3A_414 : vector<200x128xi32>
    %xor3A_416 = arith.xori %add3A_408, %or3A_415 : vector<200x128xi32>
    %add3A_417 = arith.constant -1378843660 : i32
    %add3A_418 = vector.broadcast %add3A_417 : i32 to vector<200x128xi32>
    %add3A_419 = arith.addi %add3A_408, %add3A_418 : vector<200x128xi32>
    %add3A_420 = vector.broadcast %xor3A_240 : i32 to vector<200x128xi32>
    %add3A_421 = arith.addi %xor3A_416, %add3A_420 : vector<200x128xi32>
    %add3A_422 = arith.constant 4 : i32
    %add3A_423 = vector.broadcast %add3A_422 : i32 to vector<200x128xi32>
    %add3A_424 = arith.addi %add3A_421, %add3A_423 : vector<200x128xi32>
    %add3A_425 = arith.addi %add3A_419, %add3A_424 : vector<200x128xi32>
    %shift_left3A_426 = arith.constant 13 : i32
    %shift_left3A_427 = vector.broadcast %shift_left3A_426 : i32 to vector<200x128xi32>
    %shift_left3A_428 = arith.shli %add3A_424, %shift_left3A_427 : vector<200x128xi32>
    %shift_right_logical3A_429 = arith.constant 19 : i32
    %shift_right_logical3A_430 = vector.broadcast %shift_right_logical3A_429 : i32 to vector<200x128xi32>
    %shift_right_logical3A_431 = arith.shrui %add3A_424, %shift_right_logical3A_430 : vector<200x128xi32>
    %or3A_432 = arith.ori %shift_left3A_428, %shift_right_logical3A_431 : vector<200x128xi32>
    %xor3A_433 = arith.xori %add3A_425, %or3A_432 : vector<200x128xi32>
    %add3A_434 = arith.addi %add3A_425, %xor3A_433 : vector<200x128xi32>
    %shift_left3A_435 = arith.constant 15 : i32
    %shift_left3A_436 = vector.broadcast %shift_left3A_435 : i32 to vector<200x128xi32>
    %shift_left3A_437 = arith.shli %xor3A_433, %shift_left3A_436 : vector<200x128xi32>
    %shift_right_logical3A_438 = arith.constant 17 : i32
    %shift_right_logical3A_439 = vector.broadcast %shift_right_logical3A_438 : i32 to vector<200x128xi32>
    %shift_right_logical3A_440 = arith.shrui %xor3A_433, %shift_right_logical3A_439 : vector<200x128xi32>
    %or3A_441 = arith.ori %shift_left3A_437, %shift_right_logical3A_440 : vector<200x128xi32>
    %xor3A_442 = arith.xori %add3A_434, %or3A_441 : vector<200x128xi32>
    %add3A_443 = arith.addi %add3A_434, %xor3A_442 : vector<200x128xi32>
    %shift_left3A_444 = arith.constant 26 : i32
    %shift_left3A_445 = vector.broadcast %shift_left3A_444 : i32 to vector<200x128xi32>
    %shift_left3A_446 = arith.shli %xor3A_442, %shift_left3A_445 : vector<200x128xi32>
    %shift_right_logical3A_447 = arith.constant 6 : i32
    %shift_right_logical3A_448 = vector.broadcast %shift_right_logical3A_447 : i32 to vector<200x128xi32>
    %shift_right_logical3A_449 = arith.shrui %xor3A_442, %shift_right_logical3A_448 : vector<200x128xi32>
    %or3A_450 = arith.ori %shift_left3A_446, %shift_right_logical3A_449 : vector<200x128xi32>
    %xor3A_451 = arith.xori %add3A_443, %or3A_450 : vector<200x128xi32>
    %add3A_452 = arith.addi %add3A_443, %xor3A_451 : vector<200x128xi32>
    %shift_left3A_453 = arith.constant 6 : i32
    %shift_left3A_454 = vector.broadcast %shift_left3A_453 : i32 to vector<200x128xi32>
    %shift_left3A_455 = arith.shli %xor3A_451, %shift_left3A_454 : vector<200x128xi32>
    %shift_right_logical3A_456 = arith.constant 26 : i32
    %shift_right_logical3A_457 = vector.broadcast %shift_right_logical3A_456 : i32 to vector<200x128xi32>
    %shift_right_logical3A_458 = arith.shrui %xor3A_451, %shift_right_logical3A_457 : vector<200x128xi32>
    %or3A_459 = arith.ori %shift_left3A_455, %shift_right_logical3A_458 : vector<200x128xi32>
    %xor3A_460 = arith.xori %add3A_452, %or3A_459 : vector<200x128xi32>
    %add3A_461 = vector.broadcast %xor3A_240 : i32 to vector<200x128xi32>
    %add3A_462 = arith.addi %add3A_452, %add3A_461 : vector<200x128xi32>
    %add3A_463 = arith.constant 64467757 : i32
    %add3A_464 = vector.broadcast %add3A_463 : i32 to vector<200x128xi32>
    %add3A_465 = arith.addi %xor3A_460, %add3A_464 : vector<200x128xi32>
    %add3A_466 = arith.constant 5 : i32
    %add3A_467 = vector.broadcast %add3A_466 : i32 to vector<200x128xi32>
    %add3A_468 = arith.addi %add3A_465, %add3A_467 : vector<200x128xi32>
    %get3A = arith.constant 0 : index
    %get3A_469 = arith.constant 0 : index
    %get3A_470 = vector.load %arg1[%get3A, %get3A_469] : memref<200x128xf32, #tpu.memory_space<vmem>>, vector<200x128xf32>
    %sub3A = arith.constant 0.333333343 : f32
    %sub3A_471 = vector.broadcast %sub3A : f32 to vector<200x128xf32>
    %sub3A_472 = arith.subf %get3A_470, %sub3A_471 : vector<200x128xf32>
    %sqrt3A = math.sqrt %sub3A_472 : vector<200x128xf32>
    %div3A = arith.constant 0.333333343 : f32
    %div3A_473 = vector.broadcast %div3A : f32 to vector<200x128xf32>
    %div3A_474 = arith.divf %div3A_473, %sqrt3A : vector<200x128xf32>
    %xor3A_475 = arith.xori %add3A_229, %add3A_235 : vector<200x128xi32>
    %xor3A_476 = arith.constant 466688986 : i32
    %xor3A_477 = vector.broadcast %xor3A_476 : i32 to vector<200x128xi32>
    %xor3A_478 = arith.xori %xor3A_475, %xor3A_477 : vector<200x128xi32>
    %add3A_479 = arith.constant 0 : i32
    %add3A_480 = vector.broadcast %add3A_479 : i32 to vector<200x128xi32>
    %add3A_481 = arith.addi %add3A_480, %add3A_229 : vector<200x128xi32>
    %add3A_482 = arith.constant 0 : i32
    %add3A_483 = vector.broadcast %add3A_482 : i32 to vector<200x128xi32>
    %add3A_484 = arith.addi %add3A_483, %add3A_235 : vector<200x128xi32>
    %add3A_485 = arith.addi %add3A_481, %add3A_484 : vector<200x128xi32>
    %shift_left3A_486 = arith.constant 13 : i32
    %shift_left3A_487 = vector.broadcast %shift_left3A_486 : i32 to vector<200x128xi32>
    %shift_left3A_488 = arith.shli %add3A_484, %shift_left3A_487 : vector<200x128xi32>
    %shift_right_logical3A_489 = arith.constant 19 : i32
    %shift_right_logical3A_490 = vector.broadcast %shift_right_logical3A_489 : i32 to vector<200x128xi32>
    %shift_right_logical3A_491 = arith.shrui %add3A_484, %shift_right_logical3A_490 : vector<200x128xi32>
    %or3A_492 = arith.ori %shift_left3A_488, %shift_right_logical3A_491 : vector<200x128xi32>
    %xor3A_493 = arith.xori %add3A_485, %or3A_492 : vector<200x128xi32>
    %add3A_494 = arith.addi %add3A_485, %xor3A_493 : vector<200x128xi32>
    %shift_left3A_495 = arith.constant 15 : i32
    %shift_left3A_496 = vector.broadcast %shift_left3A_495 : i32 to vector<200x128xi32>
    %shift_left3A_497 = arith.shli %xor3A_493, %shift_left3A_496 : vector<200x128xi32>
    %shift_right_logical3A_498 = arith.constant 17 : i32
    %shift_right_logical3A_499 = vector.broadcast %shift_right_logical3A_498 : i32 to vector<200x128xi32>
    %shift_right_logical3A_500 = arith.shrui %xor3A_493, %shift_right_logical3A_499 : vector<200x128xi32>
    %or3A_501 = arith.ori %shift_left3A_497, %shift_right_logical3A_500 : vector<200x128xi32>
    %xor3A_502 = arith.xori %add3A_494, %or3A_501 : vector<200x128xi32>
    %add3A_503 = arith.addi %add3A_494, %xor3A_502 : vector<200x128xi32>
    %shift_left3A_504 = arith.constant 26 : i32
    %shift_left3A_505 = vector.broadcast %shift_left3A_504 : i32 to vector<200x128xi32>
    %shift_left3A_506 = arith.shli %xor3A_502, %shift_left3A_505 : vector<200x128xi32>
    %shift_right_logical3A_507 = arith.constant 6 : i32
    %shift_right_logical3A_508 = vector.broadcast %shift_right_logical3A_507 : i32 to vector<200x128xi32>
    %shift_right_logical3A_509 = arith.shrui %xor3A_502, %shift_right_logical3A_508 : vector<200x128xi32>
    %or3A_510 = arith.ori %shift_left3A_506, %shift_right_logical3A_509 : vector<200x128xi32>
    %xor3A_511 = arith.xori %add3A_503, %or3A_510 : vector<200x128xi32>
    %add3A_512 = arith.addi %add3A_503, %xor3A_511 : vector<200x128xi32>
    %shift_left3A_513 = arith.constant 6 : i32
    %shift_left3A_514 = vector.broadcast %shift_left3A_513 : i32 to vector<200x128xi32>
    %shift_left3A_515 = arith.shli %xor3A_511, %shift_left3A_514 : vector<200x128xi32>
    %shift_right_logical3A_516 = arith.constant 26 : i32
    %shift_right_logical3A_517 = vector.broadcast %shift_right_logical3A_516 : i32 to vector<200x128xi32>
    %shift_right_logical3A_518 = arith.shrui %xor3A_511, %shift_right_logical3A_517 : vector<200x128xi32>
    %or3A_519 = arith.ori %shift_left3A_515, %shift_right_logical3A_518 : vector<200x128xi32>
    %xor3A_520 = arith.xori %add3A_512, %or3A_519 : vector<200x128xi32>
    %add3A_521 = arith.addi %add3A_512, %add3A_235 : vector<200x128xi32>
    %add3A_522 = arith.addi %xor3A_520, %xor3A_478 : vector<200x128xi32>
    %add3A_523 = arith.constant 1 : i32
    %add3A_524 = vector.broadcast %add3A_523 : i32 to vector<200x128xi32>
    %add3A_525 = arith.addi %add3A_522, %add3A_524 : vector<200x128xi32>
    %add3A_526 = arith.addi %add3A_521, %add3A_525 : vector<200x128xi32>
    %shift_left3A_527 = arith.constant 17 : i32
    %shift_left3A_528 = vector.broadcast %shift_left3A_527 : i32 to vector<200x128xi32>
    %shift_left3A_529 = arith.shli %add3A_525, %shift_left3A_528 : vector<200x128xi32>
    %shift_right_logical3A_530 = arith.constant 15 : i32
    %shift_right_logical3A_531 = vector.broadcast %shift_right_logical3A_530 : i32 to vector<200x128xi32>
    %shift_right_logical3A_532 = arith.shrui %add3A_525, %shift_right_logical3A_531 : vector<200x128xi32>
    %or3A_533 = arith.ori %shift_left3A_529, %shift_right_logical3A_532 : vector<200x128xi32>
    %xor3A_534 = arith.xori %add3A_526, %or3A_533 : vector<200x128xi32>
    %add3A_535 = arith.addi %add3A_526, %xor3A_534 : vector<200x128xi32>
    %shift_left3A_536 = arith.constant 29 : i32
    %shift_left3A_537 = vector.broadcast %shift_left3A_536 : i32 to vector<200x128xi32>
    %shift_left3A_538 = arith.shli %xor3A_534, %shift_left3A_537 : vector<200x128xi32>
    %shift_right_logical3A_539 = arith.constant 3 : i32
    %shift_right_logical3A_540 = vector.broadcast %shift_right_logical3A_539 : i32 to vector<200x128xi32>
    %shift_right_logical3A_541 = arith.shrui %xor3A_534, %shift_right_logical3A_540 : vector<200x128xi32>
    %or3A_542 = arith.ori %shift_left3A_538, %shift_right_logical3A_541 : vector<200x128xi32>
    %xor3A_543 = arith.xori %add3A_535, %or3A_542 : vector<200x128xi32>
    %add3A_544 = arith.addi %add3A_535, %xor3A_543 : vector<200x128xi32>
    %shift_left3A_545 = arith.constant 16 : i32
    %shift_left3A_546 = vector.broadcast %shift_left3A_545 : i32 to vector<200x128xi32>
    %shift_left3A_547 = arith.shli %xor3A_543, %shift_left3A_546 : vector<200x128xi32>
    %shift_right_logical3A_548 = arith.constant 16 : i32
    %shift_right_logical3A_549 = vector.broadcast %shift_right_logical3A_548 : i32 to vector<200x128xi32>
    %shift_right_logical3A_550 = arith.shrui %xor3A_543, %shift_right_logical3A_549 : vector<200x128xi32>
    %or3A_551 = arith.ori %shift_left3A_547, %shift_right_logical3A_550 : vector<200x128xi32>
    %xor3A_552 = arith.xori %add3A_544, %or3A_551 : vector<200x128xi32>
    %add3A_553 = arith.addi %add3A_544, %xor3A_552 : vector<200x128xi32>
    %shift_left3A_554 = arith.constant 24 : i32
    %shift_left3A_555 = vector.broadcast %shift_left3A_554 : i32 to vector<200x128xi32>
    %shift_left3A_556 = arith.shli %xor3A_552, %shift_left3A_555 : vector<200x128xi32>
    %shift_right_logical3A_557 = arith.constant 8 : i32
    %shift_right_logical3A_558 = vector.broadcast %shift_right_logical3A_557 : i32 to vector<200x128xi32>
    %shift_right_logical3A_559 = arith.shrui %xor3A_552, %shift_right_logical3A_558 : vector<200x128xi32>
    %or3A_560 = arith.ori %shift_left3A_556, %shift_right_logical3A_559 : vector<200x128xi32>
    %xor3A_561 = arith.xori %add3A_553, %or3A_560 : vector<200x128xi32>
    %add3A_562 = arith.addi %add3A_553, %xor3A_478 : vector<200x128xi32>
    %add3A_563 = arith.addi %xor3A_561, %add3A_229 : vector<200x128xi32>
    %add3A_564 = arith.constant 2 : i32
    %add3A_565 = vector.broadcast %add3A_564 : i32 to vector<200x128xi32>
    %add3A_566 = arith.addi %add3A_563, %add3A_565 : vector<200x128xi32>
    %add3A_567 = arith.addi %add3A_562, %add3A_566 : vector<200x128xi32>
    %shift_left3A_568 = arith.constant 13 : i32
    %shift_left3A_569 = vector.broadcast %shift_left3A_568 : i32 to vector<200x128xi32>
    %shift_left3A_570 = arith.shli %add3A_566, %shift_left3A_569 : vector<200x128xi32>
    %shift_right_logical3A_571 = arith.constant 19 : i32
    %shift_right_logical3A_572 = vector.broadcast %shift_right_logical3A_571 : i32 to vector<200x128xi32>
    %shift_right_logical3A_573 = arith.shrui %add3A_566, %shift_right_logical3A_572 : vector<200x128xi32>
    %or3A_574 = arith.ori %shift_left3A_570, %shift_right_logical3A_573 : vector<200x128xi32>
    %xor3A_575 = arith.xori %add3A_567, %or3A_574 : vector<200x128xi32>
    %add3A_576 = arith.addi %add3A_567, %xor3A_575 : vector<200x128xi32>
    %shift_left3A_577 = arith.constant 15 : i32
    %shift_left3A_578 = vector.broadcast %shift_left3A_577 : i32 to vector<200x128xi32>
    %shift_left3A_579 = arith.shli %xor3A_575, %shift_left3A_578 : vector<200x128xi32>
    %shift_right_logical3A_580 = arith.constant 17 : i32
    %shift_right_logical3A_581 = vector.broadcast %shift_right_logical3A_580 : i32 to vector<200x128xi32>
    %shift_right_logical3A_582 = arith.shrui %xor3A_575, %shift_right_logical3A_581 : vector<200x128xi32>
    %or3A_583 = arith.ori %shift_left3A_579, %shift_right_logical3A_582 : vector<200x128xi32>
    %xor3A_584 = arith.xori %add3A_576, %or3A_583 : vector<200x128xi32>
    %add3A_585 = arith.addi %add3A_576, %xor3A_584 : vector<200x128xi32>
    %shift_left3A_586 = arith.constant 26 : i32
    %shift_left3A_587 = vector.broadcast %shift_left3A_586 : i32 to vector<200x128xi32>
    %shift_left3A_588 = arith.shli %xor3A_584, %shift_left3A_587 : vector<200x128xi32>
    %shift_right_logical3A_589 = arith.constant 6 : i32
    %shift_right_logical3A_590 = vector.broadcast %shift_right_logical3A_589 : i32 to vector<200x128xi32>
    %shift_right_logical3A_591 = arith.shrui %xor3A_584, %shift_right_logical3A_590 : vector<200x128xi32>
    %or3A_592 = arith.ori %shift_left3A_588, %shift_right_logical3A_591 : vector<200x128xi32>
    %xor3A_593 = arith.xori %add3A_585, %or3A_592 : vector<200x128xi32>
    %add3A_594 = arith.addi %add3A_585, %xor3A_593 : vector<200x128xi32>
    %shift_left3A_595 = arith.constant 6 : i32
    %shift_left3A_596 = vector.broadcast %shift_left3A_595 : i32 to vector<200x128xi32>
    %shift_left3A_597 = arith.shli %xor3A_593, %shift_left3A_596 : vector<200x128xi32>
    %shift_right_logical3A_598 = arith.constant 26 : i32
    %shift_right_logical3A_599 = vector.broadcast %shift_right_logical3A_598 : i32 to vector<200x128xi32>
    %shift_right_logical3A_600 = arith.shrui %xor3A_593, %shift_right_logical3A_599 : vector<200x128xi32>
    %or3A_601 = arith.ori %shift_left3A_597, %shift_right_logical3A_600 : vector<200x128xi32>
    %xor3A_602 = arith.xori %add3A_594, %or3A_601 : vector<200x128xi32>
    %add3A_603 = arith.addi %add3A_594, %add3A_229 : vector<200x128xi32>
    %add3A_604 = arith.addi %xor3A_602, %add3A_235 : vector<200x128xi32>
    %add3A_605 = arith.constant 3 : i32
    %add3A_606 = vector.broadcast %add3A_605 : i32 to vector<200x128xi32>
    %add3A_607 = arith.addi %add3A_604, %add3A_606 : vector<200x128xi32>
    %add3A_608 = arith.addi %add3A_603, %add3A_607 : vector<200x128xi32>
    %shift_left3A_609 = arith.constant 17 : i32
    %shift_left3A_610 = vector.broadcast %shift_left3A_609 : i32 to vector<200x128xi32>
    %shift_left3A_611 = arith.shli %add3A_607, %shift_left3A_610 : vector<200x128xi32>
    %shift_right_logical3A_612 = arith.constant 15 : i32
    %shift_right_logical3A_613 = vector.broadcast %shift_right_logical3A_612 : i32 to vector<200x128xi32>
    %shift_right_logical3A_614 = arith.shrui %add3A_607, %shift_right_logical3A_613 : vector<200x128xi32>
    %or3A_615 = arith.ori %shift_left3A_611, %shift_right_logical3A_614 : vector<200x128xi32>
    %xor3A_616 = arith.xori %add3A_608, %or3A_615 : vector<200x128xi32>
    %add3A_617 = arith.addi %add3A_608, %xor3A_616 : vector<200x128xi32>
    %shift_left3A_618 = arith.constant 29 : i32
    %shift_left3A_619 = vector.broadcast %shift_left3A_618 : i32 to vector<200x128xi32>
    %shift_left3A_620 = arith.shli %xor3A_616, %shift_left3A_619 : vector<200x128xi32>
    %shift_right_logical3A_621 = arith.constant 3 : i32
    %shift_right_logical3A_622 = vector.broadcast %shift_right_logical3A_621 : i32 to vector<200x128xi32>
    %shift_right_logical3A_623 = arith.shrui %xor3A_616, %shift_right_logical3A_622 : vector<200x128xi32>
    %or3A_624 = arith.ori %shift_left3A_620, %shift_right_logical3A_623 : vector<200x128xi32>
    %xor3A_625 = arith.xori %add3A_617, %or3A_624 : vector<200x128xi32>
    %add3A_626 = arith.addi %add3A_617, %xor3A_625 : vector<200x128xi32>
    %shift_left3A_627 = arith.constant 16 : i32
    %shift_left3A_628 = vector.broadcast %shift_left3A_627 : i32 to vector<200x128xi32>
    %shift_left3A_629 = arith.shli %xor3A_625, %shift_left3A_628 : vector<200x128xi32>
    %shift_right_logical3A_630 = arith.constant 16 : i32
    %shift_right_logical3A_631 = vector.broadcast %shift_right_logical3A_630 : i32 to vector<200x128xi32>
    %shift_right_logical3A_632 = arith.shrui %xor3A_625, %shift_right_logical3A_631 : vector<200x128xi32>
    %or3A_633 = arith.ori %shift_left3A_629, %shift_right_logical3A_632 : vector<200x128xi32>
    %xor3A_634 = arith.xori %add3A_626, %or3A_633 : vector<200x128xi32>
    %add3A_635 = arith.addi %add3A_626, %xor3A_634 : vector<200x128xi32>
    %shift_left3A_636 = arith.constant 24 : i32
    %shift_left3A_637 = vector.broadcast %shift_left3A_636 : i32 to vector<200x128xi32>
    %shift_left3A_638 = arith.shli %xor3A_634, %shift_left3A_637 : vector<200x128xi32>
    %shift_right_logical3A_639 = arith.constant 8 : i32
    %shift_right_logical3A_640 = vector.broadcast %shift_right_logical3A_639 : i32 to vector<200x128xi32>
    %shift_right_logical3A_641 = arith.shrui %xor3A_634, %shift_right_logical3A_640 : vector<200x128xi32>
    %or3A_642 = arith.ori %shift_left3A_638, %shift_right_logical3A_641 : vector<200x128xi32>
    %xor3A_643 = arith.xori %add3A_635, %or3A_642 : vector<200x128xi32>
    %add3A_644 = arith.addi %add3A_635, %add3A_235 : vector<200x128xi32>
    %add3A_645 = arith.addi %xor3A_643, %xor3A_478 : vector<200x128xi32>
    %add3A_646 = arith.constant 4 : i32
    %add3A_647 = vector.broadcast %add3A_646 : i32 to vector<200x128xi32>
    %add3A_648 = arith.addi %add3A_645, %add3A_647 : vector<200x128xi32>
    %add3A_649 = arith.addi %add3A_644, %add3A_648 : vector<200x128xi32>
    %shift_left3A_650 = arith.constant 13 : i32
    %shift_left3A_651 = vector.broadcast %shift_left3A_650 : i32 to vector<200x128xi32>
    %shift_left3A_652 = arith.shli %add3A_648, %shift_left3A_651 : vector<200x128xi32>
    %shift_right_logical3A_653 = arith.constant 19 : i32
    %shift_right_logical3A_654 = vector.broadcast %shift_right_logical3A_653 : i32 to vector<200x128xi32>
    %shift_right_logical3A_655 = arith.shrui %add3A_648, %shift_right_logical3A_654 : vector<200x128xi32>
    %or3A_656 = arith.ori %shift_left3A_652, %shift_right_logical3A_655 : vector<200x128xi32>
    %xor3A_657 = arith.xori %add3A_649, %or3A_656 : vector<200x128xi32>
    %add3A_658 = arith.addi %add3A_649, %xor3A_657 : vector<200x128xi32>
    %shift_left3A_659 = arith.constant 15 : i32
    %shift_left3A_660 = vector.broadcast %shift_left3A_659 : i32 to vector<200x128xi32>
    %shift_left3A_661 = arith.shli %xor3A_657, %shift_left3A_660 : vector<200x128xi32>
    %shift_right_logical3A_662 = arith.constant 17 : i32
    %shift_right_logical3A_663 = vector.broadcast %shift_right_logical3A_662 : i32 to vector<200x128xi32>
    %shift_right_logical3A_664 = arith.shrui %xor3A_657, %shift_right_logical3A_663 : vector<200x128xi32>
    %or3A_665 = arith.ori %shift_left3A_661, %shift_right_logical3A_664 : vector<200x128xi32>
    %xor3A_666 = arith.xori %add3A_658, %or3A_665 : vector<200x128xi32>
    %add3A_667 = arith.addi %add3A_658, %xor3A_666 : vector<200x128xi32>
    %shift_left3A_668 = arith.constant 26 : i32
    %shift_left3A_669 = vector.broadcast %shift_left3A_668 : i32 to vector<200x128xi32>
    %shift_left3A_670 = arith.shli %xor3A_666, %shift_left3A_669 : vector<200x128xi32>
    %shift_right_logical3A_671 = arith.constant 6 : i32
    %shift_right_logical3A_672 = vector.broadcast %shift_right_logical3A_671 : i32 to vector<200x128xi32>
    %shift_right_logical3A_673 = arith.shrui %xor3A_666, %shift_right_logical3A_672 : vector<200x128xi32>
    %or3A_674 = arith.ori %shift_left3A_670, %shift_right_logical3A_673 : vector<200x128xi32>
    %xor3A_675 = arith.xori %add3A_667, %or3A_674 : vector<200x128xi32>
    %add3A_676 = arith.addi %add3A_667, %xor3A_675 : vector<200x128xi32>
    %shift_left3A_677 = arith.constant 6 : i32
    %shift_left3A_678 = vector.broadcast %shift_left3A_677 : i32 to vector<200x128xi32>
    %shift_left3A_679 = arith.shli %xor3A_675, %shift_left3A_678 : vector<200x128xi32>
    %shift_right_logical3A_680 = arith.constant 26 : i32
    %shift_right_logical3A_681 = vector.broadcast %shift_right_logical3A_680 : i32 to vector<200x128xi32>
    %shift_right_logical3A_682 = arith.shrui %xor3A_675, %shift_right_logical3A_681 : vector<200x128xi32>
    %or3A_683 = arith.ori %shift_left3A_679, %shift_right_logical3A_682 : vector<200x128xi32>
    %xor3A_684 = arith.xori %add3A_676, %or3A_683 : vector<200x128xi32>
    %add3A_685 = arith.addi %add3A_676, %xor3A_478 : vector<200x128xi32>
    %add3A_686 = arith.addi %xor3A_684, %add3A_229 : vector<200x128xi32>
    %add3A_687 = arith.constant 5 : i32
    %add3A_688 = vector.broadcast %add3A_687 : i32 to vector<200x128xi32>
    %add3A_689 = arith.addi %add3A_686, %add3A_688 : vector<200x128xi32>
    %broadcast_in_dim3A = arith.constant 1.000000e+00 : f32
    %broadcast_in_dim3A_690 = vector.broadcast %broadcast_in_dim3A : f32 to vector<200x128xf32>
    %broadcast_in_dim3A_691 = arith.constant 1 : i32
    %broadcast_in_dim3A_692 = vector.broadcast %broadcast_in_dim3A_691 : i32 to vector<200x128xi32>
    %while3A:4 = scf.while (%while3A_935 = %add3A_685, %while3A_936 = %add3A_689, %while3A_937 = %broadcast_in_dim3A_690, %while3A_938 = %broadcast_in_dim3A_692) : (vector<200x128xi32>, vector<200x128xi32>, vector<200x128xf32>, vector<200x128xi32>) -> (vector<200x128xi32>, vector<200x128xi32>, vector<200x128xf32>, vector<200x128xi32>) {
      %ne3A = arith.constant 0 : i32
      %ne3A_939 = vector.broadcast %ne3A : i32 to vector<200x128xi32>
      %ne3A_940 = arith.cmpi ne, %while3A_938, %ne3A_939 : vector<200x128xi32>
      %reduce_or3A = arith.constant 1.000000e+00 : f32
      %reduce_or3A_941 = arith.constant 0.000000e+00 : f32
      %reduce_or3A_942 = vector.broadcast %reduce_or3A : f32 to vector<200x128xf32>
      %reduce_or3A_943 = vector.broadcast %reduce_or3A_941 : f32 to vector<200x128xf32>
      %reduce_or3A_944 = arith.select %ne3A_940, %reduce_or3A_942, %reduce_or3A_943 : vector<200x128xi1>, vector<200x128xf32>
      %reduce_or3A_945 = vector.shape_cast %reduce_or3A_944 : vector<200x128xf32> to vector<1x200x128xf32>
      %reduce_or3A_946 = arith.constant dense<0xFF800000> : vector<1xf32>
      %reduce_or3A_947 = vector.multi_reduction <maximumf>, %reduce_or3A_945, %reduce_or3A_946 [1, 2] : vector<1x200x128xf32> to vector<1xf32>
      %reduce_or3A_948 = vector.shape_cast %reduce_or3A_947 : vector<1xf32> to vector<1x1x1xf32>
      %reduce_or3A_949 = vector.extract %reduce_or3A_948[0, 0, 0] : f32 from vector<1x1x1xf32>
      %reduce_or3A_950 = arith.constant 0.000000e+00 : f32
      %reduce_or3A_951 = arith.cmpf ogt, %reduce_or3A_949, %reduce_or3A_950 : f32
      scf.condition(%reduce_or3A_951) %while3A_935, %while3A_936, %while3A_937, %while3A_938 : vector<200x128xi32>, vector<200x128xi32>, vector<200x128xf32>, vector<200x128xi32>
    } do {
    ^bb0(%while3A_935: vector<200x128xi32>, %while3A_936: vector<200x128xi32>, %while3A_937: vector<200x128xf32>, %while3A_938: vector<200x128xi32>):
      %ne3A = arith.constant 0 : i32
      %ne3A_939 = vector.broadcast %ne3A : i32 to vector<200x128xi32>
      %ne3A_940 = arith.cmpi ne, %while3A_938, %ne3A_939 : vector<200x128xi32>
      %xor3A_941 = arith.xori %while3A_935, %while3A_936 : vector<200x128xi32>
      %xor3A_942 = arith.constant 466688986 : i32
      %xor3A_943 = vector.broadcast %xor3A_942 : i32 to vector<200x128xi32>
      %xor3A_944 = arith.xori %xor3A_941, %xor3A_943 : vector<200x128xi32>
      %add3A_945 = arith.constant 0 : i32
      %add3A_946 = vector.broadcast %add3A_945 : i32 to vector<200x128xi32>
      %add3A_947 = arith.addi %add3A_946, %while3A_935 : vector<200x128xi32>
      %add3A_948 = arith.constant 0 : i32
      %add3A_949 = vector.broadcast %add3A_948 : i32 to vector<200x128xi32>
      %add3A_950 = arith.addi %add3A_949, %while3A_936 : vector<200x128xi32>
      %add3A_951 = arith.addi %add3A_947, %add3A_950 : vector<200x128xi32>
      %shift_left3A_952 = arith.constant 13 : i32
      %shift_left3A_953 = vector.broadcast %shift_left3A_952 : i32 to vector<200x128xi32>
      %shift_left3A_954 = arith.shli %add3A_950, %shift_left3A_953 : vector<200x128xi32>
      %shift_right_logical3A_955 = arith.constant 19 : i32
      %shift_right_logical3A_956 = vector.broadcast %shift_right_logical3A_955 : i32 to vector<200x128xi32>
      %shift_right_logical3A_957 = arith.shrui %add3A_950, %shift_right_logical3A_956 : vector<200x128xi32>
      %or3A_958 = arith.ori %shift_left3A_954, %shift_right_logical3A_957 : vector<200x128xi32>
      %xor3A_959 = arith.xori %add3A_951, %or3A_958 : vector<200x128xi32>
      %add3A_960 = arith.addi %add3A_951, %xor3A_959 : vector<200x128xi32>
      %shift_left3A_961 = arith.constant 15 : i32
      %shift_left3A_962 = vector.broadcast %shift_left3A_961 : i32 to vector<200x128xi32>
      %shift_left3A_963 = arith.shli %xor3A_959, %shift_left3A_962 : vector<200x128xi32>
      %shift_right_logical3A_964 = arith.constant 17 : i32
      %shift_right_logical3A_965 = vector.broadcast %shift_right_logical3A_964 : i32 to vector<200x128xi32>
      %shift_right_logical3A_966 = arith.shrui %xor3A_959, %shift_right_logical3A_965 : vector<200x128xi32>
      %or3A_967 = arith.ori %shift_left3A_963, %shift_right_logical3A_966 : vector<200x128xi32>
      %xor3A_968 = arith.xori %add3A_960, %or3A_967 : vector<200x128xi32>
      %add3A_969 = arith.addi %add3A_960, %xor3A_968 : vector<200x128xi32>
      %shift_left3A_970 = arith.constant 26 : i32
      %shift_left3A_971 = vector.broadcast %shift_left3A_970 : i32 to vector<200x128xi32>
      %shift_left3A_972 = arith.shli %xor3A_968, %shift_left3A_971 : vector<200x128xi32>
      %shift_right_logical3A_973 = arith.constant 6 : i32
      %shift_right_logical3A_974 = vector.broadcast %shift_right_logical3A_973 : i32 to vector<200x128xi32>
      %shift_right_logical3A_975 = arith.shrui %xor3A_968, %shift_right_logical3A_974 : vector<200x128xi32>
      %or3A_976 = arith.ori %shift_left3A_972, %shift_right_logical3A_975 : vector<200x128xi32>
      %xor3A_977 = arith.xori %add3A_969, %or3A_976 : vector<200x128xi32>
      %add3A_978 = arith.addi %add3A_969, %xor3A_977 : vector<200x128xi32>
      %shift_left3A_979 = arith.constant 6 : i32
      %shift_left3A_980 = vector.broadcast %shift_left3A_979 : i32 to vector<200x128xi32>
      %shift_left3A_981 = arith.shli %xor3A_977, %shift_left3A_980 : vector<200x128xi32>
      %shift_right_logical3A_982 = arith.constant 26 : i32
      %shift_right_logical3A_983 = vector.broadcast %shift_right_logical3A_982 : i32 to vector<200x128xi32>
      %shift_right_logical3A_984 = arith.shrui %xor3A_977, %shift_right_logical3A_983 : vector<200x128xi32>
      %or3A_985 = arith.ori %shift_left3A_981, %shift_right_logical3A_984 : vector<200x128xi32>
      %xor3A_986 = arith.xori %add3A_978, %or3A_985 : vector<200x128xi32>
      %add3A_987 = arith.addi %add3A_978, %while3A_936 : vector<200x128xi32>
      %add3A_988 = arith.addi %xor3A_986, %xor3A_944 : vector<200x128xi32>
      %add3A_989 = arith.constant 1 : i32
      %add3A_990 = vector.broadcast %add3A_989 : i32 to vector<200x128xi32>
      %add3A_991 = arith.addi %add3A_988, %add3A_990 : vector<200x128xi32>
      %add3A_992 = arith.addi %add3A_987, %add3A_991 : vector<200x128xi32>
      %shift_left3A_993 = arith.constant 17 : i32
      %shift_left3A_994 = vector.broadcast %shift_left3A_993 : i32 to vector<200x128xi32>
      %shift_left3A_995 = arith.shli %add3A_991, %shift_left3A_994 : vector<200x128xi32>
      %shift_right_logical3A_996 = arith.constant 15 : i32
      %shift_right_logical3A_997 = vector.broadcast %shift_right_logical3A_996 : i32 to vector<200x128xi32>
      %shift_right_logical3A_998 = arith.shrui %add3A_991, %shift_right_logical3A_997 : vector<200x128xi32>
      %or3A_999 = arith.ori %shift_left3A_995, %shift_right_logical3A_998 : vector<200x128xi32>
      %xor3A_1000 = arith.xori %add3A_992, %or3A_999 : vector<200x128xi32>
      %add3A_1001 = arith.addi %add3A_992, %xor3A_1000 : vector<200x128xi32>
      %shift_left3A_1002 = arith.constant 29 : i32
      %shift_left3A_1003 = vector.broadcast %shift_left3A_1002 : i32 to vector<200x128xi32>
      %shift_left3A_1004 = arith.shli %xor3A_1000, %shift_left3A_1003 : vector<200x128xi32>
      %shift_right_logical3A_1005 = arith.constant 3 : i32
      %shift_right_logical3A_1006 = vector.broadcast %shift_right_logical3A_1005 : i32 to vector<200x128xi32>
      %shift_right_logical3A_1007 = arith.shrui %xor3A_1000, %shift_right_logical3A_1006 : vector<200x128xi32>
      %or3A_1008 = arith.ori %shift_left3A_1004, %shift_right_logical3A_1007 : vector<200x128xi32>
      %xor3A_1009 = arith.xori %add3A_1001, %or3A_1008 : vector<200x128xi32>
      %add3A_1010 = arith.addi %add3A_1001, %xor3A_1009 : vector<200x128xi32>
      %shift_left3A_1011 = arith.constant 16 : i32
      %shift_left3A_1012 = vector.broadcast %shift_left3A_1011 : i32 to vector<200x128xi32>
      %shift_left3A_1013 = arith.shli %xor3A_1009, %shift_left3A_1012 : vector<200x128xi32>
      %shift_right_logical3A_1014 = arith.constant 16 : i32
      %shift_right_logical3A_1015 = vector.broadcast %shift_right_logical3A_1014 : i32 to vector<200x128xi32>
      %shift_right_logical3A_1016 = arith.shrui %xor3A_1009, %shift_right_logical3A_1015 : vector<200x128xi32>
      %or3A_1017 = arith.ori %shift_left3A_1013, %shift_right_logical3A_1016 : vector<200x128xi32>
      %xor3A_1018 = arith.xori %add3A_1010, %or3A_1017 : vector<200x128xi32>
      %add3A_1019 = arith.addi %add3A_1010, %xor3A_1018 : vector<200x128xi32>
      %shift_left3A_1020 = arith.constant 24 : i32
      %shift_left3A_1021 = vector.broadcast %shift_left3A_1020 : i32 to vector<200x128xi32>
      %shift_left3A_1022 = arith.shli %xor3A_1018, %shift_left3A_1021 : vector<200x128xi32>
      %shift_right_logical3A_1023 = arith.constant 8 : i32
      %shift_right_logical3A_1024 = vector.broadcast %shift_right_logical3A_1023 : i32 to vector<200x128xi32>
      %shift_right_logical3A_1025 = arith.shrui %xor3A_1018, %shift_right_logical3A_1024 : vector<200x128xi32>
      %or3A_1026 = arith.ori %shift_left3A_1022, %shift_right_logical3A_1025 : vector<200x128xi32>
      %xor3A_1027 = arith.xori %add3A_1019, %or3A_1026 : vector<200x128xi32>
      %add3A_1028 = arith.addi %add3A_1019, %xor3A_944 : vector<200x128xi32>
      %add3A_1029 = arith.addi %xor3A_1027, %while3A_935 : vector<200x128xi32>
      %add3A_1030 = arith.constant 2 : i32
      %add3A_1031 = vector.broadcast %add3A_1030 : i32 to vector<200x128xi32>
      %add3A_1032 = arith.addi %add3A_1029, %add3A_1031 : vector<200x128xi32>
      %add3A_1033 = arith.addi %add3A_1028, %add3A_1032 : vector<200x128xi32>
      %shift_left3A_1034 = arith.constant 13 : i32
      %shift_left3A_1035 = vector.broadcast %shift_left3A_1034 : i32 to vector<200x128xi32>
      %shift_left3A_1036 = arith.shli %add3A_1032, %shift_left3A_1035 : vector<200x128xi32>
      %shift_right_logical3A_1037 = arith.constant 19 : i32
      %shift_right_logical3A_1038 = vector.broadcast %shift_right_logical3A_1037 : i32 to vector<200x128xi32>
      %shift_right_logical3A_1039 = arith.shrui %add3A_1032, %shift_right_logical3A_1038 : vector<200x128xi32>
      %or3A_1040 = arith.ori %shift_left3A_1036, %shift_right_logical3A_1039 : vector<200x128xi32>
      %xor3A_1041 = arith.xori %add3A_1033, %or3A_1040 : vector<200x128xi32>
      %add3A_1042 = arith.addi %add3A_1033, %xor3A_1041 : vector<200x128xi32>
      %shift_left3A_1043 = arith.constant 15 : i32
      %shift_left3A_1044 = vector.broadcast %shift_left3A_1043 : i32 to vector<200x128xi32>
      %shift_left3A_1045 = arith.shli %xor3A_1041, %shift_left3A_1044 : vector<200x128xi32>
      %shift_right_logical3A_1046 = arith.constant 17 : i32
      %shift_right_logical3A_1047 = vector.broadcast %shift_right_logical3A_1046 : i32 to vector<200x128xi32>
      %shift_right_logical3A_1048 = arith.shrui %xor3A_1041, %shift_right_logical3A_1047 : vector<200x128xi32>
      %or3A_1049 = arith.ori %shift_left3A_1045, %shift_right_logical3A_1048 : vector<200x128xi32>
      %xor3A_1050 = arith.xori %add3A_1042, %or3A_1049 : vector<200x128xi32>
      %add3A_1051 = arith.addi %add3A_1042, %xor3A_1050 : vector<200x128xi32>
      %shift_left3A_1052 = arith.constant 26 : i32
      %shift_left3A_1053 = vector.broadcast %shift_left3A_1052 : i32 to vector<200x128xi32>
      %shift_left3A_1054 = arith.shli %xor3A_1050, %shift_left3A_1053 : vector<200x128xi32>
      %shift_right_logical3A_1055 = arith.constant 6 : i32
      %shift_right_logical3A_1056 = vector.broadcast %shift_right_logical3A_1055 : i32 to vector<200x128xi32>
      %shift_right_logical3A_1057 = arith.shrui %xor3A_1050, %shift_right_logical3A_1056 : vector<200x128xi32>
      %or3A_1058 = arith.ori %shift_left3A_1054, %shift_right_logical3A_1057 : vector<200x128xi32>
      %xor3A_1059 = arith.xori %add3A_1051, %or3A_1058 : vector<200x128xi32>
      %add3A_1060 = arith.addi %add3A_1051, %xor3A_1059 : vector<200x128xi32>
      %shift_left3A_1061 = arith.constant 6 : i32
      %shift_left3A_1062 = vector.broadcast %shift_left3A_1061 : i32 to vector<200x128xi32>
      %shift_left3A_1063 = arith.shli %xor3A_1059, %shift_left3A_1062 : vector<200x128xi32>
      %shift_right_logical3A_1064 = arith.constant 26 : i32
      %shift_right_logical3A_1065 = vector.broadcast %shift_right_logical3A_1064 : i32 to vector<200x128xi32>
      %shift_right_logical3A_1066 = arith.shrui %xor3A_1059, %shift_right_logical3A_1065 : vector<200x128xi32>
      %or3A_1067 = arith.ori %shift_left3A_1063, %shift_right_logical3A_1066 : vector<200x128xi32>
      %xor3A_1068 = arith.xori %add3A_1060, %or3A_1067 : vector<200x128xi32>
      %add3A_1069 = arith.addi %add3A_1060, %while3A_935 : vector<200x128xi32>
      %add3A_1070 = arith.addi %xor3A_1068, %while3A_936 : vector<200x128xi32>
      %add3A_1071 = arith.constant 3 : i32
      %add3A_1072 = vector.broadcast %add3A_1071 : i32 to vector<200x128xi32>
      %add3A_1073 = arith.addi %add3A_1070, %add3A_1072 : vector<200x128xi32>
      %add3A_1074 = arith.addi %add3A_1069, %add3A_1073 : vector<200x128xi32>
      %shift_left3A_1075 = arith.constant 17 : i32
      %shift_left3A_1076 = vector.broadcast %shift_left3A_1075 : i32 to vector<200x128xi32>
      %shift_left3A_1077 = arith.shli %add3A_1073, %shift_left3A_1076 : vector<200x128xi32>
      %shift_right_logical3A_1078 = arith.constant 15 : i32
      %shift_right_logical3A_1079 = vector.broadcast %shift_right_logical3A_1078 : i32 to vector<200x128xi32>
      %shift_right_logical3A_1080 = arith.shrui %add3A_1073, %shift_right_logical3A_1079 : vector<200x128xi32>
      %or3A_1081 = arith.ori %shift_left3A_1077, %shift_right_logical3A_1080 : vector<200x128xi32>
      %xor3A_1082 = arith.xori %add3A_1074, %or3A_1081 : vector<200x128xi32>
      %add3A_1083 = arith.addi %add3A_1074, %xor3A_1082 : vector<200x128xi32>
      %shift_left3A_1084 = arith.constant 29 : i32
      %shift_left3A_1085 = vector.broadcast %shift_left3A_1084 : i32 to vector<200x128xi32>
      %shift_left3A_1086 = arith.shli %xor3A_1082, %shift_left3A_1085 : vector<200x128xi32>
      %shift_right_logical3A_1087 = arith.constant 3 : i32
      %shift_right_logical3A_1088 = vector.broadcast %shift_right_logical3A_1087 : i32 to vector<200x128xi32>
      %shift_right_logical3A_1089 = arith.shrui %xor3A_1082, %shift_right_logical3A_1088 : vector<200x128xi32>
      %or3A_1090 = arith.ori %shift_left3A_1086, %shift_right_logical3A_1089 : vector<200x128xi32>
      %xor3A_1091 = arith.xori %add3A_1083, %or3A_1090 : vector<200x128xi32>
      %add3A_1092 = arith.addi %add3A_1083, %xor3A_1091 : vector<200x128xi32>
      %shift_left3A_1093 = arith.constant 16 : i32
      %shift_left3A_1094 = vector.broadcast %shift_left3A_1093 : i32 to vector<200x128xi32>
      %shift_left3A_1095 = arith.shli %xor3A_1091, %shift_left3A_1094 : vector<200x128xi32>
      %shift_right_logical3A_1096 = arith.constant 16 : i32
      %shift_right_logical3A_1097 = vector.broadcast %shift_right_logical3A_1096 : i32 to vector<200x128xi32>
      %shift_right_logical3A_1098 = arith.shrui %xor3A_1091, %shift_right_logical3A_1097 : vector<200x128xi32>
      %or3A_1099 = arith.ori %shift_left3A_1095, %shift_right_logical3A_1098 : vector<200x128xi32>
      %xor3A_1100 = arith.xori %add3A_1092, %or3A_1099 : vector<200x128xi32>
      %add3A_1101 = arith.addi %add3A_1092, %xor3A_1100 : vector<200x128xi32>
      %shift_left3A_1102 = arith.constant 24 : i32
      %shift_left3A_1103 = vector.broadcast %shift_left3A_1102 : i32 to vector<200x128xi32>
      %shift_left3A_1104 = arith.shli %xor3A_1100, %shift_left3A_1103 : vector<200x128xi32>
      %shift_right_logical3A_1105 = arith.constant 8 : i32
      %shift_right_logical3A_1106 = vector.broadcast %shift_right_logical3A_1105 : i32 to vector<200x128xi32>
      %shift_right_logical3A_1107 = arith.shrui %xor3A_1100, %shift_right_logical3A_1106 : vector<200x128xi32>
      %or3A_1108 = arith.ori %shift_left3A_1104, %shift_right_logical3A_1107 : vector<200x128xi32>
      %xor3A_1109 = arith.xori %add3A_1101, %or3A_1108 : vector<200x128xi32>
      %add3A_1110 = arith.addi %add3A_1101, %while3A_936 : vector<200x128xi32>
      %add3A_1111 = arith.addi %xor3A_1109, %xor3A_944 : vector<200x128xi32>
      %add3A_1112 = arith.constant 4 : i32
      %add3A_1113 = vector.broadcast %add3A_1112 : i32 to vector<200x128xi32>
      %add3A_1114 = arith.addi %add3A_1111, %add3A_1113 : vector<200x128xi32>
      %add3A_1115 = arith.addi %add3A_1110, %add3A_1114 : vector<200x128xi32>
      %shift_left3A_1116 = arith.constant 13 : i32
      %shift_left3A_1117 = vector.broadcast %shift_left3A_1116 : i32 to vector<200x128xi32>
      %shift_left3A_1118 = arith.shli %add3A_1114, %shift_left3A_1117 : vector<200x128xi32>
      %shift_right_logical3A_1119 = arith.constant 19 : i32
      %shift_right_logical3A_1120 = vector.broadcast %shift_right_logical3A_1119 : i32 to vector<200x128xi32>
      %shift_right_logical3A_1121 = arith.shrui %add3A_1114, %shift_right_logical3A_1120 : vector<200x128xi32>
      %or3A_1122 = arith.ori %shift_left3A_1118, %shift_right_logical3A_1121 : vector<200x128xi32>
      %xor3A_1123 = arith.xori %add3A_1115, %or3A_1122 : vector<200x128xi32>
      %add3A_1124 = arith.addi %add3A_1115, %xor3A_1123 : vector<200x128xi32>
      %shift_left3A_1125 = arith.constant 15 : i32
      %shift_left3A_1126 = vector.broadcast %shift_left3A_1125 : i32 to vector<200x128xi32>
      %shift_left3A_1127 = arith.shli %xor3A_1123, %shift_left3A_1126 : vector<200x128xi32>
      %shift_right_logical3A_1128 = arith.constant 17 : i32
      %shift_right_logical3A_1129 = vector.broadcast %shift_right_logical3A_1128 : i32 to vector<200x128xi32>
      %shift_right_logical3A_1130 = arith.shrui %xor3A_1123, %shift_right_logical3A_1129 : vector<200x128xi32>
      %or3A_1131 = arith.ori %shift_left3A_1127, %shift_right_logical3A_1130 : vector<200x128xi32>
      %xor3A_1132 = arith.xori %add3A_1124, %or3A_1131 : vector<200x128xi32>
      %add3A_1133 = arith.addi %add3A_1124, %xor3A_1132 : vector<200x128xi32>
      %shift_left3A_1134 = arith.constant 26 : i32
      %shift_left3A_1135 = vector.broadcast %shift_left3A_1134 : i32 to vector<200x128xi32>
      %shift_left3A_1136 = arith.shli %xor3A_1132, %shift_left3A_1135 : vector<200x128xi32>
      %shift_right_logical3A_1137 = arith.constant 6 : i32
      %shift_right_logical3A_1138 = vector.broadcast %shift_right_logical3A_1137 : i32 to vector<200x128xi32>
      %shift_right_logical3A_1139 = arith.shrui %xor3A_1132, %shift_right_logical3A_1138 : vector<200x128xi32>
      %or3A_1140 = arith.ori %shift_left3A_1136, %shift_right_logical3A_1139 : vector<200x128xi32>
      %xor3A_1141 = arith.xori %add3A_1133, %or3A_1140 : vector<200x128xi32>
      %add3A_1142 = arith.addi %add3A_1133, %xor3A_1141 : vector<200x128xi32>
      %shift_left3A_1143 = arith.constant 6 : i32
      %shift_left3A_1144 = vector.broadcast %shift_left3A_1143 : i32 to vector<200x128xi32>
      %shift_left3A_1145 = arith.shli %xor3A_1141, %shift_left3A_1144 : vector<200x128xi32>
      %shift_right_logical3A_1146 = arith.constant 26 : i32
      %shift_right_logical3A_1147 = vector.broadcast %shift_right_logical3A_1146 : i32 to vector<200x128xi32>
      %shift_right_logical3A_1148 = arith.shrui %xor3A_1141, %shift_right_logical3A_1147 : vector<200x128xi32>
      %or3A_1149 = arith.ori %shift_left3A_1145, %shift_right_logical3A_1148 : vector<200x128xi32>
      %xor3A_1150 = arith.xori %add3A_1142, %or3A_1149 : vector<200x128xi32>
      %add3A_1151 = arith.addi %add3A_1142, %xor3A_944 : vector<200x128xi32>
      %add3A_1152 = arith.addi %xor3A_1150, %while3A_935 : vector<200x128xi32>
      %add3A_1153 = arith.constant 5 : i32
      %add3A_1154 = vector.broadcast %add3A_1153 : i32 to vector<200x128xi32>
      %add3A_1155 = arith.addi %add3A_1152, %add3A_1154 : vector<200x128xi32>
      %xor3A_1156 = arith.xori %while3A_935, %while3A_936 : vector<200x128xi32>
      %xor3A_1157 = arith.constant 466688986 : i32
      %xor3A_1158 = vector.broadcast %xor3A_1157 : i32 to vector<200x128xi32>
      %xor3A_1159 = arith.xori %xor3A_1156, %xor3A_1158 : vector<200x128xi32>
      %add3A_1160 = arith.constant 0 : i32
      %add3A_1161 = vector.broadcast %add3A_1160 : i32 to vector<200x128xi32>
      %add3A_1162 = arith.addi %add3A_1161, %while3A_935 : vector<200x128xi32>
      %add3A_1163 = arith.constant 1 : i32
      %add3A_1164 = vector.broadcast %add3A_1163 : i32 to vector<200x128xi32>
      %add3A_1165 = arith.addi %add3A_1164, %while3A_936 : vector<200x128xi32>
      %add3A_1166 = arith.addi %add3A_1162, %add3A_1165 : vector<200x128xi32>
      %shift_left3A_1167 = arith.constant 13 : i32
      %shift_left3A_1168 = vector.broadcast %shift_left3A_1167 : i32 to vector<200x128xi32>
      %shift_left3A_1169 = arith.shli %add3A_1165, %shift_left3A_1168 : vector<200x128xi32>
      %shift_right_logical3A_1170 = arith.constant 19 : i32
      %shift_right_logical3A_1171 = vector.broadcast %shift_right_logical3A_1170 : i32 to vector<200x128xi32>
      %shift_right_logical3A_1172 = arith.shrui %add3A_1165, %shift_right_logical3A_1171 : vector<200x128xi32>
      %or3A_1173 = arith.ori %shift_left3A_1169, %shift_right_logical3A_1172 : vector<200x128xi32>
      %xor3A_1174 = arith.xori %add3A_1166, %or3A_1173 : vector<200x128xi32>
      %add3A_1175 = arith.addi %add3A_1166, %xor3A_1174 : vector<200x128xi32>
      %shift_left3A_1176 = arith.constant 15 : i32
      %shift_left3A_1177 = vector.broadcast %shift_left3A_1176 : i32 to vector<200x128xi32>
      %shift_left3A_1178 = arith.shli %xor3A_1174, %shift_left3A_1177 : vector<200x128xi32>
      %shift_right_logical3A_1179 = arith.constant 17 : i32
      %shift_right_logical3A_1180 = vector.broadcast %shift_right_logical3A_1179 : i32 to vector<200x128xi32>
      %shift_right_logical3A_1181 = arith.shrui %xor3A_1174, %shift_right_logical3A_1180 : vector<200x128xi32>
      %or3A_1182 = arith.ori %shift_left3A_1178, %shift_right_logical3A_1181 : vector<200x128xi32>
      %xor3A_1183 = arith.xori %add3A_1175, %or3A_1182 : vector<200x128xi32>
      %add3A_1184 = arith.addi %add3A_1175, %xor3A_1183 : vector<200x128xi32>
      %shift_left3A_1185 = arith.constant 26 : i32
      %shift_left3A_1186 = vector.broadcast %shift_left3A_1185 : i32 to vector<200x128xi32>
      %shift_left3A_1187 = arith.shli %xor3A_1183, %shift_left3A_1186 : vector<200x128xi32>
      %shift_right_logical3A_1188 = arith.constant 6 : i32
      %shift_right_logical3A_1189 = vector.broadcast %shift_right_logical3A_1188 : i32 to vector<200x128xi32>
      %shift_right_logical3A_1190 = arith.shrui %xor3A_1183, %shift_right_logical3A_1189 : vector<200x128xi32>
      %or3A_1191 = arith.ori %shift_left3A_1187, %shift_right_logical3A_1190 : vector<200x128xi32>
      %xor3A_1192 = arith.xori %add3A_1184, %or3A_1191 : vector<200x128xi32>
      %add3A_1193 = arith.addi %add3A_1184, %xor3A_1192 : vector<200x128xi32>
      %shift_left3A_1194 = arith.constant 6 : i32
      %shift_left3A_1195 = vector.broadcast %shift_left3A_1194 : i32 to vector<200x128xi32>
      %shift_left3A_1196 = arith.shli %xor3A_1192, %shift_left3A_1195 : vector<200x128xi32>
      %shift_right_logical3A_1197 = arith.constant 26 : i32
      %shift_right_logical3A_1198 = vector.broadcast %shift_right_logical3A_1197 : i32 to vector<200x128xi32>
      %shift_right_logical3A_1199 = arith.shrui %xor3A_1192, %shift_right_logical3A_1198 : vector<200x128xi32>
      %or3A_1200 = arith.ori %shift_left3A_1196, %shift_right_logical3A_1199 : vector<200x128xi32>
      %xor3A_1201 = arith.xori %add3A_1193, %or3A_1200 : vector<200x128xi32>
      %add3A_1202 = arith.addi %add3A_1193, %while3A_936 : vector<200x128xi32>
      %add3A_1203 = arith.addi %xor3A_1201, %xor3A_1159 : vector<200x128xi32>
      %add3A_1204 = arith.constant 1 : i32
      %add3A_1205 = vector.broadcast %add3A_1204 : i32 to vector<200x128xi32>
      %add3A_1206 = arith.addi %add3A_1203, %add3A_1205 : vector<200x128xi32>
      %add3A_1207 = arith.addi %add3A_1202, %add3A_1206 : vector<200x128xi32>
      %shift_left3A_1208 = arith.constant 17 : i32
      %shift_left3A_1209 = vector.broadcast %shift_left3A_1208 : i32 to vector<200x128xi32>
      %shift_left3A_1210 = arith.shli %add3A_1206, %shift_left3A_1209 : vector<200x128xi32>
      %shift_right_logical3A_1211 = arith.constant 15 : i32
      %shift_right_logical3A_1212 = vector.broadcast %shift_right_logical3A_1211 : i32 to vector<200x128xi32>
      %shift_right_logical3A_1213 = arith.shrui %add3A_1206, %shift_right_logical3A_1212 : vector<200x128xi32>
      %or3A_1214 = arith.ori %shift_left3A_1210, %shift_right_logical3A_1213 : vector<200x128xi32>
      %xor3A_1215 = arith.xori %add3A_1207, %or3A_1214 : vector<200x128xi32>
      %add3A_1216 = arith.addi %add3A_1207, %xor3A_1215 : vector<200x128xi32>
      %shift_left3A_1217 = arith.constant 29 : i32
      %shift_left3A_1218 = vector.broadcast %shift_left3A_1217 : i32 to vector<200x128xi32>
      %shift_left3A_1219 = arith.shli %xor3A_1215, %shift_left3A_1218 : vector<200x128xi32>
      %shift_right_logical3A_1220 = arith.constant 3 : i32
      %shift_right_logical3A_1221 = vector.broadcast %shift_right_logical3A_1220 : i32 to vector<200x128xi32>
      %shift_right_logical3A_1222 = arith.shrui %xor3A_1215, %shift_right_logical3A_1221 : vector<200x128xi32>
      %or3A_1223 = arith.ori %shift_left3A_1219, %shift_right_logical3A_1222 : vector<200x128xi32>
      %xor3A_1224 = arith.xori %add3A_1216, %or3A_1223 : vector<200x128xi32>
      %add3A_1225 = arith.addi %add3A_1216, %xor3A_1224 : vector<200x128xi32>
      %shift_left3A_1226 = arith.constant 16 : i32
      %shift_left3A_1227 = vector.broadcast %shift_left3A_1226 : i32 to vector<200x128xi32>
      %shift_left3A_1228 = arith.shli %xor3A_1224, %shift_left3A_1227 : vector<200x128xi32>
      %shift_right_logical3A_1229 = arith.constant 16 : i32
      %shift_right_logical3A_1230 = vector.broadcast %shift_right_logical3A_1229 : i32 to vector<200x128xi32>
      %shift_right_logical3A_1231 = arith.shrui %xor3A_1224, %shift_right_logical3A_1230 : vector<200x128xi32>
      %or3A_1232 = arith.ori %shift_left3A_1228, %shift_right_logical3A_1231 : vector<200x128xi32>
      %xor3A_1233 = arith.xori %add3A_1225, %or3A_1232 : vector<200x128xi32>
      %add3A_1234 = arith.addi %add3A_1225, %xor3A_1233 : vector<200x128xi32>
      %shift_left3A_1235 = arith.constant 24 : i32
      %shift_left3A_1236 = vector.broadcast %shift_left3A_1235 : i32 to vector<200x128xi32>
      %shift_left3A_1237 = arith.shli %xor3A_1233, %shift_left3A_1236 : vector<200x128xi32>
      %shift_right_logical3A_1238 = arith.constant 8 : i32
      %shift_right_logical3A_1239 = vector.broadcast %shift_right_logical3A_1238 : i32 to vector<200x128xi32>
      %shift_right_logical3A_1240 = arith.shrui %xor3A_1233, %shift_right_logical3A_1239 : vector<200x128xi32>
      %or3A_1241 = arith.ori %shift_left3A_1237, %shift_right_logical3A_1240 : vector<200x128xi32>
      %xor3A_1242 = arith.xori %add3A_1234, %or3A_1241 : vector<200x128xi32>
      %add3A_1243 = arith.addi %add3A_1234, %xor3A_1159 : vector<200x128xi32>
      %add3A_1244 = arith.addi %xor3A_1242, %while3A_935 : vector<200x128xi32>
      %add3A_1245 = arith.constant 2 : i32
      %add3A_1246 = vector.broadcast %add3A_1245 : i32 to vector<200x128xi32>
      %add3A_1247 = arith.addi %add3A_1244, %add3A_1246 : vector<200x128xi32>
      %add3A_1248 = arith.addi %add3A_1243, %add3A_1247 : vector<200x128xi32>
      %shift_left3A_1249 = arith.constant 13 : i32
      %shift_left3A_1250 = vector.broadcast %shift_left3A_1249 : i32 to vector<200x128xi32>
      %shift_left3A_1251 = arith.shli %add3A_1247, %shift_left3A_1250 : vector<200x128xi32>
      %shift_right_logical3A_1252 = arith.constant 19 : i32
      %shift_right_logical3A_1253 = vector.broadcast %shift_right_logical3A_1252 : i32 to vector<200x128xi32>
      %shift_right_logical3A_1254 = arith.shrui %add3A_1247, %shift_right_logical3A_1253 : vector<200x128xi32>
      %or3A_1255 = arith.ori %shift_left3A_1251, %shift_right_logical3A_1254 : vector<200x128xi32>
      %xor3A_1256 = arith.xori %add3A_1248, %or3A_1255 : vector<200x128xi32>
      %add3A_1257 = arith.addi %add3A_1248, %xor3A_1256 : vector<200x128xi32>
      %shift_left3A_1258 = arith.constant 15 : i32
      %shift_left3A_1259 = vector.broadcast %shift_left3A_1258 : i32 to vector<200x128xi32>
      %shift_left3A_1260 = arith.shli %xor3A_1256, %shift_left3A_1259 : vector<200x128xi32>
      %shift_right_logical3A_1261 = arith.constant 17 : i32
      %shift_right_logical3A_1262 = vector.broadcast %shift_right_logical3A_1261 : i32 to vector<200x128xi32>
      %shift_right_logical3A_1263 = arith.shrui %xor3A_1256, %shift_right_logical3A_1262 : vector<200x128xi32>
      %or3A_1264 = arith.ori %shift_left3A_1260, %shift_right_logical3A_1263 : vector<200x128xi32>
      %xor3A_1265 = arith.xori %add3A_1257, %or3A_1264 : vector<200x128xi32>
      %add3A_1266 = arith.addi %add3A_1257, %xor3A_1265 : vector<200x128xi32>
      %shift_left3A_1267 = arith.constant 26 : i32
      %shift_left3A_1268 = vector.broadcast %shift_left3A_1267 : i32 to vector<200x128xi32>
      %shift_left3A_1269 = arith.shli %xor3A_1265, %shift_left3A_1268 : vector<200x128xi32>
      %shift_right_logical3A_1270 = arith.constant 6 : i32
      %shift_right_logical3A_1271 = vector.broadcast %shift_right_logical3A_1270 : i32 to vector<200x128xi32>
      %shift_right_logical3A_1272 = arith.shrui %xor3A_1265, %shift_right_logical3A_1271 : vector<200x128xi32>
      %or3A_1273 = arith.ori %shift_left3A_1269, %shift_right_logical3A_1272 : vector<200x128xi32>
      %xor3A_1274 = arith.xori %add3A_1266, %or3A_1273 : vector<200x128xi32>
      %add3A_1275 = arith.addi %add3A_1266, %xor3A_1274 : vector<200x128xi32>
      %shift_left3A_1276 = arith.constant 6 : i32
      %shift_left3A_1277 = vector.broadcast %shift_left3A_1276 : i32 to vector<200x128xi32>
      %shift_left3A_1278 = arith.shli %xor3A_1274, %shift_left3A_1277 : vector<200x128xi32>
      %shift_right_logical3A_1279 = arith.constant 26 : i32
      %shift_right_logical3A_1280 = vector.broadcast %shift_right_logical3A_1279 : i32 to vector<200x128xi32>
      %shift_right_logical3A_1281 = arith.shrui %xor3A_1274, %shift_right_logical3A_1280 : vector<200x128xi32>
      %or3A_1282 = arith.ori %shift_left3A_1278, %shift_right_logical3A_1281 : vector<200x128xi32>
      %xor3A_1283 = arith.xori %add3A_1275, %or3A_1282 : vector<200x128xi32>
      %add3A_1284 = arith.addi %add3A_1275, %while3A_935 : vector<200x128xi32>
      %add3A_1285 = arith.addi %xor3A_1283, %while3A_936 : vector<200x128xi32>
      %add3A_1286 = arith.constant 3 : i32
      %add3A_1287 = vector.broadcast %add3A_1286 : i32 to vector<200x128xi32>
      %add3A_1288 = arith.addi %add3A_1285, %add3A_1287 : vector<200x128xi32>
      %add3A_1289 = arith.addi %add3A_1284, %add3A_1288 : vector<200x128xi32>
      %shift_left3A_1290 = arith.constant 17 : i32
      %shift_left3A_1291 = vector.broadcast %shift_left3A_1290 : i32 to vector<200x128xi32>
      %shift_left3A_1292 = arith.shli %add3A_1288, %shift_left3A_1291 : vector<200x128xi32>
      %shift_right_logical3A_1293 = arith.constant 15 : i32
      %shift_right_logical3A_1294 = vector.broadcast %shift_right_logical3A_1293 : i32 to vector<200x128xi32>
      %shift_right_logical3A_1295 = arith.shrui %add3A_1288, %shift_right_logical3A_1294 : vector<200x128xi32>
      %or3A_1296 = arith.ori %shift_left3A_1292, %shift_right_logical3A_1295 : vector<200x128xi32>
      %xor3A_1297 = arith.xori %add3A_1289, %or3A_1296 : vector<200x128xi32>
      %add3A_1298 = arith.addi %add3A_1289, %xor3A_1297 : vector<200x128xi32>
      %shift_left3A_1299 = arith.constant 29 : i32
      %shift_left3A_1300 = vector.broadcast %shift_left3A_1299 : i32 to vector<200x128xi32>
      %shift_left3A_1301 = arith.shli %xor3A_1297, %shift_left3A_1300 : vector<200x128xi32>
      %shift_right_logical3A_1302 = arith.constant 3 : i32
      %shift_right_logical3A_1303 = vector.broadcast %shift_right_logical3A_1302 : i32 to vector<200x128xi32>
      %shift_right_logical3A_1304 = arith.shrui %xor3A_1297, %shift_right_logical3A_1303 : vector<200x128xi32>
      %or3A_1305 = arith.ori %shift_left3A_1301, %shift_right_logical3A_1304 : vector<200x128xi32>
      %xor3A_1306 = arith.xori %add3A_1298, %or3A_1305 : vector<200x128xi32>
      %add3A_1307 = arith.addi %add3A_1298, %xor3A_1306 : vector<200x128xi32>
      %shift_left3A_1308 = arith.constant 16 : i32
      %shift_left3A_1309 = vector.broadcast %shift_left3A_1308 : i32 to vector<200x128xi32>
      %shift_left3A_1310 = arith.shli %xor3A_1306, %shift_left3A_1309 : vector<200x128xi32>
      %shift_right_logical3A_1311 = arith.constant 16 : i32
      %shift_right_logical3A_1312 = vector.broadcast %shift_right_logical3A_1311 : i32 to vector<200x128xi32>
      %shift_right_logical3A_1313 = arith.shrui %xor3A_1306, %shift_right_logical3A_1312 : vector<200x128xi32>
      %or3A_1314 = arith.ori %shift_left3A_1310, %shift_right_logical3A_1313 : vector<200x128xi32>
      %xor3A_1315 = arith.xori %add3A_1307, %or3A_1314 : vector<200x128xi32>
      %add3A_1316 = arith.addi %add3A_1307, %xor3A_1315 : vector<200x128xi32>
      %shift_left3A_1317 = arith.constant 24 : i32
      %shift_left3A_1318 = vector.broadcast %shift_left3A_1317 : i32 to vector<200x128xi32>
      %shift_left3A_1319 = arith.shli %xor3A_1315, %shift_left3A_1318 : vector<200x128xi32>
      %shift_right_logical3A_1320 = arith.constant 8 : i32
      %shift_right_logical3A_1321 = vector.broadcast %shift_right_logical3A_1320 : i32 to vector<200x128xi32>
      %shift_right_logical3A_1322 = arith.shrui %xor3A_1315, %shift_right_logical3A_1321 : vector<200x128xi32>
      %or3A_1323 = arith.ori %shift_left3A_1319, %shift_right_logical3A_1322 : vector<200x128xi32>
      %xor3A_1324 = arith.xori %add3A_1316, %or3A_1323 : vector<200x128xi32>
      %add3A_1325 = arith.addi %add3A_1316, %while3A_936 : vector<200x128xi32>
      %add3A_1326 = arith.addi %xor3A_1324, %xor3A_1159 : vector<200x128xi32>
      %add3A_1327 = arith.constant 4 : i32
      %add3A_1328 = vector.broadcast %add3A_1327 : i32 to vector<200x128xi32>
      %add3A_1329 = arith.addi %add3A_1326, %add3A_1328 : vector<200x128xi32>
      %add3A_1330 = arith.addi %add3A_1325, %add3A_1329 : vector<200x128xi32>
      %shift_left3A_1331 = arith.constant 13 : i32
      %shift_left3A_1332 = vector.broadcast %shift_left3A_1331 : i32 to vector<200x128xi32>
      %shift_left3A_1333 = arith.shli %add3A_1329, %shift_left3A_1332 : vector<200x128xi32>
      %shift_right_logical3A_1334 = arith.constant 19 : i32
      %shift_right_logical3A_1335 = vector.broadcast %shift_right_logical3A_1334 : i32 to vector<200x128xi32>
      %shift_right_logical3A_1336 = arith.shrui %add3A_1329, %shift_right_logical3A_1335 : vector<200x128xi32>
      %or3A_1337 = arith.ori %shift_left3A_1333, %shift_right_logical3A_1336 : vector<200x128xi32>
      %xor3A_1338 = arith.xori %add3A_1330, %or3A_1337 : vector<200x128xi32>
      %add3A_1339 = arith.addi %add3A_1330, %xor3A_1338 : vector<200x128xi32>
      %shift_left3A_1340 = arith.constant 15 : i32
      %shift_left3A_1341 = vector.broadcast %shift_left3A_1340 : i32 to vector<200x128xi32>
      %shift_left3A_1342 = arith.shli %xor3A_1338, %shift_left3A_1341 : vector<200x128xi32>
      %shift_right_logical3A_1343 = arith.constant 17 : i32
      %shift_right_logical3A_1344 = vector.broadcast %shift_right_logical3A_1343 : i32 to vector<200x128xi32>
      %shift_right_logical3A_1345 = arith.shrui %xor3A_1338, %shift_right_logical3A_1344 : vector<200x128xi32>
      %or3A_1346 = arith.ori %shift_left3A_1342, %shift_right_logical3A_1345 : vector<200x128xi32>
      %xor3A_1347 = arith.xori %add3A_1339, %or3A_1346 : vector<200x128xi32>
      %add3A_1348 = arith.addi %add3A_1339, %xor3A_1347 : vector<200x128xi32>
      %shift_left3A_1349 = arith.constant 26 : i32
      %shift_left3A_1350 = vector.broadcast %shift_left3A_1349 : i32 to vector<200x128xi32>
      %shift_left3A_1351 = arith.shli %xor3A_1347, %shift_left3A_1350 : vector<200x128xi32>
      %shift_right_logical3A_1352 = arith.constant 6 : i32
      %shift_right_logical3A_1353 = vector.broadcast %shift_right_logical3A_1352 : i32 to vector<200x128xi32>
      %shift_right_logical3A_1354 = arith.shrui %xor3A_1347, %shift_right_logical3A_1353 : vector<200x128xi32>
      %or3A_1355 = arith.ori %shift_left3A_1351, %shift_right_logical3A_1354 : vector<200x128xi32>
      %xor3A_1356 = arith.xori %add3A_1348, %or3A_1355 : vector<200x128xi32>
      %add3A_1357 = arith.addi %add3A_1348, %xor3A_1356 : vector<200x128xi32>
      %shift_left3A_1358 = arith.constant 6 : i32
      %shift_left3A_1359 = vector.broadcast %shift_left3A_1358 : i32 to vector<200x128xi32>
      %shift_left3A_1360 = arith.shli %xor3A_1356, %shift_left3A_1359 : vector<200x128xi32>
      %shift_right_logical3A_1361 = arith.constant 26 : i32
      %shift_right_logical3A_1362 = vector.broadcast %shift_right_logical3A_1361 : i32 to vector<200x128xi32>
      %shift_right_logical3A_1363 = arith.shrui %xor3A_1356, %shift_right_logical3A_1362 : vector<200x128xi32>
      %or3A_1364 = arith.ori %shift_left3A_1360, %shift_right_logical3A_1363 : vector<200x128xi32>
      %xor3A_1365 = arith.xori %add3A_1357, %or3A_1364 : vector<200x128xi32>
      %add3A_1366 = arith.addi %add3A_1357, %xor3A_1159 : vector<200x128xi32>
      %add3A_1367 = arith.addi %xor3A_1365, %while3A_935 : vector<200x128xi32>
      %add3A_1368 = arith.constant 5 : i32
      %add3A_1369 = vector.broadcast %add3A_1368 : i32 to vector<200x128xi32>
      %add3A_1370 = arith.addi %add3A_1367, %add3A_1369 : vector<200x128xi32>
      %xor3A_1371 = arith.xori %while3A_935, %while3A_936 : vector<200x128xi32>
      %xor3A_1372 = arith.constant 466688986 : i32
      %xor3A_1373 = vector.broadcast %xor3A_1372 : i32 to vector<200x128xi32>
      %xor3A_1374 = arith.xori %xor3A_1371, %xor3A_1373 : vector<200x128xi32>
      %add3A_1375 = arith.constant 0 : i32
      %add3A_1376 = vector.broadcast %add3A_1375 : i32 to vector<200x128xi32>
      %add3A_1377 = arith.addi %add3A_1376, %while3A_935 : vector<200x128xi32>
      %add3A_1378 = arith.constant 2 : i32
      %add3A_1379 = vector.broadcast %add3A_1378 : i32 to vector<200x128xi32>
      %add3A_1380 = arith.addi %add3A_1379, %while3A_936 : vector<200x128xi32>
      %add3A_1381 = arith.addi %add3A_1377, %add3A_1380 : vector<200x128xi32>
      %shift_left3A_1382 = arith.constant 13 : i32
      %shift_left3A_1383 = vector.broadcast %shift_left3A_1382 : i32 to vector<200x128xi32>
      %shift_left3A_1384 = arith.shli %add3A_1380, %shift_left3A_1383 : vector<200x128xi32>
      %shift_right_logical3A_1385 = arith.constant 19 : i32
      %shift_right_logical3A_1386 = vector.broadcast %shift_right_logical3A_1385 : i32 to vector<200x128xi32>
      %shift_right_logical3A_1387 = arith.shrui %add3A_1380, %shift_right_logical3A_1386 : vector<200x128xi32>
      %or3A_1388 = arith.ori %shift_left3A_1384, %shift_right_logical3A_1387 : vector<200x128xi32>
      %xor3A_1389 = arith.xori %add3A_1381, %or3A_1388 : vector<200x128xi32>
      %add3A_1390 = arith.addi %add3A_1381, %xor3A_1389 : vector<200x128xi32>
      %shift_left3A_1391 = arith.constant 15 : i32
      %shift_left3A_1392 = vector.broadcast %shift_left3A_1391 : i32 to vector<200x128xi32>
      %shift_left3A_1393 = arith.shli %xor3A_1389, %shift_left3A_1392 : vector<200x128xi32>
      %shift_right_logical3A_1394 = arith.constant 17 : i32
      %shift_right_logical3A_1395 = vector.broadcast %shift_right_logical3A_1394 : i32 to vector<200x128xi32>
      %shift_right_logical3A_1396 = arith.shrui %xor3A_1389, %shift_right_logical3A_1395 : vector<200x128xi32>
      %or3A_1397 = arith.ori %shift_left3A_1393, %shift_right_logical3A_1396 : vector<200x128xi32>
      %xor3A_1398 = arith.xori %add3A_1390, %or3A_1397 : vector<200x128xi32>
      %add3A_1399 = arith.addi %add3A_1390, %xor3A_1398 : vector<200x128xi32>
      %shift_left3A_1400 = arith.constant 26 : i32
      %shift_left3A_1401 = vector.broadcast %shift_left3A_1400 : i32 to vector<200x128xi32>
      %shift_left3A_1402 = arith.shli %xor3A_1398, %shift_left3A_1401 : vector<200x128xi32>
      %shift_right_logical3A_1403 = arith.constant 6 : i32
      %shift_right_logical3A_1404 = vector.broadcast %shift_right_logical3A_1403 : i32 to vector<200x128xi32>
      %shift_right_logical3A_1405 = arith.shrui %xor3A_1398, %shift_right_logical3A_1404 : vector<200x128xi32>
      %or3A_1406 = arith.ori %shift_left3A_1402, %shift_right_logical3A_1405 : vector<200x128xi32>
      %xor3A_1407 = arith.xori %add3A_1399, %or3A_1406 : vector<200x128xi32>
      %add3A_1408 = arith.addi %add3A_1399, %xor3A_1407 : vector<200x128xi32>
      %shift_left3A_1409 = arith.constant 6 : i32
      %shift_left3A_1410 = vector.broadcast %shift_left3A_1409 : i32 to vector<200x128xi32>
      %shift_left3A_1411 = arith.shli %xor3A_1407, %shift_left3A_1410 : vector<200x128xi32>
      %shift_right_logical3A_1412 = arith.constant 26 : i32
      %shift_right_logical3A_1413 = vector.broadcast %shift_right_logical3A_1412 : i32 to vector<200x128xi32>
      %shift_right_logical3A_1414 = arith.shrui %xor3A_1407, %shift_right_logical3A_1413 : vector<200x128xi32>
      %or3A_1415 = arith.ori %shift_left3A_1411, %shift_right_logical3A_1414 : vector<200x128xi32>
      %xor3A_1416 = arith.xori %add3A_1408, %or3A_1415 : vector<200x128xi32>
      %add3A_1417 = arith.addi %add3A_1408, %while3A_936 : vector<200x128xi32>
      %add3A_1418 = arith.addi %xor3A_1416, %xor3A_1374 : vector<200x128xi32>
      %add3A_1419 = arith.constant 1 : i32
      %add3A_1420 = vector.broadcast %add3A_1419 : i32 to vector<200x128xi32>
      %add3A_1421 = arith.addi %add3A_1418, %add3A_1420 : vector<200x128xi32>
      %add3A_1422 = arith.addi %add3A_1417, %add3A_1421 : vector<200x128xi32>
      %shift_left3A_1423 = arith.constant 17 : i32
      %shift_left3A_1424 = vector.broadcast %shift_left3A_1423 : i32 to vector<200x128xi32>
      %shift_left3A_1425 = arith.shli %add3A_1421, %shift_left3A_1424 : vector<200x128xi32>
      %shift_right_logical3A_1426 = arith.constant 15 : i32
      %shift_right_logical3A_1427 = vector.broadcast %shift_right_logical3A_1426 : i32 to vector<200x128xi32>
      %shift_right_logical3A_1428 = arith.shrui %add3A_1421, %shift_right_logical3A_1427 : vector<200x128xi32>
      %or3A_1429 = arith.ori %shift_left3A_1425, %shift_right_logical3A_1428 : vector<200x128xi32>
      %xor3A_1430 = arith.xori %add3A_1422, %or3A_1429 : vector<200x128xi32>
      %add3A_1431 = arith.addi %add3A_1422, %xor3A_1430 : vector<200x128xi32>
      %shift_left3A_1432 = arith.constant 29 : i32
      %shift_left3A_1433 = vector.broadcast %shift_left3A_1432 : i32 to vector<200x128xi32>
      %shift_left3A_1434 = arith.shli %xor3A_1430, %shift_left3A_1433 : vector<200x128xi32>
      %shift_right_logical3A_1435 = arith.constant 3 : i32
      %shift_right_logical3A_1436 = vector.broadcast %shift_right_logical3A_1435 : i32 to vector<200x128xi32>
      %shift_right_logical3A_1437 = arith.shrui %xor3A_1430, %shift_right_logical3A_1436 : vector<200x128xi32>
      %or3A_1438 = arith.ori %shift_left3A_1434, %shift_right_logical3A_1437 : vector<200x128xi32>
      %xor3A_1439 = arith.xori %add3A_1431, %or3A_1438 : vector<200x128xi32>
      %add3A_1440 = arith.addi %add3A_1431, %xor3A_1439 : vector<200x128xi32>
      %shift_left3A_1441 = arith.constant 16 : i32
      %shift_left3A_1442 = vector.broadcast %shift_left3A_1441 : i32 to vector<200x128xi32>
      %shift_left3A_1443 = arith.shli %xor3A_1439, %shift_left3A_1442 : vector<200x128xi32>
      %shift_right_logical3A_1444 = arith.constant 16 : i32
      %shift_right_logical3A_1445 = vector.broadcast %shift_right_logical3A_1444 : i32 to vector<200x128xi32>
      %shift_right_logical3A_1446 = arith.shrui %xor3A_1439, %shift_right_logical3A_1445 : vector<200x128xi32>
      %or3A_1447 = arith.ori %shift_left3A_1443, %shift_right_logical3A_1446 : vector<200x128xi32>
      %xor3A_1448 = arith.xori %add3A_1440, %or3A_1447 : vector<200x128xi32>
      %add3A_1449 = arith.addi %add3A_1440, %xor3A_1448 : vector<200x128xi32>
      %shift_left3A_1450 = arith.constant 24 : i32
      %shift_left3A_1451 = vector.broadcast %shift_left3A_1450 : i32 to vector<200x128xi32>
      %shift_left3A_1452 = arith.shli %xor3A_1448, %shift_left3A_1451 : vector<200x128xi32>
      %shift_right_logical3A_1453 = arith.constant 8 : i32
      %shift_right_logical3A_1454 = vector.broadcast %shift_right_logical3A_1453 : i32 to vector<200x128xi32>
      %shift_right_logical3A_1455 = arith.shrui %xor3A_1448, %shift_right_logical3A_1454 : vector<200x128xi32>
      %or3A_1456 = arith.ori %shift_left3A_1452, %shift_right_logical3A_1455 : vector<200x128xi32>
      %xor3A_1457 = arith.xori %add3A_1449, %or3A_1456 : vector<200x128xi32>
      %add3A_1458 = arith.addi %add3A_1449, %xor3A_1374 : vector<200x128xi32>
      %add3A_1459 = arith.addi %xor3A_1457, %while3A_935 : vector<200x128xi32>
      %add3A_1460 = arith.constant 2 : i32
      %add3A_1461 = vector.broadcast %add3A_1460 : i32 to vector<200x128xi32>
      %add3A_1462 = arith.addi %add3A_1459, %add3A_1461 : vector<200x128xi32>
      %add3A_1463 = arith.addi %add3A_1458, %add3A_1462 : vector<200x128xi32>
      %shift_left3A_1464 = arith.constant 13 : i32
      %shift_left3A_1465 = vector.broadcast %shift_left3A_1464 : i32 to vector<200x128xi32>
      %shift_left3A_1466 = arith.shli %add3A_1462, %shift_left3A_1465 : vector<200x128xi32>
      %shift_right_logical3A_1467 = arith.constant 19 : i32
      %shift_right_logical3A_1468 = vector.broadcast %shift_right_logical3A_1467 : i32 to vector<200x128xi32>
      %shift_right_logical3A_1469 = arith.shrui %add3A_1462, %shift_right_logical3A_1468 : vector<200x128xi32>
      %or3A_1470 = arith.ori %shift_left3A_1466, %shift_right_logical3A_1469 : vector<200x128xi32>
      %xor3A_1471 = arith.xori %add3A_1463, %or3A_1470 : vector<200x128xi32>
      %add3A_1472 = arith.addi %add3A_1463, %xor3A_1471 : vector<200x128xi32>
      %shift_left3A_1473 = arith.constant 15 : i32
      %shift_left3A_1474 = vector.broadcast %shift_left3A_1473 : i32 to vector<200x128xi32>
      %shift_left3A_1475 = arith.shli %xor3A_1471, %shift_left3A_1474 : vector<200x128xi32>
      %shift_right_logical3A_1476 = arith.constant 17 : i32
      %shift_right_logical3A_1477 = vector.broadcast %shift_right_logical3A_1476 : i32 to vector<200x128xi32>
      %shift_right_logical3A_1478 = arith.shrui %xor3A_1471, %shift_right_logical3A_1477 : vector<200x128xi32>
      %or3A_1479 = arith.ori %shift_left3A_1475, %shift_right_logical3A_1478 : vector<200x128xi32>
      %xor3A_1480 = arith.xori %add3A_1472, %or3A_1479 : vector<200x128xi32>
      %add3A_1481 = arith.addi %add3A_1472, %xor3A_1480 : vector<200x128xi32>
      %shift_left3A_1482 = arith.constant 26 : i32
      %shift_left3A_1483 = vector.broadcast %shift_left3A_1482 : i32 to vector<200x128xi32>
      %shift_left3A_1484 = arith.shli %xor3A_1480, %shift_left3A_1483 : vector<200x128xi32>
      %shift_right_logical3A_1485 = arith.constant 6 : i32
      %shift_right_logical3A_1486 = vector.broadcast %shift_right_logical3A_1485 : i32 to vector<200x128xi32>
      %shift_right_logical3A_1487 = arith.shrui %xor3A_1480, %shift_right_logical3A_1486 : vector<200x128xi32>
      %or3A_1488 = arith.ori %shift_left3A_1484, %shift_right_logical3A_1487 : vector<200x128xi32>
      %xor3A_1489 = arith.xori %add3A_1481, %or3A_1488 : vector<200x128xi32>
      %add3A_1490 = arith.addi %add3A_1481, %xor3A_1489 : vector<200x128xi32>
      %shift_left3A_1491 = arith.constant 6 : i32
      %shift_left3A_1492 = vector.broadcast %shift_left3A_1491 : i32 to vector<200x128xi32>
      %shift_left3A_1493 = arith.shli %xor3A_1489, %shift_left3A_1492 : vector<200x128xi32>
      %shift_right_logical3A_1494 = arith.constant 26 : i32
      %shift_right_logical3A_1495 = vector.broadcast %shift_right_logical3A_1494 : i32 to vector<200x128xi32>
      %shift_right_logical3A_1496 = arith.shrui %xor3A_1489, %shift_right_logical3A_1495 : vector<200x128xi32>
      %or3A_1497 = arith.ori %shift_left3A_1493, %shift_right_logical3A_1496 : vector<200x128xi32>
      %xor3A_1498 = arith.xori %add3A_1490, %or3A_1497 : vector<200x128xi32>
      %add3A_1499 = arith.addi %add3A_1490, %while3A_935 : vector<200x128xi32>
      %add3A_1500 = arith.addi %xor3A_1498, %while3A_936 : vector<200x128xi32>
      %add3A_1501 = arith.constant 3 : i32
      %add3A_1502 = vector.broadcast %add3A_1501 : i32 to vector<200x128xi32>
      %add3A_1503 = arith.addi %add3A_1500, %add3A_1502 : vector<200x128xi32>
      %add3A_1504 = arith.addi %add3A_1499, %add3A_1503 : vector<200x128xi32>
      %shift_left3A_1505 = arith.constant 17 : i32
      %shift_left3A_1506 = vector.broadcast %shift_left3A_1505 : i32 to vector<200x128xi32>
      %shift_left3A_1507 = arith.shli %add3A_1503, %shift_left3A_1506 : vector<200x128xi32>
      %shift_right_logical3A_1508 = arith.constant 15 : i32
      %shift_right_logical3A_1509 = vector.broadcast %shift_right_logical3A_1508 : i32 to vector<200x128xi32>
      %shift_right_logical3A_1510 = arith.shrui %add3A_1503, %shift_right_logical3A_1509 : vector<200x128xi32>
      %or3A_1511 = arith.ori %shift_left3A_1507, %shift_right_logical3A_1510 : vector<200x128xi32>
      %xor3A_1512 = arith.xori %add3A_1504, %or3A_1511 : vector<200x128xi32>
      %add3A_1513 = arith.addi %add3A_1504, %xor3A_1512 : vector<200x128xi32>
      %shift_left3A_1514 = arith.constant 29 : i32
      %shift_left3A_1515 = vector.broadcast %shift_left3A_1514 : i32 to vector<200x128xi32>
      %shift_left3A_1516 = arith.shli %xor3A_1512, %shift_left3A_1515 : vector<200x128xi32>
      %shift_right_logical3A_1517 = arith.constant 3 : i32
      %shift_right_logical3A_1518 = vector.broadcast %shift_right_logical3A_1517 : i32 to vector<200x128xi32>
      %shift_right_logical3A_1519 = arith.shrui %xor3A_1512, %shift_right_logical3A_1518 : vector<200x128xi32>
      %or3A_1520 = arith.ori %shift_left3A_1516, %shift_right_logical3A_1519 : vector<200x128xi32>
      %xor3A_1521 = arith.xori %add3A_1513, %or3A_1520 : vector<200x128xi32>
      %add3A_1522 = arith.addi %add3A_1513, %xor3A_1521 : vector<200x128xi32>
      %shift_left3A_1523 = arith.constant 16 : i32
      %shift_left3A_1524 = vector.broadcast %shift_left3A_1523 : i32 to vector<200x128xi32>
      %shift_left3A_1525 = arith.shli %xor3A_1521, %shift_left3A_1524 : vector<200x128xi32>
      %shift_right_logical3A_1526 = arith.constant 16 : i32
      %shift_right_logical3A_1527 = vector.broadcast %shift_right_logical3A_1526 : i32 to vector<200x128xi32>
      %shift_right_logical3A_1528 = arith.shrui %xor3A_1521, %shift_right_logical3A_1527 : vector<200x128xi32>
      %or3A_1529 = arith.ori %shift_left3A_1525, %shift_right_logical3A_1528 : vector<200x128xi32>
      %xor3A_1530 = arith.xori %add3A_1522, %or3A_1529 : vector<200x128xi32>
      %add3A_1531 = arith.addi %add3A_1522, %xor3A_1530 : vector<200x128xi32>
      %shift_left3A_1532 = arith.constant 24 : i32
      %shift_left3A_1533 = vector.broadcast %shift_left3A_1532 : i32 to vector<200x128xi32>
      %shift_left3A_1534 = arith.shli %xor3A_1530, %shift_left3A_1533 : vector<200x128xi32>
      %shift_right_logical3A_1535 = arith.constant 8 : i32
      %shift_right_logical3A_1536 = vector.broadcast %shift_right_logical3A_1535 : i32 to vector<200x128xi32>
      %shift_right_logical3A_1537 = arith.shrui %xor3A_1530, %shift_right_logical3A_1536 : vector<200x128xi32>
      %or3A_1538 = arith.ori %shift_left3A_1534, %shift_right_logical3A_1537 : vector<200x128xi32>
      %xor3A_1539 = arith.xori %add3A_1531, %or3A_1538 : vector<200x128xi32>
      %add3A_1540 = arith.addi %add3A_1531, %while3A_936 : vector<200x128xi32>
      %add3A_1541 = arith.addi %xor3A_1539, %xor3A_1374 : vector<200x128xi32>
      %add3A_1542 = arith.constant 4 : i32
      %add3A_1543 = vector.broadcast %add3A_1542 : i32 to vector<200x128xi32>
      %add3A_1544 = arith.addi %add3A_1541, %add3A_1543 : vector<200x128xi32>
      %add3A_1545 = arith.addi %add3A_1540, %add3A_1544 : vector<200x128xi32>
      %shift_left3A_1546 = arith.constant 13 : i32
      %shift_left3A_1547 = vector.broadcast %shift_left3A_1546 : i32 to vector<200x128xi32>
      %shift_left3A_1548 = arith.shli %add3A_1544, %shift_left3A_1547 : vector<200x128xi32>
      %shift_right_logical3A_1549 = arith.constant 19 : i32
      %shift_right_logical3A_1550 = vector.broadcast %shift_right_logical3A_1549 : i32 to vector<200x128xi32>
      %shift_right_logical3A_1551 = arith.shrui %add3A_1544, %shift_right_logical3A_1550 : vector<200x128xi32>
      %or3A_1552 = arith.ori %shift_left3A_1548, %shift_right_logical3A_1551 : vector<200x128xi32>
      %xor3A_1553 = arith.xori %add3A_1545, %or3A_1552 : vector<200x128xi32>
      %add3A_1554 = arith.addi %add3A_1545, %xor3A_1553 : vector<200x128xi32>
      %shift_left3A_1555 = arith.constant 15 : i32
      %shift_left3A_1556 = vector.broadcast %shift_left3A_1555 : i32 to vector<200x128xi32>
      %shift_left3A_1557 = arith.shli %xor3A_1553, %shift_left3A_1556 : vector<200x128xi32>
      %shift_right_logical3A_1558 = arith.constant 17 : i32
      %shift_right_logical3A_1559 = vector.broadcast %shift_right_logical3A_1558 : i32 to vector<200x128xi32>
      %shift_right_logical3A_1560 = arith.shrui %xor3A_1553, %shift_right_logical3A_1559 : vector<200x128xi32>
      %or3A_1561 = arith.ori %shift_left3A_1557, %shift_right_logical3A_1560 : vector<200x128xi32>
      %xor3A_1562 = arith.xori %add3A_1554, %or3A_1561 : vector<200x128xi32>
      %add3A_1563 = arith.addi %add3A_1554, %xor3A_1562 : vector<200x128xi32>
      %shift_left3A_1564 = arith.constant 26 : i32
      %shift_left3A_1565 = vector.broadcast %shift_left3A_1564 : i32 to vector<200x128xi32>
      %shift_left3A_1566 = arith.shli %xor3A_1562, %shift_left3A_1565 : vector<200x128xi32>
      %shift_right_logical3A_1567 = arith.constant 6 : i32
      %shift_right_logical3A_1568 = vector.broadcast %shift_right_logical3A_1567 : i32 to vector<200x128xi32>
      %shift_right_logical3A_1569 = arith.shrui %xor3A_1562, %shift_right_logical3A_1568 : vector<200x128xi32>
      %or3A_1570 = arith.ori %shift_left3A_1566, %shift_right_logical3A_1569 : vector<200x128xi32>
      %xor3A_1571 = arith.xori %add3A_1563, %or3A_1570 : vector<200x128xi32>
      %add3A_1572 = arith.addi %add3A_1563, %xor3A_1571 : vector<200x128xi32>
      %shift_left3A_1573 = arith.constant 6 : i32
      %shift_left3A_1574 = vector.broadcast %shift_left3A_1573 : i32 to vector<200x128xi32>
      %shift_left3A_1575 = arith.shli %xor3A_1571, %shift_left3A_1574 : vector<200x128xi32>
      %shift_right_logical3A_1576 = arith.constant 26 : i32
      %shift_right_logical3A_1577 = vector.broadcast %shift_right_logical3A_1576 : i32 to vector<200x128xi32>
      %shift_right_logical3A_1578 = arith.shrui %xor3A_1571, %shift_right_logical3A_1577 : vector<200x128xi32>
      %or3A_1579 = arith.ori %shift_left3A_1575, %shift_right_logical3A_1578 : vector<200x128xi32>
      %xor3A_1580 = arith.xori %add3A_1572, %or3A_1579 : vector<200x128xi32>
      %add3A_1581 = arith.addi %add3A_1572, %xor3A_1374 : vector<200x128xi32>
      %add3A_1582 = arith.addi %xor3A_1580, %while3A_935 : vector<200x128xi32>
      %add3A_1583 = arith.constant 5 : i32
      %add3A_1584 = vector.broadcast %add3A_1583 : i32 to vector<200x128xi32>
      %add3A_1585 = arith.addi %add3A_1582, %add3A_1584 : vector<200x128xi32>
      %broadcast_in_dim3A_1586 = arith.constant 0.000000e+00 : f32
      %broadcast_in_dim3A_1587 = vector.broadcast %broadcast_in_dim3A_1586 : f32 to vector<200x128xf32>
      %broadcast_in_dim3A_1588 = arith.constant -1.000000e+00 : f32
      %broadcast_in_dim3A_1589 = vector.broadcast %broadcast_in_dim3A_1588 : f32 to vector<200x128xf32>
      %while3A_1590:5 = scf.while (%while3A_1844 = %add3A_1366, %while3A_1845 = %add3A_1370, %while3A_1846 = %broadcast_in_dim3A_1587, %while3A_1847 = %broadcast_in_dim3A_1589, %while3A_1848 = %while3A_938) : (vector<200x128xi32>, vector<200x128xi32>, vector<200x128xf32>, vector<200x128xf32>, vector<200x128xi32>) -> (vector<200x128xi32>, vector<200x128xi32>, vector<200x128xf32>, vector<200x128xf32>, vector<200x128xi32>) {
        %ne3A_1849 = arith.constant 0 : i32
        %ne3A_1850 = vector.broadcast %ne3A_1849 : i32 to vector<200x128xi32>
        %ne3A_1851 = arith.cmpi ne, %while3A_1848, %ne3A_1850 : vector<200x128xi32>
        %reduce_or3A = arith.constant 1.000000e+00 : f32
        %reduce_or3A_1852 = arith.constant 0.000000e+00 : f32
        %reduce_or3A_1853 = vector.broadcast %reduce_or3A : f32 to vector<200x128xf32>
        %reduce_or3A_1854 = vector.broadcast %reduce_or3A_1852 : f32 to vector<200x128xf32>
        %reduce_or3A_1855 = arith.select %ne3A_1851, %reduce_or3A_1853, %reduce_or3A_1854 : vector<200x128xi1>, vector<200x128xf32>
        %reduce_or3A_1856 = vector.shape_cast %reduce_or3A_1855 : vector<200x128xf32> to vector<1x200x128xf32>
        %reduce_or3A_1857 = arith.constant dense<0xFF800000> : vector<1xf32>
        %reduce_or3A_1858 = vector.multi_reduction <maximumf>, %reduce_or3A_1856, %reduce_or3A_1857 [1, 2] : vector<1x200x128xf32> to vector<1xf32>
        %reduce_or3A_1859 = vector.shape_cast %reduce_or3A_1858 : vector<1xf32> to vector<1x1x1xf32>
        %reduce_or3A_1860 = vector.extract %reduce_or3A_1859[0, 0, 0] : f32 from vector<1x1x1xf32>
        %reduce_or3A_1861 = arith.constant 0.000000e+00 : f32
        %reduce_or3A_1862 = arith.cmpf ogt, %reduce_or3A_1860, %reduce_or3A_1861 : f32
        scf.condition(%reduce_or3A_1862) %while3A_1844, %while3A_1845, %while3A_1846, %while3A_1847, %while3A_1848 : vector<200x128xi32>, vector<200x128xi32>, vector<200x128xf32>, vector<200x128xf32>, vector<200x128xi32>
      } do {
      ^bb0(%while3A_1844: vector<200x128xi32>, %while3A_1845: vector<200x128xi32>, %while3A_1846: vector<200x128xf32>, %while3A_1847: vector<200x128xf32>, %while3A_1848: vector<200x128xi32>):
        %ne3A_1849 = arith.constant 0 : i32
        %ne3A_1850 = vector.broadcast %ne3A_1849 : i32 to vector<200x128xi32>
        %ne3A_1851 = arith.cmpi ne, %while3A_1848, %ne3A_1850 : vector<200x128xi32>
        %xor3A_1852 = arith.xori %while3A_1844, %while3A_1845 : vector<200x128xi32>
        %xor3A_1853 = arith.constant 466688986 : i32
        %xor3A_1854 = vector.broadcast %xor3A_1853 : i32 to vector<200x128xi32>
        %xor3A_1855 = arith.xori %xor3A_1852, %xor3A_1854 : vector<200x128xi32>
        %add3A_1856 = arith.constant 0 : i32
        %add3A_1857 = vector.broadcast %add3A_1856 : i32 to vector<200x128xi32>
        %add3A_1858 = arith.addi %add3A_1857, %while3A_1844 : vector<200x128xi32>
        %add3A_1859 = arith.constant 0 : i32
        %add3A_1860 = vector.broadcast %add3A_1859 : i32 to vector<200x128xi32>
        %add3A_1861 = arith.addi %add3A_1860, %while3A_1845 : vector<200x128xi32>
        %add3A_1862 = arith.addi %add3A_1858, %add3A_1861 : vector<200x128xi32>
        %shift_left3A_1863 = arith.constant 13 : i32
        %shift_left3A_1864 = vector.broadcast %shift_left3A_1863 : i32 to vector<200x128xi32>
        %shift_left3A_1865 = arith.shli %add3A_1861, %shift_left3A_1864 : vector<200x128xi32>
        %shift_right_logical3A_1866 = arith.constant 19 : i32
        %shift_right_logical3A_1867 = vector.broadcast %shift_right_logical3A_1866 : i32 to vector<200x128xi32>
        %shift_right_logical3A_1868 = arith.shrui %add3A_1861, %shift_right_logical3A_1867 : vector<200x128xi32>
        %or3A_1869 = arith.ori %shift_left3A_1865, %shift_right_logical3A_1868 : vector<200x128xi32>
        %xor3A_1870 = arith.xori %add3A_1862, %or3A_1869 : vector<200x128xi32>
        %add3A_1871 = arith.addi %add3A_1862, %xor3A_1870 : vector<200x128xi32>
        %shift_left3A_1872 = arith.constant 15 : i32
        %shift_left3A_1873 = vector.broadcast %shift_left3A_1872 : i32 to vector<200x128xi32>
        %shift_left3A_1874 = arith.shli %xor3A_1870, %shift_left3A_1873 : vector<200x128xi32>
        %shift_right_logical3A_1875 = arith.constant 17 : i32
        %shift_right_logical3A_1876 = vector.broadcast %shift_right_logical3A_1875 : i32 to vector<200x128xi32>
        %shift_right_logical3A_1877 = arith.shrui %xor3A_1870, %shift_right_logical3A_1876 : vector<200x128xi32>
        %or3A_1878 = arith.ori %shift_left3A_1874, %shift_right_logical3A_1877 : vector<200x128xi32>
        %xor3A_1879 = arith.xori %add3A_1871, %or3A_1878 : vector<200x128xi32>
        %add3A_1880 = arith.addi %add3A_1871, %xor3A_1879 : vector<200x128xi32>
        %shift_left3A_1881 = arith.constant 26 : i32
        %shift_left3A_1882 = vector.broadcast %shift_left3A_1881 : i32 to vector<200x128xi32>
        %shift_left3A_1883 = arith.shli %xor3A_1879, %shift_left3A_1882 : vector<200x128xi32>
        %shift_right_logical3A_1884 = arith.constant 6 : i32
        %shift_right_logical3A_1885 = vector.broadcast %shift_right_logical3A_1884 : i32 to vector<200x128xi32>
        %shift_right_logical3A_1886 = arith.shrui %xor3A_1879, %shift_right_logical3A_1885 : vector<200x128xi32>
        %or3A_1887 = arith.ori %shift_left3A_1883, %shift_right_logical3A_1886 : vector<200x128xi32>
        %xor3A_1888 = arith.xori %add3A_1880, %or3A_1887 : vector<200x128xi32>
        %add3A_1889 = arith.addi %add3A_1880, %xor3A_1888 : vector<200x128xi32>
        %shift_left3A_1890 = arith.constant 6 : i32
        %shift_left3A_1891 = vector.broadcast %shift_left3A_1890 : i32 to vector<200x128xi32>
        %shift_left3A_1892 = arith.shli %xor3A_1888, %shift_left3A_1891 : vector<200x128xi32>
        %shift_right_logical3A_1893 = arith.constant 26 : i32
        %shift_right_logical3A_1894 = vector.broadcast %shift_right_logical3A_1893 : i32 to vector<200x128xi32>
        %shift_right_logical3A_1895 = arith.shrui %xor3A_1888, %shift_right_logical3A_1894 : vector<200x128xi32>
        %or3A_1896 = arith.ori %shift_left3A_1892, %shift_right_logical3A_1895 : vector<200x128xi32>
        %xor3A_1897 = arith.xori %add3A_1889, %or3A_1896 : vector<200x128xi32>
        %add3A_1898 = arith.addi %add3A_1889, %while3A_1845 : vector<200x128xi32>
        %add3A_1899 = arith.addi %xor3A_1897, %xor3A_1855 : vector<200x128xi32>
        %add3A_1900 = arith.constant 1 : i32
        %add3A_1901 = vector.broadcast %add3A_1900 : i32 to vector<200x128xi32>
        %add3A_1902 = arith.addi %add3A_1899, %add3A_1901 : vector<200x128xi32>
        %add3A_1903 = arith.addi %add3A_1898, %add3A_1902 : vector<200x128xi32>
        %shift_left3A_1904 = arith.constant 17 : i32
        %shift_left3A_1905 = vector.broadcast %shift_left3A_1904 : i32 to vector<200x128xi32>
        %shift_left3A_1906 = arith.shli %add3A_1902, %shift_left3A_1905 : vector<200x128xi32>
        %shift_right_logical3A_1907 = arith.constant 15 : i32
        %shift_right_logical3A_1908 = vector.broadcast %shift_right_logical3A_1907 : i32 to vector<200x128xi32>
        %shift_right_logical3A_1909 = arith.shrui %add3A_1902, %shift_right_logical3A_1908 : vector<200x128xi32>
        %or3A_1910 = arith.ori %shift_left3A_1906, %shift_right_logical3A_1909 : vector<200x128xi32>
        %xor3A_1911 = arith.xori %add3A_1903, %or3A_1910 : vector<200x128xi32>
        %add3A_1912 = arith.addi %add3A_1903, %xor3A_1911 : vector<200x128xi32>
        %shift_left3A_1913 = arith.constant 29 : i32
        %shift_left3A_1914 = vector.broadcast %shift_left3A_1913 : i32 to vector<200x128xi32>
        %shift_left3A_1915 = arith.shli %xor3A_1911, %shift_left3A_1914 : vector<200x128xi32>
        %shift_right_logical3A_1916 = arith.constant 3 : i32
        %shift_right_logical3A_1917 = vector.broadcast %shift_right_logical3A_1916 : i32 to vector<200x128xi32>
        %shift_right_logical3A_1918 = arith.shrui %xor3A_1911, %shift_right_logical3A_1917 : vector<200x128xi32>
        %or3A_1919 = arith.ori %shift_left3A_1915, %shift_right_logical3A_1918 : vector<200x128xi32>
        %xor3A_1920 = arith.xori %add3A_1912, %or3A_1919 : vector<200x128xi32>
        %add3A_1921 = arith.addi %add3A_1912, %xor3A_1920 : vector<200x128xi32>
        %shift_left3A_1922 = arith.constant 16 : i32
        %shift_left3A_1923 = vector.broadcast %shift_left3A_1922 : i32 to vector<200x128xi32>
        %shift_left3A_1924 = arith.shli %xor3A_1920, %shift_left3A_1923 : vector<200x128xi32>
        %shift_right_logical3A_1925 = arith.constant 16 : i32
        %shift_right_logical3A_1926 = vector.broadcast %shift_right_logical3A_1925 : i32 to vector<200x128xi32>
        %shift_right_logical3A_1927 = arith.shrui %xor3A_1920, %shift_right_logical3A_1926 : vector<200x128xi32>
        %or3A_1928 = arith.ori %shift_left3A_1924, %shift_right_logical3A_1927 : vector<200x128xi32>
        %xor3A_1929 = arith.xori %add3A_1921, %or3A_1928 : vector<200x128xi32>
        %add3A_1930 = arith.addi %add3A_1921, %xor3A_1929 : vector<200x128xi32>
        %shift_left3A_1931 = arith.constant 24 : i32
        %shift_left3A_1932 = vector.broadcast %shift_left3A_1931 : i32 to vector<200x128xi32>
        %shift_left3A_1933 = arith.shli %xor3A_1929, %shift_left3A_1932 : vector<200x128xi32>
        %shift_right_logical3A_1934 = arith.constant 8 : i32
        %shift_right_logical3A_1935 = vector.broadcast %shift_right_logical3A_1934 : i32 to vector<200x128xi32>
        %shift_right_logical3A_1936 = arith.shrui %xor3A_1929, %shift_right_logical3A_1935 : vector<200x128xi32>
        %or3A_1937 = arith.ori %shift_left3A_1933, %shift_right_logical3A_1936 : vector<200x128xi32>
        %xor3A_1938 = arith.xori %add3A_1930, %or3A_1937 : vector<200x128xi32>
        %add3A_1939 = arith.addi %add3A_1930, %xor3A_1855 : vector<200x128xi32>
        %add3A_1940 = arith.addi %xor3A_1938, %while3A_1844 : vector<200x128xi32>
        %add3A_1941 = arith.constant 2 : i32
        %add3A_1942 = vector.broadcast %add3A_1941 : i32 to vector<200x128xi32>
        %add3A_1943 = arith.addi %add3A_1940, %add3A_1942 : vector<200x128xi32>
        %add3A_1944 = arith.addi %add3A_1939, %add3A_1943 : vector<200x128xi32>
        %shift_left3A_1945 = arith.constant 13 : i32
        %shift_left3A_1946 = vector.broadcast %shift_left3A_1945 : i32 to vector<200x128xi32>
        %shift_left3A_1947 = arith.shli %add3A_1943, %shift_left3A_1946 : vector<200x128xi32>
        %shift_right_logical3A_1948 = arith.constant 19 : i32
        %shift_right_logical3A_1949 = vector.broadcast %shift_right_logical3A_1948 : i32 to vector<200x128xi32>
        %shift_right_logical3A_1950 = arith.shrui %add3A_1943, %shift_right_logical3A_1949 : vector<200x128xi32>
        %or3A_1951 = arith.ori %shift_left3A_1947, %shift_right_logical3A_1950 : vector<200x128xi32>
        %xor3A_1952 = arith.xori %add3A_1944, %or3A_1951 : vector<200x128xi32>
        %add3A_1953 = arith.addi %add3A_1944, %xor3A_1952 : vector<200x128xi32>
        %shift_left3A_1954 = arith.constant 15 : i32
        %shift_left3A_1955 = vector.broadcast %shift_left3A_1954 : i32 to vector<200x128xi32>
        %shift_left3A_1956 = arith.shli %xor3A_1952, %shift_left3A_1955 : vector<200x128xi32>
        %shift_right_logical3A_1957 = arith.constant 17 : i32
        %shift_right_logical3A_1958 = vector.broadcast %shift_right_logical3A_1957 : i32 to vector<200x128xi32>
        %shift_right_logical3A_1959 = arith.shrui %xor3A_1952, %shift_right_logical3A_1958 : vector<200x128xi32>
        %or3A_1960 = arith.ori %shift_left3A_1956, %shift_right_logical3A_1959 : vector<200x128xi32>
        %xor3A_1961 = arith.xori %add3A_1953, %or3A_1960 : vector<200x128xi32>
        %add3A_1962 = arith.addi %add3A_1953, %xor3A_1961 : vector<200x128xi32>
        %shift_left3A_1963 = arith.constant 26 : i32
        %shift_left3A_1964 = vector.broadcast %shift_left3A_1963 : i32 to vector<200x128xi32>
        %shift_left3A_1965 = arith.shli %xor3A_1961, %shift_left3A_1964 : vector<200x128xi32>
        %shift_right_logical3A_1966 = arith.constant 6 : i32
        %shift_right_logical3A_1967 = vector.broadcast %shift_right_logical3A_1966 : i32 to vector<200x128xi32>
        %shift_right_logical3A_1968 = arith.shrui %xor3A_1961, %shift_right_logical3A_1967 : vector<200x128xi32>
        %or3A_1969 = arith.ori %shift_left3A_1965, %shift_right_logical3A_1968 : vector<200x128xi32>
        %xor3A_1970 = arith.xori %add3A_1962, %or3A_1969 : vector<200x128xi32>
        %add3A_1971 = arith.addi %add3A_1962, %xor3A_1970 : vector<200x128xi32>
        %shift_left3A_1972 = arith.constant 6 : i32
        %shift_left3A_1973 = vector.broadcast %shift_left3A_1972 : i32 to vector<200x128xi32>
        %shift_left3A_1974 = arith.shli %xor3A_1970, %shift_left3A_1973 : vector<200x128xi32>
        %shift_right_logical3A_1975 = arith.constant 26 : i32
        %shift_right_logical3A_1976 = vector.broadcast %shift_right_logical3A_1975 : i32 to vector<200x128xi32>
        %shift_right_logical3A_1977 = arith.shrui %xor3A_1970, %shift_right_logical3A_1976 : vector<200x128xi32>
        %or3A_1978 = arith.ori %shift_left3A_1974, %shift_right_logical3A_1977 : vector<200x128xi32>
        %xor3A_1979 = arith.xori %add3A_1971, %or3A_1978 : vector<200x128xi32>
        %add3A_1980 = arith.addi %add3A_1971, %while3A_1844 : vector<200x128xi32>
        %add3A_1981 = arith.addi %xor3A_1979, %while3A_1845 : vector<200x128xi32>
        %add3A_1982 = arith.constant 3 : i32
        %add3A_1983 = vector.broadcast %add3A_1982 : i32 to vector<200x128xi32>
        %add3A_1984 = arith.addi %add3A_1981, %add3A_1983 : vector<200x128xi32>
        %add3A_1985 = arith.addi %add3A_1980, %add3A_1984 : vector<200x128xi32>
        %shift_left3A_1986 = arith.constant 17 : i32
        %shift_left3A_1987 = vector.broadcast %shift_left3A_1986 : i32 to vector<200x128xi32>
        %shift_left3A_1988 = arith.shli %add3A_1984, %shift_left3A_1987 : vector<200x128xi32>
        %shift_right_logical3A_1989 = arith.constant 15 : i32
        %shift_right_logical3A_1990 = vector.broadcast %shift_right_logical3A_1989 : i32 to vector<200x128xi32>
        %shift_right_logical3A_1991 = arith.shrui %add3A_1984, %shift_right_logical3A_1990 : vector<200x128xi32>
        %or3A_1992 = arith.ori %shift_left3A_1988, %shift_right_logical3A_1991 : vector<200x128xi32>
        %xor3A_1993 = arith.xori %add3A_1985, %or3A_1992 : vector<200x128xi32>
        %add3A_1994 = arith.addi %add3A_1985, %xor3A_1993 : vector<200x128xi32>
        %shift_left3A_1995 = arith.constant 29 : i32
        %shift_left3A_1996 = vector.broadcast %shift_left3A_1995 : i32 to vector<200x128xi32>
        %shift_left3A_1997 = arith.shli %xor3A_1993, %shift_left3A_1996 : vector<200x128xi32>
        %shift_right_logical3A_1998 = arith.constant 3 : i32
        %shift_right_logical3A_1999 = vector.broadcast %shift_right_logical3A_1998 : i32 to vector<200x128xi32>
        %shift_right_logical3A_2000 = arith.shrui %xor3A_1993, %shift_right_logical3A_1999 : vector<200x128xi32>
        %or3A_2001 = arith.ori %shift_left3A_1997, %shift_right_logical3A_2000 : vector<200x128xi32>
        %xor3A_2002 = arith.xori %add3A_1994, %or3A_2001 : vector<200x128xi32>
        %add3A_2003 = arith.addi %add3A_1994, %xor3A_2002 : vector<200x128xi32>
        %shift_left3A_2004 = arith.constant 16 : i32
        %shift_left3A_2005 = vector.broadcast %shift_left3A_2004 : i32 to vector<200x128xi32>
        %shift_left3A_2006 = arith.shli %xor3A_2002, %shift_left3A_2005 : vector<200x128xi32>
        %shift_right_logical3A_2007 = arith.constant 16 : i32
        %shift_right_logical3A_2008 = vector.broadcast %shift_right_logical3A_2007 : i32 to vector<200x128xi32>
        %shift_right_logical3A_2009 = arith.shrui %xor3A_2002, %shift_right_logical3A_2008 : vector<200x128xi32>
        %or3A_2010 = arith.ori %shift_left3A_2006, %shift_right_logical3A_2009 : vector<200x128xi32>
        %xor3A_2011 = arith.xori %add3A_2003, %or3A_2010 : vector<200x128xi32>
        %add3A_2012 = arith.addi %add3A_2003, %xor3A_2011 : vector<200x128xi32>
        %shift_left3A_2013 = arith.constant 24 : i32
        %shift_left3A_2014 = vector.broadcast %shift_left3A_2013 : i32 to vector<200x128xi32>
        %shift_left3A_2015 = arith.shli %xor3A_2011, %shift_left3A_2014 : vector<200x128xi32>
        %shift_right_logical3A_2016 = arith.constant 8 : i32
        %shift_right_logical3A_2017 = vector.broadcast %shift_right_logical3A_2016 : i32 to vector<200x128xi32>
        %shift_right_logical3A_2018 = arith.shrui %xor3A_2011, %shift_right_logical3A_2017 : vector<200x128xi32>
        %or3A_2019 = arith.ori %shift_left3A_2015, %shift_right_logical3A_2018 : vector<200x128xi32>
        %xor3A_2020 = arith.xori %add3A_2012, %or3A_2019 : vector<200x128xi32>
        %add3A_2021 = arith.addi %add3A_2012, %while3A_1845 : vector<200x128xi32>
        %add3A_2022 = arith.addi %xor3A_2020, %xor3A_1855 : vector<200x128xi32>
        %add3A_2023 = arith.constant 4 : i32
        %add3A_2024 = vector.broadcast %add3A_2023 : i32 to vector<200x128xi32>
        %add3A_2025 = arith.addi %add3A_2022, %add3A_2024 : vector<200x128xi32>
        %add3A_2026 = arith.addi %add3A_2021, %add3A_2025 : vector<200x128xi32>
        %shift_left3A_2027 = arith.constant 13 : i32
        %shift_left3A_2028 = vector.broadcast %shift_left3A_2027 : i32 to vector<200x128xi32>
        %shift_left3A_2029 = arith.shli %add3A_2025, %shift_left3A_2028 : vector<200x128xi32>
        %shift_right_logical3A_2030 = arith.constant 19 : i32
        %shift_right_logical3A_2031 = vector.broadcast %shift_right_logical3A_2030 : i32 to vector<200x128xi32>
        %shift_right_logical3A_2032 = arith.shrui %add3A_2025, %shift_right_logical3A_2031 : vector<200x128xi32>
        %or3A_2033 = arith.ori %shift_left3A_2029, %shift_right_logical3A_2032 : vector<200x128xi32>
        %xor3A_2034 = arith.xori %add3A_2026, %or3A_2033 : vector<200x128xi32>
        %add3A_2035 = arith.addi %add3A_2026, %xor3A_2034 : vector<200x128xi32>
        %shift_left3A_2036 = arith.constant 15 : i32
        %shift_left3A_2037 = vector.broadcast %shift_left3A_2036 : i32 to vector<200x128xi32>
        %shift_left3A_2038 = arith.shli %xor3A_2034, %shift_left3A_2037 : vector<200x128xi32>
        %shift_right_logical3A_2039 = arith.constant 17 : i32
        %shift_right_logical3A_2040 = vector.broadcast %shift_right_logical3A_2039 : i32 to vector<200x128xi32>
        %shift_right_logical3A_2041 = arith.shrui %xor3A_2034, %shift_right_logical3A_2040 : vector<200x128xi32>
        %or3A_2042 = arith.ori %shift_left3A_2038, %shift_right_logical3A_2041 : vector<200x128xi32>
        %xor3A_2043 = arith.xori %add3A_2035, %or3A_2042 : vector<200x128xi32>
        %add3A_2044 = arith.addi %add3A_2035, %xor3A_2043 : vector<200x128xi32>
        %shift_left3A_2045 = arith.constant 26 : i32
        %shift_left3A_2046 = vector.broadcast %shift_left3A_2045 : i32 to vector<200x128xi32>
        %shift_left3A_2047 = arith.shli %xor3A_2043, %shift_left3A_2046 : vector<200x128xi32>
        %shift_right_logical3A_2048 = arith.constant 6 : i32
        %shift_right_logical3A_2049 = vector.broadcast %shift_right_logical3A_2048 : i32 to vector<200x128xi32>
        %shift_right_logical3A_2050 = arith.shrui %xor3A_2043, %shift_right_logical3A_2049 : vector<200x128xi32>
        %or3A_2051 = arith.ori %shift_left3A_2047, %shift_right_logical3A_2050 : vector<200x128xi32>
        %xor3A_2052 = arith.xori %add3A_2044, %or3A_2051 : vector<200x128xi32>
        %add3A_2053 = arith.addi %add3A_2044, %xor3A_2052 : vector<200x128xi32>
        %shift_left3A_2054 = arith.constant 6 : i32
        %shift_left3A_2055 = vector.broadcast %shift_left3A_2054 : i32 to vector<200x128xi32>
        %shift_left3A_2056 = arith.shli %xor3A_2052, %shift_left3A_2055 : vector<200x128xi32>
        %shift_right_logical3A_2057 = arith.constant 26 : i32
        %shift_right_logical3A_2058 = vector.broadcast %shift_right_logical3A_2057 : i32 to vector<200x128xi32>
        %shift_right_logical3A_2059 = arith.shrui %xor3A_2052, %shift_right_logical3A_2058 : vector<200x128xi32>
        %or3A_2060 = arith.ori %shift_left3A_2056, %shift_right_logical3A_2059 : vector<200x128xi32>
        %xor3A_2061 = arith.xori %add3A_2053, %or3A_2060 : vector<200x128xi32>
        %add3A_2062 = arith.addi %add3A_2053, %xor3A_1855 : vector<200x128xi32>
        %add3A_2063 = arith.addi %xor3A_2061, %while3A_1844 : vector<200x128xi32>
        %add3A_2064 = arith.constant 5 : i32
        %add3A_2065 = vector.broadcast %add3A_2064 : i32 to vector<200x128xi32>
        %add3A_2066 = arith.addi %add3A_2063, %add3A_2065 : vector<200x128xi32>
        %xor3A_2067 = arith.xori %while3A_1844, %while3A_1845 : vector<200x128xi32>
        %xor3A_2068 = arith.constant 466688986 : i32
        %xor3A_2069 = vector.broadcast %xor3A_2068 : i32 to vector<200x128xi32>
        %xor3A_2070 = arith.xori %xor3A_2067, %xor3A_2069 : vector<200x128xi32>
        %add3A_2071 = arith.constant 0 : i32
        %add3A_2072 = vector.broadcast %add3A_2071 : i32 to vector<200x128xi32>
        %add3A_2073 = arith.addi %add3A_2072, %while3A_1844 : vector<200x128xi32>
        %add3A_2074 = arith.constant 1 : i32
        %add3A_2075 = vector.broadcast %add3A_2074 : i32 to vector<200x128xi32>
        %add3A_2076 = arith.addi %add3A_2075, %while3A_1845 : vector<200x128xi32>
        %add3A_2077 = arith.addi %add3A_2073, %add3A_2076 : vector<200x128xi32>
        %shift_left3A_2078 = arith.constant 13 : i32
        %shift_left3A_2079 = vector.broadcast %shift_left3A_2078 : i32 to vector<200x128xi32>
        %shift_left3A_2080 = arith.shli %add3A_2076, %shift_left3A_2079 : vector<200x128xi32>
        %shift_right_logical3A_2081 = arith.constant 19 : i32
        %shift_right_logical3A_2082 = vector.broadcast %shift_right_logical3A_2081 : i32 to vector<200x128xi32>
        %shift_right_logical3A_2083 = arith.shrui %add3A_2076, %shift_right_logical3A_2082 : vector<200x128xi32>
        %or3A_2084 = arith.ori %shift_left3A_2080, %shift_right_logical3A_2083 : vector<200x128xi32>
        %xor3A_2085 = arith.xori %add3A_2077, %or3A_2084 : vector<200x128xi32>
        %add3A_2086 = arith.addi %add3A_2077, %xor3A_2085 : vector<200x128xi32>
        %shift_left3A_2087 = arith.constant 15 : i32
        %shift_left3A_2088 = vector.broadcast %shift_left3A_2087 : i32 to vector<200x128xi32>
        %shift_left3A_2089 = arith.shli %xor3A_2085, %shift_left3A_2088 : vector<200x128xi32>
        %shift_right_logical3A_2090 = arith.constant 17 : i32
        %shift_right_logical3A_2091 = vector.broadcast %shift_right_logical3A_2090 : i32 to vector<200x128xi32>
        %shift_right_logical3A_2092 = arith.shrui %xor3A_2085, %shift_right_logical3A_2091 : vector<200x128xi32>
        %or3A_2093 = arith.ori %shift_left3A_2089, %shift_right_logical3A_2092 : vector<200x128xi32>
        %xor3A_2094 = arith.xori %add3A_2086, %or3A_2093 : vector<200x128xi32>
        %add3A_2095 = arith.addi %add3A_2086, %xor3A_2094 : vector<200x128xi32>
        %shift_left3A_2096 = arith.constant 26 : i32
        %shift_left3A_2097 = vector.broadcast %shift_left3A_2096 : i32 to vector<200x128xi32>
        %shift_left3A_2098 = arith.shli %xor3A_2094, %shift_left3A_2097 : vector<200x128xi32>
        %shift_right_logical3A_2099 = arith.constant 6 : i32
        %shift_right_logical3A_2100 = vector.broadcast %shift_right_logical3A_2099 : i32 to vector<200x128xi32>
        %shift_right_logical3A_2101 = arith.shrui %xor3A_2094, %shift_right_logical3A_2100 : vector<200x128xi32>
        %or3A_2102 = arith.ori %shift_left3A_2098, %shift_right_logical3A_2101 : vector<200x128xi32>
        %xor3A_2103 = arith.xori %add3A_2095, %or3A_2102 : vector<200x128xi32>
        %add3A_2104 = arith.addi %add3A_2095, %xor3A_2103 : vector<200x128xi32>
        %shift_left3A_2105 = arith.constant 6 : i32
        %shift_left3A_2106 = vector.broadcast %shift_left3A_2105 : i32 to vector<200x128xi32>
        %shift_left3A_2107 = arith.shli %xor3A_2103, %shift_left3A_2106 : vector<200x128xi32>
        %shift_right_logical3A_2108 = arith.constant 26 : i32
        %shift_right_logical3A_2109 = vector.broadcast %shift_right_logical3A_2108 : i32 to vector<200x128xi32>
        %shift_right_logical3A_2110 = arith.shrui %xor3A_2103, %shift_right_logical3A_2109 : vector<200x128xi32>
        %or3A_2111 = arith.ori %shift_left3A_2107, %shift_right_logical3A_2110 : vector<200x128xi32>
        %xor3A_2112 = arith.xori %add3A_2104, %or3A_2111 : vector<200x128xi32>
        %add3A_2113 = arith.addi %add3A_2104, %while3A_1845 : vector<200x128xi32>
        %add3A_2114 = arith.addi %xor3A_2112, %xor3A_2070 : vector<200x128xi32>
        %add3A_2115 = arith.constant 1 : i32
        %add3A_2116 = vector.broadcast %add3A_2115 : i32 to vector<200x128xi32>
        %add3A_2117 = arith.addi %add3A_2114, %add3A_2116 : vector<200x128xi32>
        %add3A_2118 = arith.addi %add3A_2113, %add3A_2117 : vector<200x128xi32>
        %shift_left3A_2119 = arith.constant 17 : i32
        %shift_left3A_2120 = vector.broadcast %shift_left3A_2119 : i32 to vector<200x128xi32>
        %shift_left3A_2121 = arith.shli %add3A_2117, %shift_left3A_2120 : vector<200x128xi32>
        %shift_right_logical3A_2122 = arith.constant 15 : i32
        %shift_right_logical3A_2123 = vector.broadcast %shift_right_logical3A_2122 : i32 to vector<200x128xi32>
        %shift_right_logical3A_2124 = arith.shrui %add3A_2117, %shift_right_logical3A_2123 : vector<200x128xi32>
        %or3A_2125 = arith.ori %shift_left3A_2121, %shift_right_logical3A_2124 : vector<200x128xi32>
        %xor3A_2126 = arith.xori %add3A_2118, %or3A_2125 : vector<200x128xi32>
        %add3A_2127 = arith.addi %add3A_2118, %xor3A_2126 : vector<200x128xi32>
        %shift_left3A_2128 = arith.constant 29 : i32
        %shift_left3A_2129 = vector.broadcast %shift_left3A_2128 : i32 to vector<200x128xi32>
        %shift_left3A_2130 = arith.shli %xor3A_2126, %shift_left3A_2129 : vector<200x128xi32>
        %shift_right_logical3A_2131 = arith.constant 3 : i32
        %shift_right_logical3A_2132 = vector.broadcast %shift_right_logical3A_2131 : i32 to vector<200x128xi32>
        %shift_right_logical3A_2133 = arith.shrui %xor3A_2126, %shift_right_logical3A_2132 : vector<200x128xi32>
        %or3A_2134 = arith.ori %shift_left3A_2130, %shift_right_logical3A_2133 : vector<200x128xi32>
        %xor3A_2135 = arith.xori %add3A_2127, %or3A_2134 : vector<200x128xi32>
        %add3A_2136 = arith.addi %add3A_2127, %xor3A_2135 : vector<200x128xi32>
        %shift_left3A_2137 = arith.constant 16 : i32
        %shift_left3A_2138 = vector.broadcast %shift_left3A_2137 : i32 to vector<200x128xi32>
        %shift_left3A_2139 = arith.shli %xor3A_2135, %shift_left3A_2138 : vector<200x128xi32>
        %shift_right_logical3A_2140 = arith.constant 16 : i32
        %shift_right_logical3A_2141 = vector.broadcast %shift_right_logical3A_2140 : i32 to vector<200x128xi32>
        %shift_right_logical3A_2142 = arith.shrui %xor3A_2135, %shift_right_logical3A_2141 : vector<200x128xi32>
        %or3A_2143 = arith.ori %shift_left3A_2139, %shift_right_logical3A_2142 : vector<200x128xi32>
        %xor3A_2144 = arith.xori %add3A_2136, %or3A_2143 : vector<200x128xi32>
        %add3A_2145 = arith.addi %add3A_2136, %xor3A_2144 : vector<200x128xi32>
        %shift_left3A_2146 = arith.constant 24 : i32
        %shift_left3A_2147 = vector.broadcast %shift_left3A_2146 : i32 to vector<200x128xi32>
        %shift_left3A_2148 = arith.shli %xor3A_2144, %shift_left3A_2147 : vector<200x128xi32>
        %shift_right_logical3A_2149 = arith.constant 8 : i32
        %shift_right_logical3A_2150 = vector.broadcast %shift_right_logical3A_2149 : i32 to vector<200x128xi32>
        %shift_right_logical3A_2151 = arith.shrui %xor3A_2144, %shift_right_logical3A_2150 : vector<200x128xi32>
        %or3A_2152 = arith.ori %shift_left3A_2148, %shift_right_logical3A_2151 : vector<200x128xi32>
        %xor3A_2153 = arith.xori %add3A_2145, %or3A_2152 : vector<200x128xi32>
        %add3A_2154 = arith.addi %add3A_2145, %xor3A_2070 : vector<200x128xi32>
        %add3A_2155 = arith.addi %xor3A_2153, %while3A_1844 : vector<200x128xi32>
        %add3A_2156 = arith.constant 2 : i32
        %add3A_2157 = vector.broadcast %add3A_2156 : i32 to vector<200x128xi32>
        %add3A_2158 = arith.addi %add3A_2155, %add3A_2157 : vector<200x128xi32>
        %add3A_2159 = arith.addi %add3A_2154, %add3A_2158 : vector<200x128xi32>
        %shift_left3A_2160 = arith.constant 13 : i32
        %shift_left3A_2161 = vector.broadcast %shift_left3A_2160 : i32 to vector<200x128xi32>
        %shift_left3A_2162 = arith.shli %add3A_2158, %shift_left3A_2161 : vector<200x128xi32>
        %shift_right_logical3A_2163 = arith.constant 19 : i32
        %shift_right_logical3A_2164 = vector.broadcast %shift_right_logical3A_2163 : i32 to vector<200x128xi32>
        %shift_right_logical3A_2165 = arith.shrui %add3A_2158, %shift_right_logical3A_2164 : vector<200x128xi32>
        %or3A_2166 = arith.ori %shift_left3A_2162, %shift_right_logical3A_2165 : vector<200x128xi32>
        %xor3A_2167 = arith.xori %add3A_2159, %or3A_2166 : vector<200x128xi32>
        %add3A_2168 = arith.addi %add3A_2159, %xor3A_2167 : vector<200x128xi32>
        %shift_left3A_2169 = arith.constant 15 : i32
        %shift_left3A_2170 = vector.broadcast %shift_left3A_2169 : i32 to vector<200x128xi32>
        %shift_left3A_2171 = arith.shli %xor3A_2167, %shift_left3A_2170 : vector<200x128xi32>
        %shift_right_logical3A_2172 = arith.constant 17 : i32
        %shift_right_logical3A_2173 = vector.broadcast %shift_right_logical3A_2172 : i32 to vector<200x128xi32>
        %shift_right_logical3A_2174 = arith.shrui %xor3A_2167, %shift_right_logical3A_2173 : vector<200x128xi32>
        %or3A_2175 = arith.ori %shift_left3A_2171, %shift_right_logical3A_2174 : vector<200x128xi32>
        %xor3A_2176 = arith.xori %add3A_2168, %or3A_2175 : vector<200x128xi32>
        %add3A_2177 = arith.addi %add3A_2168, %xor3A_2176 : vector<200x128xi32>
        %shift_left3A_2178 = arith.constant 26 : i32
        %shift_left3A_2179 = vector.broadcast %shift_left3A_2178 : i32 to vector<200x128xi32>
        %shift_left3A_2180 = arith.shli %xor3A_2176, %shift_left3A_2179 : vector<200x128xi32>
        %shift_right_logical3A_2181 = arith.constant 6 : i32
        %shift_right_logical3A_2182 = vector.broadcast %shift_right_logical3A_2181 : i32 to vector<200x128xi32>
        %shift_right_logical3A_2183 = arith.shrui %xor3A_2176, %shift_right_logical3A_2182 : vector<200x128xi32>
        %or3A_2184 = arith.ori %shift_left3A_2180, %shift_right_logical3A_2183 : vector<200x128xi32>
        %xor3A_2185 = arith.xori %add3A_2177, %or3A_2184 : vector<200x128xi32>
        %add3A_2186 = arith.addi %add3A_2177, %xor3A_2185 : vector<200x128xi32>
        %shift_left3A_2187 = arith.constant 6 : i32
        %shift_left3A_2188 = vector.broadcast %shift_left3A_2187 : i32 to vector<200x128xi32>
        %shift_left3A_2189 = arith.shli %xor3A_2185, %shift_left3A_2188 : vector<200x128xi32>
        %shift_right_logical3A_2190 = arith.constant 26 : i32
        %shift_right_logical3A_2191 = vector.broadcast %shift_right_logical3A_2190 : i32 to vector<200x128xi32>
        %shift_right_logical3A_2192 = arith.shrui %xor3A_2185, %shift_right_logical3A_2191 : vector<200x128xi32>
        %or3A_2193 = arith.ori %shift_left3A_2189, %shift_right_logical3A_2192 : vector<200x128xi32>
        %xor3A_2194 = arith.xori %add3A_2186, %or3A_2193 : vector<200x128xi32>
        %add3A_2195 = arith.addi %add3A_2186, %while3A_1844 : vector<200x128xi32>
        %add3A_2196 = arith.addi %xor3A_2194, %while3A_1845 : vector<200x128xi32>
        %add3A_2197 = arith.constant 3 : i32
        %add3A_2198 = vector.broadcast %add3A_2197 : i32 to vector<200x128xi32>
        %add3A_2199 = arith.addi %add3A_2196, %add3A_2198 : vector<200x128xi32>
        %add3A_2200 = arith.addi %add3A_2195, %add3A_2199 : vector<200x128xi32>
        %shift_left3A_2201 = arith.constant 17 : i32
        %shift_left3A_2202 = vector.broadcast %shift_left3A_2201 : i32 to vector<200x128xi32>
        %shift_left3A_2203 = arith.shli %add3A_2199, %shift_left3A_2202 : vector<200x128xi32>
        %shift_right_logical3A_2204 = arith.constant 15 : i32
        %shift_right_logical3A_2205 = vector.broadcast %shift_right_logical3A_2204 : i32 to vector<200x128xi32>
        %shift_right_logical3A_2206 = arith.shrui %add3A_2199, %shift_right_logical3A_2205 : vector<200x128xi32>
        %or3A_2207 = arith.ori %shift_left3A_2203, %shift_right_logical3A_2206 : vector<200x128xi32>
        %xor3A_2208 = arith.xori %add3A_2200, %or3A_2207 : vector<200x128xi32>
        %add3A_2209 = arith.addi %add3A_2200, %xor3A_2208 : vector<200x128xi32>
        %shift_left3A_2210 = arith.constant 29 : i32
        %shift_left3A_2211 = vector.broadcast %shift_left3A_2210 : i32 to vector<200x128xi32>
        %shift_left3A_2212 = arith.shli %xor3A_2208, %shift_left3A_2211 : vector<200x128xi32>
        %shift_right_logical3A_2213 = arith.constant 3 : i32
        %shift_right_logical3A_2214 = vector.broadcast %shift_right_logical3A_2213 : i32 to vector<200x128xi32>
        %shift_right_logical3A_2215 = arith.shrui %xor3A_2208, %shift_right_logical3A_2214 : vector<200x128xi32>
        %or3A_2216 = arith.ori %shift_left3A_2212, %shift_right_logical3A_2215 : vector<200x128xi32>
        %xor3A_2217 = arith.xori %add3A_2209, %or3A_2216 : vector<200x128xi32>
        %add3A_2218 = arith.addi %add3A_2209, %xor3A_2217 : vector<200x128xi32>
        %shift_left3A_2219 = arith.constant 16 : i32
        %shift_left3A_2220 = vector.broadcast %shift_left3A_2219 : i32 to vector<200x128xi32>
        %shift_left3A_2221 = arith.shli %xor3A_2217, %shift_left3A_2220 : vector<200x128xi32>
        %shift_right_logical3A_2222 = arith.constant 16 : i32
        %shift_right_logical3A_2223 = vector.broadcast %shift_right_logical3A_2222 : i32 to vector<200x128xi32>
        %shift_right_logical3A_2224 = arith.shrui %xor3A_2217, %shift_right_logical3A_2223 : vector<200x128xi32>
        %or3A_2225 = arith.ori %shift_left3A_2221, %shift_right_logical3A_2224 : vector<200x128xi32>
        %xor3A_2226 = arith.xori %add3A_2218, %or3A_2225 : vector<200x128xi32>
        %add3A_2227 = arith.addi %add3A_2218, %xor3A_2226 : vector<200x128xi32>
        %shift_left3A_2228 = arith.constant 24 : i32
        %shift_left3A_2229 = vector.broadcast %shift_left3A_2228 : i32 to vector<200x128xi32>
        %shift_left3A_2230 = arith.shli %xor3A_2226, %shift_left3A_2229 : vector<200x128xi32>
        %shift_right_logical3A_2231 = arith.constant 8 : i32
        %shift_right_logical3A_2232 = vector.broadcast %shift_right_logical3A_2231 : i32 to vector<200x128xi32>
        %shift_right_logical3A_2233 = arith.shrui %xor3A_2226, %shift_right_logical3A_2232 : vector<200x128xi32>
        %or3A_2234 = arith.ori %shift_left3A_2230, %shift_right_logical3A_2233 : vector<200x128xi32>
        %xor3A_2235 = arith.xori %add3A_2227, %or3A_2234 : vector<200x128xi32>
        %add3A_2236 = arith.addi %add3A_2227, %while3A_1845 : vector<200x128xi32>
        %add3A_2237 = arith.addi %xor3A_2235, %xor3A_2070 : vector<200x128xi32>
        %add3A_2238 = arith.constant 4 : i32
        %add3A_2239 = vector.broadcast %add3A_2238 : i32 to vector<200x128xi32>
        %add3A_2240 = arith.addi %add3A_2237, %add3A_2239 : vector<200x128xi32>
        %add3A_2241 = arith.addi %add3A_2236, %add3A_2240 : vector<200x128xi32>
        %shift_left3A_2242 = arith.constant 13 : i32
        %shift_left3A_2243 = vector.broadcast %shift_left3A_2242 : i32 to vector<200x128xi32>
        %shift_left3A_2244 = arith.shli %add3A_2240, %shift_left3A_2243 : vector<200x128xi32>
        %shift_right_logical3A_2245 = arith.constant 19 : i32
        %shift_right_logical3A_2246 = vector.broadcast %shift_right_logical3A_2245 : i32 to vector<200x128xi32>
        %shift_right_logical3A_2247 = arith.shrui %add3A_2240, %shift_right_logical3A_2246 : vector<200x128xi32>
        %or3A_2248 = arith.ori %shift_left3A_2244, %shift_right_logical3A_2247 : vector<200x128xi32>
        %xor3A_2249 = arith.xori %add3A_2241, %or3A_2248 : vector<200x128xi32>
        %add3A_2250 = arith.addi %add3A_2241, %xor3A_2249 : vector<200x128xi32>
        %shift_left3A_2251 = arith.constant 15 : i32
        %shift_left3A_2252 = vector.broadcast %shift_left3A_2251 : i32 to vector<200x128xi32>
        %shift_left3A_2253 = arith.shli %xor3A_2249, %shift_left3A_2252 : vector<200x128xi32>
        %shift_right_logical3A_2254 = arith.constant 17 : i32
        %shift_right_logical3A_2255 = vector.broadcast %shift_right_logical3A_2254 : i32 to vector<200x128xi32>
        %shift_right_logical3A_2256 = arith.shrui %xor3A_2249, %shift_right_logical3A_2255 : vector<200x128xi32>
        %or3A_2257 = arith.ori %shift_left3A_2253, %shift_right_logical3A_2256 : vector<200x128xi32>
        %xor3A_2258 = arith.xori %add3A_2250, %or3A_2257 : vector<200x128xi32>
        %add3A_2259 = arith.addi %add3A_2250, %xor3A_2258 : vector<200x128xi32>
        %shift_left3A_2260 = arith.constant 26 : i32
        %shift_left3A_2261 = vector.broadcast %shift_left3A_2260 : i32 to vector<200x128xi32>
        %shift_left3A_2262 = arith.shli %xor3A_2258, %shift_left3A_2261 : vector<200x128xi32>
        %shift_right_logical3A_2263 = arith.constant 6 : i32
        %shift_right_logical3A_2264 = vector.broadcast %shift_right_logical3A_2263 : i32 to vector<200x128xi32>
        %shift_right_logical3A_2265 = arith.shrui %xor3A_2258, %shift_right_logical3A_2264 : vector<200x128xi32>
        %or3A_2266 = arith.ori %shift_left3A_2262, %shift_right_logical3A_2265 : vector<200x128xi32>
        %xor3A_2267 = arith.xori %add3A_2259, %or3A_2266 : vector<200x128xi32>
        %add3A_2268 = arith.addi %add3A_2259, %xor3A_2267 : vector<200x128xi32>
        %shift_left3A_2269 = arith.constant 6 : i32
        %shift_left3A_2270 = vector.broadcast %shift_left3A_2269 : i32 to vector<200x128xi32>
        %shift_left3A_2271 = arith.shli %xor3A_2267, %shift_left3A_2270 : vector<200x128xi32>
        %shift_right_logical3A_2272 = arith.constant 26 : i32
        %shift_right_logical3A_2273 = vector.broadcast %shift_right_logical3A_2272 : i32 to vector<200x128xi32>
        %shift_right_logical3A_2274 = arith.shrui %xor3A_2267, %shift_right_logical3A_2273 : vector<200x128xi32>
        %or3A_2275 = arith.ori %shift_left3A_2271, %shift_right_logical3A_2274 : vector<200x128xi32>
        %xor3A_2276 = arith.xori %add3A_2268, %or3A_2275 : vector<200x128xi32>
        %add3A_2277 = arith.addi %add3A_2268, %xor3A_2070 : vector<200x128xi32>
        %add3A_2278 = arith.addi %xor3A_2276, %while3A_1844 : vector<200x128xi32>
        %add3A_2279 = arith.constant 5 : i32
        %add3A_2280 = vector.broadcast %add3A_2279 : i32 to vector<200x128xi32>
        %add3A_2281 = arith.addi %add3A_2278, %add3A_2280 : vector<200x128xi32>
        %xor3A_2282 = arith.xori %add3A_2277, %add3A_2281 : vector<200x128xi32>
        %xor3A_2283 = arith.constant 466688986 : i32
        %xor3A_2284 = vector.broadcast %xor3A_2283 : i32 to vector<200x128xi32>
        %xor3A_2285 = arith.xori %xor3A_2282, %xor3A_2284 : vector<200x128xi32>
        %add3A_2286 = arith.constant 0 : i32
        %add3A_2287 = vector.broadcast %add3A_2286 : i32 to vector<200x128xi32>
        %add3A_2288 = arith.addi %add3A_2287, %add3A_2277 : vector<200x128xi32>
        %add3A_2289 = arith.constant 0 : i32
        %add3A_2290 = vector.broadcast %add3A_2289 : i32 to vector<200x128xi32>
        %add3A_2291 = arith.addi %add3A_2290, %add3A_2281 : vector<200x128xi32>
        %add3A_2292 = arith.addi %add3A_2288, %add3A_2291 : vector<200x128xi32>
        %shift_left3A_2293 = arith.constant 13 : i32
        %shift_left3A_2294 = vector.broadcast %shift_left3A_2293 : i32 to vector<200x128xi32>
        %shift_left3A_2295 = arith.shli %add3A_2291, %shift_left3A_2294 : vector<200x128xi32>
        %shift_right_logical3A_2296 = arith.constant 19 : i32
        %shift_right_logical3A_2297 = vector.broadcast %shift_right_logical3A_2296 : i32 to vector<200x128xi32>
        %shift_right_logical3A_2298 = arith.shrui %add3A_2291, %shift_right_logical3A_2297 : vector<200x128xi32>
        %or3A_2299 = arith.ori %shift_left3A_2295, %shift_right_logical3A_2298 : vector<200x128xi32>
        %xor3A_2300 = arith.xori %add3A_2292, %or3A_2299 : vector<200x128xi32>
        %add3A_2301 = arith.addi %add3A_2292, %xor3A_2300 : vector<200x128xi32>
        %shift_left3A_2302 = arith.constant 15 : i32
        %shift_left3A_2303 = vector.broadcast %shift_left3A_2302 : i32 to vector<200x128xi32>
        %shift_left3A_2304 = arith.shli %xor3A_2300, %shift_left3A_2303 : vector<200x128xi32>
        %shift_right_logical3A_2305 = arith.constant 17 : i32
        %shift_right_logical3A_2306 = vector.broadcast %shift_right_logical3A_2305 : i32 to vector<200x128xi32>
        %shift_right_logical3A_2307 = arith.shrui %xor3A_2300, %shift_right_logical3A_2306 : vector<200x128xi32>
        %or3A_2308 = arith.ori %shift_left3A_2304, %shift_right_logical3A_2307 : vector<200x128xi32>
        %xor3A_2309 = arith.xori %add3A_2301, %or3A_2308 : vector<200x128xi32>
        %add3A_2310 = arith.addi %add3A_2301, %xor3A_2309 : vector<200x128xi32>
        %shift_left3A_2311 = arith.constant 26 : i32
        %shift_left3A_2312 = vector.broadcast %shift_left3A_2311 : i32 to vector<200x128xi32>
        %shift_left3A_2313 = arith.shli %xor3A_2309, %shift_left3A_2312 : vector<200x128xi32>
        %shift_right_logical3A_2314 = arith.constant 6 : i32
        %shift_right_logical3A_2315 = vector.broadcast %shift_right_logical3A_2314 : i32 to vector<200x128xi32>
        %shift_right_logical3A_2316 = arith.shrui %xor3A_2309, %shift_right_logical3A_2315 : vector<200x128xi32>
        %or3A_2317 = arith.ori %shift_left3A_2313, %shift_right_logical3A_2316 : vector<200x128xi32>
        %xor3A_2318 = arith.xori %add3A_2310, %or3A_2317 : vector<200x128xi32>
        %add3A_2319 = arith.addi %add3A_2310, %xor3A_2318 : vector<200x128xi32>
        %shift_left3A_2320 = arith.constant 6 : i32
        %shift_left3A_2321 = vector.broadcast %shift_left3A_2320 : i32 to vector<200x128xi32>
        %shift_left3A_2322 = arith.shli %xor3A_2318, %shift_left3A_2321 : vector<200x128xi32>
        %shift_right_logical3A_2323 = arith.constant 26 : i32
        %shift_right_logical3A_2324 = vector.broadcast %shift_right_logical3A_2323 : i32 to vector<200x128xi32>
        %shift_right_logical3A_2325 = arith.shrui %xor3A_2318, %shift_right_logical3A_2324 : vector<200x128xi32>
        %or3A_2326 = arith.ori %shift_left3A_2322, %shift_right_logical3A_2325 : vector<200x128xi32>
        %xor3A_2327 = arith.xori %add3A_2319, %or3A_2326 : vector<200x128xi32>
        %add3A_2328 = arith.addi %add3A_2319, %add3A_2281 : vector<200x128xi32>
        %add3A_2329 = arith.addi %xor3A_2327, %xor3A_2285 : vector<200x128xi32>
        %add3A_2330 = arith.constant 1 : i32
        %add3A_2331 = vector.broadcast %add3A_2330 : i32 to vector<200x128xi32>
        %add3A_2332 = arith.addi %add3A_2329, %add3A_2331 : vector<200x128xi32>
        %add3A_2333 = arith.addi %add3A_2328, %add3A_2332 : vector<200x128xi32>
        %shift_left3A_2334 = arith.constant 17 : i32
        %shift_left3A_2335 = vector.broadcast %shift_left3A_2334 : i32 to vector<200x128xi32>
        %shift_left3A_2336 = arith.shli %add3A_2332, %shift_left3A_2335 : vector<200x128xi32>
        %shift_right_logical3A_2337 = arith.constant 15 : i32
        %shift_right_logical3A_2338 = vector.broadcast %shift_right_logical3A_2337 : i32 to vector<200x128xi32>
        %shift_right_logical3A_2339 = arith.shrui %add3A_2332, %shift_right_logical3A_2338 : vector<200x128xi32>
        %or3A_2340 = arith.ori %shift_left3A_2336, %shift_right_logical3A_2339 : vector<200x128xi32>
        %xor3A_2341 = arith.xori %add3A_2333, %or3A_2340 : vector<200x128xi32>
        %add3A_2342 = arith.addi %add3A_2333, %xor3A_2341 : vector<200x128xi32>
        %shift_left3A_2343 = arith.constant 29 : i32
        %shift_left3A_2344 = vector.broadcast %shift_left3A_2343 : i32 to vector<200x128xi32>
        %shift_left3A_2345 = arith.shli %xor3A_2341, %shift_left3A_2344 : vector<200x128xi32>
        %shift_right_logical3A_2346 = arith.constant 3 : i32
        %shift_right_logical3A_2347 = vector.broadcast %shift_right_logical3A_2346 : i32 to vector<200x128xi32>
        %shift_right_logical3A_2348 = arith.shrui %xor3A_2341, %shift_right_logical3A_2347 : vector<200x128xi32>
        %or3A_2349 = arith.ori %shift_left3A_2345, %shift_right_logical3A_2348 : vector<200x128xi32>
        %xor3A_2350 = arith.xori %add3A_2342, %or3A_2349 : vector<200x128xi32>
        %add3A_2351 = arith.addi %add3A_2342, %xor3A_2350 : vector<200x128xi32>
        %shift_left3A_2352 = arith.constant 16 : i32
        %shift_left3A_2353 = vector.broadcast %shift_left3A_2352 : i32 to vector<200x128xi32>
        %shift_left3A_2354 = arith.shli %xor3A_2350, %shift_left3A_2353 : vector<200x128xi32>
        %shift_right_logical3A_2355 = arith.constant 16 : i32
        %shift_right_logical3A_2356 = vector.broadcast %shift_right_logical3A_2355 : i32 to vector<200x128xi32>
        %shift_right_logical3A_2357 = arith.shrui %xor3A_2350, %shift_right_logical3A_2356 : vector<200x128xi32>
        %or3A_2358 = arith.ori %shift_left3A_2354, %shift_right_logical3A_2357 : vector<200x128xi32>
        %xor3A_2359 = arith.xori %add3A_2351, %or3A_2358 : vector<200x128xi32>
        %add3A_2360 = arith.addi %add3A_2351, %xor3A_2359 : vector<200x128xi32>
        %shift_left3A_2361 = arith.constant 24 : i32
        %shift_left3A_2362 = vector.broadcast %shift_left3A_2361 : i32 to vector<200x128xi32>
        %shift_left3A_2363 = arith.shli %xor3A_2359, %shift_left3A_2362 : vector<200x128xi32>
        %shift_right_logical3A_2364 = arith.constant 8 : i32
        %shift_right_logical3A_2365 = vector.broadcast %shift_right_logical3A_2364 : i32 to vector<200x128xi32>
        %shift_right_logical3A_2366 = arith.shrui %xor3A_2359, %shift_right_logical3A_2365 : vector<200x128xi32>
        %or3A_2367 = arith.ori %shift_left3A_2363, %shift_right_logical3A_2366 : vector<200x128xi32>
        %xor3A_2368 = arith.xori %add3A_2360, %or3A_2367 : vector<200x128xi32>
        %add3A_2369 = arith.addi %add3A_2360, %xor3A_2285 : vector<200x128xi32>
        %add3A_2370 = arith.addi %xor3A_2368, %add3A_2277 : vector<200x128xi32>
        %add3A_2371 = arith.constant 2 : i32
        %add3A_2372 = vector.broadcast %add3A_2371 : i32 to vector<200x128xi32>
        %add3A_2373 = arith.addi %add3A_2370, %add3A_2372 : vector<200x128xi32>
        %add3A_2374 = arith.addi %add3A_2369, %add3A_2373 : vector<200x128xi32>
        %shift_left3A_2375 = arith.constant 13 : i32
        %shift_left3A_2376 = vector.broadcast %shift_left3A_2375 : i32 to vector<200x128xi32>
        %shift_left3A_2377 = arith.shli %add3A_2373, %shift_left3A_2376 : vector<200x128xi32>
        %shift_right_logical3A_2378 = arith.constant 19 : i32
        %shift_right_logical3A_2379 = vector.broadcast %shift_right_logical3A_2378 : i32 to vector<200x128xi32>
        %shift_right_logical3A_2380 = arith.shrui %add3A_2373, %shift_right_logical3A_2379 : vector<200x128xi32>
        %or3A_2381 = arith.ori %shift_left3A_2377, %shift_right_logical3A_2380 : vector<200x128xi32>
        %xor3A_2382 = arith.xori %add3A_2374, %or3A_2381 : vector<200x128xi32>
        %add3A_2383 = arith.addi %add3A_2374, %xor3A_2382 : vector<200x128xi32>
        %shift_left3A_2384 = arith.constant 15 : i32
        %shift_left3A_2385 = vector.broadcast %shift_left3A_2384 : i32 to vector<200x128xi32>
        %shift_left3A_2386 = arith.shli %xor3A_2382, %shift_left3A_2385 : vector<200x128xi32>
        %shift_right_logical3A_2387 = arith.constant 17 : i32
        %shift_right_logical3A_2388 = vector.broadcast %shift_right_logical3A_2387 : i32 to vector<200x128xi32>
        %shift_right_logical3A_2389 = arith.shrui %xor3A_2382, %shift_right_logical3A_2388 : vector<200x128xi32>
        %or3A_2390 = arith.ori %shift_left3A_2386, %shift_right_logical3A_2389 : vector<200x128xi32>
        %xor3A_2391 = arith.xori %add3A_2383, %or3A_2390 : vector<200x128xi32>
        %add3A_2392 = arith.addi %add3A_2383, %xor3A_2391 : vector<200x128xi32>
        %shift_left3A_2393 = arith.constant 26 : i32
        %shift_left3A_2394 = vector.broadcast %shift_left3A_2393 : i32 to vector<200x128xi32>
        %shift_left3A_2395 = arith.shli %xor3A_2391, %shift_left3A_2394 : vector<200x128xi32>
        %shift_right_logical3A_2396 = arith.constant 6 : i32
        %shift_right_logical3A_2397 = vector.broadcast %shift_right_logical3A_2396 : i32 to vector<200x128xi32>
        %shift_right_logical3A_2398 = arith.shrui %xor3A_2391, %shift_right_logical3A_2397 : vector<200x128xi32>
        %or3A_2399 = arith.ori %shift_left3A_2395, %shift_right_logical3A_2398 : vector<200x128xi32>
        %xor3A_2400 = arith.xori %add3A_2392, %or3A_2399 : vector<200x128xi32>
        %add3A_2401 = arith.addi %add3A_2392, %xor3A_2400 : vector<200x128xi32>
        %shift_left3A_2402 = arith.constant 6 : i32
        %shift_left3A_2403 = vector.broadcast %shift_left3A_2402 : i32 to vector<200x128xi32>
        %shift_left3A_2404 = arith.shli %xor3A_2400, %shift_left3A_2403 : vector<200x128xi32>
        %shift_right_logical3A_2405 = arith.constant 26 : i32
        %shift_right_logical3A_2406 = vector.broadcast %shift_right_logical3A_2405 : i32 to vector<200x128xi32>
        %shift_right_logical3A_2407 = arith.shrui %xor3A_2400, %shift_right_logical3A_2406 : vector<200x128xi32>
        %or3A_2408 = arith.ori %shift_left3A_2404, %shift_right_logical3A_2407 : vector<200x128xi32>
        %xor3A_2409 = arith.xori %add3A_2401, %or3A_2408 : vector<200x128xi32>
        %add3A_2410 = arith.addi %add3A_2401, %add3A_2277 : vector<200x128xi32>
        %add3A_2411 = arith.addi %xor3A_2409, %add3A_2281 : vector<200x128xi32>
        %add3A_2412 = arith.constant 3 : i32
        %add3A_2413 = vector.broadcast %add3A_2412 : i32 to vector<200x128xi32>
        %add3A_2414 = arith.addi %add3A_2411, %add3A_2413 : vector<200x128xi32>
        %add3A_2415 = arith.addi %add3A_2410, %add3A_2414 : vector<200x128xi32>
        %shift_left3A_2416 = arith.constant 17 : i32
        %shift_left3A_2417 = vector.broadcast %shift_left3A_2416 : i32 to vector<200x128xi32>
        %shift_left3A_2418 = arith.shli %add3A_2414, %shift_left3A_2417 : vector<200x128xi32>
        %shift_right_logical3A_2419 = arith.constant 15 : i32
        %shift_right_logical3A_2420 = vector.broadcast %shift_right_logical3A_2419 : i32 to vector<200x128xi32>
        %shift_right_logical3A_2421 = arith.shrui %add3A_2414, %shift_right_logical3A_2420 : vector<200x128xi32>
        %or3A_2422 = arith.ori %shift_left3A_2418, %shift_right_logical3A_2421 : vector<200x128xi32>
        %xor3A_2423 = arith.xori %add3A_2415, %or3A_2422 : vector<200x128xi32>
        %add3A_2424 = arith.addi %add3A_2415, %xor3A_2423 : vector<200x128xi32>
        %shift_left3A_2425 = arith.constant 29 : i32
        %shift_left3A_2426 = vector.broadcast %shift_left3A_2425 : i32 to vector<200x128xi32>
        %shift_left3A_2427 = arith.shli %xor3A_2423, %shift_left3A_2426 : vector<200x128xi32>
        %shift_right_logical3A_2428 = arith.constant 3 : i32
        %shift_right_logical3A_2429 = vector.broadcast %shift_right_logical3A_2428 : i32 to vector<200x128xi32>
        %shift_right_logical3A_2430 = arith.shrui %xor3A_2423, %shift_right_logical3A_2429 : vector<200x128xi32>
        %or3A_2431 = arith.ori %shift_left3A_2427, %shift_right_logical3A_2430 : vector<200x128xi32>
        %xor3A_2432 = arith.xori %add3A_2424, %or3A_2431 : vector<200x128xi32>
        %add3A_2433 = arith.addi %add3A_2424, %xor3A_2432 : vector<200x128xi32>
        %shift_left3A_2434 = arith.constant 16 : i32
        %shift_left3A_2435 = vector.broadcast %shift_left3A_2434 : i32 to vector<200x128xi32>
        %shift_left3A_2436 = arith.shli %xor3A_2432, %shift_left3A_2435 : vector<200x128xi32>
        %shift_right_logical3A_2437 = arith.constant 16 : i32
        %shift_right_logical3A_2438 = vector.broadcast %shift_right_logical3A_2437 : i32 to vector<200x128xi32>
        %shift_right_logical3A_2439 = arith.shrui %xor3A_2432, %shift_right_logical3A_2438 : vector<200x128xi32>
        %or3A_2440 = arith.ori %shift_left3A_2436, %shift_right_logical3A_2439 : vector<200x128xi32>
        %xor3A_2441 = arith.xori %add3A_2433, %or3A_2440 : vector<200x128xi32>
        %add3A_2442 = arith.addi %add3A_2433, %xor3A_2441 : vector<200x128xi32>
        %shift_left3A_2443 = arith.constant 24 : i32
        %shift_left3A_2444 = vector.broadcast %shift_left3A_2443 : i32 to vector<200x128xi32>
        %shift_left3A_2445 = arith.shli %xor3A_2441, %shift_left3A_2444 : vector<200x128xi32>
        %shift_right_logical3A_2446 = arith.constant 8 : i32
        %shift_right_logical3A_2447 = vector.broadcast %shift_right_logical3A_2446 : i32 to vector<200x128xi32>
        %shift_right_logical3A_2448 = arith.shrui %xor3A_2441, %shift_right_logical3A_2447 : vector<200x128xi32>
        %or3A_2449 = arith.ori %shift_left3A_2445, %shift_right_logical3A_2448 : vector<200x128xi32>
        %xor3A_2450 = arith.xori %add3A_2442, %or3A_2449 : vector<200x128xi32>
        %add3A_2451 = arith.addi %add3A_2442, %add3A_2281 : vector<200x128xi32>
        %add3A_2452 = arith.addi %xor3A_2450, %xor3A_2285 : vector<200x128xi32>
        %add3A_2453 = arith.constant 4 : i32
        %add3A_2454 = vector.broadcast %add3A_2453 : i32 to vector<200x128xi32>
        %add3A_2455 = arith.addi %add3A_2452, %add3A_2454 : vector<200x128xi32>
        %add3A_2456 = arith.addi %add3A_2451, %add3A_2455 : vector<200x128xi32>
        %shift_left3A_2457 = arith.constant 13 : i32
        %shift_left3A_2458 = vector.broadcast %shift_left3A_2457 : i32 to vector<200x128xi32>
        %shift_left3A_2459 = arith.shli %add3A_2455, %shift_left3A_2458 : vector<200x128xi32>
        %shift_right_logical3A_2460 = arith.constant 19 : i32
        %shift_right_logical3A_2461 = vector.broadcast %shift_right_logical3A_2460 : i32 to vector<200x128xi32>
        %shift_right_logical3A_2462 = arith.shrui %add3A_2455, %shift_right_logical3A_2461 : vector<200x128xi32>
        %or3A_2463 = arith.ori %shift_left3A_2459, %shift_right_logical3A_2462 : vector<200x128xi32>
        %xor3A_2464 = arith.xori %add3A_2456, %or3A_2463 : vector<200x128xi32>
        %add3A_2465 = arith.addi %add3A_2456, %xor3A_2464 : vector<200x128xi32>
        %shift_left3A_2466 = arith.constant 15 : i32
        %shift_left3A_2467 = vector.broadcast %shift_left3A_2466 : i32 to vector<200x128xi32>
        %shift_left3A_2468 = arith.shli %xor3A_2464, %shift_left3A_2467 : vector<200x128xi32>
        %shift_right_logical3A_2469 = arith.constant 17 : i32
        %shift_right_logical3A_2470 = vector.broadcast %shift_right_logical3A_2469 : i32 to vector<200x128xi32>
        %shift_right_logical3A_2471 = arith.shrui %xor3A_2464, %shift_right_logical3A_2470 : vector<200x128xi32>
        %or3A_2472 = arith.ori %shift_left3A_2468, %shift_right_logical3A_2471 : vector<200x128xi32>
        %xor3A_2473 = arith.xori %add3A_2465, %or3A_2472 : vector<200x128xi32>
        %add3A_2474 = arith.addi %add3A_2465, %xor3A_2473 : vector<200x128xi32>
        %shift_left3A_2475 = arith.constant 26 : i32
        %shift_left3A_2476 = vector.broadcast %shift_left3A_2475 : i32 to vector<200x128xi32>
        %shift_left3A_2477 = arith.shli %xor3A_2473, %shift_left3A_2476 : vector<200x128xi32>
        %shift_right_logical3A_2478 = arith.constant 6 : i32
        %shift_right_logical3A_2479 = vector.broadcast %shift_right_logical3A_2478 : i32 to vector<200x128xi32>
        %shift_right_logical3A_2480 = arith.shrui %xor3A_2473, %shift_right_logical3A_2479 : vector<200x128xi32>
        %or3A_2481 = arith.ori %shift_left3A_2477, %shift_right_logical3A_2480 : vector<200x128xi32>
        %xor3A_2482 = arith.xori %add3A_2474, %or3A_2481 : vector<200x128xi32>
        %add3A_2483 = arith.addi %add3A_2474, %xor3A_2482 : vector<200x128xi32>
        %shift_left3A_2484 = arith.constant 6 : i32
        %shift_left3A_2485 = vector.broadcast %shift_left3A_2484 : i32 to vector<200x128xi32>
        %shift_left3A_2486 = arith.shli %xor3A_2482, %shift_left3A_2485 : vector<200x128xi32>
        %shift_right_logical3A_2487 = arith.constant 26 : i32
        %shift_right_logical3A_2488 = vector.broadcast %shift_right_logical3A_2487 : i32 to vector<200x128xi32>
        %shift_right_logical3A_2489 = arith.shrui %xor3A_2482, %shift_right_logical3A_2488 : vector<200x128xi32>
        %or3A_2490 = arith.ori %shift_left3A_2486, %shift_right_logical3A_2489 : vector<200x128xi32>
        %xor3A_2491 = arith.xori %add3A_2483, %or3A_2490 : vector<200x128xi32>
        %add3A_2492 = arith.addi %add3A_2483, %xor3A_2285 : vector<200x128xi32>
        %add3A_2493 = arith.addi %xor3A_2491, %add3A_2277 : vector<200x128xi32>
        %add3A_2494 = arith.constant 5 : i32
        %add3A_2495 = vector.broadcast %add3A_2494 : i32 to vector<200x128xi32>
        %add3A_2496 = arith.addi %add3A_2493, %add3A_2495 : vector<200x128xi32>
        %xor3A_2497 = arith.xori %add3A_2492, %add3A_2496 : vector<200x128xi32>
        %shift_right_logical3A_2498 = arith.constant 9 : i32
        %shift_right_logical3A_2499 = vector.broadcast %shift_right_logical3A_2498 : i32 to vector<200x128xi32>
        %shift_right_logical3A_2500 = arith.shrui %xor3A_2497, %shift_right_logical3A_2499 : vector<200x128xi32>
        %or3A_2501 = arith.constant 1065353216 : i32
        %or3A_2502 = vector.broadcast %or3A_2501 : i32 to vector<200x128xi32>
        %or3A_2503 = arith.ori %shift_right_logical3A_2500, %or3A_2502 : vector<200x128xi32>
        %bitcast_convert_type3A_2504 = tpu.bitcast %or3A_2503 : vector<200x128xi32> -> vector<200x128xf32>
        %sub3A_2505 = arith.constant 1.000000e+00 : f32
        %sub3A_2506 = vector.broadcast %sub3A_2505 : f32 to vector<200x128xf32>
        %sub3A_2507 = arith.subf %bitcast_convert_type3A_2504, %sub3A_2506 : vector<200x128xf32>
        %sub3A_2508 = arith.constant 1.000000e+00 : f32
        %sub3A_2509 = arith.constant -0.99999994 : f32
        %sub3A_2510 = arith.subf %sub3A_2508, %sub3A_2509 : f32
        %mul3A_2511 = vector.broadcast %sub3A_2510 : f32 to vector<200x128xf32>
        %mul3A_2512 = arith.mulf %sub3A_2507, %mul3A_2511 : vector<200x128xf32>
        %add3A_2513 = arith.constant -0.99999994 : f32
        %add3A_2514 = vector.broadcast %add3A_2513 : f32 to vector<200x128xf32>
        %add3A_2515 = arith.addf %mul3A_2512, %add3A_2514 : vector<200x128xf32>
        %max3A_2516 = arith.constant -0.99999994 : f32
        %max3A_2517 = vector.broadcast %max3A_2516 : f32 to vector<200x128xf32>
        %max3A_2518 = arith.maximumf %max3A_2517, %add3A_2515 : vector<200x128xf32>
        %erf_inv3A = arith.constant 0.000000e+00 : f32
        %erf_inv3A_2519 = vector.broadcast %erf_inv3A : f32 to vector<200x128xf32>
        %erf_inv3A_2520 = arith.subf %erf_inv3A_2519, %max3A_2518 : vector<200x128xf32>
        %erf_inv3A_2521 = arith.mulf %max3A_2518, %erf_inv3A_2520 : vector<200x128xf32>
        %erf_inv3A_2522 = math.log1p %erf_inv3A_2521 : vector<200x128xf32>
        %erf_inv3A_2523 = arith.constant 0.000000e+00 : f32
        %erf_inv3A_2524 = vector.broadcast %erf_inv3A_2523 : f32 to vector<200x128xf32>
        %erf_inv3A_2525 = arith.subf %erf_inv3A_2524, %erf_inv3A_2522 : vector<200x128xf32>
        %erf_inv3A_2526 = arith.constant 5.000000e+00 : f32
        %erf_inv3A_2527 = vector.broadcast %erf_inv3A_2526 : f32 to vector<200x128xf32>
        %erf_inv3A_2528 = arith.cmpf olt, %erf_inv3A_2525, %erf_inv3A_2527 : vector<200x128xf32>
        %erf_inv3A_2529 = arith.constant 2.500000e+00 : f32
        %erf_inv3A_2530 = vector.broadcast %erf_inv3A_2529 : f32 to vector<200x128xf32>
        %erf_inv3A_2531 = arith.subf %erf_inv3A_2525, %erf_inv3A_2530 : vector<200x128xf32>
        %erf_inv3A_2532 = math.sqrt %erf_inv3A_2525 : vector<200x128xf32>
        %erf_inv3A_2533 = arith.constant 3.000000e+00 : f32
        %erf_inv3A_2534 = vector.broadcast %erf_inv3A_2533 : f32 to vector<200x128xf32>
        %erf_inv3A_2535 = arith.subf %erf_inv3A_2532, %erf_inv3A_2534 : vector<200x128xf32>
        %erf_inv3A_2536 = arith.select %erf_inv3A_2528, %erf_inv3A_2531, %erf_inv3A_2535 : vector<200x128xi1>, vector<200x128xf32>
        %erf_inv3A_2537 = arith.constant 2.81022636E-8 : f32
        %erf_inv3A_2538 = arith.constant -2.00214257E-4 : f32
        %erf_inv3A_2539 = vector.broadcast %erf_inv3A_2537 : f32 to vector<200x128xf32>
        %erf_inv3A_2540 = vector.broadcast %erf_inv3A_2538 : f32 to vector<200x128xf32>
        %erf_inv3A_2541 = arith.select %erf_inv3A_2528, %erf_inv3A_2539, %erf_inv3A_2540 : vector<200x128xi1>, vector<200x128xf32>
        %erf_inv3A_2542 = arith.constant 3.43273939E-7 : f32
        %erf_inv3A_2543 = arith.constant 1.00950558E-4 : f32
        %erf_inv3A_2544 = vector.broadcast %erf_inv3A_2542 : f32 to vector<200x128xf32>
        %erf_inv3A_2545 = vector.broadcast %erf_inv3A_2543 : f32 to vector<200x128xf32>
        %erf_inv3A_2546 = arith.select %erf_inv3A_2528, %erf_inv3A_2544, %erf_inv3A_2545 : vector<200x128xi1>, vector<200x128xf32>
        %erf_inv3A_2547 = arith.mulf %erf_inv3A_2541, %erf_inv3A_2536 : vector<200x128xf32>
        %erf_inv3A_2548 = arith.addf %erf_inv3A_2546, %erf_inv3A_2547 : vector<200x128xf32>
        %erf_inv3A_2549 = arith.constant -3.5233877E-6 : f32
        %erf_inv3A_2550 = arith.constant 0.00134934322 : f32
        %erf_inv3A_2551 = vector.broadcast %erf_inv3A_2549 : f32 to vector<200x128xf32>
        %erf_inv3A_2552 = vector.broadcast %erf_inv3A_2550 : f32 to vector<200x128xf32>
        %erf_inv3A_2553 = arith.select %erf_inv3A_2528, %erf_inv3A_2551, %erf_inv3A_2552 : vector<200x128xi1>, vector<200x128xf32>
        %erf_inv3A_2554 = arith.mulf %erf_inv3A_2548, %erf_inv3A_2536 : vector<200x128xf32>
        %erf_inv3A_2555 = arith.addf %erf_inv3A_2553, %erf_inv3A_2554 : vector<200x128xf32>
        %erf_inv3A_2556 = arith.constant -4.39150654E-6 : f32
        %erf_inv3A_2557 = arith.constant -0.00367342844 : f32
        %erf_inv3A_2558 = vector.broadcast %erf_inv3A_2556 : f32 to vector<200x128xf32>
        %erf_inv3A_2559 = vector.broadcast %erf_inv3A_2557 : f32 to vector<200x128xf32>
        %erf_inv3A_2560 = arith.select %erf_inv3A_2528, %erf_inv3A_2558, %erf_inv3A_2559 : vector<200x128xi1>, vector<200x128xf32>
        %erf_inv3A_2561 = arith.mulf %erf_inv3A_2555, %erf_inv3A_2536 : vector<200x128xf32>
        %erf_inv3A_2562 = arith.addf %erf_inv3A_2560, %erf_inv3A_2561 : vector<200x128xf32>
        %erf_inv3A_2563 = arith.constant 2.1858087E-4 : f32
        %erf_inv3A_2564 = arith.constant 0.00573950773 : f32
        %erf_inv3A_2565 = vector.broadcast %erf_inv3A_2563 : f32 to vector<200x128xf32>
        %erf_inv3A_2566 = vector.broadcast %erf_inv3A_2564 : f32 to vector<200x128xf32>
        %erf_inv3A_2567 = arith.select %erf_inv3A_2528, %erf_inv3A_2565, %erf_inv3A_2566 : vector<200x128xi1>, vector<200x128xf32>
        %erf_inv3A_2568 = arith.mulf %erf_inv3A_2562, %erf_inv3A_2536 : vector<200x128xf32>
        %erf_inv3A_2569 = arith.addf %erf_inv3A_2567, %erf_inv3A_2568 : vector<200x128xf32>
        %erf_inv3A_2570 = arith.constant -0.00125372503 : f32
        %erf_inv3A_2571 = arith.constant -0.0076224613 : f32
        %erf_inv3A_2572 = vector.broadcast %erf_inv3A_2570 : f32 to vector<200x128xf32>
        %erf_inv3A_2573 = vector.broadcast %erf_inv3A_2571 : f32 to vector<200x128xf32>
        %erf_inv3A_2574 = arith.select %erf_inv3A_2528, %erf_inv3A_2572, %erf_inv3A_2573 : vector<200x128xi1>, vector<200x128xf32>
        %erf_inv3A_2575 = arith.mulf %erf_inv3A_2569, %erf_inv3A_2536 : vector<200x128xf32>
        %erf_inv3A_2576 = arith.addf %erf_inv3A_2574, %erf_inv3A_2575 : vector<200x128xf32>
        %erf_inv3A_2577 = arith.constant -0.00417768164 : f32
        %erf_inv3A_2578 = arith.constant 0.00943887047 : f32
        %erf_inv3A_2579 = vector.broadcast %erf_inv3A_2577 : f32 to vector<200x128xf32>
        %erf_inv3A_2580 = vector.broadcast %erf_inv3A_2578 : f32 to vector<200x128xf32>
        %erf_inv3A_2581 = arith.select %erf_inv3A_2528, %erf_inv3A_2579, %erf_inv3A_2580 : vector<200x128xi1>, vector<200x128xf32>
        %erf_inv3A_2582 = arith.mulf %erf_inv3A_2576, %erf_inv3A_2536 : vector<200x128xf32>
        %erf_inv3A_2583 = arith.addf %erf_inv3A_2581, %erf_inv3A_2582 : vector<200x128xf32>
        %erf_inv3A_2584 = arith.constant 0.246640727 : f32
        %erf_inv3A_2585 = arith.constant 1.00167406 : f32
        %erf_inv3A_2586 = vector.broadcast %erf_inv3A_2584 : f32 to vector<200x128xf32>
        %erf_inv3A_2587 = vector.broadcast %erf_inv3A_2585 : f32 to vector<200x128xf32>
        %erf_inv3A_2588 = arith.select %erf_inv3A_2528, %erf_inv3A_2586, %erf_inv3A_2587 : vector<200x128xi1>, vector<200x128xf32>
        %erf_inv3A_2589 = arith.mulf %erf_inv3A_2583, %erf_inv3A_2536 : vector<200x128xf32>
        %erf_inv3A_2590 = arith.addf %erf_inv3A_2588, %erf_inv3A_2589 : vector<200x128xf32>
        %erf_inv3A_2591 = arith.constant 1.50140941 : f32
        %erf_inv3A_2592 = arith.constant 2.83297682 : f32
        %erf_inv3A_2593 = vector.broadcast %erf_inv3A_2591 : f32 to vector<200x128xf32>
        %erf_inv3A_2594 = vector.broadcast %erf_inv3A_2592 : f32 to vector<200x128xf32>
        %erf_inv3A_2595 = arith.select %erf_inv3A_2528, %erf_inv3A_2593, %erf_inv3A_2594 : vector<200x128xi1>, vector<200x128xf32>
        %erf_inv3A_2596 = arith.mulf %erf_inv3A_2590, %erf_inv3A_2536 : vector<200x128xf32>
        %erf_inv3A_2597 = arith.addf %erf_inv3A_2595, %erf_inv3A_2596 : vector<200x128xf32>
        %erf_inv3A_2598 = math.absf %max3A_2518 : vector<200x128xf32>
        %erf_inv3A_2599 = arith.constant 1.000000e+00 : f32
        %erf_inv3A_2600 = vector.broadcast %erf_inv3A_2599 : f32 to vector<200x128xf32>
        %erf_inv3A_2601 = arith.cmpf oeq, %erf_inv3A_2598, %erf_inv3A_2600 : vector<200x128xf32>
        %erf_inv3A_2602 = arith.constant 0x7F800000 : f32
        %erf_inv3A_2603 = vector.broadcast %erf_inv3A_2602 : f32 to vector<200x128xf32>
        %erf_inv3A_2604 = arith.mulf %erf_inv3A_2603, %max3A_2518 : vector<200x128xf32>
        %erf_inv3A_2605 = arith.mulf %erf_inv3A_2597, %max3A_2518 : vector<200x128xf32>
        %erf_inv3A_2606 = arith.select %erf_inv3A_2601, %erf_inv3A_2604, %erf_inv3A_2605 : vector<200x128xi1>, vector<200x128xf32>
        %mul3A_2607 = arith.constant 1.41421354 : f32
        %mul3A_2608 = vector.broadcast %mul3A_2607 : f32 to vector<200x128xf32>
        %mul3A_2609 = arith.mulf %mul3A_2608, %erf_inv3A_2606 : vector<200x128xf32>
        %mul3A_2610 = arith.mulf %mul3A_2609, %div3A_474 : vector<200x128xf32>
        %add3A_2611 = arith.constant 1.000000e+00 : f32
        %add3A_2612 = vector.broadcast %add3A_2611 : f32 to vector<200x128xf32>
        %add3A_2613 = arith.addf %add3A_2612, %mul3A_2610 : vector<200x128xf32>
        %select_n3A_2614 = arith.select %ne3A_1851, %mul3A_2609, %while3A_1846 : vector<200x128xi1>, vector<200x128xf32>
        %select_n3A_2615 = arith.select %ne3A_1851, %add3A_2613, %while3A_1847 : vector<200x128xi1>, vector<200x128xf32>
        %select_n3A_2616 = arith.select %ne3A_1851, %add3A_2062, %while3A_1844 : vector<200x128xi1>, vector<200x128xi32>
        %select_n3A_2617 = arith.select %ne3A_1851, %add3A_2066, %while3A_1845 : vector<200x128xi1>, vector<200x128xi32>
        %le3A = arith.constant 0.000000e+00 : f32
        %le3A_2618 = vector.broadcast %le3A : f32 to vector<200x128xf32>
        %le3A_2619 = arith.cmpf ole, %select_n3A_2615, %le3A_2618 : vector<200x128xf32>
        %and3A_2620 = arith.andi %ne3A_1851, %le3A_2619 : vector<200x128xi1>
        %convert_element_type3A_2621 = arith.extui %and3A_2620 : vector<200x128xi1> to vector<200x128xi32>
        scf.yield %select_n3A_2616, %select_n3A_2617, %select_n3A_2614, %select_n3A_2615, %convert_element_type3A_2621 : vector<200x128xi32>, vector<200x128xi32>, vector<200x128xf32>, vector<200x128xf32>, vector<200x128xi32>
      }
      %mul3A_1591 = arith.mulf %while3A_1590#2, %while3A_1590#2 : vector<200x128xf32>
      %mul3A_1592 = arith.mulf %while3A_1590#3, %while3A_1590#3 : vector<200x128xf32>
      %mul3A_1593 = arith.mulf %mul3A_1592, %while3A_1590#3 : vector<200x128xf32>
      %xor3A_1594 = arith.xori %add3A_1581, %add3A_1585 : vector<200x128xi32>
      %xor3A_1595 = arith.constant 466688986 : i32
      %xor3A_1596 = vector.broadcast %xor3A_1595 : i32 to vector<200x128xi32>
      %xor3A_1597 = arith.xori %xor3A_1594, %xor3A_1596 : vector<200x128xi32>
      %add3A_1598 = arith.constant 0 : i32
      %add3A_1599 = vector.broadcast %add3A_1598 : i32 to vector<200x128xi32>
      %add3A_1600 = arith.addi %add3A_1599, %add3A_1581 : vector<200x128xi32>
      %add3A_1601 = arith.constant 0 : i32
      %add3A_1602 = vector.broadcast %add3A_1601 : i32 to vector<200x128xi32>
      %add3A_1603 = arith.addi %add3A_1602, %add3A_1585 : vector<200x128xi32>
      %add3A_1604 = arith.addi %add3A_1600, %add3A_1603 : vector<200x128xi32>
      %shift_left3A_1605 = arith.constant 13 : i32
      %shift_left3A_1606 = vector.broadcast %shift_left3A_1605 : i32 to vector<200x128xi32>
      %shift_left3A_1607 = arith.shli %add3A_1603, %shift_left3A_1606 : vector<200x128xi32>
      %shift_right_logical3A_1608 = arith.constant 19 : i32
      %shift_right_logical3A_1609 = vector.broadcast %shift_right_logical3A_1608 : i32 to vector<200x128xi32>
      %shift_right_logical3A_1610 = arith.shrui %add3A_1603, %shift_right_logical3A_1609 : vector<200x128xi32>
      %or3A_1611 = arith.ori %shift_left3A_1607, %shift_right_logical3A_1610 : vector<200x128xi32>
      %xor3A_1612 = arith.xori %add3A_1604, %or3A_1611 : vector<200x128xi32>
      %add3A_1613 = arith.addi %add3A_1604, %xor3A_1612 : vector<200x128xi32>
      %shift_left3A_1614 = arith.constant 15 : i32
      %shift_left3A_1615 = vector.broadcast %shift_left3A_1614 : i32 to vector<200x128xi32>
      %shift_left3A_1616 = arith.shli %xor3A_1612, %shift_left3A_1615 : vector<200x128xi32>
      %shift_right_logical3A_1617 = arith.constant 17 : i32
      %shift_right_logical3A_1618 = vector.broadcast %shift_right_logical3A_1617 : i32 to vector<200x128xi32>
      %shift_right_logical3A_1619 = arith.shrui %xor3A_1612, %shift_right_logical3A_1618 : vector<200x128xi32>
      %or3A_1620 = arith.ori %shift_left3A_1616, %shift_right_logical3A_1619 : vector<200x128xi32>
      %xor3A_1621 = arith.xori %add3A_1613, %or3A_1620 : vector<200x128xi32>
      %add3A_1622 = arith.addi %add3A_1613, %xor3A_1621 : vector<200x128xi32>
      %shift_left3A_1623 = arith.constant 26 : i32
      %shift_left3A_1624 = vector.broadcast %shift_left3A_1623 : i32 to vector<200x128xi32>
      %shift_left3A_1625 = arith.shli %xor3A_1621, %shift_left3A_1624 : vector<200x128xi32>
      %shift_right_logical3A_1626 = arith.constant 6 : i32
      %shift_right_logical3A_1627 = vector.broadcast %shift_right_logical3A_1626 : i32 to vector<200x128xi32>
      %shift_right_logical3A_1628 = arith.shrui %xor3A_1621, %shift_right_logical3A_1627 : vector<200x128xi32>
      %or3A_1629 = arith.ori %shift_left3A_1625, %shift_right_logical3A_1628 : vector<200x128xi32>
      %xor3A_1630 = arith.xori %add3A_1622, %or3A_1629 : vector<200x128xi32>
      %add3A_1631 = arith.addi %add3A_1622, %xor3A_1630 : vector<200x128xi32>
      %shift_left3A_1632 = arith.constant 6 : i32
      %shift_left3A_1633 = vector.broadcast %shift_left3A_1632 : i32 to vector<200x128xi32>
      %shift_left3A_1634 = arith.shli %xor3A_1630, %shift_left3A_1633 : vector<200x128xi32>
      %shift_right_logical3A_1635 = arith.constant 26 : i32
      %shift_right_logical3A_1636 = vector.broadcast %shift_right_logical3A_1635 : i32 to vector<200x128xi32>
      %shift_right_logical3A_1637 = arith.shrui %xor3A_1630, %shift_right_logical3A_1636 : vector<200x128xi32>
      %or3A_1638 = arith.ori %shift_left3A_1634, %shift_right_logical3A_1637 : vector<200x128xi32>
      %xor3A_1639 = arith.xori %add3A_1631, %or3A_1638 : vector<200x128xi32>
      %add3A_1640 = arith.addi %add3A_1631, %add3A_1585 : vector<200x128xi32>
      %add3A_1641 = arith.addi %xor3A_1639, %xor3A_1597 : vector<200x128xi32>
      %add3A_1642 = arith.constant 1 : i32
      %add3A_1643 = vector.broadcast %add3A_1642 : i32 to vector<200x128xi32>
      %add3A_1644 = arith.addi %add3A_1641, %add3A_1643 : vector<200x128xi32>
      %add3A_1645 = arith.addi %add3A_1640, %add3A_1644 : vector<200x128xi32>
      %shift_left3A_1646 = arith.constant 17 : i32
      %shift_left3A_1647 = vector.broadcast %shift_left3A_1646 : i32 to vector<200x128xi32>
      %shift_left3A_1648 = arith.shli %add3A_1644, %shift_left3A_1647 : vector<200x128xi32>
      %shift_right_logical3A_1649 = arith.constant 15 : i32
      %shift_right_logical3A_1650 = vector.broadcast %shift_right_logical3A_1649 : i32 to vector<200x128xi32>
      %shift_right_logical3A_1651 = arith.shrui %add3A_1644, %shift_right_logical3A_1650 : vector<200x128xi32>
      %or3A_1652 = arith.ori %shift_left3A_1648, %shift_right_logical3A_1651 : vector<200x128xi32>
      %xor3A_1653 = arith.xori %add3A_1645, %or3A_1652 : vector<200x128xi32>
      %add3A_1654 = arith.addi %add3A_1645, %xor3A_1653 : vector<200x128xi32>
      %shift_left3A_1655 = arith.constant 29 : i32
      %shift_left3A_1656 = vector.broadcast %shift_left3A_1655 : i32 to vector<200x128xi32>
      %shift_left3A_1657 = arith.shli %xor3A_1653, %shift_left3A_1656 : vector<200x128xi32>
      %shift_right_logical3A_1658 = arith.constant 3 : i32
      %shift_right_logical3A_1659 = vector.broadcast %shift_right_logical3A_1658 : i32 to vector<200x128xi32>
      %shift_right_logical3A_1660 = arith.shrui %xor3A_1653, %shift_right_logical3A_1659 : vector<200x128xi32>
      %or3A_1661 = arith.ori %shift_left3A_1657, %shift_right_logical3A_1660 : vector<200x128xi32>
      %xor3A_1662 = arith.xori %add3A_1654, %or3A_1661 : vector<200x128xi32>
      %add3A_1663 = arith.addi %add3A_1654, %xor3A_1662 : vector<200x128xi32>
      %shift_left3A_1664 = arith.constant 16 : i32
      %shift_left3A_1665 = vector.broadcast %shift_left3A_1664 : i32 to vector<200x128xi32>
      %shift_left3A_1666 = arith.shli %xor3A_1662, %shift_left3A_1665 : vector<200x128xi32>
      %shift_right_logical3A_1667 = arith.constant 16 : i32
      %shift_right_logical3A_1668 = vector.broadcast %shift_right_logical3A_1667 : i32 to vector<200x128xi32>
      %shift_right_logical3A_1669 = arith.shrui %xor3A_1662, %shift_right_logical3A_1668 : vector<200x128xi32>
      %or3A_1670 = arith.ori %shift_left3A_1666, %shift_right_logical3A_1669 : vector<200x128xi32>
      %xor3A_1671 = arith.xori %add3A_1663, %or3A_1670 : vector<200x128xi32>
      %add3A_1672 = arith.addi %add3A_1663, %xor3A_1671 : vector<200x128xi32>
      %shift_left3A_1673 = arith.constant 24 : i32
      %shift_left3A_1674 = vector.broadcast %shift_left3A_1673 : i32 to vector<200x128xi32>
      %shift_left3A_1675 = arith.shli %xor3A_1671, %shift_left3A_1674 : vector<200x128xi32>
      %shift_right_logical3A_1676 = arith.constant 8 : i32
      %shift_right_logical3A_1677 = vector.broadcast %shift_right_logical3A_1676 : i32 to vector<200x128xi32>
      %shift_right_logical3A_1678 = arith.shrui %xor3A_1671, %shift_right_logical3A_1677 : vector<200x128xi32>
      %or3A_1679 = arith.ori %shift_left3A_1675, %shift_right_logical3A_1678 : vector<200x128xi32>
      %xor3A_1680 = arith.xori %add3A_1672, %or3A_1679 : vector<200x128xi32>
      %add3A_1681 = arith.addi %add3A_1672, %xor3A_1597 : vector<200x128xi32>
      %add3A_1682 = arith.addi %xor3A_1680, %add3A_1581 : vector<200x128xi32>
      %add3A_1683 = arith.constant 2 : i32
      %add3A_1684 = vector.broadcast %add3A_1683 : i32 to vector<200x128xi32>
      %add3A_1685 = arith.addi %add3A_1682, %add3A_1684 : vector<200x128xi32>
      %add3A_1686 = arith.addi %add3A_1681, %add3A_1685 : vector<200x128xi32>
      %shift_left3A_1687 = arith.constant 13 : i32
      %shift_left3A_1688 = vector.broadcast %shift_left3A_1687 : i32 to vector<200x128xi32>
      %shift_left3A_1689 = arith.shli %add3A_1685, %shift_left3A_1688 : vector<200x128xi32>
      %shift_right_logical3A_1690 = arith.constant 19 : i32
      %shift_right_logical3A_1691 = vector.broadcast %shift_right_logical3A_1690 : i32 to vector<200x128xi32>
      %shift_right_logical3A_1692 = arith.shrui %add3A_1685, %shift_right_logical3A_1691 : vector<200x128xi32>
      %or3A_1693 = arith.ori %shift_left3A_1689, %shift_right_logical3A_1692 : vector<200x128xi32>
      %xor3A_1694 = arith.xori %add3A_1686, %or3A_1693 : vector<200x128xi32>
      %add3A_1695 = arith.addi %add3A_1686, %xor3A_1694 : vector<200x128xi32>
      %shift_left3A_1696 = arith.constant 15 : i32
      %shift_left3A_1697 = vector.broadcast %shift_left3A_1696 : i32 to vector<200x128xi32>
      %shift_left3A_1698 = arith.shli %xor3A_1694, %shift_left3A_1697 : vector<200x128xi32>
      %shift_right_logical3A_1699 = arith.constant 17 : i32
      %shift_right_logical3A_1700 = vector.broadcast %shift_right_logical3A_1699 : i32 to vector<200x128xi32>
      %shift_right_logical3A_1701 = arith.shrui %xor3A_1694, %shift_right_logical3A_1700 : vector<200x128xi32>
      %or3A_1702 = arith.ori %shift_left3A_1698, %shift_right_logical3A_1701 : vector<200x128xi32>
      %xor3A_1703 = arith.xori %add3A_1695, %or3A_1702 : vector<200x128xi32>
      %add3A_1704 = arith.addi %add3A_1695, %xor3A_1703 : vector<200x128xi32>
      %shift_left3A_1705 = arith.constant 26 : i32
      %shift_left3A_1706 = vector.broadcast %shift_left3A_1705 : i32 to vector<200x128xi32>
      %shift_left3A_1707 = arith.shli %xor3A_1703, %shift_left3A_1706 : vector<200x128xi32>
      %shift_right_logical3A_1708 = arith.constant 6 : i32
      %shift_right_logical3A_1709 = vector.broadcast %shift_right_logical3A_1708 : i32 to vector<200x128xi32>
      %shift_right_logical3A_1710 = arith.shrui %xor3A_1703, %shift_right_logical3A_1709 : vector<200x128xi32>
      %or3A_1711 = arith.ori %shift_left3A_1707, %shift_right_logical3A_1710 : vector<200x128xi32>
      %xor3A_1712 = arith.xori %add3A_1704, %or3A_1711 : vector<200x128xi32>
      %add3A_1713 = arith.addi %add3A_1704, %xor3A_1712 : vector<200x128xi32>
      %shift_left3A_1714 = arith.constant 6 : i32
      %shift_left3A_1715 = vector.broadcast %shift_left3A_1714 : i32 to vector<200x128xi32>
      %shift_left3A_1716 = arith.shli %xor3A_1712, %shift_left3A_1715 : vector<200x128xi32>
      %shift_right_logical3A_1717 = arith.constant 26 : i32
      %shift_right_logical3A_1718 = vector.broadcast %shift_right_logical3A_1717 : i32 to vector<200x128xi32>
      %shift_right_logical3A_1719 = arith.shrui %xor3A_1712, %shift_right_logical3A_1718 : vector<200x128xi32>
      %or3A_1720 = arith.ori %shift_left3A_1716, %shift_right_logical3A_1719 : vector<200x128xi32>
      %xor3A_1721 = arith.xori %add3A_1713, %or3A_1720 : vector<200x128xi32>
      %add3A_1722 = arith.addi %add3A_1713, %add3A_1581 : vector<200x128xi32>
      %add3A_1723 = arith.addi %xor3A_1721, %add3A_1585 : vector<200x128xi32>
      %add3A_1724 = arith.constant 3 : i32
      %add3A_1725 = vector.broadcast %add3A_1724 : i32 to vector<200x128xi32>
      %add3A_1726 = arith.addi %add3A_1723, %add3A_1725 : vector<200x128xi32>
      %add3A_1727 = arith.addi %add3A_1722, %add3A_1726 : vector<200x128xi32>
      %shift_left3A_1728 = arith.constant 17 : i32
      %shift_left3A_1729 = vector.broadcast %shift_left3A_1728 : i32 to vector<200x128xi32>
      %shift_left3A_1730 = arith.shli %add3A_1726, %shift_left3A_1729 : vector<200x128xi32>
      %shift_right_logical3A_1731 = arith.constant 15 : i32
      %shift_right_logical3A_1732 = vector.broadcast %shift_right_logical3A_1731 : i32 to vector<200x128xi32>
      %shift_right_logical3A_1733 = arith.shrui %add3A_1726, %shift_right_logical3A_1732 : vector<200x128xi32>
      %or3A_1734 = arith.ori %shift_left3A_1730, %shift_right_logical3A_1733 : vector<200x128xi32>
      %xor3A_1735 = arith.xori %add3A_1727, %or3A_1734 : vector<200x128xi32>
      %add3A_1736 = arith.addi %add3A_1727, %xor3A_1735 : vector<200x128xi32>
      %shift_left3A_1737 = arith.constant 29 : i32
      %shift_left3A_1738 = vector.broadcast %shift_left3A_1737 : i32 to vector<200x128xi32>
      %shift_left3A_1739 = arith.shli %xor3A_1735, %shift_left3A_1738 : vector<200x128xi32>
      %shift_right_logical3A_1740 = arith.constant 3 : i32
      %shift_right_logical3A_1741 = vector.broadcast %shift_right_logical3A_1740 : i32 to vector<200x128xi32>
      %shift_right_logical3A_1742 = arith.shrui %xor3A_1735, %shift_right_logical3A_1741 : vector<200x128xi32>
      %or3A_1743 = arith.ori %shift_left3A_1739, %shift_right_logical3A_1742 : vector<200x128xi32>
      %xor3A_1744 = arith.xori %add3A_1736, %or3A_1743 : vector<200x128xi32>
      %add3A_1745 = arith.addi %add3A_1736, %xor3A_1744 : vector<200x128xi32>
      %shift_left3A_1746 = arith.constant 16 : i32
      %shift_left3A_1747 = vector.broadcast %shift_left3A_1746 : i32 to vector<200x128xi32>
      %shift_left3A_1748 = arith.shli %xor3A_1744, %shift_left3A_1747 : vector<200x128xi32>
      %shift_right_logical3A_1749 = arith.constant 16 : i32
      %shift_right_logical3A_1750 = vector.broadcast %shift_right_logical3A_1749 : i32 to vector<200x128xi32>
      %shift_right_logical3A_1751 = arith.shrui %xor3A_1744, %shift_right_logical3A_1750 : vector<200x128xi32>
      %or3A_1752 = arith.ori %shift_left3A_1748, %shift_right_logical3A_1751 : vector<200x128xi32>
      %xor3A_1753 = arith.xori %add3A_1745, %or3A_1752 : vector<200x128xi32>
      %add3A_1754 = arith.addi %add3A_1745, %xor3A_1753 : vector<200x128xi32>
      %shift_left3A_1755 = arith.constant 24 : i32
      %shift_left3A_1756 = vector.broadcast %shift_left3A_1755 : i32 to vector<200x128xi32>
      %shift_left3A_1757 = arith.shli %xor3A_1753, %shift_left3A_1756 : vector<200x128xi32>
      %shift_right_logical3A_1758 = arith.constant 8 : i32
      %shift_right_logical3A_1759 = vector.broadcast %shift_right_logical3A_1758 : i32 to vector<200x128xi32>
      %shift_right_logical3A_1760 = arith.shrui %xor3A_1753, %shift_right_logical3A_1759 : vector<200x128xi32>
      %or3A_1761 = arith.ori %shift_left3A_1757, %shift_right_logical3A_1760 : vector<200x128xi32>
      %xor3A_1762 = arith.xori %add3A_1754, %or3A_1761 : vector<200x128xi32>
      %add3A_1763 = arith.addi %add3A_1754, %add3A_1585 : vector<200x128xi32>
      %add3A_1764 = arith.addi %xor3A_1762, %xor3A_1597 : vector<200x128xi32>
      %add3A_1765 = arith.constant 4 : i32
      %add3A_1766 = vector.broadcast %add3A_1765 : i32 to vector<200x128xi32>
      %add3A_1767 = arith.addi %add3A_1764, %add3A_1766 : vector<200x128xi32>
      %add3A_1768 = arith.addi %add3A_1763, %add3A_1767 : vector<200x128xi32>
      %shift_left3A_1769 = arith.constant 13 : i32
      %shift_left3A_1770 = vector.broadcast %shift_left3A_1769 : i32 to vector<200x128xi32>
      %shift_left3A_1771 = arith.shli %add3A_1767, %shift_left3A_1770 : vector<200x128xi32>
      %shift_right_logical3A_1772 = arith.constant 19 : i32
      %shift_right_logical3A_1773 = vector.broadcast %shift_right_logical3A_1772 : i32 to vector<200x128xi32>
      %shift_right_logical3A_1774 = arith.shrui %add3A_1767, %shift_right_logical3A_1773 : vector<200x128xi32>
      %or3A_1775 = arith.ori %shift_left3A_1771, %shift_right_logical3A_1774 : vector<200x128xi32>
      %xor3A_1776 = arith.xori %add3A_1768, %or3A_1775 : vector<200x128xi32>
      %add3A_1777 = arith.addi %add3A_1768, %xor3A_1776 : vector<200x128xi32>
      %shift_left3A_1778 = arith.constant 15 : i32
      %shift_left3A_1779 = vector.broadcast %shift_left3A_1778 : i32 to vector<200x128xi32>
      %shift_left3A_1780 = arith.shli %xor3A_1776, %shift_left3A_1779 : vector<200x128xi32>
      %shift_right_logical3A_1781 = arith.constant 17 : i32
      %shift_right_logical3A_1782 = vector.broadcast %shift_right_logical3A_1781 : i32 to vector<200x128xi32>
      %shift_right_logical3A_1783 = arith.shrui %xor3A_1776, %shift_right_logical3A_1782 : vector<200x128xi32>
      %or3A_1784 = arith.ori %shift_left3A_1780, %shift_right_logical3A_1783 : vector<200x128xi32>
      %xor3A_1785 = arith.xori %add3A_1777, %or3A_1784 : vector<200x128xi32>
      %add3A_1786 = arith.addi %add3A_1777, %xor3A_1785 : vector<200x128xi32>
      %shift_left3A_1787 = arith.constant 26 : i32
      %shift_left3A_1788 = vector.broadcast %shift_left3A_1787 : i32 to vector<200x128xi32>
      %shift_left3A_1789 = arith.shli %xor3A_1785, %shift_left3A_1788 : vector<200x128xi32>
      %shift_right_logical3A_1790 = arith.constant 6 : i32
      %shift_right_logical3A_1791 = vector.broadcast %shift_right_logical3A_1790 : i32 to vector<200x128xi32>
      %shift_right_logical3A_1792 = arith.shrui %xor3A_1785, %shift_right_logical3A_1791 : vector<200x128xi32>
      %or3A_1793 = arith.ori %shift_left3A_1789, %shift_right_logical3A_1792 : vector<200x128xi32>
      %xor3A_1794 = arith.xori %add3A_1786, %or3A_1793 : vector<200x128xi32>
      %add3A_1795 = arith.addi %add3A_1786, %xor3A_1794 : vector<200x128xi32>
      %shift_left3A_1796 = arith.constant 6 : i32
      %shift_left3A_1797 = vector.broadcast %shift_left3A_1796 : i32 to vector<200x128xi32>
      %shift_left3A_1798 = arith.shli %xor3A_1794, %shift_left3A_1797 : vector<200x128xi32>
      %shift_right_logical3A_1799 = arith.constant 26 : i32
      %shift_right_logical3A_1800 = vector.broadcast %shift_right_logical3A_1799 : i32 to vector<200x128xi32>
      %shift_right_logical3A_1801 = arith.shrui %xor3A_1794, %shift_right_logical3A_1800 : vector<200x128xi32>
      %or3A_1802 = arith.ori %shift_left3A_1798, %shift_right_logical3A_1801 : vector<200x128xi32>
      %xor3A_1803 = arith.xori %add3A_1795, %or3A_1802 : vector<200x128xi32>
      %add3A_1804 = arith.addi %add3A_1795, %xor3A_1597 : vector<200x128xi32>
      %add3A_1805 = arith.addi %xor3A_1803, %add3A_1581 : vector<200x128xi32>
      %add3A_1806 = arith.constant 5 : i32
      %add3A_1807 = vector.broadcast %add3A_1806 : i32 to vector<200x128xi32>
      %add3A_1808 = arith.addi %add3A_1805, %add3A_1807 : vector<200x128xi32>
      %xor3A_1809 = arith.xori %add3A_1804, %add3A_1808 : vector<200x128xi32>
      %shift_right_logical3A_1810 = arith.constant 9 : i32
      %shift_right_logical3A_1811 = vector.broadcast %shift_right_logical3A_1810 : i32 to vector<200x128xi32>
      %shift_right_logical3A_1812 = arith.shrui %xor3A_1809, %shift_right_logical3A_1811 : vector<200x128xi32>
      %or3A_1813 = arith.constant 1065353216 : i32
      %or3A_1814 = vector.broadcast %or3A_1813 : i32 to vector<200x128xi32>
      %or3A_1815 = arith.ori %shift_right_logical3A_1812, %or3A_1814 : vector<200x128xi32>
      %bitcast_convert_type3A = tpu.bitcast %or3A_1815 : vector<200x128xi32> -> vector<200x128xf32>
      %sub3A_1816 = arith.constant 1.000000e+00 : f32
      %sub3A_1817 = vector.broadcast %sub3A_1816 : f32 to vector<200x128xf32>
      %sub3A_1818 = arith.subf %bitcast_convert_type3A, %sub3A_1817 : vector<200x128xf32>
      %max3A_1819 = arith.constant 0.000000e+00 : f32
      %max3A_1820 = vector.broadcast %max3A_1819 : f32 to vector<200x128xf32>
      %max3A_1821 = arith.maximumf %max3A_1820, %sub3A_1818 : vector<200x128xf32>
      %select_n3A = arith.select %ne3A_940, %mul3A_1593, %while3A_937 : vector<200x128xi1>, vector<200x128xf32>
      %select_n3A_1822 = arith.select %ne3A_940, %add3A_1151, %while3A_935 : vector<200x128xi1>, vector<200x128xi32>
      %select_n3A_1823 = arith.select %ne3A_940, %add3A_1155, %while3A_936 : vector<200x128xi1>, vector<200x128xi32>
      %mul3A_1824 = arith.constant 3.310000e-02 : f32
      %mul3A_1825 = vector.broadcast %mul3A_1824 : f32 to vector<200x128xf32>
      %mul3A_1826 = arith.mulf %mul3A_1825, %mul3A_1591 : vector<200x128xf32>
      %mul3A_1827 = arith.mulf %mul3A_1826, %mul3A_1591 : vector<200x128xf32>
      %sub3A_1828 = arith.constant 1.000000e+00 : f32
      %sub3A_1829 = vector.broadcast %sub3A_1828 : f32 to vector<200x128xf32>
      %sub3A_1830 = arith.subf %sub3A_1829, %mul3A_1827 : vector<200x128xf32>
      %ge3A = arith.cmpf oge, %max3A_1821, %sub3A_1830 : vector<200x128xf32>
      %log3A_1831 = math.log %max3A_1821 : vector<200x128xf32>
      %mul3A_1832 = arith.constant 5.000000e-01 : f32
      %mul3A_1833 = vector.broadcast %mul3A_1832 : f32 to vector<200x128xf32>
      %mul3A_1834 = arith.mulf %mul3A_1833, %mul3A_1591 : vector<200x128xf32>
      %sub3A_1835 = arith.constant 1.000000e+00 : f32
      %sub3A_1836 = vector.broadcast %sub3A_1835 : f32 to vector<200x128xf32>
      %sub3A_1837 = arith.subf %sub3A_1836, %mul3A_1593 : vector<200x128xf32>
      %log3A_1838 = math.log %mul3A_1593 : vector<200x128xf32>
      %add3A_1839 = arith.addf %sub3A_1837, %log3A_1838 : vector<200x128xf32>
      %mul3A_1840 = arith.mulf %sub3A_472, %add3A_1839 : vector<200x128xf32>
      %add3A_1841 = arith.addf %mul3A_1834, %mul3A_1840 : vector<200x128xf32>
      %ge3A_1842 = arith.cmpf oge, %log3A_1831, %add3A_1841 : vector<200x128xf32>
      %and3A = arith.andi %ge3A, %ge3A_1842 : vector<200x128xi1>
      %and3A_1843 = arith.andi %ne3A_940, %and3A : vector<200x128xi1>
      %convert_element_type3A = arith.extui %and3A_1843 : vector<200x128xi1> to vector<200x128xi32>
      scf.yield %select_n3A_1822, %select_n3A_1823, %select_n3A, %convert_element_type3A : vector<200x128xi32>, vector<200x128xi32>, vector<200x128xf32>, vector<200x128xi32>
    }
    %log3A = math.log %sub3A_472 : vector<200x128xf32>
    %log3A_693 = math.log %while3A#2 : vector<200x128xf32>
    %add3A_694 = arith.addf %log3A, %log3A_693 : vector<200x128xf32>
    %get3A_695 = arith.constant 0 : index
    %get3A_696 = arith.constant 0 : index
    %get3A_697 = vector.load %arg2[%get3A_695, %get3A_696] : memref<200x128xf32, #tpu.memory_space<vmem>>, vector<200x128xf32>
    %sub3A_698 = arith.constant 0.333333343 : f32
    %sub3A_699 = vector.broadcast %sub3A_698 : f32 to vector<200x128xf32>
    %sub3A_700 = arith.subf %get3A_697, %sub3A_699 : vector<200x128xf32>
    %sqrt3A_701 = math.sqrt %sub3A_700 : vector<200x128xf32>
    %div3A_702 = arith.constant 0.333333343 : f32
    %div3A_703 = vector.broadcast %div3A_702 : f32 to vector<200x128xf32>
    %div3A_704 = arith.divf %div3A_703, %sqrt3A_701 : vector<200x128xf32>
    %xor3A_705 = arith.xori %add3A_462, %add3A_468 : vector<200x128xi32>
    %xor3A_706 = arith.constant 466688986 : i32
    %xor3A_707 = vector.broadcast %xor3A_706 : i32 to vector<200x128xi32>
    %xor3A_708 = arith.xori %xor3A_705, %xor3A_707 : vector<200x128xi32>
    %add3A_709 = arith.constant 0 : i32
    %add3A_710 = vector.broadcast %add3A_709 : i32 to vector<200x128xi32>
    %add3A_711 = arith.addi %add3A_710, %add3A_462 : vector<200x128xi32>
    %add3A_712 = arith.constant 0 : i32
    %add3A_713 = vector.broadcast %add3A_712 : i32 to vector<200x128xi32>
    %add3A_714 = arith.addi %add3A_713, %add3A_468 : vector<200x128xi32>
    %add3A_715 = arith.addi %add3A_711, %add3A_714 : vector<200x128xi32>
    %shift_left3A_716 = arith.constant 13 : i32
    %shift_left3A_717 = vector.broadcast %shift_left3A_716 : i32 to vector<200x128xi32>
    %shift_left3A_718 = arith.shli %add3A_714, %shift_left3A_717 : vector<200x128xi32>
    %shift_right_logical3A_719 = arith.constant 19 : i32
    %shift_right_logical3A_720 = vector.broadcast %shift_right_logical3A_719 : i32 to vector<200x128xi32>
    %shift_right_logical3A_721 = arith.shrui %add3A_714, %shift_right_logical3A_720 : vector<200x128xi32>
    %or3A_722 = arith.ori %shift_left3A_718, %shift_right_logical3A_721 : vector<200x128xi32>
    %xor3A_723 = arith.xori %add3A_715, %or3A_722 : vector<200x128xi32>
    %add3A_724 = arith.addi %add3A_715, %xor3A_723 : vector<200x128xi32>
    %shift_left3A_725 = arith.constant 15 : i32
    %shift_left3A_726 = vector.broadcast %shift_left3A_725 : i32 to vector<200x128xi32>
    %shift_left3A_727 = arith.shli %xor3A_723, %shift_left3A_726 : vector<200x128xi32>
    %shift_right_logical3A_728 = arith.constant 17 : i32
    %shift_right_logical3A_729 = vector.broadcast %shift_right_logical3A_728 : i32 to vector<200x128xi32>
    %shift_right_logical3A_730 = arith.shrui %xor3A_723, %shift_right_logical3A_729 : vector<200x128xi32>
    %or3A_731 = arith.ori %shift_left3A_727, %shift_right_logical3A_730 : vector<200x128xi32>
    %xor3A_732 = arith.xori %add3A_724, %or3A_731 : vector<200x128xi32>
    %add3A_733 = arith.addi %add3A_724, %xor3A_732 : vector<200x128xi32>
    %shift_left3A_734 = arith.constant 26 : i32
    %shift_left3A_735 = vector.broadcast %shift_left3A_734 : i32 to vector<200x128xi32>
    %shift_left3A_736 = arith.shli %xor3A_732, %shift_left3A_735 : vector<200x128xi32>
    %shift_right_logical3A_737 = arith.constant 6 : i32
    %shift_right_logical3A_738 = vector.broadcast %shift_right_logical3A_737 : i32 to vector<200x128xi32>
    %shift_right_logical3A_739 = arith.shrui %xor3A_732, %shift_right_logical3A_738 : vector<200x128xi32>
    %or3A_740 = arith.ori %shift_left3A_736, %shift_right_logical3A_739 : vector<200x128xi32>
    %xor3A_741 = arith.xori %add3A_733, %or3A_740 : vector<200x128xi32>
    %add3A_742 = arith.addi %add3A_733, %xor3A_741 : vector<200x128xi32>
    %shift_left3A_743 = arith.constant 6 : i32
    %shift_left3A_744 = vector.broadcast %shift_left3A_743 : i32 to vector<200x128xi32>
    %shift_left3A_745 = arith.shli %xor3A_741, %shift_left3A_744 : vector<200x128xi32>
    %shift_right_logical3A_746 = arith.constant 26 : i32
    %shift_right_logical3A_747 = vector.broadcast %shift_right_logical3A_746 : i32 to vector<200x128xi32>
    %shift_right_logical3A_748 = arith.shrui %xor3A_741, %shift_right_logical3A_747 : vector<200x128xi32>
    %or3A_749 = arith.ori %shift_left3A_745, %shift_right_logical3A_748 : vector<200x128xi32>
    %xor3A_750 = arith.xori %add3A_742, %or3A_749 : vector<200x128xi32>
    %add3A_751 = arith.addi %add3A_742, %add3A_468 : vector<200x128xi32>
    %add3A_752 = arith.addi %xor3A_750, %xor3A_708 : vector<200x128xi32>
    %add3A_753 = arith.constant 1 : i32
    %add3A_754 = vector.broadcast %add3A_753 : i32 to vector<200x128xi32>
    %add3A_755 = arith.addi %add3A_752, %add3A_754 : vector<200x128xi32>
    %add3A_756 = arith.addi %add3A_751, %add3A_755 : vector<200x128xi32>
    %shift_left3A_757 = arith.constant 17 : i32
    %shift_left3A_758 = vector.broadcast %shift_left3A_757 : i32 to vector<200x128xi32>
    %shift_left3A_759 = arith.shli %add3A_755, %shift_left3A_758 : vector<200x128xi32>
    %shift_right_logical3A_760 = arith.constant 15 : i32
    %shift_right_logical3A_761 = vector.broadcast %shift_right_logical3A_760 : i32 to vector<200x128xi32>
    %shift_right_logical3A_762 = arith.shrui %add3A_755, %shift_right_logical3A_761 : vector<200x128xi32>
    %or3A_763 = arith.ori %shift_left3A_759, %shift_right_logical3A_762 : vector<200x128xi32>
    %xor3A_764 = arith.xori %add3A_756, %or3A_763 : vector<200x128xi32>
    %add3A_765 = arith.addi %add3A_756, %xor3A_764 : vector<200x128xi32>
    %shift_left3A_766 = arith.constant 29 : i32
    %shift_left3A_767 = vector.broadcast %shift_left3A_766 : i32 to vector<200x128xi32>
    %shift_left3A_768 = arith.shli %xor3A_764, %shift_left3A_767 : vector<200x128xi32>
    %shift_right_logical3A_769 = arith.constant 3 : i32
    %shift_right_logical3A_770 = vector.broadcast %shift_right_logical3A_769 : i32 to vector<200x128xi32>
    %shift_right_logical3A_771 = arith.shrui %xor3A_764, %shift_right_logical3A_770 : vector<200x128xi32>
    %or3A_772 = arith.ori %shift_left3A_768, %shift_right_logical3A_771 : vector<200x128xi32>
    %xor3A_773 = arith.xori %add3A_765, %or3A_772 : vector<200x128xi32>
    %add3A_774 = arith.addi %add3A_765, %xor3A_773 : vector<200x128xi32>
    %shift_left3A_775 = arith.constant 16 : i32
    %shift_left3A_776 = vector.broadcast %shift_left3A_775 : i32 to vector<200x128xi32>
    %shift_left3A_777 = arith.shli %xor3A_773, %shift_left3A_776 : vector<200x128xi32>
    %shift_right_logical3A_778 = arith.constant 16 : i32
    %shift_right_logical3A_779 = vector.broadcast %shift_right_logical3A_778 : i32 to vector<200x128xi32>
    %shift_right_logical3A_780 = arith.shrui %xor3A_773, %shift_right_logical3A_779 : vector<200x128xi32>
    %or3A_781 = arith.ori %shift_left3A_777, %shift_right_logical3A_780 : vector<200x128xi32>
    %xor3A_782 = arith.xori %add3A_774, %or3A_781 : vector<200x128xi32>
    %add3A_783 = arith.addi %add3A_774, %xor3A_782 : vector<200x128xi32>
    %shift_left3A_784 = arith.constant 24 : i32
    %shift_left3A_785 = vector.broadcast %shift_left3A_784 : i32 to vector<200x128xi32>
    %shift_left3A_786 = arith.shli %xor3A_782, %shift_left3A_785 : vector<200x128xi32>
    %shift_right_logical3A_787 = arith.constant 8 : i32
    %shift_right_logical3A_788 = vector.broadcast %shift_right_logical3A_787 : i32 to vector<200x128xi32>
    %shift_right_logical3A_789 = arith.shrui %xor3A_782, %shift_right_logical3A_788 : vector<200x128xi32>
    %or3A_790 = arith.ori %shift_left3A_786, %shift_right_logical3A_789 : vector<200x128xi32>
    %xor3A_791 = arith.xori %add3A_783, %or3A_790 : vector<200x128xi32>
    %add3A_792 = arith.addi %add3A_783, %xor3A_708 : vector<200x128xi32>
    %add3A_793 = arith.addi %xor3A_791, %add3A_462 : vector<200x128xi32>
    %add3A_794 = arith.constant 2 : i32
    %add3A_795 = vector.broadcast %add3A_794 : i32 to vector<200x128xi32>
    %add3A_796 = arith.addi %add3A_793, %add3A_795 : vector<200x128xi32>
    %add3A_797 = arith.addi %add3A_792, %add3A_796 : vector<200x128xi32>
    %shift_left3A_798 = arith.constant 13 : i32
    %shift_left3A_799 = vector.broadcast %shift_left3A_798 : i32 to vector<200x128xi32>
    %shift_left3A_800 = arith.shli %add3A_796, %shift_left3A_799 : vector<200x128xi32>
    %shift_right_logical3A_801 = arith.constant 19 : i32
    %shift_right_logical3A_802 = vector.broadcast %shift_right_logical3A_801 : i32 to vector<200x128xi32>
    %shift_right_logical3A_803 = arith.shrui %add3A_796, %shift_right_logical3A_802 : vector<200x128xi32>
    %or3A_804 = arith.ori %shift_left3A_800, %shift_right_logical3A_803 : vector<200x128xi32>
    %xor3A_805 = arith.xori %add3A_797, %or3A_804 : vector<200x128xi32>
    %add3A_806 = arith.addi %add3A_797, %xor3A_805 : vector<200x128xi32>
    %shift_left3A_807 = arith.constant 15 : i32
    %shift_left3A_808 = vector.broadcast %shift_left3A_807 : i32 to vector<200x128xi32>
    %shift_left3A_809 = arith.shli %xor3A_805, %shift_left3A_808 : vector<200x128xi32>
    %shift_right_logical3A_810 = arith.constant 17 : i32
    %shift_right_logical3A_811 = vector.broadcast %shift_right_logical3A_810 : i32 to vector<200x128xi32>
    %shift_right_logical3A_812 = arith.shrui %xor3A_805, %shift_right_logical3A_811 : vector<200x128xi32>
    %or3A_813 = arith.ori %shift_left3A_809, %shift_right_logical3A_812 : vector<200x128xi32>
    %xor3A_814 = arith.xori %add3A_806, %or3A_813 : vector<200x128xi32>
    %add3A_815 = arith.addi %add3A_806, %xor3A_814 : vector<200x128xi32>
    %shift_left3A_816 = arith.constant 26 : i32
    %shift_left3A_817 = vector.broadcast %shift_left3A_816 : i32 to vector<200x128xi32>
    %shift_left3A_818 = arith.shli %xor3A_814, %shift_left3A_817 : vector<200x128xi32>
    %shift_right_logical3A_819 = arith.constant 6 : i32
    %shift_right_logical3A_820 = vector.broadcast %shift_right_logical3A_819 : i32 to vector<200x128xi32>
    %shift_right_logical3A_821 = arith.shrui %xor3A_814, %shift_right_logical3A_820 : vector<200x128xi32>
    %or3A_822 = arith.ori %shift_left3A_818, %shift_right_logical3A_821 : vector<200x128xi32>
    %xor3A_823 = arith.xori %add3A_815, %or3A_822 : vector<200x128xi32>
    %add3A_824 = arith.addi %add3A_815, %xor3A_823 : vector<200x128xi32>
    %shift_left3A_825 = arith.constant 6 : i32
    %shift_left3A_826 = vector.broadcast %shift_left3A_825 : i32 to vector<200x128xi32>
    %shift_left3A_827 = arith.shli %xor3A_823, %shift_left3A_826 : vector<200x128xi32>
    %shift_right_logical3A_828 = arith.constant 26 : i32
    %shift_right_logical3A_829 = vector.broadcast %shift_right_logical3A_828 : i32 to vector<200x128xi32>
    %shift_right_logical3A_830 = arith.shrui %xor3A_823, %shift_right_logical3A_829 : vector<200x128xi32>
    %or3A_831 = arith.ori %shift_left3A_827, %shift_right_logical3A_830 : vector<200x128xi32>
    %xor3A_832 = arith.xori %add3A_824, %or3A_831 : vector<200x128xi32>
    %add3A_833 = arith.addi %add3A_824, %add3A_462 : vector<200x128xi32>
    %add3A_834 = arith.addi %xor3A_832, %add3A_468 : vector<200x128xi32>
    %add3A_835 = arith.constant 3 : i32
    %add3A_836 = vector.broadcast %add3A_835 : i32 to vector<200x128xi32>
    %add3A_837 = arith.addi %add3A_834, %add3A_836 : vector<200x128xi32>
    %add3A_838 = arith.addi %add3A_833, %add3A_837 : vector<200x128xi32>
    %shift_left3A_839 = arith.constant 17 : i32
    %shift_left3A_840 = vector.broadcast %shift_left3A_839 : i32 to vector<200x128xi32>
    %shift_left3A_841 = arith.shli %add3A_837, %shift_left3A_840 : vector<200x128xi32>
    %shift_right_logical3A_842 = arith.constant 15 : i32
    %shift_right_logical3A_843 = vector.broadcast %shift_right_logical3A_842 : i32 to vector<200x128xi32>
    %shift_right_logical3A_844 = arith.shrui %add3A_837, %shift_right_logical3A_843 : vector<200x128xi32>
    %or3A_845 = arith.ori %shift_left3A_841, %shift_right_logical3A_844 : vector<200x128xi32>
    %xor3A_846 = arith.xori %add3A_838, %or3A_845 : vector<200x128xi32>
    %add3A_847 = arith.addi %add3A_838, %xor3A_846 : vector<200x128xi32>
    %shift_left3A_848 = arith.constant 29 : i32
    %shift_left3A_849 = vector.broadcast %shift_left3A_848 : i32 to vector<200x128xi32>
    %shift_left3A_850 = arith.shli %xor3A_846, %shift_left3A_849 : vector<200x128xi32>
    %shift_right_logical3A_851 = arith.constant 3 : i32
    %shift_right_logical3A_852 = vector.broadcast %shift_right_logical3A_851 : i32 to vector<200x128xi32>
    %shift_right_logical3A_853 = arith.shrui %xor3A_846, %shift_right_logical3A_852 : vector<200x128xi32>
    %or3A_854 = arith.ori %shift_left3A_850, %shift_right_logical3A_853 : vector<200x128xi32>
    %xor3A_855 = arith.xori %add3A_847, %or3A_854 : vector<200x128xi32>
    %add3A_856 = arith.addi %add3A_847, %xor3A_855 : vector<200x128xi32>
    %shift_left3A_857 = arith.constant 16 : i32
    %shift_left3A_858 = vector.broadcast %shift_left3A_857 : i32 to vector<200x128xi32>
    %shift_left3A_859 = arith.shli %xor3A_855, %shift_left3A_858 : vector<200x128xi32>
    %shift_right_logical3A_860 = arith.constant 16 : i32
    %shift_right_logical3A_861 = vector.broadcast %shift_right_logical3A_860 : i32 to vector<200x128xi32>
    %shift_right_logical3A_862 = arith.shrui %xor3A_855, %shift_right_logical3A_861 : vector<200x128xi32>
    %or3A_863 = arith.ori %shift_left3A_859, %shift_right_logical3A_862 : vector<200x128xi32>
    %xor3A_864 = arith.xori %add3A_856, %or3A_863 : vector<200x128xi32>
    %add3A_865 = arith.addi %add3A_856, %xor3A_864 : vector<200x128xi32>
    %shift_left3A_866 = arith.constant 24 : i32
    %shift_left3A_867 = vector.broadcast %shift_left3A_866 : i32 to vector<200x128xi32>
    %shift_left3A_868 = arith.shli %xor3A_864, %shift_left3A_867 : vector<200x128xi32>
    %shift_right_logical3A_869 = arith.constant 8 : i32
    %shift_right_logical3A_870 = vector.broadcast %shift_right_logical3A_869 : i32 to vector<200x128xi32>
    %shift_right_logical3A_871 = arith.shrui %xor3A_864, %shift_right_logical3A_870 : vector<200x128xi32>
    %or3A_872 = arith.ori %shift_left3A_868, %shift_right_logical3A_871 : vector<200x128xi32>
    %xor3A_873 = arith.xori %add3A_865, %or3A_872 : vector<200x128xi32>
    %add3A_874 = arith.addi %add3A_865, %add3A_468 : vector<200x128xi32>
    %add3A_875 = arith.addi %xor3A_873, %xor3A_708 : vector<200x128xi32>
    %add3A_876 = arith.constant 4 : i32
    %add3A_877 = vector.broadcast %add3A_876 : i32 to vector<200x128xi32>
    %add3A_878 = arith.addi %add3A_875, %add3A_877 : vector<200x128xi32>
    %add3A_879 = arith.addi %add3A_874, %add3A_878 : vector<200x128xi32>
    %shift_left3A_880 = arith.constant 13 : i32
    %shift_left3A_881 = vector.broadcast %shift_left3A_880 : i32 to vector<200x128xi32>
    %shift_left3A_882 = arith.shli %add3A_878, %shift_left3A_881 : vector<200x128xi32>
    %shift_right_logical3A_883 = arith.constant 19 : i32
    %shift_right_logical3A_884 = vector.broadcast %shift_right_logical3A_883 : i32 to vector<200x128xi32>
    %shift_right_logical3A_885 = arith.shrui %add3A_878, %shift_right_logical3A_884 : vector<200x128xi32>
    %or3A_886 = arith.ori %shift_left3A_882, %shift_right_logical3A_885 : vector<200x128xi32>
    %xor3A_887 = arith.xori %add3A_879, %or3A_886 : vector<200x128xi32>
    %add3A_888 = arith.addi %add3A_879, %xor3A_887 : vector<200x128xi32>
    %shift_left3A_889 = arith.constant 15 : i32
    %shift_left3A_890 = vector.broadcast %shift_left3A_889 : i32 to vector<200x128xi32>
    %shift_left3A_891 = arith.shli %xor3A_887, %shift_left3A_890 : vector<200x128xi32>
    %shift_right_logical3A_892 = arith.constant 17 : i32
    %shift_right_logical3A_893 = vector.broadcast %shift_right_logical3A_892 : i32 to vector<200x128xi32>
    %shift_right_logical3A_894 = arith.shrui %xor3A_887, %shift_right_logical3A_893 : vector<200x128xi32>
    %or3A_895 = arith.ori %shift_left3A_891, %shift_right_logical3A_894 : vector<200x128xi32>
    %xor3A_896 = arith.xori %add3A_888, %or3A_895 : vector<200x128xi32>
    %add3A_897 = arith.addi %add3A_888, %xor3A_896 : vector<200x128xi32>
    %shift_left3A_898 = arith.constant 26 : i32
    %shift_left3A_899 = vector.broadcast %shift_left3A_898 : i32 to vector<200x128xi32>
    %shift_left3A_900 = arith.shli %xor3A_896, %shift_left3A_899 : vector<200x128xi32>
    %shift_right_logical3A_901 = arith.constant 6 : i32
    %shift_right_logical3A_902 = vector.broadcast %shift_right_logical3A_901 : i32 to vector<200x128xi32>
    %shift_right_logical3A_903 = arith.shrui %xor3A_896, %shift_right_logical3A_902 : vector<200x128xi32>
    %or3A_904 = arith.ori %shift_left3A_900, %shift_right_logical3A_903 : vector<200x128xi32>
    %xor3A_905 = arith.xori %add3A_897, %or3A_904 : vector<200x128xi32>
    %add3A_906 = arith.addi %add3A_897, %xor3A_905 : vector<200x128xi32>
    %shift_left3A_907 = arith.constant 6 : i32
    %shift_left3A_908 = vector.broadcast %shift_left3A_907 : i32 to vector<200x128xi32>
    %shift_left3A_909 = arith.shli %xor3A_905, %shift_left3A_908 : vector<200x128xi32>
    %shift_right_logical3A_910 = arith.constant 26 : i32
    %shift_right_logical3A_911 = vector.broadcast %shift_right_logical3A_910 : i32 to vector<200x128xi32>
    %shift_right_logical3A_912 = arith.shrui %xor3A_905, %shift_right_logical3A_911 : vector<200x128xi32>
    %or3A_913 = arith.ori %shift_left3A_909, %shift_right_logical3A_912 : vector<200x128xi32>
    %xor3A_914 = arith.xori %add3A_906, %or3A_913 : vector<200x128xi32>
    %add3A_915 = arith.addi %add3A_906, %xor3A_708 : vector<200x128xi32>
    %add3A_916 = arith.addi %xor3A_914, %add3A_462 : vector<200x128xi32>
    %add3A_917 = arith.constant 5 : i32
    %add3A_918 = vector.broadcast %add3A_917 : i32 to vector<200x128xi32>
    %add3A_919 = arith.addi %add3A_916, %add3A_918 : vector<200x128xi32>
    %broadcast_in_dim3A_920 = arith.constant 1.000000e+00 : f32
    %broadcast_in_dim3A_921 = vector.broadcast %broadcast_in_dim3A_920 : f32 to vector<200x128xf32>
    %broadcast_in_dim3A_922 = arith.constant 1 : i32
    %broadcast_in_dim3A_923 = vector.broadcast %broadcast_in_dim3A_922 : i32 to vector<200x128xi32>
    %while3A_924:4 = scf.while (%while3A_935 = %add3A_915, %while3A_936 = %add3A_919, %while3A_937 = %broadcast_in_dim3A_921, %while3A_938 = %broadcast_in_dim3A_923) : (vector<200x128xi32>, vector<200x128xi32>, vector<200x128xf32>, vector<200x128xi32>) -> (vector<200x128xi32>, vector<200x128xi32>, vector<200x128xf32>, vector<200x128xi32>) {
      %ne3A = arith.constant 0 : i32
      %ne3A_939 = vector.broadcast %ne3A : i32 to vector<200x128xi32>
      %ne3A_940 = arith.cmpi ne, %while3A_938, %ne3A_939 : vector<200x128xi32>
      %reduce_or3A = arith.constant 1.000000e+00 : f32
      %reduce_or3A_941 = arith.constant 0.000000e+00 : f32
      %reduce_or3A_942 = vector.broadcast %reduce_or3A : f32 to vector<200x128xf32>
      %reduce_or3A_943 = vector.broadcast %reduce_or3A_941 : f32 to vector<200x128xf32>
      %reduce_or3A_944 = arith.select %ne3A_940, %reduce_or3A_942, %reduce_or3A_943 : vector<200x128xi1>, vector<200x128xf32>
      %reduce_or3A_945 = vector.shape_cast %reduce_or3A_944 : vector<200x128xf32> to vector<1x200x128xf32>
      %reduce_or3A_946 = arith.constant dense<0xFF800000> : vector<1xf32>
      %reduce_or3A_947 = vector.multi_reduction <maximumf>, %reduce_or3A_945, %reduce_or3A_946 [1, 2] : vector<1x200x128xf32> to vector<1xf32>
      %reduce_or3A_948 = vector.shape_cast %reduce_or3A_947 : vector<1xf32> to vector<1x1x1xf32>
      %reduce_or3A_949 = vector.extract %reduce_or3A_948[0, 0, 0] : f32 from vector<1x1x1xf32>
      %reduce_or3A_950 = arith.constant 0.000000e+00 : f32
      %reduce_or3A_951 = arith.cmpf ogt, %reduce_or3A_949, %reduce_or3A_950 : f32
      scf.condition(%reduce_or3A_951) %while3A_935, %while3A_936, %while3A_937, %while3A_938 : vector<200x128xi32>, vector<200x128xi32>, vector<200x128xf32>, vector<200x128xi32>
    } do {
    ^bb0(%while3A_935: vector<200x128xi32>, %while3A_936: vector<200x128xi32>, %while3A_937: vector<200x128xf32>, %while3A_938: vector<200x128xi32>):
      %ne3A = arith.constant 0 : i32
      %ne3A_939 = vector.broadcast %ne3A : i32 to vector<200x128xi32>
      %ne3A_940 = arith.cmpi ne, %while3A_938, %ne3A_939 : vector<200x128xi32>
      %xor3A_941 = arith.xori %while3A_935, %while3A_936 : vector<200x128xi32>
      %xor3A_942 = arith.constant 466688986 : i32
      %xor3A_943 = vector.broadcast %xor3A_942 : i32 to vector<200x128xi32>
      %xor3A_944 = arith.xori %xor3A_941, %xor3A_943 : vector<200x128xi32>
      %add3A_945 = arith.constant 0 : i32
      %add3A_946 = vector.broadcast %add3A_945 : i32 to vector<200x128xi32>
      %add3A_947 = arith.addi %add3A_946, %while3A_935 : vector<200x128xi32>
      %add3A_948 = arith.constant 0 : i32
      %add3A_949 = vector.broadcast %add3A_948 : i32 to vector<200x128xi32>
      %add3A_950 = arith.addi %add3A_949, %while3A_936 : vector<200x128xi32>
      %add3A_951 = arith.addi %add3A_947, %add3A_950 : vector<200x128xi32>
      %shift_left3A_952 = arith.constant 13 : i32
      %shift_left3A_953 = vector.broadcast %shift_left3A_952 : i32 to vector<200x128xi32>
      %shift_left3A_954 = arith.shli %add3A_950, %shift_left3A_953 : vector<200x128xi32>
      %shift_right_logical3A_955 = arith.constant 19 : i32
      %shift_right_logical3A_956 = vector.broadcast %shift_right_logical3A_955 : i32 to vector<200x128xi32>
      %shift_right_logical3A_957 = arith.shrui %add3A_950, %shift_right_logical3A_956 : vector<200x128xi32>
      %or3A_958 = arith.ori %shift_left3A_954, %shift_right_logical3A_957 : vector<200x128xi32>
      %xor3A_959 = arith.xori %add3A_951, %or3A_958 : vector<200x128xi32>
      %add3A_960 = arith.addi %add3A_951, %xor3A_959 : vector<200x128xi32>
      %shift_left3A_961 = arith.constant 15 : i32
      %shift_left3A_962 = vector.broadcast %shift_left3A_961 : i32 to vector<200x128xi32>
      %shift_left3A_963 = arith.shli %xor3A_959, %shift_left3A_962 : vector<200x128xi32>
      %shift_right_logical3A_964 = arith.constant 17 : i32
      %shift_right_logical3A_965 = vector.broadcast %shift_right_logical3A_964 : i32 to vector<200x128xi32>
      %shift_right_logical3A_966 = arith.shrui %xor3A_959, %shift_right_logical3A_965 : vector<200x128xi32>
      %or3A_967 = arith.ori %shift_left3A_963, %shift_right_logical3A_966 : vector<200x128xi32>
      %xor3A_968 = arith.xori %add3A_960, %or3A_967 : vector<200x128xi32>
      %add3A_969 = arith.addi %add3A_960, %xor3A_968 : vector<200x128xi32>
      %shift_left3A_970 = arith.constant 26 : i32
      %shift_left3A_971 = vector.broadcast %shift_left3A_970 : i32 to vector<200x128xi32>
      %shift_left3A_972 = arith.shli %xor3A_968, %shift_left3A_971 : vector<200x128xi32>
      %shift_right_logical3A_973 = arith.constant 6 : i32
      %shift_right_logical3A_974 = vector.broadcast %shift_right_logical3A_973 : i32 to vector<200x128xi32>
      %shift_right_logical3A_975 = arith.shrui %xor3A_968, %shift_right_logical3A_974 : vector<200x128xi32>
      %or3A_976 = arith.ori %shift_left3A_972, %shift_right_logical3A_975 : vector<200x128xi32>
      %xor3A_977 = arith.xori %add3A_969, %or3A_976 : vector<200x128xi32>
      %add3A_978 = arith.addi %add3A_969, %xor3A_977 : vector<200x128xi32>
      %shift_left3A_979 = arith.constant 6 : i32
      %shift_left3A_980 = vector.broadcast %shift_left3A_979 : i32 to vector<200x128xi32>
      %shift_left3A_981 = arith.shli %xor3A_977, %shift_left3A_980 : vector<200x128xi32>
      %shift_right_logical3A_982 = arith.constant 26 : i32
      %shift_right_logical3A_983 = vector.broadcast %shift_right_logical3A_982 : i32 to vector<200x128xi32>
      %shift_right_logical3A_984 = arith.shrui %xor3A_977, %shift_right_logical3A_983 : vector<200x128xi32>
      %or3A_985 = arith.ori %shift_left3A_981, %shift_right_logical3A_984 : vector<200x128xi32>
      %xor3A_986 = arith.xori %add3A_978, %or3A_985 : vector<200x128xi32>
      %add3A_987 = arith.addi %add3A_978, %while3A_936 : vector<200x128xi32>
      %add3A_988 = arith.addi %xor3A_986, %xor3A_944 : vector<200x128xi32>
      %add3A_989 = arith.constant 1 : i32
      %add3A_990 = vector.broadcast %add3A_989 : i32 to vector<200x128xi32>
      %add3A_991 = arith.addi %add3A_988, %add3A_990 : vector<200x128xi32>
      %add3A_992 = arith.addi %add3A_987, %add3A_991 : vector<200x128xi32>
      %shift_left3A_993 = arith.constant 17 : i32
      %shift_left3A_994 = vector.broadcast %shift_left3A_993 : i32 to vector<200x128xi32>
      %shift_left3A_995 = arith.shli %add3A_991, %shift_left3A_994 : vector<200x128xi32>
      %shift_right_logical3A_996 = arith.constant 15 : i32
      %shift_right_logical3A_997 = vector.broadcast %shift_right_logical3A_996 : i32 to vector<200x128xi32>
      %shift_right_logical3A_998 = arith.shrui %add3A_991, %shift_right_logical3A_997 : vector<200x128xi32>
      %or3A_999 = arith.ori %shift_left3A_995, %shift_right_logical3A_998 : vector<200x128xi32>
      %xor3A_1000 = arith.xori %add3A_992, %or3A_999 : vector<200x128xi32>
      %add3A_1001 = arith.addi %add3A_992, %xor3A_1000 : vector<200x128xi32>
      %shift_left3A_1002 = arith.constant 29 : i32
      %shift_left3A_1003 = vector.broadcast %shift_left3A_1002 : i32 to vector<200x128xi32>
      %shift_left3A_1004 = arith.shli %xor3A_1000, %shift_left3A_1003 : vector<200x128xi32>
      %shift_right_logical3A_1005 = arith.constant 3 : i32
      %shift_right_logical3A_1006 = vector.broadcast %shift_right_logical3A_1005 : i32 to vector<200x128xi32>
      %shift_right_logical3A_1007 = arith.shrui %xor3A_1000, %shift_right_logical3A_1006 : vector<200x128xi32>
      %or3A_1008 = arith.ori %shift_left3A_1004, %shift_right_logical3A_1007 : vector<200x128xi32>
      %xor3A_1009 = arith.xori %add3A_1001, %or3A_1008 : vector<200x128xi32>
      %add3A_1010 = arith.addi %add3A_1001, %xor3A_1009 : vector<200x128xi32>
      %shift_left3A_1011 = arith.constant 16 : i32
      %shift_left3A_1012 = vector.broadcast %shift_left3A_1011 : i32 to vector<200x128xi32>
      %shift_left3A_1013 = arith.shli %xor3A_1009, %shift_left3A_1012 : vector<200x128xi32>
      %shift_right_logical3A_1014 = arith.constant 16 : i32
      %shift_right_logical3A_1015 = vector.broadcast %shift_right_logical3A_1014 : i32 to vector<200x128xi32>
      %shift_right_logical3A_1016 = arith.shrui %xor3A_1009, %shift_right_logical3A_1015 : vector<200x128xi32>
      %or3A_1017 = arith.ori %shift_left3A_1013, %shift_right_logical3A_1016 : vector<200x128xi32>
      %xor3A_1018 = arith.xori %add3A_1010, %or3A_1017 : vector<200x128xi32>
      %add3A_1019 = arith.addi %add3A_1010, %xor3A_1018 : vector<200x128xi32>
      %shift_left3A_1020 = arith.constant 24 : i32
      %shift_left3A_1021 = vector.broadcast %shift_left3A_1020 : i32 to vector<200x128xi32>
      %shift_left3A_1022 = arith.shli %xor3A_1018, %shift_left3A_1021 : vector<200x128xi32>
      %shift_right_logical3A_1023 = arith.constant 8 : i32
      %shift_right_logical3A_1024 = vector.broadcast %shift_right_logical3A_1023 : i32 to vector<200x128xi32>
      %shift_right_logical3A_1025 = arith.shrui %xor3A_1018, %shift_right_logical3A_1024 : vector<200x128xi32>
      %or3A_1026 = arith.ori %shift_left3A_1022, %shift_right_logical3A_1025 : vector<200x128xi32>
      %xor3A_1027 = arith.xori %add3A_1019, %or3A_1026 : vector<200x128xi32>
      %add3A_1028 = arith.addi %add3A_1019, %xor3A_944 : vector<200x128xi32>
      %add3A_1029 = arith.addi %xor3A_1027, %while3A_935 : vector<200x128xi32>
      %add3A_1030 = arith.constant 2 : i32
      %add3A_1031 = vector.broadcast %add3A_1030 : i32 to vector<200x128xi32>
      %add3A_1032 = arith.addi %add3A_1029, %add3A_1031 : vector<200x128xi32>
      %add3A_1033 = arith.addi %add3A_1028, %add3A_1032 : vector<200x128xi32>
      %shift_left3A_1034 = arith.constant 13 : i32
      %shift_left3A_1035 = vector.broadcast %shift_left3A_1034 : i32 to vector<200x128xi32>
      %shift_left3A_1036 = arith.shli %add3A_1032, %shift_left3A_1035 : vector<200x128xi32>
      %shift_right_logical3A_1037 = arith.constant 19 : i32
      %shift_right_logical3A_1038 = vector.broadcast %shift_right_logical3A_1037 : i32 to vector<200x128xi32>
      %shift_right_logical3A_1039 = arith.shrui %add3A_1032, %shift_right_logical3A_1038 : vector<200x128xi32>
      %or3A_1040 = arith.ori %shift_left3A_1036, %shift_right_logical3A_1039 : vector<200x128xi32>
      %xor3A_1041 = arith.xori %add3A_1033, %or3A_1040 : vector<200x128xi32>
      %add3A_1042 = arith.addi %add3A_1033, %xor3A_1041 : vector<200x128xi32>
      %shift_left3A_1043 = arith.constant 15 : i32
      %shift_left3A_1044 = vector.broadcast %shift_left3A_1043 : i32 to vector<200x128xi32>
      %shift_left3A_1045 = arith.shli %xor3A_1041, %shift_left3A_1044 : vector<200x128xi32>
      %shift_right_logical3A_1046 = arith.constant 17 : i32
      %shift_right_logical3A_1047 = vector.broadcast %shift_right_logical3A_1046 : i32 to vector<200x128xi32>
      %shift_right_logical3A_1048 = arith.shrui %xor3A_1041, %shift_right_logical3A_1047 : vector<200x128xi32>
      %or3A_1049 = arith.ori %shift_left3A_1045, %shift_right_logical3A_1048 : vector<200x128xi32>
      %xor3A_1050 = arith.xori %add3A_1042, %or3A_1049 : vector<200x128xi32>
      %add3A_1051 = arith.addi %add3A_1042, %xor3A_1050 : vector<200x128xi32>
      %shift_left3A_1052 = arith.constant 26 : i32
      %shift_left3A_1053 = vector.broadcast %shift_left3A_1052 : i32 to vector<200x128xi32>
      %shift_left3A_1054 = arith.shli %xor3A_1050, %shift_left3A_1053 : vector<200x128xi32>
      %shift_right_logical3A_1055 = arith.constant 6 : i32
      %shift_right_logical3A_1056 = vector.broadcast %shift_right_logical3A_1055 : i32 to vector<200x128xi32>
      %shift_right_logical3A_1057 = arith.shrui %xor3A_1050, %shift_right_logical3A_1056 : vector<200x128xi32>
      %or3A_1058 = arith.ori %shift_left3A_1054, %shift_right_logical3A_1057 : vector<200x128xi32>
      %xor3A_1059 = arith.xori %add3A_1051, %or3A_1058 : vector<200x128xi32>
      %add3A_1060 = arith.addi %add3A_1051, %xor3A_1059 : vector<200x128xi32>
      %shift_left3A_1061 = arith.constant 6 : i32
      %shift_left3A_1062 = vector.broadcast %shift_left3A_1061 : i32 to vector<200x128xi32>
      %shift_left3A_1063 = arith.shli %xor3A_1059, %shift_left3A_1062 : vector<200x128xi32>
      %shift_right_logical3A_1064 = arith.constant 26 : i32
      %shift_right_logical3A_1065 = vector.broadcast %shift_right_logical3A_1064 : i32 to vector<200x128xi32>
      %shift_right_logical3A_1066 = arith.shrui %xor3A_1059, %shift_right_logical3A_1065 : vector<200x128xi32>
      %or3A_1067 = arith.ori %shift_left3A_1063, %shift_right_logical3A_1066 : vector<200x128xi32>
      %xor3A_1068 = arith.xori %add3A_1060, %or3A_1067 : vector<200x128xi32>
      %add3A_1069 = arith.addi %add3A_1060, %while3A_935 : vector<200x128xi32>
      %add3A_1070 = arith.addi %xor3A_1068, %while3A_936 : vector<200x128xi32>
      %add3A_1071 = arith.constant 3 : i32
      %add3A_1072 = vector.broadcast %add3A_1071 : i32 to vector<200x128xi32>
      %add3A_1073 = arith.addi %add3A_1070, %add3A_1072 : vector<200x128xi32>
      %add3A_1074 = arith.addi %add3A_1069, %add3A_1073 : vector<200x128xi32>
      %shift_left3A_1075 = arith.constant 17 : i32
      %shift_left3A_1076 = vector.broadcast %shift_left3A_1075 : i32 to vector<200x128xi32>
      %shift_left3A_1077 = arith.shli %add3A_1073, %shift_left3A_1076 : vector<200x128xi32>
      %shift_right_logical3A_1078 = arith.constant 15 : i32
      %shift_right_logical3A_1079 = vector.broadcast %shift_right_logical3A_1078 : i32 to vector<200x128xi32>
      %shift_right_logical3A_1080 = arith.shrui %add3A_1073, %shift_right_logical3A_1079 : vector<200x128xi32>
      %or3A_1081 = arith.ori %shift_left3A_1077, %shift_right_logical3A_1080 : vector<200x128xi32>
      %xor3A_1082 = arith.xori %add3A_1074, %or3A_1081 : vector<200x128xi32>
      %add3A_1083 = arith.addi %add3A_1074, %xor3A_1082 : vector<200x128xi32>
      %shift_left3A_1084 = arith.constant 29 : i32
      %shift_left3A_1085 = vector.broadcast %shift_left3A_1084 : i32 to vector<200x128xi32>
      %shift_left3A_1086 = arith.shli %xor3A_1082, %shift_left3A_1085 : vector<200x128xi32>
      %shift_right_logical3A_1087 = arith.constant 3 : i32
      %shift_right_logical3A_1088 = vector.broadcast %shift_right_logical3A_1087 : i32 to vector<200x128xi32>
      %shift_right_logical3A_1089 = arith.shrui %xor3A_1082, %shift_right_logical3A_1088 : vector<200x128xi32>
      %or3A_1090 = arith.ori %shift_left3A_1086, %shift_right_logical3A_1089 : vector<200x128xi32>
      %xor3A_1091 = arith.xori %add3A_1083, %or3A_1090 : vector<200x128xi32>
      %add3A_1092 = arith.addi %add3A_1083, %xor3A_1091 : vector<200x128xi32>
      %shift_left3A_1093 = arith.constant 16 : i32
      %shift_left3A_1094 = vector.broadcast %shift_left3A_1093 : i32 to vector<200x128xi32>
      %shift_left3A_1095 = arith.shli %xor3A_1091, %shift_left3A_1094 : vector<200x128xi32>
      %shift_right_logical3A_1096 = arith.constant 16 : i32
      %shift_right_logical3A_1097 = vector.broadcast %shift_right_logical3A_1096 : i32 to vector<200x128xi32>
      %shift_right_logical3A_1098 = arith.shrui %xor3A_1091, %shift_right_logical3A_1097 : vector<200x128xi32>
      %or3A_1099 = arith.ori %shift_left3A_1095, %shift_right_logical3A_1098 : vector<200x128xi32>
      %xor3A_1100 = arith.xori %add3A_1092, %or3A_1099 : vector<200x128xi32>
      %add3A_1101 = arith.addi %add3A_1092, %xor3A_1100 : vector<200x128xi32>
      %shift_left3A_1102 = arith.constant 24 : i32
      %shift_left3A_1103 = vector.broadcast %shift_left3A_1102 : i32 to vector<200x128xi32>
      %shift_left3A_1104 = arith.shli %xor3A_1100, %shift_left3A_1103 : vector<200x128xi32>
      %shift_right_logical3A_1105 = arith.constant 8 : i32
      %shift_right_logical3A_1106 = vector.broadcast %shift_right_logical3A_1105 : i32 to vector<200x128xi32>
      %shift_right_logical3A_1107 = arith.shrui %xor3A_1100, %shift_right_logical3A_1106 : vector<200x128xi32>
      %or3A_1108 = arith.ori %shift_left3A_1104, %shift_right_logical3A_1107 : vector<200x128xi32>
      %xor3A_1109 = arith.xori %add3A_1101, %or3A_1108 : vector<200x128xi32>
      %add3A_1110 = arith.addi %add3A_1101, %while3A_936 : vector<200x128xi32>
      %add3A_1111 = arith.addi %xor3A_1109, %xor3A_944 : vector<200x128xi32>
      %add3A_1112 = arith.constant 4 : i32
      %add3A_1113 = vector.broadcast %add3A_1112 : i32 to vector<200x128xi32>
      %add3A_1114 = arith.addi %add3A_1111, %add3A_1113 : vector<200x128xi32>
      %add3A_1115 = arith.addi %add3A_1110, %add3A_1114 : vector<200x128xi32>
      %shift_left3A_1116 = arith.constant 13 : i32
      %shift_left3A_1117 = vector.broadcast %shift_left3A_1116 : i32 to vector<200x128xi32>
      %shift_left3A_1118 = arith.shli %add3A_1114, %shift_left3A_1117 : vector<200x128xi32>
      %shift_right_logical3A_1119 = arith.constant 19 : i32
      %shift_right_logical3A_1120 = vector.broadcast %shift_right_logical3A_1119 : i32 to vector<200x128xi32>
      %shift_right_logical3A_1121 = arith.shrui %add3A_1114, %shift_right_logical3A_1120 : vector<200x128xi32>
      %or3A_1122 = arith.ori %shift_left3A_1118, %shift_right_logical3A_1121 : vector<200x128xi32>
      %xor3A_1123 = arith.xori %add3A_1115, %or3A_1122 : vector<200x128xi32>
      %add3A_1124 = arith.addi %add3A_1115, %xor3A_1123 : vector<200x128xi32>
      %shift_left3A_1125 = arith.constant 15 : i32
      %shift_left3A_1126 = vector.broadcast %shift_left3A_1125 : i32 to vector<200x128xi32>
      %shift_left3A_1127 = arith.shli %xor3A_1123, %shift_left3A_1126 : vector<200x128xi32>
      %shift_right_logical3A_1128 = arith.constant 17 : i32
      %shift_right_logical3A_1129 = vector.broadcast %shift_right_logical3A_1128 : i32 to vector<200x128xi32>
      %shift_right_logical3A_1130 = arith.shrui %xor3A_1123, %shift_right_logical3A_1129 : vector<200x128xi32>
      %or3A_1131 = arith.ori %shift_left3A_1127, %shift_right_logical3A_1130 : vector<200x128xi32>
      %xor3A_1132 = arith.xori %add3A_1124, %or3A_1131 : vector<200x128xi32>
      %add3A_1133 = arith.addi %add3A_1124, %xor3A_1132 : vector<200x128xi32>
      %shift_left3A_1134 = arith.constant 26 : i32
      %shift_left3A_1135 = vector.broadcast %shift_left3A_1134 : i32 to vector<200x128xi32>
      %shift_left3A_1136 = arith.shli %xor3A_1132, %shift_left3A_1135 : vector<200x128xi32>
      %shift_right_logical3A_1137 = arith.constant 6 : i32
      %shift_right_logical3A_1138 = vector.broadcast %shift_right_logical3A_1137 : i32 to vector<200x128xi32>
      %shift_right_logical3A_1139 = arith.shrui %xor3A_1132, %shift_right_logical3A_1138 : vector<200x128xi32>
      %or3A_1140 = arith.ori %shift_left3A_1136, %shift_right_logical3A_1139 : vector<200x128xi32>
      %xor3A_1141 = arith.xori %add3A_1133, %or3A_1140 : vector<200x128xi32>
      %add3A_1142 = arith.addi %add3A_1133, %xor3A_1141 : vector<200x128xi32>
      %shift_left3A_1143 = arith.constant 6 : i32
      %shift_left3A_1144 = vector.broadcast %shift_left3A_1143 : i32 to vector<200x128xi32>
      %shift_left3A_1145 = arith.shli %xor3A_1141, %shift_left3A_1144 : vector<200x128xi32>
      %shift_right_logical3A_1146 = arith.constant 26 : i32
      %shift_right_logical3A_1147 = vector.broadcast %shift_right_logical3A_1146 : i32 to vector<200x128xi32>
      %shift_right_logical3A_1148 = arith.shrui %xor3A_1141, %shift_right_logical3A_1147 : vector<200x128xi32>
      %or3A_1149 = arith.ori %shift_left3A_1145, %shift_right_logical3A_1148 : vector<200x128xi32>
      %xor3A_1150 = arith.xori %add3A_1142, %or3A_1149 : vector<200x128xi32>
      %add3A_1151 = arith.addi %add3A_1142, %xor3A_944 : vector<200x128xi32>
      %add3A_1152 = arith.addi %xor3A_1150, %while3A_935 : vector<200x128xi32>
      %add3A_1153 = arith.constant 5 : i32
      %add3A_1154 = vector.broadcast %add3A_1153 : i32 to vector<200x128xi32>
      %add3A_1155 = arith.addi %add3A_1152, %add3A_1154 : vector<200x128xi32>
      %xor3A_1156 = arith.xori %while3A_935, %while3A_936 : vector<200x128xi32>
      %xor3A_1157 = arith.constant 466688986 : i32
      %xor3A_1158 = vector.broadcast %xor3A_1157 : i32 to vector<200x128xi32>
      %xor3A_1159 = arith.xori %xor3A_1156, %xor3A_1158 : vector<200x128xi32>
      %add3A_1160 = arith.constant 0 : i32
      %add3A_1161 = vector.broadcast %add3A_1160 : i32 to vector<200x128xi32>
      %add3A_1162 = arith.addi %add3A_1161, %while3A_935 : vector<200x128xi32>
      %add3A_1163 = arith.constant 1 : i32
      %add3A_1164 = vector.broadcast %add3A_1163 : i32 to vector<200x128xi32>
      %add3A_1165 = arith.addi %add3A_1164, %while3A_936 : vector<200x128xi32>
      %add3A_1166 = arith.addi %add3A_1162, %add3A_1165 : vector<200x128xi32>
      %shift_left3A_1167 = arith.constant 13 : i32
      %shift_left3A_1168 = vector.broadcast %shift_left3A_1167 : i32 to vector<200x128xi32>
      %shift_left3A_1169 = arith.shli %add3A_1165, %shift_left3A_1168 : vector<200x128xi32>
      %shift_right_logical3A_1170 = arith.constant 19 : i32
      %shift_right_logical3A_1171 = vector.broadcast %shift_right_logical3A_1170 : i32 to vector<200x128xi32>
      %shift_right_logical3A_1172 = arith.shrui %add3A_1165, %shift_right_logical3A_1171 : vector<200x128xi32>
      %or3A_1173 = arith.ori %shift_left3A_1169, %shift_right_logical3A_1172 : vector<200x128xi32>
      %xor3A_1174 = arith.xori %add3A_1166, %or3A_1173 : vector<200x128xi32>
      %add3A_1175 = arith.addi %add3A_1166, %xor3A_1174 : vector<200x128xi32>
      %shift_left3A_1176 = arith.constant 15 : i32
      %shift_left3A_1177 = vector.broadcast %shift_left3A_1176 : i32 to vector<200x128xi32>
      %shift_left3A_1178 = arith.shli %xor3A_1174, %shift_left3A_1177 : vector<200x128xi32>
      %shift_right_logical3A_1179 = arith.constant 17 : i32
      %shift_right_logical3A_1180 = vector.broadcast %shift_right_logical3A_1179 : i32 to vector<200x128xi32>
      %shift_right_logical3A_1181 = arith.shrui %xor3A_1174, %shift_right_logical3A_1180 : vector<200x128xi32>
      %or3A_1182 = arith.ori %shift_left3A_1178, %shift_right_logical3A_1181 : vector<200x128xi32>
      %xor3A_1183 = arith.xori %add3A_1175, %or3A_1182 : vector<200x128xi32>
      %add3A_1184 = arith.addi %add3A_1175, %xor3A_1183 : vector<200x128xi32>
      %shift_left3A_1185 = arith.constant 26 : i32
      %shift_left3A_1186 = vector.broadcast %shift_left3A_1185 : i32 to vector<200x128xi32>
      %shift_left3A_1187 = arith.shli %xor3A_1183, %shift_left3A_1186 : vector<200x128xi32>
      %shift_right_logical3A_1188 = arith.constant 6 : i32
      %shift_right_logical3A_1189 = vector.broadcast %shift_right_logical3A_1188 : i32 to vector<200x128xi32>
      %shift_right_logical3A_1190 = arith.shrui %xor3A_1183, %shift_right_logical3A_1189 : vector<200x128xi32>
      %or3A_1191 = arith.ori %shift_left3A_1187, %shift_right_logical3A_1190 : vector<200x128xi32>
      %xor3A_1192 = arith.xori %add3A_1184, %or3A_1191 : vector<200x128xi32>
      %add3A_1193 = arith.addi %add3A_1184, %xor3A_1192 : vector<200x128xi32>
      %shift_left3A_1194 = arith.constant 6 : i32
      %shift_left3A_1195 = vector.broadcast %shift_left3A_1194 : i32 to vector<200x128xi32>
      %shift_left3A_1196 = arith.shli %xor3A_1192, %shift_left3A_1195 : vector<200x128xi32>
      %shift_right_logical3A_1197 = arith.constant 26 : i32
      %shift_right_logical3A_1198 = vector.broadcast %shift_right_logical3A_1197 : i32 to vector<200x128xi32>
      %shift_right_logical3A_1199 = arith.shrui %xor3A_1192, %shift_right_logical3A_1198 : vector<200x128xi32>
      %or3A_1200 = arith.ori %shift_left3A_1196, %shift_right_logical3A_1199 : vector<200x128xi32>
      %xor3A_1201 = arith.xori %add3A_1193, %or3A_1200 : vector<200x128xi32>
      %add3A_1202 = arith.addi %add3A_1193, %while3A_936 : vector<200x128xi32>
      %add3A_1203 = arith.addi %xor3A_1201, %xor3A_1159 : vector<200x128xi32>
      %add3A_1204 = arith.constant 1 : i32
      %add3A_1205 = vector.broadcast %add3A_1204 : i32 to vector<200x128xi32>
      %add3A_1206 = arith.addi %add3A_1203, %add3A_1205 : vector<200x128xi32>
      %add3A_1207 = arith.addi %add3A_1202, %add3A_1206 : vector<200x128xi32>
      %shift_left3A_1208 = arith.constant 17 : i32
      %shift_left3A_1209 = vector.broadcast %shift_left3A_1208 : i32 to vector<200x128xi32>
      %shift_left3A_1210 = arith.shli %add3A_1206, %shift_left3A_1209 : vector<200x128xi32>
      %shift_right_logical3A_1211 = arith.constant 15 : i32
      %shift_right_logical3A_1212 = vector.broadcast %shift_right_logical3A_1211 : i32 to vector<200x128xi32>
      %shift_right_logical3A_1213 = arith.shrui %add3A_1206, %shift_right_logical3A_1212 : vector<200x128xi32>
      %or3A_1214 = arith.ori %shift_left3A_1210, %shift_right_logical3A_1213 : vector<200x128xi32>
      %xor3A_1215 = arith.xori %add3A_1207, %or3A_1214 : vector<200x128xi32>
      %add3A_1216 = arith.addi %add3A_1207, %xor3A_1215 : vector<200x128xi32>
      %shift_left3A_1217 = arith.constant 29 : i32
      %shift_left3A_1218 = vector.broadcast %shift_left3A_1217 : i32 to vector<200x128xi32>
      %shift_left3A_1219 = arith.shli %xor3A_1215, %shift_left3A_1218 : vector<200x128xi32>
      %shift_right_logical3A_1220 = arith.constant 3 : i32
      %shift_right_logical3A_1221 = vector.broadcast %shift_right_logical3A_1220 : i32 to vector<200x128xi32>
      %shift_right_logical3A_1222 = arith.shrui %xor3A_1215, %shift_right_logical3A_1221 : vector<200x128xi32>
      %or3A_1223 = arith.ori %shift_left3A_1219, %shift_right_logical3A_1222 : vector<200x128xi32>
      %xor3A_1224 = arith.xori %add3A_1216, %or3A_1223 : vector<200x128xi32>
      %add3A_1225 = arith.addi %add3A_1216, %xor3A_1224 : vector<200x128xi32>
      %shift_left3A_1226 = arith.constant 16 : i32
      %shift_left3A_1227 = vector.broadcast %shift_left3A_1226 : i32 to vector<200x128xi32>
      %shift_left3A_1228 = arith.shli %xor3A_1224, %shift_left3A_1227 : vector<200x128xi32>
      %shift_right_logical3A_1229 = arith.constant 16 : i32
      %shift_right_logical3A_1230 = vector.broadcast %shift_right_logical3A_1229 : i32 to vector<200x128xi32>
      %shift_right_logical3A_1231 = arith.shrui %xor3A_1224, %shift_right_logical3A_1230 : vector<200x128xi32>
      %or3A_1232 = arith.ori %shift_left3A_1228, %shift_right_logical3A_1231 : vector<200x128xi32>
      %xor3A_1233 = arith.xori %add3A_1225, %or3A_1232 : vector<200x128xi32>
      %add3A_1234 = arith.addi %add3A_1225, %xor3A_1233 : vector<200x128xi32>
      %shift_left3A_1235 = arith.constant 24 : i32
      %shift_left3A_1236 = vector.broadcast %shift_left3A_1235 : i32 to vector<200x128xi32>
      %shift_left3A_1237 = arith.shli %xor3A_1233, %shift_left3A_1236 : vector<200x128xi32>
      %shift_right_logical3A_1238 = arith.constant 8 : i32
      %shift_right_logical3A_1239 = vector.broadcast %shift_right_logical3A_1238 : i32 to vector<200x128xi32>
      %shift_right_logical3A_1240 = arith.shrui %xor3A_1233, %shift_right_logical3A_1239 : vector<200x128xi32>
      %or3A_1241 = arith.ori %shift_left3A_1237, %shift_right_logical3A_1240 : vector<200x128xi32>
      %xor3A_1242 = arith.xori %add3A_1234, %or3A_1241 : vector<200x128xi32>
      %add3A_1243 = arith.addi %add3A_1234, %xor3A_1159 : vector<200x128xi32>
      %add3A_1244 = arith.addi %xor3A_1242, %while3A_935 : vector<200x128xi32>
      %add3A_1245 = arith.constant 2 : i32
      %add3A_1246 = vector.broadcast %add3A_1245 : i32 to vector<200x128xi32>
      %add3A_1247 = arith.addi %add3A_1244, %add3A_1246 : vector<200x128xi32>
      %add3A_1248 = arith.addi %add3A_1243, %add3A_1247 : vector<200x128xi32>
      %shift_left3A_1249 = arith.constant 13 : i32
      %shift_left3A_1250 = vector.broadcast %shift_left3A_1249 : i32 to vector<200x128xi32>
      %shift_left3A_1251 = arith.shli %add3A_1247, %shift_left3A_1250 : vector<200x128xi32>
      %shift_right_logical3A_1252 = arith.constant 19 : i32
      %shift_right_logical3A_1253 = vector.broadcast %shift_right_logical3A_1252 : i32 to vector<200x128xi32>
      %shift_right_logical3A_1254 = arith.shrui %add3A_1247, %shift_right_logical3A_1253 : vector<200x128xi32>
      %or3A_1255 = arith.ori %shift_left3A_1251, %shift_right_logical3A_1254 : vector<200x128xi32>
      %xor3A_1256 = arith.xori %add3A_1248, %or3A_1255 : vector<200x128xi32>
      %add3A_1257 = arith.addi %add3A_1248, %xor3A_1256 : vector<200x128xi32>
      %shift_left3A_1258 = arith.constant 15 : i32
      %shift_left3A_1259 = vector.broadcast %shift_left3A_1258 : i32 to vector<200x128xi32>
      %shift_left3A_1260 = arith.shli %xor3A_1256, %shift_left3A_1259 : vector<200x128xi32>
      %shift_right_logical3A_1261 = arith.constant 17 : i32
      %shift_right_logical3A_1262 = vector.broadcast %shift_right_logical3A_1261 : i32 to vector<200x128xi32>
      %shift_right_logical3A_1263 = arith.shrui %xor3A_1256, %shift_right_logical3A_1262 : vector<200x128xi32>
      %or3A_1264 = arith.ori %shift_left3A_1260, %shift_right_logical3A_1263 : vector<200x128xi32>
      %xor3A_1265 = arith.xori %add3A_1257, %or3A_1264 : vector<200x128xi32>
      %add3A_1266 = arith.addi %add3A_1257, %xor3A_1265 : vector<200x128xi32>
      %shift_left3A_1267 = arith.constant 26 : i32
      %shift_left3A_1268 = vector.broadcast %shift_left3A_1267 : i32 to vector<200x128xi32>
      %shift_left3A_1269 = arith.shli %xor3A_1265, %shift_left3A_1268 : vector<200x128xi32>
      %shift_right_logical3A_1270 = arith.constant 6 : i32
      %shift_right_logical3A_1271 = vector.broadcast %shift_right_logical3A_1270 : i32 to vector<200x128xi32>
      %shift_right_logical3A_1272 = arith.shrui %xor3A_1265, %shift_right_logical3A_1271 : vector<200x128xi32>
      %or3A_1273 = arith.ori %shift_left3A_1269, %shift_right_logical3A_1272 : vector<200x128xi32>
      %xor3A_1274 = arith.xori %add3A_1266, %or3A_1273 : vector<200x128xi32>
      %add3A_1275 = arith.addi %add3A_1266, %xor3A_1274 : vector<200x128xi32>
      %shift_left3A_1276 = arith.constant 6 : i32
      %shift_left3A_1277 = vector.broadcast %shift_left3A_1276 : i32 to vector<200x128xi32>
      %shift_left3A_1278 = arith.shli %xor3A_1274, %shift_left3A_1277 : vector<200x128xi32>
      %shift_right_logical3A_1279 = arith.constant 26 : i32
      %shift_right_logical3A_1280 = vector.broadcast %shift_right_logical3A_1279 : i32 to vector<200x128xi32>
      %shift_right_logical3A_1281 = arith.shrui %xor3A_1274, %shift_right_logical3A_1280 : vector<200x128xi32>
      %or3A_1282 = arith.ori %shift_left3A_1278, %shift_right_logical3A_1281 : vector<200x128xi32>
      %xor3A_1283 = arith.xori %add3A_1275, %or3A_1282 : vector<200x128xi32>
      %add3A_1284 = arith.addi %add3A_1275, %while3A_935 : vector<200x128xi32>
      %add3A_1285 = arith.addi %xor3A_1283, %while3A_936 : vector<200x128xi32>
      %add3A_1286 = arith.constant 3 : i32
      %add3A_1287 = vector.broadcast %add3A_1286 : i32 to vector<200x128xi32>
      %add3A_1288 = arith.addi %add3A_1285, %add3A_1287 : vector<200x128xi32>
      %add3A_1289 = arith.addi %add3A_1284, %add3A_1288 : vector<200x128xi32>
      %shift_left3A_1290 = arith.constant 17 : i32
      %shift_left3A_1291 = vector.broadcast %shift_left3A_1290 : i32 to vector<200x128xi32>
      %shift_left3A_1292 = arith.shli %add3A_1288, %shift_left3A_1291 : vector<200x128xi32>
      %shift_right_logical3A_1293 = arith.constant 15 : i32
      %shift_right_logical3A_1294 = vector.broadcast %shift_right_logical3A_1293 : i32 to vector<200x128xi32>
      %shift_right_logical3A_1295 = arith.shrui %add3A_1288, %shift_right_logical3A_1294 : vector<200x128xi32>
      %or3A_1296 = arith.ori %shift_left3A_1292, %shift_right_logical3A_1295 : vector<200x128xi32>
      %xor3A_1297 = arith.xori %add3A_1289, %or3A_1296 : vector<200x128xi32>
      %add3A_1298 = arith.addi %add3A_1289, %xor3A_1297 : vector<200x128xi32>
      %shift_left3A_1299 = arith.constant 29 : i32
      %shift_left3A_1300 = vector.broadcast %shift_left3A_1299 : i32 to vector<200x128xi32>
      %shift_left3A_1301 = arith.shli %xor3A_1297, %shift_left3A_1300 : vector<200x128xi32>
      %shift_right_logical3A_1302 = arith.constant 3 : i32
      %shift_right_logical3A_1303 = vector.broadcast %shift_right_logical3A_1302 : i32 to vector<200x128xi32>
      %shift_right_logical3A_1304 = arith.shrui %xor3A_1297, %shift_right_logical3A_1303 : vector<200x128xi32>
      %or3A_1305 = arith.ori %shift_left3A_1301, %shift_right_logical3A_1304 : vector<200x128xi32>
      %xor3A_1306 = arith.xori %add3A_1298, %or3A_1305 : vector<200x128xi32>
      %add3A_1307 = arith.addi %add3A_1298, %xor3A_1306 : vector<200x128xi32>
      %shift_left3A_1308 = arith.constant 16 : i32
      %shift_left3A_1309 = vector.broadcast %shift_left3A_1308 : i32 to vector<200x128xi32>
      %shift_left3A_1310 = arith.shli %xor3A_1306, %shift_left3A_1309 : vector<200x128xi32>
      %shift_right_logical3A_1311 = arith.constant 16 : i32
      %shift_right_logical3A_1312 = vector.broadcast %shift_right_logical3A_1311 : i32 to vector<200x128xi32>
      %shift_right_logical3A_1313 = arith.shrui %xor3A_1306, %shift_right_logical3A_1312 : vector<200x128xi32>
      %or3A_1314 = arith.ori %shift_left3A_1310, %shift_right_logical3A_1313 : vector<200x128xi32>
      %xor3A_1315 = arith.xori %add3A_1307, %or3A_1314 : vector<200x128xi32>
      %add3A_1316 = arith.addi %add3A_1307, %xor3A_1315 : vector<200x128xi32>
      %shift_left3A_1317 = arith.constant 24 : i32
      %shift_left3A_1318 = vector.broadcast %shift_left3A_1317 : i32 to vector<200x128xi32>
      %shift_left3A_1319 = arith.shli %xor3A_1315, %shift_left3A_1318 : vector<200x128xi32>
      %shift_right_logical3A_1320 = arith.constant 8 : i32
      %shift_right_logical3A_1321 = vector.broadcast %shift_right_logical3A_1320 : i32 to vector<200x128xi32>
      %shift_right_logical3A_1322 = arith.shrui %xor3A_1315, %shift_right_logical3A_1321 : vector<200x128xi32>
      %or3A_1323 = arith.ori %shift_left3A_1319, %shift_right_logical3A_1322 : vector<200x128xi32>
      %xor3A_1324 = arith.xori %add3A_1316, %or3A_1323 : vector<200x128xi32>
      %add3A_1325 = arith.addi %add3A_1316, %while3A_936 : vector<200x128xi32>
      %add3A_1326 = arith.addi %xor3A_1324, %xor3A_1159 : vector<200x128xi32>
      %add3A_1327 = arith.constant 4 : i32
      %add3A_1328 = vector.broadcast %add3A_1327 : i32 to vector<200x128xi32>
      %add3A_1329 = arith.addi %add3A_1326, %add3A_1328 : vector<200x128xi32>
      %add3A_1330 = arith.addi %add3A_1325, %add3A_1329 : vector<200x128xi32>
      %shift_left3A_1331 = arith.constant 13 : i32
      %shift_left3A_1332 = vector.broadcast %shift_left3A_1331 : i32 to vector<200x128xi32>
      %shift_left3A_1333 = arith.shli %add3A_1329, %shift_left3A_1332 : vector<200x128xi32>
      %shift_right_logical3A_1334 = arith.constant 19 : i32
      %shift_right_logical3A_1335 = vector.broadcast %shift_right_logical3A_1334 : i32 to vector<200x128xi32>
      %shift_right_logical3A_1336 = arith.shrui %add3A_1329, %shift_right_logical3A_1335 : vector<200x128xi32>
      %or3A_1337 = arith.ori %shift_left3A_1333, %shift_right_logical3A_1336 : vector<200x128xi32>
      %xor3A_1338 = arith.xori %add3A_1330, %or3A_1337 : vector<200x128xi32>
      %add3A_1339 = arith.addi %add3A_1330, %xor3A_1338 : vector<200x128xi32>
      %shift_left3A_1340 = arith.constant 15 : i32
      %shift_left3A_1341 = vector.broadcast %shift_left3A_1340 : i32 to vector<200x128xi32>
      %shift_left3A_1342 = arith.shli %xor3A_1338, %shift_left3A_1341 : vector<200x128xi32>
      %shift_right_logical3A_1343 = arith.constant 17 : i32
      %shift_right_logical3A_1344 = vector.broadcast %shift_right_logical3A_1343 : i32 to vector<200x128xi32>
      %shift_right_logical3A_1345 = arith.shrui %xor3A_1338, %shift_right_logical3A_1344 : vector<200x128xi32>
      %or3A_1346 = arith.ori %shift_left3A_1342, %shift_right_logical3A_1345 : vector<200x128xi32>
      %xor3A_1347 = arith.xori %add3A_1339, %or3A_1346 : vector<200x128xi32>
      %add3A_1348 = arith.addi %add3A_1339, %xor3A_1347 : vector<200x128xi32>
      %shift_left3A_1349 = arith.constant 26 : i32
      %shift_left3A_1350 = vector.broadcast %shift_left3A_1349 : i32 to vector<200x128xi32>
      %shift_left3A_1351 = arith.shli %xor3A_1347, %shift_left3A_1350 : vector<200x128xi32>
      %shift_right_logical3A_1352 = arith.constant 6 : i32
      %shift_right_logical3A_1353 = vector.broadcast %shift_right_logical3A_1352 : i32 to vector<200x128xi32>
      %shift_right_logical3A_1354 = arith.shrui %xor3A_1347, %shift_right_logical3A_1353 : vector<200x128xi32>
      %or3A_1355 = arith.ori %shift_left3A_1351, %shift_right_logical3A_1354 : vector<200x128xi32>
      %xor3A_1356 = arith.xori %add3A_1348, %or3A_1355 : vector<200x128xi32>
      %add3A_1357 = arith.addi %add3A_1348, %xor3A_1356 : vector<200x128xi32>
      %shift_left3A_1358 = arith.constant 6 : i32
      %shift_left3A_1359 = vector.broadcast %shift_left3A_1358 : i32 to vector<200x128xi32>
      %shift_left3A_1360 = arith.shli %xor3A_1356, %shift_left3A_1359 : vector<200x128xi32>
      %shift_right_logical3A_1361 = arith.constant 26 : i32
      %shift_right_logical3A_1362 = vector.broadcast %shift_right_logical3A_1361 : i32 to vector<200x128xi32>
      %shift_right_logical3A_1363 = arith.shrui %xor3A_1356, %shift_right_logical3A_1362 : vector<200x128xi32>
      %or3A_1364 = arith.ori %shift_left3A_1360, %shift_right_logical3A_1363 : vector<200x128xi32>
      %xor3A_1365 = arith.xori %add3A_1357, %or3A_1364 : vector<200x128xi32>
      %add3A_1366 = arith.addi %add3A_1357, %xor3A_1159 : vector<200x128xi32>
      %add3A_1367 = arith.addi %xor3A_1365, %while3A_935 : vector<200x128xi32>
      %add3A_1368 = arith.constant 5 : i32
      %add3A_1369 = vector.broadcast %add3A_1368 : i32 to vector<200x128xi32>
      %add3A_1370 = arith.addi %add3A_1367, %add3A_1369 : vector<200x128xi32>
      %xor3A_1371 = arith.xori %while3A_935, %while3A_936 : vector<200x128xi32>
      %xor3A_1372 = arith.constant 466688986 : i32
      %xor3A_1373 = vector.broadcast %xor3A_1372 : i32 to vector<200x128xi32>
      %xor3A_1374 = arith.xori %xor3A_1371, %xor3A_1373 : vector<200x128xi32>
      %add3A_1375 = arith.constant 0 : i32
      %add3A_1376 = vector.broadcast %add3A_1375 : i32 to vector<200x128xi32>
      %add3A_1377 = arith.addi %add3A_1376, %while3A_935 : vector<200x128xi32>
      %add3A_1378 = arith.constant 2 : i32
      %add3A_1379 = vector.broadcast %add3A_1378 : i32 to vector<200x128xi32>
      %add3A_1380 = arith.addi %add3A_1379, %while3A_936 : vector<200x128xi32>
      %add3A_1381 = arith.addi %add3A_1377, %add3A_1380 : vector<200x128xi32>
      %shift_left3A_1382 = arith.constant 13 : i32
      %shift_left3A_1383 = vector.broadcast %shift_left3A_1382 : i32 to vector<200x128xi32>
      %shift_left3A_1384 = arith.shli %add3A_1380, %shift_left3A_1383 : vector<200x128xi32>
      %shift_right_logical3A_1385 = arith.constant 19 : i32
      %shift_right_logical3A_1386 = vector.broadcast %shift_right_logical3A_1385 : i32 to vector<200x128xi32>
      %shift_right_logical3A_1387 = arith.shrui %add3A_1380, %shift_right_logical3A_1386 : vector<200x128xi32>
      %or3A_1388 = arith.ori %shift_left3A_1384, %shift_right_logical3A_1387 : vector<200x128xi32>
      %xor3A_1389 = arith.xori %add3A_1381, %or3A_1388 : vector<200x128xi32>
      %add3A_1390 = arith.addi %add3A_1381, %xor3A_1389 : vector<200x128xi32>
      %shift_left3A_1391 = arith.constant 15 : i32
      %shift_left3A_1392 = vector.broadcast %shift_left3A_1391 : i32 to vector<200x128xi32>
      %shift_left3A_1393 = arith.shli %xor3A_1389, %shift_left3A_1392 : vector<200x128xi32>
      %shift_right_logical3A_1394 = arith.constant 17 : i32
      %shift_right_logical3A_1395 = vector.broadcast %shift_right_logical3A_1394 : i32 to vector<200x128xi32>
      %shift_right_logical3A_1396 = arith.shrui %xor3A_1389, %shift_right_logical3A_1395 : vector<200x128xi32>
      %or3A_1397 = arith.ori %shift_left3A_1393, %shift_right_logical3A_1396 : vector<200x128xi32>
      %xor3A_1398 = arith.xori %add3A_1390, %or3A_1397 : vector<200x128xi32>
      %add3A_1399 = arith.addi %add3A_1390, %xor3A_1398 : vector<200x128xi32>
      %shift_left3A_1400 = arith.constant 26 : i32
      %shift_left3A_1401 = vector.broadcast %shift_left3A_1400 : i32 to vector<200x128xi32>
      %shift_left3A_1402 = arith.shli %xor3A_1398, %shift_left3A_1401 : vector<200x128xi32>
      %shift_right_logical3A_1403 = arith.constant 6 : i32
      %shift_right_logical3A_1404 = vector.broadcast %shift_right_logical3A_1403 : i32 to vector<200x128xi32>
      %shift_right_logical3A_1405 = arith.shrui %xor3A_1398, %shift_right_logical3A_1404 : vector<200x128xi32>
      %or3A_1406 = arith.ori %shift_left3A_1402, %shift_right_logical3A_1405 : vector<200x128xi32>
      %xor3A_1407 = arith.xori %add3A_1399, %or3A_1406 : vector<200x128xi32>
      %add3A_1408 = arith.addi %add3A_1399, %xor3A_1407 : vector<200x128xi32>
      %shift_left3A_1409 = arith.constant 6 : i32
      %shift_left3A_1410 = vector.broadcast %shift_left3A_1409 : i32 to vector<200x128xi32>
      %shift_left3A_1411 = arith.shli %xor3A_1407, %shift_left3A_1410 : vector<200x128xi32>
      %shift_right_logical3A_1412 = arith.constant 26 : i32
      %shift_right_logical3A_1413 = vector.broadcast %shift_right_logical3A_1412 : i32 to vector<200x128xi32>
      %shift_right_logical3A_1414 = arith.shrui %xor3A_1407, %shift_right_logical3A_1413 : vector<200x128xi32>
      %or3A_1415 = arith.ori %shift_left3A_1411, %shift_right_logical3A_1414 : vector<200x128xi32>
      %xor3A_1416 = arith.xori %add3A_1408, %or3A_1415 : vector<200x128xi32>
      %add3A_1417 = arith.addi %add3A_1408, %while3A_936 : vector<200x128xi32>
      %add3A_1418 = arith.addi %xor3A_1416, %xor3A_1374 : vector<200x128xi32>
      %add3A_1419 = arith.constant 1 : i32
      %add3A_1420 = vector.broadcast %add3A_1419 : i32 to vector<200x128xi32>
      %add3A_1421 = arith.addi %add3A_1418, %add3A_1420 : vector<200x128xi32>
      %add3A_1422 = arith.addi %add3A_1417, %add3A_1421 : vector<200x128xi32>
      %shift_left3A_1423 = arith.constant 17 : i32
      %shift_left3A_1424 = vector.broadcast %shift_left3A_1423 : i32 to vector<200x128xi32>
      %shift_left3A_1425 = arith.shli %add3A_1421, %shift_left3A_1424 : vector<200x128xi32>
      %shift_right_logical3A_1426 = arith.constant 15 : i32
      %shift_right_logical3A_1427 = vector.broadcast %shift_right_logical3A_1426 : i32 to vector<200x128xi32>
      %shift_right_logical3A_1428 = arith.shrui %add3A_1421, %shift_right_logical3A_1427 : vector<200x128xi32>
      %or3A_1429 = arith.ori %shift_left3A_1425, %shift_right_logical3A_1428 : vector<200x128xi32>
      %xor3A_1430 = arith.xori %add3A_1422, %or3A_1429 : vector<200x128xi32>
      %add3A_1431 = arith.addi %add3A_1422, %xor3A_1430 : vector<200x128xi32>
      %shift_left3A_1432 = arith.constant 29 : i32
      %shift_left3A_1433 = vector.broadcast %shift_left3A_1432 : i32 to vector<200x128xi32>
      %shift_left3A_1434 = arith.shli %xor3A_1430, %shift_left3A_1433 : vector<200x128xi32>
      %shift_right_logical3A_1435 = arith.constant 3 : i32
      %shift_right_logical3A_1436 = vector.broadcast %shift_right_logical3A_1435 : i32 to vector<200x128xi32>
      %shift_right_logical3A_1437 = arith.shrui %xor3A_1430, %shift_right_logical3A_1436 : vector<200x128xi32>
      %or3A_1438 = arith.ori %shift_left3A_1434, %shift_right_logical3A_1437 : vector<200x128xi32>
      %xor3A_1439 = arith.xori %add3A_1431, %or3A_1438 : vector<200x128xi32>
      %add3A_1440 = arith.addi %add3A_1431, %xor3A_1439 : vector<200x128xi32>
      %shift_left3A_1441 = arith.constant 16 : i32
      %shift_left3A_1442 = vector.broadcast %shift_left3A_1441 : i32 to vector<200x128xi32>
      %shift_left3A_1443 = arith.shli %xor3A_1439, %shift_left3A_1442 : vector<200x128xi32>
      %shift_right_logical3A_1444 = arith.constant 16 : i32
      %shift_right_logical3A_1445 = vector.broadcast %shift_right_logical3A_1444 : i32 to vector<200x128xi32>
      %shift_right_logical3A_1446 = arith.shrui %xor3A_1439, %shift_right_logical3A_1445 : vector<200x128xi32>
      %or3A_1447 = arith.ori %shift_left3A_1443, %shift_right_logical3A_1446 : vector<200x128xi32>
      %xor3A_1448 = arith.xori %add3A_1440, %or3A_1447 : vector<200x128xi32>
      %add3A_1449 = arith.addi %add3A_1440, %xor3A_1448 : vector<200x128xi32>
      %shift_left3A_1450 = arith.constant 24 : i32
      %shift_left3A_1451 = vector.broadcast %shift_left3A_1450 : i32 to vector<200x128xi32>
      %shift_left3A_1452 = arith.shli %xor3A_1448, %shift_left3A_1451 : vector<200x128xi32>
      %shift_right_logical3A_1453 = arith.constant 8 : i32
      %shift_right_logical3A_1454 = vector.broadcast %shift_right_logical3A_1453 : i32 to vector<200x128xi32>
      %shift_right_logical3A_1455 = arith.shrui %xor3A_1448, %shift_right_logical3A_1454 : vector<200x128xi32>
      %or3A_1456 = arith.ori %shift_left3A_1452, %shift_right_logical3A_1455 : vector<200x128xi32>
      %xor3A_1457 = arith.xori %add3A_1449, %or3A_1456 : vector<200x128xi32>
      %add3A_1458 = arith.addi %add3A_1449, %xor3A_1374 : vector<200x128xi32>
      %add3A_1459 = arith.addi %xor3A_1457, %while3A_935 : vector<200x128xi32>
      %add3A_1460 = arith.constant 2 : i32
      %add3A_1461 = vector.broadcast %add3A_1460 : i32 to vector<200x128xi32>
      %add3A_1462 = arith.addi %add3A_1459, %add3A_1461 : vector<200x128xi32>
      %add3A_1463 = arith.addi %add3A_1458, %add3A_1462 : vector<200x128xi32>
      %shift_left3A_1464 = arith.constant 13 : i32
      %shift_left3A_1465 = vector.broadcast %shift_left3A_1464 : i32 to vector<200x128xi32>
      %shift_left3A_1466 = arith.shli %add3A_1462, %shift_left3A_1465 : vector<200x128xi32>
      %shift_right_logical3A_1467 = arith.constant 19 : i32
      %shift_right_logical3A_1468 = vector.broadcast %shift_right_logical3A_1467 : i32 to vector<200x128xi32>
      %shift_right_logical3A_1469 = arith.shrui %add3A_1462, %shift_right_logical3A_1468 : vector<200x128xi32>
      %or3A_1470 = arith.ori %shift_left3A_1466, %shift_right_logical3A_1469 : vector<200x128xi32>
      %xor3A_1471 = arith.xori %add3A_1463, %or3A_1470 : vector<200x128xi32>
      %add3A_1472 = arith.addi %add3A_1463, %xor3A_1471 : vector<200x128xi32>
      %shift_left3A_1473 = arith.constant 15 : i32
      %shift_left3A_1474 = vector.broadcast %shift_left3A_1473 : i32 to vector<200x128xi32>
      %shift_left3A_1475 = arith.shli %xor3A_1471, %shift_left3A_1474 : vector<200x128xi32>
      %shift_right_logical3A_1476 = arith.constant 17 : i32
      %shift_right_logical3A_1477 = vector.broadcast %shift_right_logical3A_1476 : i32 to vector<200x128xi32>
      %shift_right_logical3A_1478 = arith.shrui %xor3A_1471, %shift_right_logical3A_1477 : vector<200x128xi32>
      %or3A_1479 = arith.ori %shift_left3A_1475, %shift_right_logical3A_1478 : vector<200x128xi32>
      %xor3A_1480 = arith.xori %add3A_1472, %or3A_1479 : vector<200x128xi32>
      %add3A_1481 = arith.addi %add3A_1472, %xor3A_1480 : vector<200x128xi32>
      %shift_left3A_1482 = arith.constant 26 : i32
      %shift_left3A_1483 = vector.broadcast %shift_left3A_1482 : i32 to vector<200x128xi32>
      %shift_left3A_1484 = arith.shli %xor3A_1480, %shift_left3A_1483 : vector<200x128xi32>
      %shift_right_logical3A_1485 = arith.constant 6 : i32
      %shift_right_logical3A_1486 = vector.broadcast %shift_right_logical3A_1485 : i32 to vector<200x128xi32>
      %shift_right_logical3A_1487 = arith.shrui %xor3A_1480, %shift_right_logical3A_1486 : vector<200x128xi32>
      %or3A_1488 = arith.ori %shift_left3A_1484, %shift_right_logical3A_1487 : vector<200x128xi32>
      %xor3A_1489 = arith.xori %add3A_1481, %or3A_1488 : vector<200x128xi32>
      %add3A_1490 = arith.addi %add3A_1481, %xor3A_1489 : vector<200x128xi32>
      %shift_left3A_1491 = arith.constant 6 : i32
      %shift_left3A_1492 = vector.broadcast %shift_left3A_1491 : i32 to vector<200x128xi32>
      %shift_left3A_1493 = arith.shli %xor3A_1489, %shift_left3A_1492 : vector<200x128xi32>
      %shift_right_logical3A_1494 = arith.constant 26 : i32
      %shift_right_logical3A_1495 = vector.broadcast %shift_right_logical3A_1494 : i32 to vector<200x128xi32>
      %shift_right_logical3A_1496 = arith.shrui %xor3A_1489, %shift_right_logical3A_1495 : vector<200x128xi32>
      %or3A_1497 = arith.ori %shift_left3A_1493, %shift_right_logical3A_1496 : vector<200x128xi32>
      %xor3A_1498 = arith.xori %add3A_1490, %or3A_1497 : vector<200x128xi32>
      %add3A_1499 = arith.addi %add3A_1490, %while3A_935 : vector<200x128xi32>
      %add3A_1500 = arith.addi %xor3A_1498, %while3A_936 : vector<200x128xi32>
      %add3A_1501 = arith.constant 3 : i32
      %add3A_1502 = vector.broadcast %add3A_1501 : i32 to vector<200x128xi32>
      %add3A_1503 = arith.addi %add3A_1500, %add3A_1502 : vector<200x128xi32>
      %add3A_1504 = arith.addi %add3A_1499, %add3A_1503 : vector<200x128xi32>
      %shift_left3A_1505 = arith.constant 17 : i32
      %shift_left3A_1506 = vector.broadcast %shift_left3A_1505 : i32 to vector<200x128xi32>
      %shift_left3A_1507 = arith.shli %add3A_1503, %shift_left3A_1506 : vector<200x128xi32>
      %shift_right_logical3A_1508 = arith.constant 15 : i32
      %shift_right_logical3A_1509 = vector.broadcast %shift_right_logical3A_1508 : i32 to vector<200x128xi32>
      %shift_right_logical3A_1510 = arith.shrui %add3A_1503, %shift_right_logical3A_1509 : vector<200x128xi32>
      %or3A_1511 = arith.ori %shift_left3A_1507, %shift_right_logical3A_1510 : vector<200x128xi32>
      %xor3A_1512 = arith.xori %add3A_1504, %or3A_1511 : vector<200x128xi32>
      %add3A_1513 = arith.addi %add3A_1504, %xor3A_1512 : vector<200x128xi32>
      %shift_left3A_1514 = arith.constant 29 : i32
      %shift_left3A_1515 = vector.broadcast %shift_left3A_1514 : i32 to vector<200x128xi32>
      %shift_left3A_1516 = arith.shli %xor3A_1512, %shift_left3A_1515 : vector<200x128xi32>
      %shift_right_logical3A_1517 = arith.constant 3 : i32
      %shift_right_logical3A_1518 = vector.broadcast %shift_right_logical3A_1517 : i32 to vector<200x128xi32>
      %shift_right_logical3A_1519 = arith.shrui %xor3A_1512, %shift_right_logical3A_1518 : vector<200x128xi32>
      %or3A_1520 = arith.ori %shift_left3A_1516, %shift_right_logical3A_1519 : vector<200x128xi32>
      %xor3A_1521 = arith.xori %add3A_1513, %or3A_1520 : vector<200x128xi32>
      %add3A_1522 = arith.addi %add3A_1513, %xor3A_1521 : vector<200x128xi32>
      %shift_left3A_1523 = arith.constant 16 : i32
      %shift_left3A_1524 = vector.broadcast %shift_left3A_1523 : i32 to vector<200x128xi32>
      %shift_left3A_1525 = arith.shli %xor3A_1521, %shift_left3A_1524 : vector<200x128xi32>
      %shift_right_logical3A_1526 = arith.constant 16 : i32
      %shift_right_logical3A_1527 = vector.broadcast %shift_right_logical3A_1526 : i32 to vector<200x128xi32>
      %shift_right_logical3A_1528 = arith.shrui %xor3A_1521, %shift_right_logical3A_1527 : vector<200x128xi32>
      %or3A_1529 = arith.ori %shift_left3A_1525, %shift_right_logical3A_1528 : vector<200x128xi32>
      %xor3A_1530 = arith.xori %add3A_1522, %or3A_1529 : vector<200x128xi32>
      %add3A_1531 = arith.addi %add3A_1522, %xor3A_1530 : vector<200x128xi32>
      %shift_left3A_1532 = arith.constant 24 : i32
      %shift_left3A_1533 = vector.broadcast %shift_left3A_1532 : i32 to vector<200x128xi32>
      %shift_left3A_1534 = arith.shli %xor3A_1530, %shift_left3A_1533 : vector<200x128xi32>
      %shift_right_logical3A_1535 = arith.constant 8 : i32
      %shift_right_logical3A_1536 = vector.broadcast %shift_right_logical3A_1535 : i32 to vector<200x128xi32>
      %shift_right_logical3A_1537 = arith.shrui %xor3A_1530, %shift_right_logical3A_1536 : vector<200x128xi32>
      %or3A_1538 = arith.ori %shift_left3A_1534, %shift_right_logical3A_1537 : vector<200x128xi32>
      %xor3A_1539 = arith.xori %add3A_1531, %or3A_1538 : vector<200x128xi32>
      %add3A_1540 = arith.addi %add3A_1531, %while3A_936 : vector<200x128xi32>
      %add3A_1541 = arith.addi %xor3A_1539, %xor3A_1374 : vector<200x128xi32>
      %add3A_1542 = arith.constant 4 : i32
      %add3A_1543 = vector.broadcast %add3A_1542 : i32 to vector<200x128xi32>
      %add3A_1544 = arith.addi %add3A_1541, %add3A_1543 : vector<200x128xi32>
      %add3A_1545 = arith.addi %add3A_1540, %add3A_1544 : vector<200x128xi32>
      %shift_left3A_1546 = arith.constant 13 : i32
      %shift_left3A_1547 = vector.broadcast %shift_left3A_1546 : i32 to vector<200x128xi32>
      %shift_left3A_1548 = arith.shli %add3A_1544, %shift_left3A_1547 : vector<200x128xi32>
      %shift_right_logical3A_1549 = arith.constant 19 : i32
      %shift_right_logical3A_1550 = vector.broadcast %shift_right_logical3A_1549 : i32 to vector<200x128xi32>
      %shift_right_logical3A_1551 = arith.shrui %add3A_1544, %shift_right_logical3A_1550 : vector<200x128xi32>
      %or3A_1552 = arith.ori %shift_left3A_1548, %shift_right_logical3A_1551 : vector<200x128xi32>
      %xor3A_1553 = arith.xori %add3A_1545, %or3A_1552 : vector<200x128xi32>
      %add3A_1554 = arith.addi %add3A_1545, %xor3A_1553 : vector<200x128xi32>
      %shift_left3A_1555 = arith.constant 15 : i32
      %shift_left3A_1556 = vector.broadcast %shift_left3A_1555 : i32 to vector<200x128xi32>
      %shift_left3A_1557 = arith.shli %xor3A_1553, %shift_left3A_1556 : vector<200x128xi32>
      %shift_right_logical3A_1558 = arith.constant 17 : i32
      %shift_right_logical3A_1559 = vector.broadcast %shift_right_logical3A_1558 : i32 to vector<200x128xi32>
      %shift_right_logical3A_1560 = arith.shrui %xor3A_1553, %shift_right_logical3A_1559 : vector<200x128xi32>
      %or3A_1561 = arith.ori %shift_left3A_1557, %shift_right_logical3A_1560 : vector<200x128xi32>
      %xor3A_1562 = arith.xori %add3A_1554, %or3A_1561 : vector<200x128xi32>
      %add3A_1563 = arith.addi %add3A_1554, %xor3A_1562 : vector<200x128xi32>
      %shift_left3A_1564 = arith.constant 26 : i32
      %shift_left3A_1565 = vector.broadcast %shift_left3A_1564 : i32 to vector<200x128xi32>
      %shift_left3A_1566 = arith.shli %xor3A_1562, %shift_left3A_1565 : vector<200x128xi32>
      %shift_right_logical3A_1567 = arith.constant 6 : i32
      %shift_right_logical3A_1568 = vector.broadcast %shift_right_logical3A_1567 : i32 to vector<200x128xi32>
      %shift_right_logical3A_1569 = arith.shrui %xor3A_1562, %shift_right_logical3A_1568 : vector<200x128xi32>
      %or3A_1570 = arith.ori %shift_left3A_1566, %shift_right_logical3A_1569 : vector<200x128xi32>
      %xor3A_1571 = arith.xori %add3A_1563, %or3A_1570 : vector<200x128xi32>
      %add3A_1572 = arith.addi %add3A_1563, %xor3A_1571 : vector<200x128xi32>
      %shift_left3A_1573 = arith.constant 6 : i32
      %shift_left3A_1574 = vector.broadcast %shift_left3A_1573 : i32 to vector<200x128xi32>
      %shift_left3A_1575 = arith.shli %xor3A_1571, %shift_left3A_1574 : vector<200x128xi32>
      %shift_right_logical3A_1576 = arith.constant 26 : i32
      %shift_right_logical3A_1577 = vector.broadcast %shift_right_logical3A_1576 : i32 to vector<200x128xi32>
      %shift_right_logical3A_1578 = arith.shrui %xor3A_1571, %shift_right_logical3A_1577 : vector<200x128xi32>
      %or3A_1579 = arith.ori %shift_left3A_1575, %shift_right_logical3A_1578 : vector<200x128xi32>
      %xor3A_1580 = arith.xori %add3A_1572, %or3A_1579 : vector<200x128xi32>
      %add3A_1581 = arith.addi %add3A_1572, %xor3A_1374 : vector<200x128xi32>
      %add3A_1582 = arith.addi %xor3A_1580, %while3A_935 : vector<200x128xi32>
      %add3A_1583 = arith.constant 5 : i32
      %add3A_1584 = vector.broadcast %add3A_1583 : i32 to vector<200x128xi32>
      %add3A_1585 = arith.addi %add3A_1582, %add3A_1584 : vector<200x128xi32>
      %broadcast_in_dim3A_1586 = arith.constant 0.000000e+00 : f32
      %broadcast_in_dim3A_1587 = vector.broadcast %broadcast_in_dim3A_1586 : f32 to vector<200x128xf32>
      %broadcast_in_dim3A_1588 = arith.constant -1.000000e+00 : f32
      %broadcast_in_dim3A_1589 = vector.broadcast %broadcast_in_dim3A_1588 : f32 to vector<200x128xf32>
      %while3A_1590:5 = scf.while (%while3A_1844 = %add3A_1366, %while3A_1845 = %add3A_1370, %while3A_1846 = %broadcast_in_dim3A_1587, %while3A_1847 = %broadcast_in_dim3A_1589, %while3A_1848 = %while3A_938) : (vector<200x128xi32>, vector<200x128xi32>, vector<200x128xf32>, vector<200x128xf32>, vector<200x128xi32>) -> (vector<200x128xi32>, vector<200x128xi32>, vector<200x128xf32>, vector<200x128xf32>, vector<200x128xi32>) {
        %ne3A_1849 = arith.constant 0 : i32
        %ne3A_1850 = vector.broadcast %ne3A_1849 : i32 to vector<200x128xi32>
        %ne3A_1851 = arith.cmpi ne, %while3A_1848, %ne3A_1850 : vector<200x128xi32>
        %reduce_or3A = arith.constant 1.000000e+00 : f32
        %reduce_or3A_1852 = arith.constant 0.000000e+00 : f32
        %reduce_or3A_1853 = vector.broadcast %reduce_or3A : f32 to vector<200x128xf32>
        %reduce_or3A_1854 = vector.broadcast %reduce_or3A_1852 : f32 to vector<200x128xf32>
        %reduce_or3A_1855 = arith.select %ne3A_1851, %reduce_or3A_1853, %reduce_or3A_1854 : vector<200x128xi1>, vector<200x128xf32>
        %reduce_or3A_1856 = vector.shape_cast %reduce_or3A_1855 : vector<200x128xf32> to vector<1x200x128xf32>
        %reduce_or3A_1857 = arith.constant dense<0xFF800000> : vector<1xf32>
        %reduce_or3A_1858 = vector.multi_reduction <maximumf>, %reduce_or3A_1856, %reduce_or3A_1857 [1, 2] : vector<1x200x128xf32> to vector<1xf32>
        %reduce_or3A_1859 = vector.shape_cast %reduce_or3A_1858 : vector<1xf32> to vector<1x1x1xf32>
        %reduce_or3A_1860 = vector.extract %reduce_or3A_1859[0, 0, 0] : f32 from vector<1x1x1xf32>
        %reduce_or3A_1861 = arith.constant 0.000000e+00 : f32
        %reduce_or3A_1862 = arith.cmpf ogt, %reduce_or3A_1860, %reduce_or3A_1861 : f32
        scf.condition(%reduce_or3A_1862) %while3A_1844, %while3A_1845, %while3A_1846, %while3A_1847, %while3A_1848 : vector<200x128xi32>, vector<200x128xi32>, vector<200x128xf32>, vector<200x128xf32>, vector<200x128xi32>
      } do {
      ^bb0(%while3A_1844: vector<200x128xi32>, %while3A_1845: vector<200x128xi32>, %while3A_1846: vector<200x128xf32>, %while3A_1847: vector<200x128xf32>, %while3A_1848: vector<200x128xi32>):
        %ne3A_1849 = arith.constant 0 : i32
        %ne3A_1850 = vector.broadcast %ne3A_1849 : i32 to vector<200x128xi32>
        %ne3A_1851 = arith.cmpi ne, %while3A_1848, %ne3A_1850 : vector<200x128xi32>
        %xor3A_1852 = arith.xori %while3A_1844, %while3A_1845 : vector<200x128xi32>
        %xor3A_1853 = arith.constant 466688986 : i32
        %xor3A_1854 = vector.broadcast %xor3A_1853 : i32 to vector<200x128xi32>
        %xor3A_1855 = arith.xori %xor3A_1852, %xor3A_1854 : vector<200x128xi32>
        %add3A_1856 = arith.constant 0 : i32
        %add3A_1857 = vector.broadcast %add3A_1856 : i32 to vector<200x128xi32>
        %add3A_1858 = arith.addi %add3A_1857, %while3A_1844 : vector<200x128xi32>
        %add3A_1859 = arith.constant 0 : i32
        %add3A_1860 = vector.broadcast %add3A_1859 : i32 to vector<200x128xi32>
        %add3A_1861 = arith.addi %add3A_1860, %while3A_1845 : vector<200x128xi32>
        %add3A_1862 = arith.addi %add3A_1858, %add3A_1861 : vector<200x128xi32>
        %shift_left3A_1863 = arith.constant 13 : i32
        %shift_left3A_1864 = vector.broadcast %shift_left3A_1863 : i32 to vector<200x128xi32>
        %shift_left3A_1865 = arith.shli %add3A_1861, %shift_left3A_1864 : vector<200x128xi32>
        %shift_right_logical3A_1866 = arith.constant 19 : i32
        %shift_right_logical3A_1867 = vector.broadcast %shift_right_logical3A_1866 : i32 to vector<200x128xi32>
        %shift_right_logical3A_1868 = arith.shrui %add3A_1861, %shift_right_logical3A_1867 : vector<200x128xi32>
        %or3A_1869 = arith.ori %shift_left3A_1865, %shift_right_logical3A_1868 : vector<200x128xi32>
        %xor3A_1870 = arith.xori %add3A_1862, %or3A_1869 : vector<200x128xi32>
        %add3A_1871 = arith.addi %add3A_1862, %xor3A_1870 : vector<200x128xi32>
        %shift_left3A_1872 = arith.constant 15 : i32
        %shift_left3A_1873 = vector.broadcast %shift_left3A_1872 : i32 to vector<200x128xi32>
        %shift_left3A_1874 = arith.shli %xor3A_1870, %shift_left3A_1873 : vector<200x128xi32>
        %shift_right_logical3A_1875 = arith.constant 17 : i32
        %shift_right_logical3A_1876 = vector.broadcast %shift_right_logical3A_1875 : i32 to vector<200x128xi32>
        %shift_right_logical3A_1877 = arith.shrui %xor3A_1870, %shift_right_logical3A_1876 : vector<200x128xi32>
        %or3A_1878 = arith.ori %shift_left3A_1874, %shift_right_logical3A_1877 : vector<200x128xi32>
        %xor3A_1879 = arith.xori %add3A_1871, %or3A_1878 : vector<200x128xi32>
        %add3A_1880 = arith.addi %add3A_1871, %xor3A_1879 : vector<200x128xi32>
        %shift_left3A_1881 = arith.constant 26 : i32
        %shift_left3A_1882 = vector.broadcast %shift_left3A_1881 : i32 to vector<200x128xi32>
        %shift_left3A_1883 = arith.shli %xor3A_1879, %shift_left3A_1882 : vector<200x128xi32>
        %shift_right_logical3A_1884 = arith.constant 6 : i32
        %shift_right_logical3A_1885 = vector.broadcast %shift_right_logical3A_1884 : i32 to vector<200x128xi32>
        %shift_right_logical3A_1886 = arith.shrui %xor3A_1879, %shift_right_logical3A_1885 : vector<200x128xi32>
        %or3A_1887 = arith.ori %shift_left3A_1883, %shift_right_logical3A_1886 : vector<200x128xi32>
        %xor3A_1888 = arith.xori %add3A_1880, %or3A_1887 : vector<200x128xi32>
        %add3A_1889 = arith.addi %add3A_1880, %xor3A_1888 : vector<200x128xi32>
        %shift_left3A_1890 = arith.constant 6 : i32
        %shift_left3A_1891 = vector.broadcast %shift_left3A_1890 : i32 to vector<200x128xi32>
        %shift_left3A_1892 = arith.shli %xor3A_1888, %shift_left3A_1891 : vector<200x128xi32>
        %shift_right_logical3A_1893 = arith.constant 26 : i32
        %shift_right_logical3A_1894 = vector.broadcast %shift_right_logical3A_1893 : i32 to vector<200x128xi32>
        %shift_right_logical3A_1895 = arith.shrui %xor3A_1888, %shift_right_logical3A_1894 : vector<200x128xi32>
        %or3A_1896 = arith.ori %shift_left3A_1892, %shift_right_logical3A_1895 : vector<200x128xi32>
        %xor3A_1897 = arith.xori %add3A_1889, %or3A_1896 : vector<200x128xi32>
        %add3A_1898 = arith.addi %add3A_1889, %while3A_1845 : vector<200x128xi32>
        %add3A_1899 = arith.addi %xor3A_1897, %xor3A_1855 : vector<200x128xi32>
        %add3A_1900 = arith.constant 1 : i32
        %add3A_1901 = vector.broadcast %add3A_1900 : i32 to vector<200x128xi32>
        %add3A_1902 = arith.addi %add3A_1899, %add3A_1901 : vector<200x128xi32>
        %add3A_1903 = arith.addi %add3A_1898, %add3A_1902 : vector<200x128xi32>
        %shift_left3A_1904 = arith.constant 17 : i32
        %shift_left3A_1905 = vector.broadcast %shift_left3A_1904 : i32 to vector<200x128xi32>
        %shift_left3A_1906 = arith.shli %add3A_1902, %shift_left3A_1905 : vector<200x128xi32>
        %shift_right_logical3A_1907 = arith.constant 15 : i32
        %shift_right_logical3A_1908 = vector.broadcast %shift_right_logical3A_1907 : i32 to vector<200x128xi32>
        %shift_right_logical3A_1909 = arith.shrui %add3A_1902, %shift_right_logical3A_1908 : vector<200x128xi32>
        %or3A_1910 = arith.ori %shift_left3A_1906, %shift_right_logical3A_1909 : vector<200x128xi32>
        %xor3A_1911 = arith.xori %add3A_1903, %or3A_1910 : vector<200x128xi32>
        %add3A_1912 = arith.addi %add3A_1903, %xor3A_1911 : vector<200x128xi32>
        %shift_left3A_1913 = arith.constant 29 : i32
        %shift_left3A_1914 = vector.broadcast %shift_left3A_1913 : i32 to vector<200x128xi32>
        %shift_left3A_1915 = arith.shli %xor3A_1911, %shift_left3A_1914 : vector<200x128xi32>
        %shift_right_logical3A_1916 = arith.constant 3 : i32
        %shift_right_logical3A_1917 = vector.broadcast %shift_right_logical3A_1916 : i32 to vector<200x128xi32>
        %shift_right_logical3A_1918 = arith.shrui %xor3A_1911, %shift_right_logical3A_1917 : vector<200x128xi32>
        %or3A_1919 = arith.ori %shift_left3A_1915, %shift_right_logical3A_1918 : vector<200x128xi32>
        %xor3A_1920 = arith.xori %add3A_1912, %or3A_1919 : vector<200x128xi32>
        %add3A_1921 = arith.addi %add3A_1912, %xor3A_1920 : vector<200x128xi32>
        %shift_left3A_1922 = arith.constant 16 : i32
        %shift_left3A_1923 = vector.broadcast %shift_left3A_1922 : i32 to vector<200x128xi32>
        %shift_left3A_1924 = arith.shli %xor3A_1920, %shift_left3A_1923 : vector<200x128xi32>
        %shift_right_logical3A_1925 = arith.constant 16 : i32
        %shift_right_logical3A_1926 = vector.broadcast %shift_right_logical3A_1925 : i32 to vector<200x128xi32>
        %shift_right_logical3A_1927 = arith.shrui %xor3A_1920, %shift_right_logical3A_1926 : vector<200x128xi32>
        %or3A_1928 = arith.ori %shift_left3A_1924, %shift_right_logical3A_1927 : vector<200x128xi32>
        %xor3A_1929 = arith.xori %add3A_1921, %or3A_1928 : vector<200x128xi32>
        %add3A_1930 = arith.addi %add3A_1921, %xor3A_1929 : vector<200x128xi32>
        %shift_left3A_1931 = arith.constant 24 : i32
        %shift_left3A_1932 = vector.broadcast %shift_left3A_1931 : i32 to vector<200x128xi32>
        %shift_left3A_1933 = arith.shli %xor3A_1929, %shift_left3A_1932 : vector<200x128xi32>
        %shift_right_logical3A_1934 = arith.constant 8 : i32
        %shift_right_logical3A_1935 = vector.broadcast %shift_right_logical3A_1934 : i32 to vector<200x128xi32>
        %shift_right_logical3A_1936 = arith.shrui %xor3A_1929, %shift_right_logical3A_1935 : vector<200x128xi32>
        %or3A_1937 = arith.ori %shift_left3A_1933, %shift_right_logical3A_1936 : vector<200x128xi32>
        %xor3A_1938 = arith.xori %add3A_1930, %or3A_1937 : vector<200x128xi32>
        %add3A_1939 = arith.addi %add3A_1930, %xor3A_1855 : vector<200x128xi32>
        %add3A_1940 = arith.addi %xor3A_1938, %while3A_1844 : vector<200x128xi32>
        %add3A_1941 = arith.constant 2 : i32
        %add3A_1942 = vector.broadcast %add3A_1941 : i32 to vector<200x128xi32>
        %add3A_1943 = arith.addi %add3A_1940, %add3A_1942 : vector<200x128xi32>
        %add3A_1944 = arith.addi %add3A_1939, %add3A_1943 : vector<200x128xi32>
        %shift_left3A_1945 = arith.constant 13 : i32
        %shift_left3A_1946 = vector.broadcast %shift_left3A_1945 : i32 to vector<200x128xi32>
        %shift_left3A_1947 = arith.shli %add3A_1943, %shift_left3A_1946 : vector<200x128xi32>
        %shift_right_logical3A_1948 = arith.constant 19 : i32
        %shift_right_logical3A_1949 = vector.broadcast %shift_right_logical3A_1948 : i32 to vector<200x128xi32>
        %shift_right_logical3A_1950 = arith.shrui %add3A_1943, %shift_right_logical3A_1949 : vector<200x128xi32>
        %or3A_1951 = arith.ori %shift_left3A_1947, %shift_right_logical3A_1950 : vector<200x128xi32>
        %xor3A_1952 = arith.xori %add3A_1944, %or3A_1951 : vector<200x128xi32>
        %add3A_1953 = arith.addi %add3A_1944, %xor3A_1952 : vector<200x128xi32>
        %shift_left3A_1954 = arith.constant 15 : i32
        %shift_left3A_1955 = vector.broadcast %shift_left3A_1954 : i32 to vector<200x128xi32>
        %shift_left3A_1956 = arith.shli %xor3A_1952, %shift_left3A_1955 : vector<200x128xi32>
        %shift_right_logical3A_1957 = arith.constant 17 : i32
        %shift_right_logical3A_1958 = vector.broadcast %shift_right_logical3A_1957 : i32 to vector<200x128xi32>
        %shift_right_logical3A_1959 = arith.shrui %xor3A_1952, %shift_right_logical3A_1958 : vector<200x128xi32>
        %or3A_1960 = arith.ori %shift_left3A_1956, %shift_right_logical3A_1959 : vector<200x128xi32>
        %xor3A_1961 = arith.xori %add3A_1953, %or3A_1960 : vector<200x128xi32>
        %add3A_1962 = arith.addi %add3A_1953, %xor3A_1961 : vector<200x128xi32>
        %shift_left3A_1963 = arith.constant 26 : i32
        %shift_left3A_1964 = vector.broadcast %shift_left3A_1963 : i32 to vector<200x128xi32>
        %shift_left3A_1965 = arith.shli %xor3A_1961, %shift_left3A_1964 : vector<200x128xi32>
        %shift_right_logical3A_1966 = arith.constant 6 : i32
        %shift_right_logical3A_1967 = vector.broadcast %shift_right_logical3A_1966 : i32 to vector<200x128xi32>
        %shift_right_logical3A_1968 = arith.shrui %xor3A_1961, %shift_right_logical3A_1967 : vector<200x128xi32>
        %or3A_1969 = arith.ori %shift_left3A_1965, %shift_right_logical3A_1968 : vector<200x128xi32>
        %xor3A_1970 = arith.xori %add3A_1962, %or3A_1969 : vector<200x128xi32>
        %add3A_1971 = arith.addi %add3A_1962, %xor3A_1970 : vector<200x128xi32>
        %shift_left3A_1972 = arith.constant 6 : i32
        %shift_left3A_1973 = vector.broadcast %shift_left3A_1972 : i32 to vector<200x128xi32>
        %shift_left3A_1974 = arith.shli %xor3A_1970, %shift_left3A_1973 : vector<200x128xi32>
        %shift_right_logical3A_1975 = arith.constant 26 : i32
        %shift_right_logical3A_1976 = vector.broadcast %shift_right_logical3A_1975 : i32 to vector<200x128xi32>
        %shift_right_logical3A_1977 = arith.shrui %xor3A_1970, %shift_right_logical3A_1976 : vector<200x128xi32>
        %or3A_1978 = arith.ori %shift_left3A_1974, %shift_right_logical3A_1977 : vector<200x128xi32>
        %xor3A_1979 = arith.xori %add3A_1971, %or3A_1978 : vector<200x128xi32>
        %add3A_1980 = arith.addi %add3A_1971, %while3A_1844 : vector<200x128xi32>
        %add3A_1981 = arith.addi %xor3A_1979, %while3A_1845 : vector<200x128xi32>
        %add3A_1982 = arith.constant 3 : i32
        %add3A_1983 = vector.broadcast %add3A_1982 : i32 to vector<200x128xi32>
        %add3A_1984 = arith.addi %add3A_1981, %add3A_1983 : vector<200x128xi32>
        %add3A_1985 = arith.addi %add3A_1980, %add3A_1984 : vector<200x128xi32>
        %shift_left3A_1986 = arith.constant 17 : i32
        %shift_left3A_1987 = vector.broadcast %shift_left3A_1986 : i32 to vector<200x128xi32>
        %shift_left3A_1988 = arith.shli %add3A_1984, %shift_left3A_1987 : vector<200x128xi32>
        %shift_right_logical3A_1989 = arith.constant 15 : i32
        %shift_right_logical3A_1990 = vector.broadcast %shift_right_logical3A_1989 : i32 to vector<200x128xi32>
        %shift_right_logical3A_1991 = arith.shrui %add3A_1984, %shift_right_logical3A_1990 : vector<200x128xi32>
        %or3A_1992 = arith.ori %shift_left3A_1988, %shift_right_logical3A_1991 : vector<200x128xi32>
        %xor3A_1993 = arith.xori %add3A_1985, %or3A_1992 : vector<200x128xi32>
        %add3A_1994 = arith.addi %add3A_1985, %xor3A_1993 : vector<200x128xi32>
        %shift_left3A_1995 = arith.constant 29 : i32
        %shift_left3A_1996 = vector.broadcast %shift_left3A_1995 : i32 to vector<200x128xi32>
        %shift_left3A_1997 = arith.shli %xor3A_1993, %shift_left3A_1996 : vector<200x128xi32>
        %shift_right_logical3A_1998 = arith.constant 3 : i32
        %shift_right_logical3A_1999 = vector.broadcast %shift_right_logical3A_1998 : i32 to vector<200x128xi32>
        %shift_right_logical3A_2000 = arith.shrui %xor3A_1993, %shift_right_logical3A_1999 : vector<200x128xi32>
        %or3A_2001 = arith.ori %shift_left3A_1997, %shift_right_logical3A_2000 : vector<200x128xi32>
        %xor3A_2002 = arith.xori %add3A_1994, %or3A_2001 : vector<200x128xi32>
        %add3A_2003 = arith.addi %add3A_1994, %xor3A_2002 : vector<200x128xi32>
        %shift_left3A_2004 = arith.constant 16 : i32
        %shift_left3A_2005 = vector.broadcast %shift_left3A_2004 : i32 to vector<200x128xi32>
        %shift_left3A_2006 = arith.shli %xor3A_2002, %shift_left3A_2005 : vector<200x128xi32>
        %shift_right_logical3A_2007 = arith.constant 16 : i32
        %shift_right_logical3A_2008 = vector.broadcast %shift_right_logical3A_2007 : i32 to vector<200x128xi32>
        %shift_right_logical3A_2009 = arith.shrui %xor3A_2002, %shift_right_logical3A_2008 : vector<200x128xi32>
        %or3A_2010 = arith.ori %shift_left3A_2006, %shift_right_logical3A_2009 : vector<200x128xi32>
        %xor3A_2011 = arith.xori %add3A_2003, %or3A_2010 : vector<200x128xi32>
        %add3A_2012 = arith.addi %add3A_2003, %xor3A_2011 : vector<200x128xi32>
        %shift_left3A_2013 = arith.constant 24 : i32
        %shift_left3A_2014 = vector.broadcast %shift_left3A_2013 : i32 to vector<200x128xi32>
        %shift_left3A_2015 = arith.shli %xor3A_2011, %shift_left3A_2014 : vector<200x128xi32>
        %shift_right_logical3A_2016 = arith.constant 8 : i32
        %shift_right_logical3A_2017 = vector.broadcast %shift_right_logical3A_2016 : i32 to vector<200x128xi32>
        %shift_right_logical3A_2018 = arith.shrui %xor3A_2011, %shift_right_logical3A_2017 : vector<200x128xi32>
        %or3A_2019 = arith.ori %shift_left3A_2015, %shift_right_logical3A_2018 : vector<200x128xi32>
        %xor3A_2020 = arith.xori %add3A_2012, %or3A_2019 : vector<200x128xi32>
        %add3A_2021 = arith.addi %add3A_2012, %while3A_1845 : vector<200x128xi32>
        %add3A_2022 = arith.addi %xor3A_2020, %xor3A_1855 : vector<200x128xi32>
        %add3A_2023 = arith.constant 4 : i32
        %add3A_2024 = vector.broadcast %add3A_2023 : i32 to vector<200x128xi32>
        %add3A_2025 = arith.addi %add3A_2022, %add3A_2024 : vector<200x128xi32>
        %add3A_2026 = arith.addi %add3A_2021, %add3A_2025 : vector<200x128xi32>
        %shift_left3A_2027 = arith.constant 13 : i32
        %shift_left3A_2028 = vector.broadcast %shift_left3A_2027 : i32 to vector<200x128xi32>
        %shift_left3A_2029 = arith.shli %add3A_2025, %shift_left3A_2028 : vector<200x128xi32>
        %shift_right_logical3A_2030 = arith.constant 19 : i32
        %shift_right_logical3A_2031 = vector.broadcast %shift_right_logical3A_2030 : i32 to vector<200x128xi32>
        %shift_right_logical3A_2032 = arith.shrui %add3A_2025, %shift_right_logical3A_2031 : vector<200x128xi32>
        %or3A_2033 = arith.ori %shift_left3A_2029, %shift_right_logical3A_2032 : vector<200x128xi32>
        %xor3A_2034 = arith.xori %add3A_2026, %or3A_2033 : vector<200x128xi32>
        %add3A_2035 = arith.addi %add3A_2026, %xor3A_2034 : vector<200x128xi32>
        %shift_left3A_2036 = arith.constant 15 : i32
        %shift_left3A_2037 = vector.broadcast %shift_left3A_2036 : i32 to vector<200x128xi32>
        %shift_left3A_2038 = arith.shli %xor3A_2034, %shift_left3A_2037 : vector<200x128xi32>
        %shift_right_logical3A_2039 = arith.constant 17 : i32
        %shift_right_logical3A_2040 = vector.broadcast %shift_right_logical3A_2039 : i32 to vector<200x128xi32>
        %shift_right_logical3A_2041 = arith.shrui %xor3A_2034, %shift_right_logical3A_2040 : vector<200x128xi32>
        %or3A_2042 = arith.ori %shift_left3A_2038, %shift_right_logical3A_2041 : vector<200x128xi32>
        %xor3A_2043 = arith.xori %add3A_2035, %or3A_2042 : vector<200x128xi32>
        %add3A_2044 = arith.addi %add3A_2035, %xor3A_2043 : vector<200x128xi32>
        %shift_left3A_2045 = arith.constant 26 : i32
        %shift_left3A_2046 = vector.broadcast %shift_left3A_2045 : i32 to vector<200x128xi32>
        %shift_left3A_2047 = arith.shli %xor3A_2043, %shift_left3A_2046 : vector<200x128xi32>
        %shift_right_logical3A_2048 = arith.constant 6 : i32
        %shift_right_logical3A_2049 = vector.broadcast %shift_right_logical3A_2048 : i32 to vector<200x128xi32>
        %shift_right_logical3A_2050 = arith.shrui %xor3A_2043, %shift_right_logical3A_2049 : vector<200x128xi32>
        %or3A_2051 = arith.ori %shift_left3A_2047, %shift_right_logical3A_2050 : vector<200x128xi32>
        %xor3A_2052 = arith.xori %add3A_2044, %or3A_2051 : vector<200x128xi32>
        %add3A_2053 = arith.addi %add3A_2044, %xor3A_2052 : vector<200x128xi32>
        %shift_left3A_2054 = arith.constant 6 : i32
        %shift_left3A_2055 = vector.broadcast %shift_left3A_2054 : i32 to vector<200x128xi32>
        %shift_left3A_2056 = arith.shli %xor3A_2052, %shift_left3A_2055 : vector<200x128xi32>
        %shift_right_logical3A_2057 = arith.constant 26 : i32
        %shift_right_logical3A_2058 = vector.broadcast %shift_right_logical3A_2057 : i32 to vector<200x128xi32>
        %shift_right_logical3A_2059 = arith.shrui %xor3A_2052, %shift_right_logical3A_2058 : vector<200x128xi32>
        %or3A_2060 = arith.ori %shift_left3A_2056, %shift_right_logical3A_2059 : vector<200x128xi32>
        %xor3A_2061 = arith.xori %add3A_2053, %or3A_2060 : vector<200x128xi32>
        %add3A_2062 = arith.addi %add3A_2053, %xor3A_1855 : vector<200x128xi32>
        %add3A_2063 = arith.addi %xor3A_2061, %while3A_1844 : vector<200x128xi32>
        %add3A_2064 = arith.constant 5 : i32
        %add3A_2065 = vector.broadcast %add3A_2064 : i32 to vector<200x128xi32>
        %add3A_2066 = arith.addi %add3A_2063, %add3A_2065 : vector<200x128xi32>
        %xor3A_2067 = arith.xori %while3A_1844, %while3A_1845 : vector<200x128xi32>
        %xor3A_2068 = arith.constant 466688986 : i32
        %xor3A_2069 = vector.broadcast %xor3A_2068 : i32 to vector<200x128xi32>
        %xor3A_2070 = arith.xori %xor3A_2067, %xor3A_2069 : vector<200x128xi32>
        %add3A_2071 = arith.constant 0 : i32
        %add3A_2072 = vector.broadcast %add3A_2071 : i32 to vector<200x128xi32>
        %add3A_2073 = arith.addi %add3A_2072, %while3A_1844 : vector<200x128xi32>
        %add3A_2074 = arith.constant 1 : i32
        %add3A_2075 = vector.broadcast %add3A_2074 : i32 to vector<200x128xi32>
        %add3A_2076 = arith.addi %add3A_2075, %while3A_1845 : vector<200x128xi32>
        %add3A_2077 = arith.addi %add3A_2073, %add3A_2076 : vector<200x128xi32>
        %shift_left3A_2078 = arith.constant 13 : i32
        %shift_left3A_2079 = vector.broadcast %shift_left3A_2078 : i32 to vector<200x128xi32>
        %shift_left3A_2080 = arith.shli %add3A_2076, %shift_left3A_2079 : vector<200x128xi32>
        %shift_right_logical3A_2081 = arith.constant 19 : i32
        %shift_right_logical3A_2082 = vector.broadcast %shift_right_logical3A_2081 : i32 to vector<200x128xi32>
        %shift_right_logical3A_2083 = arith.shrui %add3A_2076, %shift_right_logical3A_2082 : vector<200x128xi32>
        %or3A_2084 = arith.ori %shift_left3A_2080, %shift_right_logical3A_2083 : vector<200x128xi32>
        %xor3A_2085 = arith.xori %add3A_2077, %or3A_2084 : vector<200x128xi32>
        %add3A_2086 = arith.addi %add3A_2077, %xor3A_2085 : vector<200x128xi32>
        %shift_left3A_2087 = arith.constant 15 : i32
        %shift_left3A_2088 = vector.broadcast %shift_left3A_2087 : i32 to vector<200x128xi32>
        %shift_left3A_2089 = arith.shli %xor3A_2085, %shift_left3A_2088 : vector<200x128xi32>
        %shift_right_logical3A_2090 = arith.constant 17 : i32
        %shift_right_logical3A_2091 = vector.broadcast %shift_right_logical3A_2090 : i32 to vector<200x128xi32>
        %shift_right_logical3A_2092 = arith.shrui %xor3A_2085, %shift_right_logical3A_2091 : vector<200x128xi32>
        %or3A_2093 = arith.ori %shift_left3A_2089, %shift_right_logical3A_2092 : vector<200x128xi32>
        %xor3A_2094 = arith.xori %add3A_2086, %or3A_2093 : vector<200x128xi32>
        %add3A_2095 = arith.addi %add3A_2086, %xor3A_2094 : vector<200x128xi32>
        %shift_left3A_2096 = arith.constant 26 : i32
        %shift_left3A_2097 = vector.broadcast %shift_left3A_2096 : i32 to vector<200x128xi32>
        %shift_left3A_2098 = arith.shli %xor3A_2094, %shift_left3A_2097 : vector<200x128xi32>
        %shift_right_logical3A_2099 = arith.constant 6 : i32
        %shift_right_logical3A_2100 = vector.broadcast %shift_right_logical3A_2099 : i32 to vector<200x128xi32>
        %shift_right_logical3A_2101 = arith.shrui %xor3A_2094, %shift_right_logical3A_2100 : vector<200x128xi32>
        %or3A_2102 = arith.ori %shift_left3A_2098, %shift_right_logical3A_2101 : vector<200x128xi32>
        %xor3A_2103 = arith.xori %add3A_2095, %or3A_2102 : vector<200x128xi32>
        %add3A_2104 = arith.addi %add3A_2095, %xor3A_2103 : vector<200x128xi32>
        %shift_left3A_2105 = arith.constant 6 : i32
        %shift_left3A_2106 = vector.broadcast %shift_left3A_2105 : i32 to vector<200x128xi32>
        %shift_left3A_2107 = arith.shli %xor3A_2103, %shift_left3A_2106 : vector<200x128xi32>
        %shift_right_logical3A_2108 = arith.constant 26 : i32
        %shift_right_logical3A_2109 = vector.broadcast %shift_right_logical3A_2108 : i32 to vector<200x128xi32>
        %shift_right_logical3A_2110 = arith.shrui %xor3A_2103, %shift_right_logical3A_2109 : vector<200x128xi32>
        %or3A_2111 = arith.ori %shift_left3A_2107, %shift_right_logical3A_2110 : vector<200x128xi32>
        %xor3A_2112 = arith.xori %add3A_2104, %or3A_2111 : vector<200x128xi32>
        %add3A_2113 = arith.addi %add3A_2104, %while3A_1845 : vector<200x128xi32>
        %add3A_2114 = arith.addi %xor3A_2112, %xor3A_2070 : vector<200x128xi32>
        %add3A_2115 = arith.constant 1 : i32
        %add3A_2116 = vector.broadcast %add3A_2115 : i32 to vector<200x128xi32>
        %add3A_2117 = arith.addi %add3A_2114, %add3A_2116 : vector<200x128xi32>
        %add3A_2118 = arith.addi %add3A_2113, %add3A_2117 : vector<200x128xi32>
        %shift_left3A_2119 = arith.constant 17 : i32
        %shift_left3A_2120 = vector.broadcast %shift_left3A_2119 : i32 to vector<200x128xi32>
        %shift_left3A_2121 = arith.shli %add3A_2117, %shift_left3A_2120 : vector<200x128xi32>
        %shift_right_logical3A_2122 = arith.constant 15 : i32
        %shift_right_logical3A_2123 = vector.broadcast %shift_right_logical3A_2122 : i32 to vector<200x128xi32>
        %shift_right_logical3A_2124 = arith.shrui %add3A_2117, %shift_right_logical3A_2123 : vector<200x128xi32>
        %or3A_2125 = arith.ori %shift_left3A_2121, %shift_right_logical3A_2124 : vector<200x128xi32>
        %xor3A_2126 = arith.xori %add3A_2118, %or3A_2125 : vector<200x128xi32>
        %add3A_2127 = arith.addi %add3A_2118, %xor3A_2126 : vector<200x128xi32>
        %shift_left3A_2128 = arith.constant 29 : i32
        %shift_left3A_2129 = vector.broadcast %shift_left3A_2128 : i32 to vector<200x128xi32>
        %shift_left3A_2130 = arith.shli %xor3A_2126, %shift_left3A_2129 : vector<200x128xi32>
        %shift_right_logical3A_2131 = arith.constant 3 : i32
        %shift_right_logical3A_2132 = vector.broadcast %shift_right_logical3A_2131 : i32 to vector<200x128xi32>
        %shift_right_logical3A_2133 = arith.shrui %xor3A_2126, %shift_right_logical3A_2132 : vector<200x128xi32>
        %or3A_2134 = arith.ori %shift_left3A_2130, %shift_right_logical3A_2133 : vector<200x128xi32>
        %xor3A_2135 = arith.xori %add3A_2127, %or3A_2134 : vector<200x128xi32>
        %add3A_2136 = arith.addi %add3A_2127, %xor3A_2135 : vector<200x128xi32>
        %shift_left3A_2137 = arith.constant 16 : i32
        %shift_left3A_2138 = vector.broadcast %shift_left3A_2137 : i32 to vector<200x128xi32>
        %shift_left3A_2139 = arith.shli %xor3A_2135, %shift_left3A_2138 : vector<200x128xi32>
        %shift_right_logical3A_2140 = arith.constant 16 : i32
        %shift_right_logical3A_2141 = vector.broadcast %shift_right_logical3A_2140 : i32 to vector<200x128xi32>
        %shift_right_logical3A_2142 = arith.shrui %xor3A_2135, %shift_right_logical3A_2141 : vector<200x128xi32>
        %or3A_2143 = arith.ori %shift_left3A_2139, %shift_right_logical3A_2142 : vector<200x128xi32>
        %xor3A_2144 = arith.xori %add3A_2136, %or3A_2143 : vector<200x128xi32>
        %add3A_2145 = arith.addi %add3A_2136, %xor3A_2144 : vector<200x128xi32>
        %shift_left3A_2146 = arith.constant 24 : i32
        %shift_left3A_2147 = vector.broadcast %shift_left3A_2146 : i32 to vector<200x128xi32>
        %shift_left3A_2148 = arith.shli %xor3A_2144, %shift_left3A_2147 : vector<200x128xi32>
        %shift_right_logical3A_2149 = arith.constant 8 : i32
        %shift_right_logical3A_2150 = vector.broadcast %shift_right_logical3A_2149 : i32 to vector<200x128xi32>
        %shift_right_logical3A_2151 = arith.shrui %xor3A_2144, %shift_right_logical3A_2150 : vector<200x128xi32>
        %or3A_2152 = arith.ori %shift_left3A_2148, %shift_right_logical3A_2151 : vector<200x128xi32>
        %xor3A_2153 = arith.xori %add3A_2145, %or3A_2152 : vector<200x128xi32>
        %add3A_2154 = arith.addi %add3A_2145, %xor3A_2070 : vector<200x128xi32>
        %add3A_2155 = arith.addi %xor3A_2153, %while3A_1844 : vector<200x128xi32>
        %add3A_2156 = arith.constant 2 : i32
        %add3A_2157 = vector.broadcast %add3A_2156 : i32 to vector<200x128xi32>
        %add3A_2158 = arith.addi %add3A_2155, %add3A_2157 : vector<200x128xi32>
        %add3A_2159 = arith.addi %add3A_2154, %add3A_2158 : vector<200x128xi32>
        %shift_left3A_2160 = arith.constant 13 : i32
        %shift_left3A_2161 = vector.broadcast %shift_left3A_2160 : i32 to vector<200x128xi32>
        %shift_left3A_2162 = arith.shli %add3A_2158, %shift_left3A_2161 : vector<200x128xi32>
        %shift_right_logical3A_2163 = arith.constant 19 : i32
        %shift_right_logical3A_2164 = vector.broadcast %shift_right_logical3A_2163 : i32 to vector<200x128xi32>
        %shift_right_logical3A_2165 = arith.shrui %add3A_2158, %shift_right_logical3A_2164 : vector<200x128xi32>
        %or3A_2166 = arith.ori %shift_left3A_2162, %shift_right_logical3A_2165 : vector<200x128xi32>
        %xor3A_2167 = arith.xori %add3A_2159, %or3A_2166 : vector<200x128xi32>
        %add3A_2168 = arith.addi %add3A_2159, %xor3A_2167 : vector<200x128xi32>
        %shift_left3A_2169 = arith.constant 15 : i32
        %shift_left3A_2170 = vector.broadcast %shift_left3A_2169 : i32 to vector<200x128xi32>
        %shift_left3A_2171 = arith.shli %xor3A_2167, %shift_left3A_2170 : vector<200x128xi32>
        %shift_right_logical3A_2172 = arith.constant 17 : i32
        %shift_right_logical3A_2173 = vector.broadcast %shift_right_logical3A_2172 : i32 to vector<200x128xi32>
        %shift_right_logical3A_2174 = arith.shrui %xor3A_2167, %shift_right_logical3A_2173 : vector<200x128xi32>
        %or3A_2175 = arith.ori %shift_left3A_2171, %shift_right_logical3A_2174 : vector<200x128xi32>
        %xor3A_2176 = arith.xori %add3A_2168, %or3A_2175 : vector<200x128xi32>
        %add3A_2177 = arith.addi %add3A_2168, %xor3A_2176 : vector<200x128xi32>
        %shift_left3A_2178 = arith.constant 26 : i32
        %shift_left3A_2179 = vector.broadcast %shift_left3A_2178 : i32 to vector<200x128xi32>
        %shift_left3A_2180 = arith.shli %xor3A_2176, %shift_left3A_2179 : vector<200x128xi32>
        %shift_right_logical3A_2181 = arith.constant 6 : i32
        %shift_right_logical3A_2182 = vector.broadcast %shift_right_logical3A_2181 : i32 to vector<200x128xi32>
        %shift_right_logical3A_2183 = arith.shrui %xor3A_2176, %shift_right_logical3A_2182 : vector<200x128xi32>
        %or3A_2184 = arith.ori %shift_left3A_2180, %shift_right_logical3A_2183 : vector<200x128xi32>
        %xor3A_2185 = arith.xori %add3A_2177, %or3A_2184 : vector<200x128xi32>
        %add3A_2186 = arith.addi %add3A_2177, %xor3A_2185 : vector<200x128xi32>
        %shift_left3A_2187 = arith.constant 6 : i32
        %shift_left3A_2188 = vector.broadcast %shift_left3A_2187 : i32 to vector<200x128xi32>
        %shift_left3A_2189 = arith.shli %xor3A_2185, %shift_left3A_2188 : vector<200x128xi32>
        %shift_right_logical3A_2190 = arith.constant 26 : i32
        %shift_right_logical3A_2191 = vector.broadcast %shift_right_logical3A_2190 : i32 to vector<200x128xi32>
        %shift_right_logical3A_2192 = arith.shrui %xor3A_2185, %shift_right_logical3A_2191 : vector<200x128xi32>
        %or3A_2193 = arith.ori %shift_left3A_2189, %shift_right_logical3A_2192 : vector<200x128xi32>
        %xor3A_2194 = arith.xori %add3A_2186, %or3A_2193 : vector<200x128xi32>
        %add3A_2195 = arith.addi %add3A_2186, %while3A_1844 : vector<200x128xi32>
        %add3A_2196 = arith.addi %xor3A_2194, %while3A_1845 : vector<200x128xi32>
        %add3A_2197 = arith.constant 3 : i32
        %add3A_2198 = vector.broadcast %add3A_2197 : i32 to vector<200x128xi32>
        %add3A_2199 = arith.addi %add3A_2196, %add3A_2198 : vector<200x128xi32>
        %add3A_2200 = arith.addi %add3A_2195, %add3A_2199 : vector<200x128xi32>
        %shift_left3A_2201 = arith.constant 17 : i32
        %shift_left3A_2202 = vector.broadcast %shift_left3A_2201 : i32 to vector<200x128xi32>
        %shift_left3A_2203 = arith.shli %add3A_2199, %shift_left3A_2202 : vector<200x128xi32>
        %shift_right_logical3A_2204 = arith.constant 15 : i32
        %shift_right_logical3A_2205 = vector.broadcast %shift_right_logical3A_2204 : i32 to vector<200x128xi32>
        %shift_right_logical3A_2206 = arith.shrui %add3A_2199, %shift_right_logical3A_2205 : vector<200x128xi32>
        %or3A_2207 = arith.ori %shift_left3A_2203, %shift_right_logical3A_2206 : vector<200x128xi32>
        %xor3A_2208 = arith.xori %add3A_2200, %or3A_2207 : vector<200x128xi32>
        %add3A_2209 = arith.addi %add3A_2200, %xor3A_2208 : vector<200x128xi32>
        %shift_left3A_2210 = arith.constant 29 : i32
        %shift_left3A_2211 = vector.broadcast %shift_left3A_2210 : i32 to vector<200x128xi32>
        %shift_left3A_2212 = arith.shli %xor3A_2208, %shift_left3A_2211 : vector<200x128xi32>
        %shift_right_logical3A_2213 = arith.constant 3 : i32
        %shift_right_logical3A_2214 = vector.broadcast %shift_right_logical3A_2213 : i32 to vector<200x128xi32>
        %shift_right_logical3A_2215 = arith.shrui %xor3A_2208, %shift_right_logical3A_2214 : vector<200x128xi32>
        %or3A_2216 = arith.ori %shift_left3A_2212, %shift_right_logical3A_2215 : vector<200x128xi32>
        %xor3A_2217 = arith.xori %add3A_2209, %or3A_2216 : vector<200x128xi32>
        %add3A_2218 = arith.addi %add3A_2209, %xor3A_2217 : vector<200x128xi32>
        %shift_left3A_2219 = arith.constant 16 : i32
        %shift_left3A_2220 = vector.broadcast %shift_left3A_2219 : i32 to vector<200x128xi32>
        %shift_left3A_2221 = arith.shli %xor3A_2217, %shift_left3A_2220 : vector<200x128xi32>
        %shift_right_logical3A_2222 = arith.constant 16 : i32
        %shift_right_logical3A_2223 = vector.broadcast %shift_right_logical3A_2222 : i32 to vector<200x128xi32>
        %shift_right_logical3A_2224 = arith.shrui %xor3A_2217, %shift_right_logical3A_2223 : vector<200x128xi32>
        %or3A_2225 = arith.ori %shift_left3A_2221, %shift_right_logical3A_2224 : vector<200x128xi32>
        %xor3A_2226 = arith.xori %add3A_2218, %or3A_2225 : vector<200x128xi32>
        %add3A_2227 = arith.addi %add3A_2218, %xor3A_2226 : vector<200x128xi32>
        %shift_left3A_2228 = arith.constant 24 : i32
        %shift_left3A_2229 = vector.broadcast %shift_left3A_2228 : i32 to vector<200x128xi32>
        %shift_left3A_2230 = arith.shli %xor3A_2226, %shift_left3A_2229 : vector<200x128xi32>
        %shift_right_logical3A_2231 = arith.constant 8 : i32
        %shift_right_logical3A_2232 = vector.broadcast %shift_right_logical3A_2231 : i32 to vector<200x128xi32>
        %shift_right_logical3A_2233 = arith.shrui %xor3A_2226, %shift_right_logical3A_2232 : vector<200x128xi32>
        %or3A_2234 = arith.ori %shift_left3A_2230, %shift_right_logical3A_2233 : vector<200x128xi32>
        %xor3A_2235 = arith.xori %add3A_2227, %or3A_2234 : vector<200x128xi32>
        %add3A_2236 = arith.addi %add3A_2227, %while3A_1845 : vector<200x128xi32>
        %add3A_2237 = arith.addi %xor3A_2235, %xor3A_2070 : vector<200x128xi32>
        %add3A_2238 = arith.constant 4 : i32
        %add3A_2239 = vector.broadcast %add3A_2238 : i32 to vector<200x128xi32>
        %add3A_2240 = arith.addi %add3A_2237, %add3A_2239 : vector<200x128xi32>
        %add3A_2241 = arith.addi %add3A_2236, %add3A_2240 : vector<200x128xi32>
        %shift_left3A_2242 = arith.constant 13 : i32
        %shift_left3A_2243 = vector.broadcast %shift_left3A_2242 : i32 to vector<200x128xi32>
        %shift_left3A_2244 = arith.shli %add3A_2240, %shift_left3A_2243 : vector<200x128xi32>
        %shift_right_logical3A_2245 = arith.constant 19 : i32
        %shift_right_logical3A_2246 = vector.broadcast %shift_right_logical3A_2245 : i32 to vector<200x128xi32>
        %shift_right_logical3A_2247 = arith.shrui %add3A_2240, %shift_right_logical3A_2246 : vector<200x128xi32>
        %or3A_2248 = arith.ori %shift_left3A_2244, %shift_right_logical3A_2247 : vector<200x128xi32>
        %xor3A_2249 = arith.xori %add3A_2241, %or3A_2248 : vector<200x128xi32>
        %add3A_2250 = arith.addi %add3A_2241, %xor3A_2249 : vector<200x128xi32>
        %shift_left3A_2251 = arith.constant 15 : i32
        %shift_left3A_2252 = vector.broadcast %shift_left3A_2251 : i32 to vector<200x128xi32>
        %shift_left3A_2253 = arith.shli %xor3A_2249, %shift_left3A_2252 : vector<200x128xi32>
        %shift_right_logical3A_2254 = arith.constant 17 : i32
        %shift_right_logical3A_2255 = vector.broadcast %shift_right_logical3A_2254 : i32 to vector<200x128xi32>
        %shift_right_logical3A_2256 = arith.shrui %xor3A_2249, %shift_right_logical3A_2255 : vector<200x128xi32>
        %or3A_2257 = arith.ori %shift_left3A_2253, %shift_right_logical3A_2256 : vector<200x128xi32>
        %xor3A_2258 = arith.xori %add3A_2250, %or3A_2257 : vector<200x128xi32>
        %add3A_2259 = arith.addi %add3A_2250, %xor3A_2258 : vector<200x128xi32>
        %shift_left3A_2260 = arith.constant 26 : i32
        %shift_left3A_2261 = vector.broadcast %shift_left3A_2260 : i32 to vector<200x128xi32>
        %shift_left3A_2262 = arith.shli %xor3A_2258, %shift_left3A_2261 : vector<200x128xi32>
        %shift_right_logical3A_2263 = arith.constant 6 : i32
        %shift_right_logical3A_2264 = vector.broadcast %shift_right_logical3A_2263 : i32 to vector<200x128xi32>
        %shift_right_logical3A_2265 = arith.shrui %xor3A_2258, %shift_right_logical3A_2264 : vector<200x128xi32>
        %or3A_2266 = arith.ori %shift_left3A_2262, %shift_right_logical3A_2265 : vector<200x128xi32>
        %xor3A_2267 = arith.xori %add3A_2259, %or3A_2266 : vector<200x128xi32>
        %add3A_2268 = arith.addi %add3A_2259, %xor3A_2267 : vector<200x128xi32>
        %shift_left3A_2269 = arith.constant 6 : i32
        %shift_left3A_2270 = vector.broadcast %shift_left3A_2269 : i32 to vector<200x128xi32>
        %shift_left3A_2271 = arith.shli %xor3A_2267, %shift_left3A_2270 : vector<200x128xi32>
        %shift_right_logical3A_2272 = arith.constant 26 : i32
        %shift_right_logical3A_2273 = vector.broadcast %shift_right_logical3A_2272 : i32 to vector<200x128xi32>
        %shift_right_logical3A_2274 = arith.shrui %xor3A_2267, %shift_right_logical3A_2273 : vector<200x128xi32>
        %or3A_2275 = arith.ori %shift_left3A_2271, %shift_right_logical3A_2274 : vector<200x128xi32>
        %xor3A_2276 = arith.xori %add3A_2268, %or3A_2275 : vector<200x128xi32>
        %add3A_2277 = arith.addi %add3A_2268, %xor3A_2070 : vector<200x128xi32>
        %add3A_2278 = arith.addi %xor3A_2276, %while3A_1844 : vector<200x128xi32>
        %add3A_2279 = arith.constant 5 : i32
        %add3A_2280 = vector.broadcast %add3A_2279 : i32 to vector<200x128xi32>
        %add3A_2281 = arith.addi %add3A_2278, %add3A_2280 : vector<200x128xi32>
        %xor3A_2282 = arith.xori %add3A_2277, %add3A_2281 : vector<200x128xi32>
        %xor3A_2283 = arith.constant 466688986 : i32
        %xor3A_2284 = vector.broadcast %xor3A_2283 : i32 to vector<200x128xi32>
        %xor3A_2285 = arith.xori %xor3A_2282, %xor3A_2284 : vector<200x128xi32>
        %add3A_2286 = arith.constant 0 : i32
        %add3A_2287 = vector.broadcast %add3A_2286 : i32 to vector<200x128xi32>
        %add3A_2288 = arith.addi %add3A_2287, %add3A_2277 : vector<200x128xi32>
        %add3A_2289 = arith.constant 0 : i32
        %add3A_2290 = vector.broadcast %add3A_2289 : i32 to vector<200x128xi32>
        %add3A_2291 = arith.addi %add3A_2290, %add3A_2281 : vector<200x128xi32>
        %add3A_2292 = arith.addi %add3A_2288, %add3A_2291 : vector<200x128xi32>
        %shift_left3A_2293 = arith.constant 13 : i32
        %shift_left3A_2294 = vector.broadcast %shift_left3A_2293 : i32 to vector<200x128xi32>
        %shift_left3A_2295 = arith.shli %add3A_2291, %shift_left3A_2294 : vector<200x128xi32>
        %shift_right_logical3A_2296 = arith.constant 19 : i32
        %shift_right_logical3A_2297 = vector.broadcast %shift_right_logical3A_2296 : i32 to vector<200x128xi32>
        %shift_right_logical3A_2298 = arith.shrui %add3A_2291, %shift_right_logical3A_2297 : vector<200x128xi32>
        %or3A_2299 = arith.ori %shift_left3A_2295, %shift_right_logical3A_2298 : vector<200x128xi32>
        %xor3A_2300 = arith.xori %add3A_2292, %or3A_2299 : vector<200x128xi32>
        %add3A_2301 = arith.addi %add3A_2292, %xor3A_2300 : vector<200x128xi32>
        %shift_left3A_2302 = arith.constant 15 : i32
        %shift_left3A_2303 = vector.broadcast %shift_left3A_2302 : i32 to vector<200x128xi32>
        %shift_left3A_2304 = arith.shli %xor3A_2300, %shift_left3A_2303 : vector<200x128xi32>
        %shift_right_logical3A_2305 = arith.constant 17 : i32
        %shift_right_logical3A_2306 = vector.broadcast %shift_right_logical3A_2305 : i32 to vector<200x128xi32>
        %shift_right_logical3A_2307 = arith.shrui %xor3A_2300, %shift_right_logical3A_2306 : vector<200x128xi32>
        %or3A_2308 = arith.ori %shift_left3A_2304, %shift_right_logical3A_2307 : vector<200x128xi32>
        %xor3A_2309 = arith.xori %add3A_2301, %or3A_2308 : vector<200x128xi32>
        %add3A_2310 = arith.addi %add3A_2301, %xor3A_2309 : vector<200x128xi32>
        %shift_left3A_2311 = arith.constant 26 : i32
        %shift_left3A_2312 = vector.broadcast %shift_left3A_2311 : i32 to vector<200x128xi32>
        %shift_left3A_2313 = arith.shli %xor3A_2309, %shift_left3A_2312 : vector<200x128xi32>
        %shift_right_logical3A_2314 = arith.constant 6 : i32
        %shift_right_logical3A_2315 = vector.broadcast %shift_right_logical3A_2314 : i32 to vector<200x128xi32>
        %shift_right_logical3A_2316 = arith.shrui %xor3A_2309, %shift_right_logical3A_2315 : vector<200x128xi32>
        %or3A_2317 = arith.ori %shift_left3A_2313, %shift_right_logical3A_2316 : vector<200x128xi32>
        %xor3A_2318 = arith.xori %add3A_2310, %or3A_2317 : vector<200x128xi32>
        %add3A_2319 = arith.addi %add3A_2310, %xor3A_2318 : vector<200x128xi32>
        %shift_left3A_2320 = arith.constant 6 : i32
        %shift_left3A_2321 = vector.broadcast %shift_left3A_2320 : i32 to vector<200x128xi32>
        %shift_left3A_2322 = arith.shli %xor3A_2318, %shift_left3A_2321 : vector<200x128xi32>
        %shift_right_logical3A_2323 = arith.constant 26 : i32
        %shift_right_logical3A_2324 = vector.broadcast %shift_right_logical3A_2323 : i32 to vector<200x128xi32>
        %shift_right_logical3A_2325 = arith.shrui %xor3A_2318, %shift_right_logical3A_2324 : vector<200x128xi32>
        %or3A_2326 = arith.ori %shift_left3A_2322, %shift_right_logical3A_2325 : vector<200x128xi32>
        %xor3A_2327 = arith.xori %add3A_2319, %or3A_2326 : vector<200x128xi32>
        %add3A_2328 = arith.addi %add3A_2319, %add3A_2281 : vector<200x128xi32>
        %add3A_2329 = arith.addi %xor3A_2327, %xor3A_2285 : vector<200x128xi32>
        %add3A_2330 = arith.constant 1 : i32
        %add3A_2331 = vector.broadcast %add3A_2330 : i32 to vector<200x128xi32>
        %add3A_2332 = arith.addi %add3A_2329, %add3A_2331 : vector<200x128xi32>
        %add3A_2333 = arith.addi %add3A_2328, %add3A_2332 : vector<200x128xi32>
        %shift_left3A_2334 = arith.constant 17 : i32
        %shift_left3A_2335 = vector.broadcast %shift_left3A_2334 : i32 to vector<200x128xi32>
        %shift_left3A_2336 = arith.shli %add3A_2332, %shift_left3A_2335 : vector<200x128xi32>
        %shift_right_logical3A_2337 = arith.constant 15 : i32
        %shift_right_logical3A_2338 = vector.broadcast %shift_right_logical3A_2337 : i32 to vector<200x128xi32>
        %shift_right_logical3A_2339 = arith.shrui %add3A_2332, %shift_right_logical3A_2338 : vector<200x128xi32>
        %or3A_2340 = arith.ori %shift_left3A_2336, %shift_right_logical3A_2339 : vector<200x128xi32>
        %xor3A_2341 = arith.xori %add3A_2333, %or3A_2340 : vector<200x128xi32>
        %add3A_2342 = arith.addi %add3A_2333, %xor3A_2341 : vector<200x128xi32>
        %shift_left3A_2343 = arith.constant 29 : i32
        %shift_left3A_2344 = vector.broadcast %shift_left3A_2343 : i32 to vector<200x128xi32>
        %shift_left3A_2345 = arith.shli %xor3A_2341, %shift_left3A_2344 : vector<200x128xi32>
        %shift_right_logical3A_2346 = arith.constant 3 : i32
        %shift_right_logical3A_2347 = vector.broadcast %shift_right_logical3A_2346 : i32 to vector<200x128xi32>
        %shift_right_logical3A_2348 = arith.shrui %xor3A_2341, %shift_right_logical3A_2347 : vector<200x128xi32>
        %or3A_2349 = arith.ori %shift_left3A_2345, %shift_right_logical3A_2348 : vector<200x128xi32>
        %xor3A_2350 = arith.xori %add3A_2342, %or3A_2349 : vector<200x128xi32>
        %add3A_2351 = arith.addi %add3A_2342, %xor3A_2350 : vector<200x128xi32>
        %shift_left3A_2352 = arith.constant 16 : i32
        %shift_left3A_2353 = vector.broadcast %shift_left3A_2352 : i32 to vector<200x128xi32>
        %shift_left3A_2354 = arith.shli %xor3A_2350, %shift_left3A_2353 : vector<200x128xi32>
        %shift_right_logical3A_2355 = arith.constant 16 : i32
        %shift_right_logical3A_2356 = vector.broadcast %shift_right_logical3A_2355 : i32 to vector<200x128xi32>
        %shift_right_logical3A_2357 = arith.shrui %xor3A_2350, %shift_right_logical3A_2356 : vector<200x128xi32>
        %or3A_2358 = arith.ori %shift_left3A_2354, %shift_right_logical3A_2357 : vector<200x128xi32>
        %xor3A_2359 = arith.xori %add3A_2351, %or3A_2358 : vector<200x128xi32>
        %add3A_2360 = arith.addi %add3A_2351, %xor3A_2359 : vector<200x128xi32>
        %shift_left3A_2361 = arith.constant 24 : i32
        %shift_left3A_2362 = vector.broadcast %shift_left3A_2361 : i32 to vector<200x128xi32>
        %shift_left3A_2363 = arith.shli %xor3A_2359, %shift_left3A_2362 : vector<200x128xi32>
        %shift_right_logical3A_2364 = arith.constant 8 : i32
        %shift_right_logical3A_2365 = vector.broadcast %shift_right_logical3A_2364 : i32 to vector<200x128xi32>
        %shift_right_logical3A_2366 = arith.shrui %xor3A_2359, %shift_right_logical3A_2365 : vector<200x128xi32>
        %or3A_2367 = arith.ori %shift_left3A_2363, %shift_right_logical3A_2366 : vector<200x128xi32>
        %xor3A_2368 = arith.xori %add3A_2360, %or3A_2367 : vector<200x128xi32>
        %add3A_2369 = arith.addi %add3A_2360, %xor3A_2285 : vector<200x128xi32>
        %add3A_2370 = arith.addi %xor3A_2368, %add3A_2277 : vector<200x128xi32>
        %add3A_2371 = arith.constant 2 : i32
        %add3A_2372 = vector.broadcast %add3A_2371 : i32 to vector<200x128xi32>
        %add3A_2373 = arith.addi %add3A_2370, %add3A_2372 : vector<200x128xi32>
        %add3A_2374 = arith.addi %add3A_2369, %add3A_2373 : vector<200x128xi32>
        %shift_left3A_2375 = arith.constant 13 : i32
        %shift_left3A_2376 = vector.broadcast %shift_left3A_2375 : i32 to vector<200x128xi32>
        %shift_left3A_2377 = arith.shli %add3A_2373, %shift_left3A_2376 : vector<200x128xi32>
        %shift_right_logical3A_2378 = arith.constant 19 : i32
        %shift_right_logical3A_2379 = vector.broadcast %shift_right_logical3A_2378 : i32 to vector<200x128xi32>
        %shift_right_logical3A_2380 = arith.shrui %add3A_2373, %shift_right_logical3A_2379 : vector<200x128xi32>
        %or3A_2381 = arith.ori %shift_left3A_2377, %shift_right_logical3A_2380 : vector<200x128xi32>
        %xor3A_2382 = arith.xori %add3A_2374, %or3A_2381 : vector<200x128xi32>
        %add3A_2383 = arith.addi %add3A_2374, %xor3A_2382 : vector<200x128xi32>
        %shift_left3A_2384 = arith.constant 15 : i32
        %shift_left3A_2385 = vector.broadcast %shift_left3A_2384 : i32 to vector<200x128xi32>
        %shift_left3A_2386 = arith.shli %xor3A_2382, %shift_left3A_2385 : vector<200x128xi32>
        %shift_right_logical3A_2387 = arith.constant 17 : i32
        %shift_right_logical3A_2388 = vector.broadcast %shift_right_logical3A_2387 : i32 to vector<200x128xi32>
        %shift_right_logical3A_2389 = arith.shrui %xor3A_2382, %shift_right_logical3A_2388 : vector<200x128xi32>
        %or3A_2390 = arith.ori %shift_left3A_2386, %shift_right_logical3A_2389 : vector<200x128xi32>
        %xor3A_2391 = arith.xori %add3A_2383, %or3A_2390 : vector<200x128xi32>
        %add3A_2392 = arith.addi %add3A_2383, %xor3A_2391 : vector<200x128xi32>
        %shift_left3A_2393 = arith.constant 26 : i32
        %shift_left3A_2394 = vector.broadcast %shift_left3A_2393 : i32 to vector<200x128xi32>
        %shift_left3A_2395 = arith.shli %xor3A_2391, %shift_left3A_2394 : vector<200x128xi32>
        %shift_right_logical3A_2396 = arith.constant 6 : i32
        %shift_right_logical3A_2397 = vector.broadcast %shift_right_logical3A_2396 : i32 to vector<200x128xi32>
        %shift_right_logical3A_2398 = arith.shrui %xor3A_2391, %shift_right_logical3A_2397 : vector<200x128xi32>
        %or3A_2399 = arith.ori %shift_left3A_2395, %shift_right_logical3A_2398 : vector<200x128xi32>
        %xor3A_2400 = arith.xori %add3A_2392, %or3A_2399 : vector<200x128xi32>
        %add3A_2401 = arith.addi %add3A_2392, %xor3A_2400 : vector<200x128xi32>
        %shift_left3A_2402 = arith.constant 6 : i32
        %shift_left3A_2403 = vector.broadcast %shift_left3A_2402 : i32 to vector<200x128xi32>
        %shift_left3A_2404 = arith.shli %xor3A_2400, %shift_left3A_2403 : vector<200x128xi32>
        %shift_right_logical3A_2405 = arith.constant 26 : i32
        %shift_right_logical3A_2406 = vector.broadcast %shift_right_logical3A_2405 : i32 to vector<200x128xi32>
        %shift_right_logical3A_2407 = arith.shrui %xor3A_2400, %shift_right_logical3A_2406 : vector<200x128xi32>
        %or3A_2408 = arith.ori %shift_left3A_2404, %shift_right_logical3A_2407 : vector<200x128xi32>
        %xor3A_2409 = arith.xori %add3A_2401, %or3A_2408 : vector<200x128xi32>
        %add3A_2410 = arith.addi %add3A_2401, %add3A_2277 : vector<200x128xi32>
        %add3A_2411 = arith.addi %xor3A_2409, %add3A_2281 : vector<200x128xi32>
        %add3A_2412 = arith.constant 3 : i32
        %add3A_2413 = vector.broadcast %add3A_2412 : i32 to vector<200x128xi32>
        %add3A_2414 = arith.addi %add3A_2411, %add3A_2413 : vector<200x128xi32>
        %add3A_2415 = arith.addi %add3A_2410, %add3A_2414 : vector<200x128xi32>
        %shift_left3A_2416 = arith.constant 17 : i32
        %shift_left3A_2417 = vector.broadcast %shift_left3A_2416 : i32 to vector<200x128xi32>
        %shift_left3A_2418 = arith.shli %add3A_2414, %shift_left3A_2417 : vector<200x128xi32>
        %shift_right_logical3A_2419 = arith.constant 15 : i32
        %shift_right_logical3A_2420 = vector.broadcast %shift_right_logical3A_2419 : i32 to vector<200x128xi32>
        %shift_right_logical3A_2421 = arith.shrui %add3A_2414, %shift_right_logical3A_2420 : vector<200x128xi32>
        %or3A_2422 = arith.ori %shift_left3A_2418, %shift_right_logical3A_2421 : vector<200x128xi32>
        %xor3A_2423 = arith.xori %add3A_2415, %or3A_2422 : vector<200x128xi32>
        %add3A_2424 = arith.addi %add3A_2415, %xor3A_2423 : vector<200x128xi32>
        %shift_left3A_2425 = arith.constant 29 : i32
        %shift_left3A_2426 = vector.broadcast %shift_left3A_2425 : i32 to vector<200x128xi32>
        %shift_left3A_2427 = arith.shli %xor3A_2423, %shift_left3A_2426 : vector<200x128xi32>
        %shift_right_logical3A_2428 = arith.constant 3 : i32
        %shift_right_logical3A_2429 = vector.broadcast %shift_right_logical3A_2428 : i32 to vector<200x128xi32>
        %shift_right_logical3A_2430 = arith.shrui %xor3A_2423, %shift_right_logical3A_2429 : vector<200x128xi32>
        %or3A_2431 = arith.ori %shift_left3A_2427, %shift_right_logical3A_2430 : vector<200x128xi32>
        %xor3A_2432 = arith.xori %add3A_2424, %or3A_2431 : vector<200x128xi32>
        %add3A_2433 = arith.addi %add3A_2424, %xor3A_2432 : vector<200x128xi32>
        %shift_left3A_2434 = arith.constant 16 : i32
        %shift_left3A_2435 = vector.broadcast %shift_left3A_2434 : i32 to vector<200x128xi32>
        %shift_left3A_2436 = arith.shli %xor3A_2432, %shift_left3A_2435 : vector<200x128xi32>
        %shift_right_logical3A_2437 = arith.constant 16 : i32
        %shift_right_logical3A_2438 = vector.broadcast %shift_right_logical3A_2437 : i32 to vector<200x128xi32>
        %shift_right_logical3A_2439 = arith.shrui %xor3A_2432, %shift_right_logical3A_2438 : vector<200x128xi32>
        %or3A_2440 = arith.ori %shift_left3A_2436, %shift_right_logical3A_2439 : vector<200x128xi32>
        %xor3A_2441 = arith.xori %add3A_2433, %or3A_2440 : vector<200x128xi32>
        %add3A_2442 = arith.addi %add3A_2433, %xor3A_2441 : vector<200x128xi32>
        %shift_left3A_2443 = arith.constant 24 : i32
        %shift_left3A_2444 = vector.broadcast %shift_left3A_2443 : i32 to vector<200x128xi32>
        %shift_left3A_2445 = arith.shli %xor3A_2441, %shift_left3A_2444 : vector<200x128xi32>
        %shift_right_logical3A_2446 = arith.constant 8 : i32
        %shift_right_logical3A_2447 = vector.broadcast %shift_right_logical3A_2446 : i32 to vector<200x128xi32>
        %shift_right_logical3A_2448 = arith.shrui %xor3A_2441, %shift_right_logical3A_2447 : vector<200x128xi32>
        %or3A_2449 = arith.ori %shift_left3A_2445, %shift_right_logical3A_2448 : vector<200x128xi32>
        %xor3A_2450 = arith.xori %add3A_2442, %or3A_2449 : vector<200x128xi32>
        %add3A_2451 = arith.addi %add3A_2442, %add3A_2281 : vector<200x128xi32>
        %add3A_2452 = arith.addi %xor3A_2450, %xor3A_2285 : vector<200x128xi32>
        %add3A_2453 = arith.constant 4 : i32
        %add3A_2454 = vector.broadcast %add3A_2453 : i32 to vector<200x128xi32>
        %add3A_2455 = arith.addi %add3A_2452, %add3A_2454 : vector<200x128xi32>
        %add3A_2456 = arith.addi %add3A_2451, %add3A_2455 : vector<200x128xi32>
        %shift_left3A_2457 = arith.constant 13 : i32
        %shift_left3A_2458 = vector.broadcast %shift_left3A_2457 : i32 to vector<200x128xi32>
        %shift_left3A_2459 = arith.shli %add3A_2455, %shift_left3A_2458 : vector<200x128xi32>
        %shift_right_logical3A_2460 = arith.constant 19 : i32
        %shift_right_logical3A_2461 = vector.broadcast %shift_right_logical3A_2460 : i32 to vector<200x128xi32>
        %shift_right_logical3A_2462 = arith.shrui %add3A_2455, %shift_right_logical3A_2461 : vector<200x128xi32>
        %or3A_2463 = arith.ori %shift_left3A_2459, %shift_right_logical3A_2462 : vector<200x128xi32>
        %xor3A_2464 = arith.xori %add3A_2456, %or3A_2463 : vector<200x128xi32>
        %add3A_2465 = arith.addi %add3A_2456, %xor3A_2464 : vector<200x128xi32>
        %shift_left3A_2466 = arith.constant 15 : i32
        %shift_left3A_2467 = vector.broadcast %shift_left3A_2466 : i32 to vector<200x128xi32>
        %shift_left3A_2468 = arith.shli %xor3A_2464, %shift_left3A_2467 : vector<200x128xi32>
        %shift_right_logical3A_2469 = arith.constant 17 : i32
        %shift_right_logical3A_2470 = vector.broadcast %shift_right_logical3A_2469 : i32 to vector<200x128xi32>
        %shift_right_logical3A_2471 = arith.shrui %xor3A_2464, %shift_right_logical3A_2470 : vector<200x128xi32>
        %or3A_2472 = arith.ori %shift_left3A_2468, %shift_right_logical3A_2471 : vector<200x128xi32>
        %xor3A_2473 = arith.xori %add3A_2465, %or3A_2472 : vector<200x128xi32>
        %add3A_2474 = arith.addi %add3A_2465, %xor3A_2473 : vector<200x128xi32>
        %shift_left3A_2475 = arith.constant 26 : i32
        %shift_left3A_2476 = vector.broadcast %shift_left3A_2475 : i32 to vector<200x128xi32>
        %shift_left3A_2477 = arith.shli %xor3A_2473, %shift_left3A_2476 : vector<200x128xi32>
        %shift_right_logical3A_2478 = arith.constant 6 : i32
        %shift_right_logical3A_2479 = vector.broadcast %shift_right_logical3A_2478 : i32 to vector<200x128xi32>
        %shift_right_logical3A_2480 = arith.shrui %xor3A_2473, %shift_right_logical3A_2479 : vector<200x128xi32>
        %or3A_2481 = arith.ori %shift_left3A_2477, %shift_right_logical3A_2480 : vector<200x128xi32>
        %xor3A_2482 = arith.xori %add3A_2474, %or3A_2481 : vector<200x128xi32>
        %add3A_2483 = arith.addi %add3A_2474, %xor3A_2482 : vector<200x128xi32>
        %shift_left3A_2484 = arith.constant 6 : i32
        %shift_left3A_2485 = vector.broadcast %shift_left3A_2484 : i32 to vector<200x128xi32>
        %shift_left3A_2486 = arith.shli %xor3A_2482, %shift_left3A_2485 : vector<200x128xi32>
        %shift_right_logical3A_2487 = arith.constant 26 : i32
        %shift_right_logical3A_2488 = vector.broadcast %shift_right_logical3A_2487 : i32 to vector<200x128xi32>
        %shift_right_logical3A_2489 = arith.shrui %xor3A_2482, %shift_right_logical3A_2488 : vector<200x128xi32>
        %or3A_2490 = arith.ori %shift_left3A_2486, %shift_right_logical3A_2489 : vector<200x128xi32>
        %xor3A_2491 = arith.xori %add3A_2483, %or3A_2490 : vector<200x128xi32>
        %add3A_2492 = arith.addi %add3A_2483, %xor3A_2285 : vector<200x128xi32>
        %add3A_2493 = arith.addi %xor3A_2491, %add3A_2277 : vector<200x128xi32>
        %add3A_2494 = arith.constant 5 : i32
        %add3A_2495 = vector.broadcast %add3A_2494 : i32 to vector<200x128xi32>
        %add3A_2496 = arith.addi %add3A_2493, %add3A_2495 : vector<200x128xi32>
        %xor3A_2497 = arith.xori %add3A_2492, %add3A_2496 : vector<200x128xi32>
        %shift_right_logical3A_2498 = arith.constant 9 : i32
        %shift_right_logical3A_2499 = vector.broadcast %shift_right_logical3A_2498 : i32 to vector<200x128xi32>
        %shift_right_logical3A_2500 = arith.shrui %xor3A_2497, %shift_right_logical3A_2499 : vector<200x128xi32>
        %or3A_2501 = arith.constant 1065353216 : i32
        %or3A_2502 = vector.broadcast %or3A_2501 : i32 to vector<200x128xi32>
        %or3A_2503 = arith.ori %shift_right_logical3A_2500, %or3A_2502 : vector<200x128xi32>
        %bitcast_convert_type3A_2504 = tpu.bitcast %or3A_2503 : vector<200x128xi32> -> vector<200x128xf32>
        %sub3A_2505 = arith.constant 1.000000e+00 : f32
        %sub3A_2506 = vector.broadcast %sub3A_2505 : f32 to vector<200x128xf32>
        %sub3A_2507 = arith.subf %bitcast_convert_type3A_2504, %sub3A_2506 : vector<200x128xf32>
        %sub3A_2508 = arith.constant 1.000000e+00 : f32
        %sub3A_2509 = arith.constant -0.99999994 : f32
        %sub3A_2510 = arith.subf %sub3A_2508, %sub3A_2509 : f32
        %mul3A_2511 = vector.broadcast %sub3A_2510 : f32 to vector<200x128xf32>
        %mul3A_2512 = arith.mulf %sub3A_2507, %mul3A_2511 : vector<200x128xf32>
        %add3A_2513 = arith.constant -0.99999994 : f32
        %add3A_2514 = vector.broadcast %add3A_2513 : f32 to vector<200x128xf32>
        %add3A_2515 = arith.addf %mul3A_2512, %add3A_2514 : vector<200x128xf32>
        %max3A_2516 = arith.constant -0.99999994 : f32
        %max3A_2517 = vector.broadcast %max3A_2516 : f32 to vector<200x128xf32>
        %max3A_2518 = arith.maximumf %max3A_2517, %add3A_2515 : vector<200x128xf32>
        %erf_inv3A = arith.constant 0.000000e+00 : f32
        %erf_inv3A_2519 = vector.broadcast %erf_inv3A : f32 to vector<200x128xf32>
        %erf_inv3A_2520 = arith.subf %erf_inv3A_2519, %max3A_2518 : vector<200x128xf32>
        %erf_inv3A_2521 = arith.mulf %max3A_2518, %erf_inv3A_2520 : vector<200x128xf32>
        %erf_inv3A_2522 = math.log1p %erf_inv3A_2521 : vector<200x128xf32>
        %erf_inv3A_2523 = arith.constant 0.000000e+00 : f32
        %erf_inv3A_2524 = vector.broadcast %erf_inv3A_2523 : f32 to vector<200x128xf32>
        %erf_inv3A_2525 = arith.subf %erf_inv3A_2524, %erf_inv3A_2522 : vector<200x128xf32>
        %erf_inv3A_2526 = arith.constant 5.000000e+00 : f32
        %erf_inv3A_2527 = vector.broadcast %erf_inv3A_2526 : f32 to vector<200x128xf32>
        %erf_inv3A_2528 = arith.cmpf olt, %erf_inv3A_2525, %erf_inv3A_2527 : vector<200x128xf32>
        %erf_inv3A_2529 = arith.constant 2.500000e+00 : f32
        %erf_inv3A_2530 = vector.broadcast %erf_inv3A_2529 : f32 to vector<200x128xf32>
        %erf_inv3A_2531 = arith.subf %erf_inv3A_2525, %erf_inv3A_2530 : vector<200x128xf32>
        %erf_inv3A_2532 = math.sqrt %erf_inv3A_2525 : vector<200x128xf32>
        %erf_inv3A_2533 = arith.constant 3.000000e+00 : f32
        %erf_inv3A_2534 = vector.broadcast %erf_inv3A_2533 : f32 to vector<200x128xf32>
        %erf_inv3A_2535 = arith.subf %erf_inv3A_2532, %erf_inv3A_2534 : vector<200x128xf32>
        %erf_inv3A_2536 = arith.select %erf_inv3A_2528, %erf_inv3A_2531, %erf_inv3A_2535 : vector<200x128xi1>, vector<200x128xf32>
        %erf_inv3A_2537 = arith.constant 2.81022636E-8 : f32
        %erf_inv3A_2538 = arith.constant -2.00214257E-4 : f32
        %erf_inv3A_2539 = vector.broadcast %erf_inv3A_2537 : f32 to vector<200x128xf32>
        %erf_inv3A_2540 = vector.broadcast %erf_inv3A_2538 : f32 to vector<200x128xf32>
        %erf_inv3A_2541 = arith.select %erf_inv3A_2528, %erf_inv3A_2539, %erf_inv3A_2540 : vector<200x128xi1>, vector<200x128xf32>
        %erf_inv3A_2542 = arith.constant 3.43273939E-7 : f32
        %erf_inv3A_2543 = arith.constant 1.00950558E-4 : f32
        %erf_inv3A_2544 = vector.broadcast %erf_inv3A_2542 : f32 to vector<200x128xf32>
        %erf_inv3A_2545 = vector.broadcast %erf_inv3A_2543 : f32 to vector<200x128xf32>
        %erf_inv3A_2546 = arith.select %erf_inv3A_2528, %erf_inv3A_2544, %erf_inv3A_2545 : vector<200x128xi1>, vector<200x128xf32>
        %erf_inv3A_2547 = arith.mulf %erf_inv3A_2541, %erf_inv3A_2536 : vector<200x128xf32>
        %erf_inv3A_2548 = arith.addf %erf_inv3A_2546, %erf_inv3A_2547 : vector<200x128xf32>
        %erf_inv3A_2549 = arith.constant -3.5233877E-6 : f32
        %erf_inv3A_2550 = arith.constant 0.00134934322 : f32
        %erf_inv3A_2551 = vector.broadcast %erf_inv3A_2549 : f32 to vector<200x128xf32>
        %erf_inv3A_2552 = vector.broadcast %erf_inv3A_2550 : f32 to vector<200x128xf32>
        %erf_inv3A_2553 = arith.select %erf_inv3A_2528, %erf_inv3A_2551, %erf_inv3A_2552 : vector<200x128xi1>, vector<200x128xf32>
        %erf_inv3A_2554 = arith.mulf %erf_inv3A_2548, %erf_inv3A_2536 : vector<200x128xf32>
        %erf_inv3A_2555 = arith.addf %erf_inv3A_2553, %erf_inv3A_2554 : vector<200x128xf32>
        %erf_inv3A_2556 = arith.constant -4.39150654E-6 : f32
        %erf_inv3A_2557 = arith.constant -0.00367342844 : f32
        %erf_inv3A_2558 = vector.broadcast %erf_inv3A_2556 : f32 to vector<200x128xf32>
        %erf_inv3A_2559 = vector.broadcast %erf_inv3A_2557 : f32 to vector<200x128xf32>
        %erf_inv3A_2560 = arith.select %erf_inv3A_2528, %erf_inv3A_2558, %erf_inv3A_2559 : vector<200x128xi1>, vector<200x128xf32>
        %erf_inv3A_2561 = arith.mulf %erf_inv3A_2555, %erf_inv3A_2536 : vector<200x128xf32>
        %erf_inv3A_2562 = arith.addf %erf_inv3A_2560, %erf_inv3A_2561 : vector<200x128xf32>
        %erf_inv3A_2563 = arith.constant 2.1858087E-4 : f32
        %erf_inv3A_2564 = arith.constant 0.00573950773 : f32
        %erf_inv3A_2565 = vector.broadcast %erf_inv3A_2563 : f32 to vector<200x128xf32>
        %erf_inv3A_2566 = vector.broadcast %erf_inv3A_2564 : f32 to vector<200x128xf32>
        %erf_inv3A_2567 = arith.select %erf_inv3A_2528, %erf_inv3A_2565, %erf_inv3A_2566 : vector<200x128xi1>, vector<200x128xf32>
        %erf_inv3A_2568 = arith.mulf %erf_inv3A_2562, %erf_inv3A_2536 : vector<200x128xf32>
        %erf_inv3A_2569 = arith.addf %erf_inv3A_2567, %erf_inv3A_2568 : vector<200x128xf32>
        %erf_inv3A_2570 = arith.constant -0.00125372503 : f32
        %erf_inv3A_2571 = arith.constant -0.0076224613 : f32
        %erf_inv3A_2572 = vector.broadcast %erf_inv3A_2570 : f32 to vector<200x128xf32>
        %erf_inv3A_2573 = vector.broadcast %erf_inv3A_2571 : f32 to vector<200x128xf32>
        %erf_inv3A_2574 = arith.select %erf_inv3A_2528, %erf_inv3A_2572, %erf_inv3A_2573 : vector<200x128xi1>, vector<200x128xf32>
        %erf_inv3A_2575 = arith.mulf %erf_inv3A_2569, %erf_inv3A_2536 : vector<200x128xf32>
        %erf_inv3A_2576 = arith.addf %erf_inv3A_2574, %erf_inv3A_2575 : vector<200x128xf32>
        %erf_inv3A_2577 = arith.constant -0.00417768164 : f32
        %erf_inv3A_2578 = arith.constant 0.00943887047 : f32
        %erf_inv3A_2579 = vector.broadcast %erf_inv3A_2577 : f32 to vector<200x128xf32>
        %erf_inv3A_2580 = vector.broadcast %erf_inv3A_2578 : f32 to vector<200x128xf32>
        %erf_inv3A_2581 = arith.select %erf_inv3A_2528, %erf_inv3A_2579, %erf_inv3A_2580 : vector<200x128xi1>, vector<200x128xf32>
        %erf_inv3A_2582 = arith.mulf %erf_inv3A_2576, %erf_inv3A_2536 : vector<200x128xf32>
        %erf_inv3A_2583 = arith.addf %erf_inv3A_2581, %erf_inv3A_2582 : vector<200x128xf32>
        %erf_inv3A_2584 = arith.constant 0.246640727 : f32
        %erf_inv3A_2585 = arith.constant 1.00167406 : f32
        %erf_inv3A_2586 = vector.broadcast %erf_inv3A_2584 : f32 to vector<200x128xf32>
        %erf_inv3A_2587 = vector.broadcast %erf_inv3A_2585 : f32 to vector<200x128xf32>
        %erf_inv3A_2588 = arith.select %erf_inv3A_2528, %erf_inv3A_2586, %erf_inv3A_2587 : vector<200x128xi1>, vector<200x128xf32>
        %erf_inv3A_2589 = arith.mulf %erf_inv3A_2583, %erf_inv3A_2536 : vector<200x128xf32>
        %erf_inv3A_2590 = arith.addf %erf_inv3A_2588, %erf_inv3A_2589 : vector<200x128xf32>
        %erf_inv3A_2591 = arith.constant 1.50140941 : f32
        %erf_inv3A_2592 = arith.constant 2.83297682 : f32
        %erf_inv3A_2593 = vector.broadcast %erf_inv3A_2591 : f32 to vector<200x128xf32>
        %erf_inv3A_2594 = vector.broadcast %erf_inv3A_2592 : f32 to vector<200x128xf32>
        %erf_inv3A_2595 = arith.select %erf_inv3A_2528, %erf_inv3A_2593, %erf_inv3A_2594 : vector<200x128xi1>, vector<200x128xf32>
        %erf_inv3A_2596 = arith.mulf %erf_inv3A_2590, %erf_inv3A_2536 : vector<200x128xf32>
        %erf_inv3A_2597 = arith.addf %erf_inv3A_2595, %erf_inv3A_2596 : vector<200x128xf32>
        %erf_inv3A_2598 = math.absf %max3A_2518 : vector<200x128xf32>
        %erf_inv3A_2599 = arith.constant 1.000000e+00 : f32
        %erf_inv3A_2600 = vector.broadcast %erf_inv3A_2599 : f32 to vector<200x128xf32>
        %erf_inv3A_2601 = arith.cmpf oeq, %erf_inv3A_2598, %erf_inv3A_2600 : vector<200x128xf32>
        %erf_inv3A_2602 = arith.constant 0x7F800000 : f32
        %erf_inv3A_2603 = vector.broadcast %erf_inv3A_2602 : f32 to vector<200x128xf32>
        %erf_inv3A_2604 = arith.mulf %erf_inv3A_2603, %max3A_2518 : vector<200x128xf32>
        %erf_inv3A_2605 = arith.mulf %erf_inv3A_2597, %max3A_2518 : vector<200x128xf32>
        %erf_inv3A_2606 = arith.select %erf_inv3A_2601, %erf_inv3A_2604, %erf_inv3A_2605 : vector<200x128xi1>, vector<200x128xf32>
        %mul3A_2607 = arith.constant 1.41421354 : f32
        %mul3A_2608 = vector.broadcast %mul3A_2607 : f32 to vector<200x128xf32>
        %mul3A_2609 = arith.mulf %mul3A_2608, %erf_inv3A_2606 : vector<200x128xf32>
        %mul3A_2610 = arith.mulf %mul3A_2609, %div3A_704 : vector<200x128xf32>
        %add3A_2611 = arith.constant 1.000000e+00 : f32
        %add3A_2612 = vector.broadcast %add3A_2611 : f32 to vector<200x128xf32>
        %add3A_2613 = arith.addf %add3A_2612, %mul3A_2610 : vector<200x128xf32>
        %select_n3A_2614 = arith.select %ne3A_1851, %mul3A_2609, %while3A_1846 : vector<200x128xi1>, vector<200x128xf32>
        %select_n3A_2615 = arith.select %ne3A_1851, %add3A_2613, %while3A_1847 : vector<200x128xi1>, vector<200x128xf32>
        %select_n3A_2616 = arith.select %ne3A_1851, %add3A_2062, %while3A_1844 : vector<200x128xi1>, vector<200x128xi32>
        %select_n3A_2617 = arith.select %ne3A_1851, %add3A_2066, %while3A_1845 : vector<200x128xi1>, vector<200x128xi32>
        %le3A = arith.constant 0.000000e+00 : f32
        %le3A_2618 = vector.broadcast %le3A : f32 to vector<200x128xf32>
        %le3A_2619 = arith.cmpf ole, %select_n3A_2615, %le3A_2618 : vector<200x128xf32>
        %and3A_2620 = arith.andi %ne3A_1851, %le3A_2619 : vector<200x128xi1>
        %convert_element_type3A_2621 = arith.extui %and3A_2620 : vector<200x128xi1> to vector<200x128xi32>
        scf.yield %select_n3A_2616, %select_n3A_2617, %select_n3A_2614, %select_n3A_2615, %convert_element_type3A_2621 : vector<200x128xi32>, vector<200x128xi32>, vector<200x128xf32>, vector<200x128xf32>, vector<200x128xi32>
      }
      %mul3A_1591 = arith.mulf %while3A_1590#2, %while3A_1590#2 : vector<200x128xf32>
      %mul3A_1592 = arith.mulf %while3A_1590#3, %while3A_1590#3 : vector<200x128xf32>
      %mul3A_1593 = arith.mulf %mul3A_1592, %while3A_1590#3 : vector<200x128xf32>
      %xor3A_1594 = arith.xori %add3A_1581, %add3A_1585 : vector<200x128xi32>
      %xor3A_1595 = arith.constant 466688986 : i32
      %xor3A_1596 = vector.broadcast %xor3A_1595 : i32 to vector<200x128xi32>
      %xor3A_1597 = arith.xori %xor3A_1594, %xor3A_1596 : vector<200x128xi32>
      %add3A_1598 = arith.constant 0 : i32
      %add3A_1599 = vector.broadcast %add3A_1598 : i32 to vector<200x128xi32>
      %add3A_1600 = arith.addi %add3A_1599, %add3A_1581 : vector<200x128xi32>
      %add3A_1601 = arith.constant 0 : i32
      %add3A_1602 = vector.broadcast %add3A_1601 : i32 to vector<200x128xi32>
      %add3A_1603 = arith.addi %add3A_1602, %add3A_1585 : vector<200x128xi32>
      %add3A_1604 = arith.addi %add3A_1600, %add3A_1603 : vector<200x128xi32>
      %shift_left3A_1605 = arith.constant 13 : i32
      %shift_left3A_1606 = vector.broadcast %shift_left3A_1605 : i32 to vector<200x128xi32>
      %shift_left3A_1607 = arith.shli %add3A_1603, %shift_left3A_1606 : vector<200x128xi32>
      %shift_right_logical3A_1608 = arith.constant 19 : i32
      %shift_right_logical3A_1609 = vector.broadcast %shift_right_logical3A_1608 : i32 to vector<200x128xi32>
      %shift_right_logical3A_1610 = arith.shrui %add3A_1603, %shift_right_logical3A_1609 : vector<200x128xi32>
      %or3A_1611 = arith.ori %shift_left3A_1607, %shift_right_logical3A_1610 : vector<200x128xi32>
      %xor3A_1612 = arith.xori %add3A_1604, %or3A_1611 : vector<200x128xi32>
      %add3A_1613 = arith.addi %add3A_1604, %xor3A_1612 : vector<200x128xi32>
      %shift_left3A_1614 = arith.constant 15 : i32
      %shift_left3A_1615 = vector.broadcast %shift_left3A_1614 : i32 to vector<200x128xi32>
      %shift_left3A_1616 = arith.shli %xor3A_1612, %shift_left3A_1615 : vector<200x128xi32>
      %shift_right_logical3A_1617 = arith.constant 17 : i32
      %shift_right_logical3A_1618 = vector.broadcast %shift_right_logical3A_1617 : i32 to vector<200x128xi32>
      %shift_right_logical3A_1619 = arith.shrui %xor3A_1612, %shift_right_logical3A_1618 : vector<200x128xi32>
      %or3A_1620 = arith.ori %shift_left3A_1616, %shift_right_logical3A_1619 : vector<200x128xi32>
      %xor3A_1621 = arith.xori %add3A_1613, %or3A_1620 : vector<200x128xi32>
      %add3A_1622 = arith.addi %add3A_1613, %xor3A_1621 : vector<200x128xi32>
      %shift_left3A_1623 = arith.constant 26 : i32
      %shift_left3A_1624 = vector.broadcast %shift_left3A_1623 : i32 to vector<200x128xi32>
      %shift_left3A_1625 = arith.shli %xor3A_1621, %shift_left3A_1624 : vector<200x128xi32>
      %shift_right_logical3A_1626 = arith.constant 6 : i32
      %shift_right_logical3A_1627 = vector.broadcast %shift_right_logical3A_1626 : i32 to vector<200x128xi32>
      %shift_right_logical3A_1628 = arith.shrui %xor3A_1621, %shift_right_logical3A_1627 : vector<200x128xi32>
      %or3A_1629 = arith.ori %shift_left3A_1625, %shift_right_logical3A_1628 : vector<200x128xi32>
      %xor3A_1630 = arith.xori %add3A_1622, %or3A_1629 : vector<200x128xi32>
      %add3A_1631 = arith.addi %add3A_1622, %xor3A_1630 : vector<200x128xi32>
      %shift_left3A_1632 = arith.constant 6 : i32
      %shift_left3A_1633 = vector.broadcast %shift_left3A_1632 : i32 to vector<200x128xi32>
      %shift_left3A_1634 = arith.shli %xor3A_1630, %shift_left3A_1633 : vector<200x128xi32>
      %shift_right_logical3A_1635 = arith.constant 26 : i32
      %shift_right_logical3A_1636 = vector.broadcast %shift_right_logical3A_1635 : i32 to vector<200x128xi32>
      %shift_right_logical3A_1637 = arith.shrui %xor3A_1630, %shift_right_logical3A_1636 : vector<200x128xi32>
      %or3A_1638 = arith.ori %shift_left3A_1634, %shift_right_logical3A_1637 : vector<200x128xi32>
      %xor3A_1639 = arith.xori %add3A_1631, %or3A_1638 : vector<200x128xi32>
      %add3A_1640 = arith.addi %add3A_1631, %add3A_1585 : vector<200x128xi32>
      %add3A_1641 = arith.addi %xor3A_1639, %xor3A_1597 : vector<200x128xi32>
      %add3A_1642 = arith.constant 1 : i32
      %add3A_1643 = vector.broadcast %add3A_1642 : i32 to vector<200x128xi32>
      %add3A_1644 = arith.addi %add3A_1641, %add3A_1643 : vector<200x128xi32>
      %add3A_1645 = arith.addi %add3A_1640, %add3A_1644 : vector<200x128xi32>
      %shift_left3A_1646 = arith.constant 17 : i32
      %shift_left3A_1647 = vector.broadcast %shift_left3A_1646 : i32 to vector<200x128xi32>
      %shift_left3A_1648 = arith.shli %add3A_1644, %shift_left3A_1647 : vector<200x128xi32>
      %shift_right_logical3A_1649 = arith.constant 15 : i32
      %shift_right_logical3A_1650 = vector.broadcast %shift_right_logical3A_1649 : i32 to vector<200x128xi32>
      %shift_right_logical3A_1651 = arith.shrui %add3A_1644, %shift_right_logical3A_1650 : vector<200x128xi32>
      %or3A_1652 = arith.ori %shift_left3A_1648, %shift_right_logical3A_1651 : vector<200x128xi32>
      %xor3A_1653 = arith.xori %add3A_1645, %or3A_1652 : vector<200x128xi32>
      %add3A_1654 = arith.addi %add3A_1645, %xor3A_1653 : vector<200x128xi32>
      %shift_left3A_1655 = arith.constant 29 : i32
      %shift_left3A_1656 = vector.broadcast %shift_left3A_1655 : i32 to vector<200x128xi32>
      %shift_left3A_1657 = arith.shli %xor3A_1653, %shift_left3A_1656 : vector<200x128xi32>
      %shift_right_logical3A_1658 = arith.constant 3 : i32
      %shift_right_logical3A_1659 = vector.broadcast %shift_right_logical3A_1658 : i32 to vector<200x128xi32>
      %shift_right_logical3A_1660 = arith.shrui %xor3A_1653, %shift_right_logical3A_1659 : vector<200x128xi32>
      %or3A_1661 = arith.ori %shift_left3A_1657, %shift_right_logical3A_1660 : vector<200x128xi32>
      %xor3A_1662 = arith.xori %add3A_1654, %or3A_1661 : vector<200x128xi32>
      %add3A_1663 = arith.addi %add3A_1654, %xor3A_1662 : vector<200x128xi32>
      %shift_left3A_1664 = arith.constant 16 : i32
      %shift_left3A_1665 = vector.broadcast %shift_left3A_1664 : i32 to vector<200x128xi32>
      %shift_left3A_1666 = arith.shli %xor3A_1662, %shift_left3A_1665 : vector<200x128xi32>
      %shift_right_logical3A_1667 = arith.constant 16 : i32
      %shift_right_logical3A_1668 = vector.broadcast %shift_right_logical3A_1667 : i32 to vector<200x128xi32>
      %shift_right_logical3A_1669 = arith.shrui %xor3A_1662, %shift_right_logical3A_1668 : vector<200x128xi32>
      %or3A_1670 = arith.ori %shift_left3A_1666, %shift_right_logical3A_1669 : vector<200x128xi32>
      %xor3A_1671 = arith.xori %add3A_1663, %or3A_1670 : vector<200x128xi32>
      %add3A_1672 = arith.addi %add3A_1663, %xor3A_1671 : vector<200x128xi32>
      %shift_left3A_1673 = arith.constant 24 : i32
      %shift_left3A_1674 = vector.broadcast %shift_left3A_1673 : i32 to vector<200x128xi32>
      %shift_left3A_1675 = arith.shli %xor3A_1671, %shift_left3A_1674 : vector<200x128xi32>
      %shift_right_logical3A_1676 = arith.constant 8 : i32
      %shift_right_logical3A_1677 = vector.broadcast %shift_right_logical3A_1676 : i32 to vector<200x128xi32>
      %shift_right_logical3A_1678 = arith.shrui %xor3A_1671, %shift_right_logical3A_1677 : vector<200x128xi32>
      %or3A_1679 = arith.ori %shift_left3A_1675, %shift_right_logical3A_1678 : vector<200x128xi32>
      %xor3A_1680 = arith.xori %add3A_1672, %or3A_1679 : vector<200x128xi32>
      %add3A_1681 = arith.addi %add3A_1672, %xor3A_1597 : vector<200x128xi32>
      %add3A_1682 = arith.addi %xor3A_1680, %add3A_1581 : vector<200x128xi32>
      %add3A_1683 = arith.constant 2 : i32
      %add3A_1684 = vector.broadcast %add3A_1683 : i32 to vector<200x128xi32>
      %add3A_1685 = arith.addi %add3A_1682, %add3A_1684 : vector<200x128xi32>
      %add3A_1686 = arith.addi %add3A_1681, %add3A_1685 : vector<200x128xi32>
      %shift_left3A_1687 = arith.constant 13 : i32
      %shift_left3A_1688 = vector.broadcast %shift_left3A_1687 : i32 to vector<200x128xi32>
      %shift_left3A_1689 = arith.shli %add3A_1685, %shift_left3A_1688 : vector<200x128xi32>
      %shift_right_logical3A_1690 = arith.constant 19 : i32
      %shift_right_logical3A_1691 = vector.broadcast %shift_right_logical3A_1690 : i32 to vector<200x128xi32>
      %shift_right_logical3A_1692 = arith.shrui %add3A_1685, %shift_right_logical3A_1691 : vector<200x128xi32>
      %or3A_1693 = arith.ori %shift_left3A_1689, %shift_right_logical3A_1692 : vector<200x128xi32>
      %xor3A_1694 = arith.xori %add3A_1686, %or3A_1693 : vector<200x128xi32>
      %add3A_1695 = arith.addi %add3A_1686, %xor3A_1694 : vector<200x128xi32>
      %shift_left3A_1696 = arith.constant 15 : i32
      %shift_left3A_1697 = vector.broadcast %shift_left3A_1696 : i32 to vector<200x128xi32>
      %shift_left3A_1698 = arith.shli %xor3A_1694, %shift_left3A_1697 : vector<200x128xi32>
      %shift_right_logical3A_1699 = arith.constant 17 : i32
      %shift_right_logical3A_1700 = vector.broadcast %shift_right_logical3A_1699 : i32 to vector<200x128xi32>
      %shift_right_logical3A_1701 = arith.shrui %xor3A_1694, %shift_right_logical3A_1700 : vector<200x128xi32>
      %or3A_1702 = arith.ori %shift_left3A_1698, %shift_right_logical3A_1701 : vector<200x128xi32>
      %xor3A_1703 = arith.xori %add3A_1695, %or3A_1702 : vector<200x128xi32>
      %add3A_1704 = arith.addi %add3A_1695, %xor3A_1703 : vector<200x128xi32>
      %shift_left3A_1705 = arith.constant 26 : i32
      %shift_left3A_1706 = vector.broadcast %shift_left3A_1705 : i32 to vector<200x128xi32>
      %shift_left3A_1707 = arith.shli %xor3A_1703, %shift_left3A_1706 : vector<200x128xi32>
      %shift_right_logical3A_1708 = arith.constant 6 : i32
      %shift_right_logical3A_1709 = vector.broadcast %shift_right_logical3A_1708 : i32 to vector<200x128xi32>
      %shift_right_logical3A_1710 = arith.shrui %xor3A_1703, %shift_right_logical3A_1709 : vector<200x128xi32>
      %or3A_1711 = arith.ori %shift_left3A_1707, %shift_right_logical3A_1710 : vector<200x128xi32>
      %xor3A_1712 = arith.xori %add3A_1704, %or3A_1711 : vector<200x128xi32>
      %add3A_1713 = arith.addi %add3A_1704, %xor3A_1712 : vector<200x128xi32>
      %shift_left3A_1714 = arith.constant 6 : i32
      %shift_left3A_1715 = vector.broadcast %shift_left3A_1714 : i32 to vector<200x128xi32>
      %shift_left3A_1716 = arith.shli %xor3A_1712, %shift_left3A_1715 : vector<200x128xi32>
      %shift_right_logical3A_1717 = arith.constant 26 : i32
      %shift_right_logical3A_1718 = vector.broadcast %shift_right_logical3A_1717 : i32 to vector<200x128xi32>
      %shift_right_logical3A_1719 = arith.shrui %xor3A_1712, %shift_right_logical3A_1718 : vector<200x128xi32>
      %or3A_1720 = arith.ori %shift_left3A_1716, %shift_right_logical3A_1719 : vector<200x128xi32>
      %xor3A_1721 = arith.xori %add3A_1713, %or3A_1720 : vector<200x128xi32>
      %add3A_1722 = arith.addi %add3A_1713, %add3A_1581 : vector<200x128xi32>
      %add3A_1723 = arith.addi %xor3A_1721, %add3A_1585 : vector<200x128xi32>
      %add3A_1724 = arith.constant 3 : i32
      %add3A_1725 = vector.broadcast %add3A_1724 : i32 to vector<200x128xi32>
      %add3A_1726 = arith.addi %add3A_1723, %add3A_1725 : vector<200x128xi32>
      %add3A_1727 = arith.addi %add3A_1722, %add3A_1726 : vector<200x128xi32>
      %shift_left3A_1728 = arith.constant 17 : i32
      %shift_left3A_1729 = vector.broadcast %shift_left3A_1728 : i32 to vector<200x128xi32>
      %shift_left3A_1730 = arith.shli %add3A_1726, %shift_left3A_1729 : vector<200x128xi32>
      %shift_right_logical3A_1731 = arith.constant 15 : i32
      %shift_right_logical3A_1732 = vector.broadcast %shift_right_logical3A_1731 : i32 to vector<200x128xi32>
      %shift_right_logical3A_1733 = arith.shrui %add3A_1726, %shift_right_logical3A_1732 : vector<200x128xi32>
      %or3A_1734 = arith.ori %shift_left3A_1730, %shift_right_logical3A_1733 : vector<200x128xi32>
      %xor3A_1735 = arith.xori %add3A_1727, %or3A_1734 : vector<200x128xi32>
      %add3A_1736 = arith.addi %add3A_1727, %xor3A_1735 : vector<200x128xi32>
      %shift_left3A_1737 = arith.constant 29 : i32
      %shift_left3A_1738 = vector.broadcast %shift_left3A_1737 : i32 to vector<200x128xi32>
      %shift_left3A_1739 = arith.shli %xor3A_1735, %shift_left3A_1738 : vector<200x128xi32>
      %shift_right_logical3A_1740 = arith.constant 3 : i32
      %shift_right_logical3A_1741 = vector.broadcast %shift_right_logical3A_1740 : i32 to vector<200x128xi32>
      %shift_right_logical3A_1742 = arith.shrui %xor3A_1735, %shift_right_logical3A_1741 : vector<200x128xi32>
      %or3A_1743 = arith.ori %shift_left3A_1739, %shift_right_logical3A_1742 : vector<200x128xi32>
      %xor3A_1744 = arith.xori %add3A_1736, %or3A_1743 : vector<200x128xi32>
      %add3A_1745 = arith.addi %add3A_1736, %xor3A_1744 : vector<200x128xi32>
      %shift_left3A_1746 = arith.constant 16 : i32
      %shift_left3A_1747 = vector.broadcast %shift_left3A_1746 : i32 to vector<200x128xi32>
      %shift_left3A_1748 = arith.shli %xor3A_1744, %shift_left3A_1747 : vector<200x128xi32>
      %shift_right_logical3A_1749 = arith.constant 16 : i32
      %shift_right_logical3A_1750 = vector.broadcast %shift_right_logical3A_1749 : i32 to vector<200x128xi32>
      %shift_right_logical3A_1751 = arith.shrui %xor3A_1744, %shift_right_logical3A_1750 : vector<200x128xi32>
      %or3A_1752 = arith.ori %shift_left3A_1748, %shift_right_logical3A_1751 : vector<200x128xi32>
      %xor3A_1753 = arith.xori %add3A_1745, %or3A_1752 : vector<200x128xi32>
      %add3A_1754 = arith.addi %add3A_1745, %xor3A_1753 : vector<200x128xi32>
      %shift_left3A_1755 = arith.constant 24 : i32
      %shift_left3A_1756 = vector.broadcast %shift_left3A_1755 : i32 to vector<200x128xi32>
      %shift_left3A_1757 = arith.shli %xor3A_1753, %shift_left3A_1756 : vector<200x128xi32>
      %shift_right_logical3A_1758 = arith.constant 8 : i32
      %shift_right_logical3A_1759 = vector.broadcast %shift_right_logical3A_1758 : i32 to vector<200x128xi32>
      %shift_right_logical3A_1760 = arith.shrui %xor3A_1753, %shift_right_logical3A_1759 : vector<200x128xi32>
      %or3A_1761 = arith.ori %shift_left3A_1757, %shift_right_logical3A_1760 : vector<200x128xi32>
      %xor3A_1762 = arith.xori %add3A_1754, %or3A_1761 : vector<200x128xi32>
      %add3A_1763 = arith.addi %add3A_1754, %add3A_1585 : vector<200x128xi32>
      %add3A_1764 = arith.addi %xor3A_1762, %xor3A_1597 : vector<200x128xi32>
      %add3A_1765 = arith.constant 4 : i32
      %add3A_1766 = vector.broadcast %add3A_1765 : i32 to vector<200x128xi32>
      %add3A_1767 = arith.addi %add3A_1764, %add3A_1766 : vector<200x128xi32>
      %add3A_1768 = arith.addi %add3A_1763, %add3A_1767 : vector<200x128xi32>
      %shift_left3A_1769 = arith.constant 13 : i32
      %shift_left3A_1770 = vector.broadcast %shift_left3A_1769 : i32 to vector<200x128xi32>
      %shift_left3A_1771 = arith.shli %add3A_1767, %shift_left3A_1770 : vector<200x128xi32>
      %shift_right_logical3A_1772 = arith.constant 19 : i32
      %shift_right_logical3A_1773 = vector.broadcast %shift_right_logical3A_1772 : i32 to vector<200x128xi32>
      %shift_right_logical3A_1774 = arith.shrui %add3A_1767, %shift_right_logical3A_1773 : vector<200x128xi32>
      %or3A_1775 = arith.ori %shift_left3A_1771, %shift_right_logical3A_1774 : vector<200x128xi32>
      %xor3A_1776 = arith.xori %add3A_1768, %or3A_1775 : vector<200x128xi32>
      %add3A_1777 = arith.addi %add3A_1768, %xor3A_1776 : vector<200x128xi32>
      %shift_left3A_1778 = arith.constant 15 : i32
      %shift_left3A_1779 = vector.broadcast %shift_left3A_1778 : i32 to vector<200x128xi32>
      %shift_left3A_1780 = arith.shli %xor3A_1776, %shift_left3A_1779 : vector<200x128xi32>
      %shift_right_logical3A_1781 = arith.constant 17 : i32
      %shift_right_logical3A_1782 = vector.broadcast %shift_right_logical3A_1781 : i32 to vector<200x128xi32>
      %shift_right_logical3A_1783 = arith.shrui %xor3A_1776, %shift_right_logical3A_1782 : vector<200x128xi32>
      %or3A_1784 = arith.ori %shift_left3A_1780, %shift_right_logical3A_1783 : vector<200x128xi32>
      %xor3A_1785 = arith.xori %add3A_1777, %or3A_1784 : vector<200x128xi32>
      %add3A_1786 = arith.addi %add3A_1777, %xor3A_1785 : vector<200x128xi32>
      %shift_left3A_1787 = arith.constant 26 : i32
      %shift_left3A_1788 = vector.broadcast %shift_left3A_1787 : i32 to vector<200x128xi32>
      %shift_left3A_1789 = arith.shli %xor3A_1785, %shift_left3A_1788 : vector<200x128xi32>
      %shift_right_logical3A_1790 = arith.constant 6 : i32
      %shift_right_logical3A_1791 = vector.broadcast %shift_right_logical3A_1790 : i32 to vector<200x128xi32>
      %shift_right_logical3A_1792 = arith.shrui %xor3A_1785, %shift_right_logical3A_1791 : vector<200x128xi32>
      %or3A_1793 = arith.ori %shift_left3A_1789, %shift_right_logical3A_1792 : vector<200x128xi32>
      %xor3A_1794 = arith.xori %add3A_1786, %or3A_1793 : vector<200x128xi32>
      %add3A_1795 = arith.addi %add3A_1786, %xor3A_1794 : vector<200x128xi32>
      %shift_left3A_1796 = arith.constant 6 : i32
      %shift_left3A_1797 = vector.broadcast %shift_left3A_1796 : i32 to vector<200x128xi32>
      %shift_left3A_1798 = arith.shli %xor3A_1794, %shift_left3A_1797 : vector<200x128xi32>
      %shift_right_logical3A_1799 = arith.constant 26 : i32
      %shift_right_logical3A_1800 = vector.broadcast %shift_right_logical3A_1799 : i32 to vector<200x128xi32>
      %shift_right_logical3A_1801 = arith.shrui %xor3A_1794, %shift_right_logical3A_1800 : vector<200x128xi32>
      %or3A_1802 = arith.ori %shift_left3A_1798, %shift_right_logical3A_1801 : vector<200x128xi32>
      %xor3A_1803 = arith.xori %add3A_1795, %or3A_1802 : vector<200x128xi32>
      %add3A_1804 = arith.addi %add3A_1795, %xor3A_1597 : vector<200x128xi32>
      %add3A_1805 = arith.addi %xor3A_1803, %add3A_1581 : vector<200x128xi32>
      %add3A_1806 = arith.constant 5 : i32
      %add3A_1807 = vector.broadcast %add3A_1806 : i32 to vector<200x128xi32>
      %add3A_1808 = arith.addi %add3A_1805, %add3A_1807 : vector<200x128xi32>
      %xor3A_1809 = arith.xori %add3A_1804, %add3A_1808 : vector<200x128xi32>
      %shift_right_logical3A_1810 = arith.constant 9 : i32
      %shift_right_logical3A_1811 = vector.broadcast %shift_right_logical3A_1810 : i32 to vector<200x128xi32>
      %shift_right_logical3A_1812 = arith.shrui %xor3A_1809, %shift_right_logical3A_1811 : vector<200x128xi32>
      %or3A_1813 = arith.constant 1065353216 : i32
      %or3A_1814 = vector.broadcast %or3A_1813 : i32 to vector<200x128xi32>
      %or3A_1815 = arith.ori %shift_right_logical3A_1812, %or3A_1814 : vector<200x128xi32>
      %bitcast_convert_type3A = tpu.bitcast %or3A_1815 : vector<200x128xi32> -> vector<200x128xf32>
      %sub3A_1816 = arith.constant 1.000000e+00 : f32
      %sub3A_1817 = vector.broadcast %sub3A_1816 : f32 to vector<200x128xf32>
      %sub3A_1818 = arith.subf %bitcast_convert_type3A, %sub3A_1817 : vector<200x128xf32>
      %max3A_1819 = arith.constant 0.000000e+00 : f32
      %max3A_1820 = vector.broadcast %max3A_1819 : f32 to vector<200x128xf32>
      %max3A_1821 = arith.maximumf %max3A_1820, %sub3A_1818 : vector<200x128xf32>
      %select_n3A = arith.select %ne3A_940, %mul3A_1593, %while3A_937 : vector<200x128xi1>, vector<200x128xf32>
      %select_n3A_1822 = arith.select %ne3A_940, %add3A_1151, %while3A_935 : vector<200x128xi1>, vector<200x128xi32>
      %select_n3A_1823 = arith.select %ne3A_940, %add3A_1155, %while3A_936 : vector<200x128xi1>, vector<200x128xi32>
      %mul3A_1824 = arith.constant 3.310000e-02 : f32
      %mul3A_1825 = vector.broadcast %mul3A_1824 : f32 to vector<200x128xf32>
      %mul3A_1826 = arith.mulf %mul3A_1825, %mul3A_1591 : vector<200x128xf32>
      %mul3A_1827 = arith.mulf %mul3A_1826, %mul3A_1591 : vector<200x128xf32>
      %sub3A_1828 = arith.constant 1.000000e+00 : f32
      %sub3A_1829 = vector.broadcast %sub3A_1828 : f32 to vector<200x128xf32>
      %sub3A_1830 = arith.subf %sub3A_1829, %mul3A_1827 : vector<200x128xf32>
      %ge3A = arith.cmpf oge, %max3A_1821, %sub3A_1830 : vector<200x128xf32>
      %log3A_1831 = math.log %max3A_1821 : vector<200x128xf32>
      %mul3A_1832 = arith.constant 5.000000e-01 : f32
      %mul3A_1833 = vector.broadcast %mul3A_1832 : f32 to vector<200x128xf32>
      %mul3A_1834 = arith.mulf %mul3A_1833, %mul3A_1591 : vector<200x128xf32>
      %sub3A_1835 = arith.constant 1.000000e+00 : f32
      %sub3A_1836 = vector.broadcast %sub3A_1835 : f32 to vector<200x128xf32>
      %sub3A_1837 = arith.subf %sub3A_1836, %mul3A_1593 : vector<200x128xf32>
      %log3A_1838 = math.log %mul3A_1593 : vector<200x128xf32>
      %add3A_1839 = arith.addf %sub3A_1837, %log3A_1838 : vector<200x128xf32>
      %mul3A_1840 = arith.mulf %sub3A_700, %add3A_1839 : vector<200x128xf32>
      %add3A_1841 = arith.addf %mul3A_1834, %mul3A_1840 : vector<200x128xf32>
      %ge3A_1842 = arith.cmpf oge, %log3A_1831, %add3A_1841 : vector<200x128xf32>
      %and3A = arith.andi %ge3A, %ge3A_1842 : vector<200x128xi1>
      %and3A_1843 = arith.andi %ne3A_940, %and3A : vector<200x128xi1>
      %convert_element_type3A = arith.extui %and3A_1843 : vector<200x128xi1> to vector<200x128xi32>
      scf.yield %select_n3A_1822, %select_n3A_1823, %select_n3A, %convert_element_type3A : vector<200x128xi32>, vector<200x128xi32>, vector<200x128xf32>, vector<200x128xi32>
    }
    %log3A_925 = math.log %sub3A_700 : vector<200x128xf32>
    %log3A_926 = math.log %while3A_924#2 : vector<200x128xf32>
    %add3A_927 = arith.addf %log3A_925, %log3A_926 : vector<200x128xf32>
    %max3A = arith.maximumf %add3A_694, %add3A_927 : vector<200x128xf32>
    %sub3A_928 = arith.subf %add3A_694, %max3A : vector<200x128xf32>
    %exp3A = math.exp %sub3A_928 : vector<200x128xf32>
    %sub3A_929 = arith.subf %add3A_927, %max3A : vector<200x128xf32>
    %exp3A_930 = math.exp %sub3A_929 : vector<200x128xf32>
    %add3A_931 = arith.addf %exp3A, %exp3A_930 : vector<200x128xf32>
    %div3A_932 = arith.divf %exp3A, %add3A_931 : vector<200x128xf32>
    %swap3A = arith.constant 0 : index
    %swap3A_933 = arith.constant 0 : index
    %swap3A_934 = vector.load %arg3[%swap3A, %swap3A_933] : memref<200x128xf32, #tpu.memory_space<vmem>>, vector<200x128xf32>
    tpu.vector_store %arg3[%swap3A, %swap3A_933], %div3A_932 {strides = array<i32>} : memref<200x128xf32, #tpu.memory_space<vmem>>, vector<200x128xf32>,
    return
  }
  func.func @transform_0(%arg0: i32) -> (i32, i32) {
    %c0_i32 = arith.constant 0 : i32
    %c0_i32_0 = arith.constant 0 : i32
    return %arg0, %c0_i32 : i32, i32
  }
  func.func @transform_1(%arg0: i32) -> (i32, i32) {
    %c0_i32 = arith.constant 0 : i32
    %c0_i32_0 = arith.constant 0 : i32
    return %arg0, %c0_i32 : i32, i32
  }
  func.func @transform_2(%arg0: i32) -> (i32, i32) {
    %c0_i32 = arith.constant 0 : i32
    %c0_i32_0 = arith.constant 0 : i32
    return %arg0, %c0_i32 : i32, i32
  }
}

</mosaic_0001>

<sc_bundles>
// kernel: kernel.5.cloned.1.call-start
scs
__scs_entry_jumppad:
0x0: {  	(pc) =	sbr.rel $0x88, $3  }
0x1: {  	(tag) =	ssettag $0x0;
	lr =	simm.s32 $0x1  }
0x2: {  	[smem:$0x3F9D] =	sst lr;
	_ =	strace $0xD0000000  }
0x3: {  	_ = 	snop  }
0x4: {  	_ = 	snop  }
0x5: {  	_ = 	snop  }
0x6: {  	_ = 	snop  }
0x7: {  	_ = 	snop  }
__scs_overlays_trampoline_lowered:
0x8: {  	[smem:$0x3FAC] =	sst s0  }
0x9: {  	[smem:$0x3FAD] =	sst s1  }
0xa: {  	[smem:$0x3FAE] =	sst s2  }
0xb: {  	[smem:$0x3FAF] =	sst s3  }
0xc: {  	[smem:$0x3FB0] =	sst s4  }
0xd: {  	[smem:$0x3FB1] =	sst s5  }
0xe: {  	[smem:$0x3FB2] =	sst s6  }
0xf: {  	[smem:$0x3FB3] =	sst s7  }
0x10: {  	[smem:$0x3FB4] =	sst s8  }
0x11: {  	[smem:$0x3FB5] =	sst s9;
	s0 =	simm.s32 @!p0 $0x0  }
0x12: {  	s1 =	sld [smem:$0x3F9B];
	s0 =	simm.s32 @p0 $0x1  }
0x13: {  	[smem:$0x3FB6] =	sst s0;
	s0 =	simm.s32 @!p1 $0x0  }
0x14: {  	s2 =	sld [smem:$0x3F9A];
	s0 =	simm.s32 @p1 $0x1  }
0x15: {  	[smem:$0x3FB7] =	sst s0;
	s0 =	simm.s32 @!p2 $0x0  }
0x16: {  	s3 =	sld [smem:$0x3FDB];
	s0 =	simm.s32 @p2 $0x1  }
0x17: {  	s4 =	simm.s32 $0x1BF5;
	[smem:$0x3FB9] =	sst s0  }
0x18: {  	s0 =	sld [smem:$0x3F9C];
	_ =	swait.ge [sflag:s4], $0x0  }
0x19: {  	s7 =	sld [smem:$0x3F9D]  }
0x1a: {  	s8 =	sadd.s32 $0xFFFFE003, lr  }
0x1b: {  	s9 =	sadd.s32 $0xFFFFFEF7, lr;
	s5 =	simm.s32 $0xFFFFFFFF;
	p2 =	slt.u32 s8, $0xFFFFF086  }
0x1c: {  	p1 =	slt.u32 s9, $0xF7A;
	s5 =	simm.s32 @!p2 $0x0  }
0x1d: {  	s5 =	simm.s32 @p1 $0x1;
	p0 =	seq.s32 s7, s2  }
0x1e: {  	s7 =	smul.u32 @!p0 $0xF7A, s2;
	p2 =	seq.s32 @!p0 s5, $0x0  }
0x1f: {  	s9 =	smul.u32 $0xF7A, s1;
	s8 =	simm.s32 @!p0 $0x1BF5;
	p2 =	por !p2, p0  }
0x20: {  	[sflag:s8] =	ssyncset.s32 @!p0 $0xFFFFF086;
	s6 =	sadd.s32 @!p0 s3, s7;
	s7 =	simm.s32 @!p0 $0x108  }
0x21: {  	s3 =	sadd.s32 s3, s9;
	s6 =	sadd.s32 @!p0 $0x88, s6;
	s7 =	simm.s32 @p2 $0x1082  }
0x22: {  	[simem:s7], [sflag:s8] =	dma.local @!p0 [hbm:s6], $0xF7A  }
0x23: {  	s9 =	sor.u32 $0xD0000000, s2;
	s6 =	simm.s32 $0x108;
	_ =	swait.ge @!p0 [sflag:s8], $0x0  }
0x24: {  	s3 =	sadd.s32 $0x88, s3;
	s6 =	simm.s32 @!p1 $0x1082;
	[sflag:s4] =	ssyncset.s32 $0xFFFFF086  }
0x25: {  	[simem:s6], [sflag:s4] =	dma.local [hbm:s3], $0xF7A  }
0x26: {  	[smem:$0x3F9D] =	sst s1;
	(tag) =	ssettag s2;
	_ =	strace s9  }
0x27: {  	s1 =	sld [smem:$0x3FAD]  }
0x28: {  	s2 =	sld [smem:$0x3FAE]  }
0x29: {  	s4 =	sld [smem:$0x3FB0]  }
0x2a: {  	p0 =	seq.s32 s5, $0x0;
	s5 =	sld [smem:$0x3FB1]  }
0x2b: {  	s6 =	sld [smem:$0x3FB2]  }
0x2c: {  	s7 =	sld [smem:$0x3FB3]  }
0x2d: {  	s3 =	simm.s32 $0x108;
	s8 =	sld [smem:$0x3FB4]  }
0x2e: {  	s3 =	simm.s32 @!p0 $0x1082;
	s9 =	sld [smem:$0x3FB5]  }
0x2f: {  	lr =	sadd.s32 s0, s3;
	s0 =	sld [smem:$0x3FAC]  }
0x30: {  	s3 =	sld [smem:$0x3FAF]  }
0x31: {  	[smem:$0x3FB8] =	sst s10  }
0x32: {  	s10 =	sld [smem:$0x3FB6];
	_ =	sdelay $0x3  }
0x33: {  	p0 =	seq.s32 s10, $0x1;
	s10 =	sld [smem:$0x3FB8];
	_ =	sdelay $0x3  }
0x34: {  	[smem:$0x3FB8] =	sst s10  }
0x35: {  	s10 =	sld [smem:$0x3FB7];
	_ =	sdelay $0x3  }
0x36: {  	p1 =	seq.s32 s10, $0x1;
	s10 =	sld [smem:$0x3FB8];
	_ =	sdelay $0x3  }
0x37: {  	[smem:$0x3FB8] =	sst s10  }
0x38: {  	s10 =	sld [smem:$0x3FB9]  }
0x39: {  	_ = 	snop;
	(pc) =	sbr.ind lr, $3  }
0x3a: {  	_ = 	snop  }
0x3b: {  	_ = 	snop  }
0x3c: {  	p2 =	seq.s32 s10, $0x1;
	s10 =	sld [smem:$0x3FB8]  }
0x3d: {  	_ =	shalt  }
0x3e: {  	_ =	shalt  }
0x3f: {  	_ =	shalt  }
0x40: {  	_ =	shalt  }
0x41: {  	_ =	shalt  }
0x42: {  	_ =	shalt  }
0x43: {  	_ =	shalt  }
0x44: {  	_ =	shalt  }
0x45: {  	_ =	shalt  }
0x46: {  	_ =	shalt  }
0x47: {  	_ =	shalt  }
0x48: {  	_ =	shalt  }
0x49: {  	_ =	shalt  }
0x4a: {  	_ =	shalt  }
0x4b: {  	_ =	shalt  }
0x4c: {  	_ =	shalt  }
0x4d: {  	_ =	shalt  }
0x4e: {  	_ =	shalt  }
0x4f: {  	_ =	shalt  }
0x50: {  	_ =	shalt  }
0x51: {  	_ =	shalt  }
0x52: {  	_ =	shalt  }
0x53: {  	_ =	shalt  }
0x54: {  	_ =	shalt  }
0x55: {  	_ =	shalt  }
0x56: {  	_ =	shalt  }
0x57: {  	_ =	shalt  }
0x58: {  	_ =	shalt  }
0x59: {  	_ =	shalt  }
0x5a: {  	_ =	shalt  }
0x5b: {  	_ =	shalt  }
0x5c: {  	_ =	shalt  }
0x5d: {  	_ =	shalt  }
0x5e: {  	_ =	shalt  }
0x5f: {  	_ =	shalt  }
0x60: {  	_ =	shalt  }
0x61: {  	_ =	shalt  }
0x62: {  	_ =	shalt  }
0x63: {  	_ =	shalt  }
0x64: {  	_ =	shalt  }
0x65: {  	_ =	shalt  }
0x66: {  	_ =	shalt  }
0x67: {  	_ =	shalt  }
0x68: {  	_ =	shalt  }
0x69: {  	_ =	shalt  }
0x6a: {  	_ =	shalt  }
0x6b: {  	_ =	shalt  }
0x6c: {  	_ =	shalt  }
0x6d: {  	_ =	shalt  }
0x6e: {  	_ =	shalt  }
0x6f: {  	_ =	shalt  }
0x70: {  	_ =	shalt  }
0x71: {  	_ =	shalt  }
0x72: {  	_ =	shalt  }
0x73: {  	_ =	shalt  }
0x74: {  	_ =	shalt  }
0x75: {  	_ =	shalt  }
0x76: {  	_ =	shalt  }
0x77: {  	_ =	shalt  }
0x78: {  	_ =	shalt  }
0x79: {  	_ =	shalt  }
0x7a: {  	_ =	shalt  }
0x7b: {  	_ =	shalt  }
0x7c: {  	_ =	shalt  }
0x7d: {  	_ =	shalt  }
0x7e: {  	_ =	shalt  }
0x7f: {  	_ =	shalt  }
0x80: {  	_ =	shalt  }
0x81: {  	_ =	shalt  }
0x82: {  	_ =	shalt  }
0x83: {  	_ =	shalt  }
0x84: {  	_ =	shalt  }
0x85: {  	_ =	shalt  }
0x86: {  	_ =	shalt  }
0x87: {  	_ =	shalt  }
.Lfunc_end0:
.L_simem_size_0:
called_computation.1_lowered:
.L_overlay_start_0:
0x88: {  	s2 =	sld [smem:$0x3FD9]  }
0x89: {  	s3 =	sld [smem:$0x3FFE];
	_ =	sdelay $0x1  }
0x8a: {  	s1 =	srdreg.scid  }
0x8b: {  	s0 =	sand.u32 $0x1, s1  }
0x8c: {  	s17 =	sshll.u32 s0, $0xA;
	s2 =	sadd.s32 s3, s2  }
0x8d: {  	s2 =	sadd.s32 s2, s17  }
0x8e: {  	[smem:$0x3FC4] =	sst s2  }
0x8f: {  	_ = 	snop  }
0x90: {  	s2 =	sld [smem:$0x3FD0];
	(tm) =	ssettm $0x1  }
0x91: {  	s18 =	sld [smem:$0x3FFB];
	_ =	sdelay $0x3  }
0x92: {  	_ =	strace s18  }
0x93: {  	s3 =	sld [smem:$0x3FFC];
	_ =	sdelay $0x3  }
0x94: {  	_ =	strace s3  }
0x95: {  	s3 =	sld [smem:$0x3FFD];
	_ =	sdelay $0x3  }
0x96: {  	_ =	strace s3  }
0x97: {  	_ =	strace $0x8FFFFFFF  }
0x98: {  	s19 =	sld [smem:$0x3FDB];
	_ =	sdelay $0x1  }
0x99: {  	s4 =	simm.s32 $_scs_section_size  }
0x9a: {  	s5 =	simm.s32 $_size__tile_overlayer_lowered;
	s6 =	simm.s32 $_tile_overlayer_lowered  }
0x9b: {  	s22 =	simm.s32 $0x1BFF;
	s21 =	sshll.u32 s6, $0x1;
	s3 =	sadd.s32 s4, s19  }
0x9c: {  	s7 =	simm.s32 $0x0;
	s20 =	sshll.u32 s5, $0x1;
	s5 =	sadd.s32 s21, s3  }
0x9d: {  	[timem:s7], [sflag:s22] =	dma.local [hbm:s5], s20  }
0x9e: {  	_ =	swait.ge [sflag:s22], s20  }
0x9f: {  	s4 =	ssub.s32 $0x0, s20;
	[sflag:s22] =	ssyncset.done $0x0  }
0xa0: {  	[sflag:s22] =	ssyncadd.s32 s4;
	_ =	sdelay $0x1  }
0xa1: {  	s23 =	simm.s32 $0x1B8B  }
0xa2: {  	_ =	swait.ge [sflag:s23], $0x1  }
0xa3: {  	[sflag:s23] =	ssyncset.done $0x0  }
0xa4: {  	s25 =	simm.s32 $0x1B8E;
	s24 =	sld [smem:$0x3FFE];
	[sflag:s23] =	ssyncadd.s32 $0xFFFFFFFF  }
0xa5: {  	s26 =	simm.s32 $execute0_lowered;
	[smem:$0x3FD2] =	sst s25  }
0xa6: {  	s5 =	sshll.u32 s26, $0x1;
	_ =	strace $0x80000046;
	[dreg:$0x1] =	wrdreg $0xFFFFFFFF  }
0xa7: {  	s28 =	simm.s32 $_size_execute0_lowered;
	s3 =	sadd.s32 s3, s5;
	[dreg:$0x0] =	wrdreg $0x0  }
0xa8: {  	s5 =	sshll.u32 s28, $0x1;
	[dreg:$0x2] =	wrdreg s3  }
0xa9: {  	[dreg:$0x3] =	wrdreg s5  }
0xaa: {  	[dreg:$0x4] =	wrdreg $0xC0  }
0xab: {  	_ =	task [dreg:s7], $0x5FFFF  }
0xac: {  	[dreg:$0x1] =	wrdreg $0xFFFFFFFF  }
0xad: {  	[dreg:$0x0] =	wrdreg $0x60  }
0xae: {  	[dreg:$0x2] =	wrdreg s24  }
0xaf: {  	[dreg:$0x3] =	wrdreg s2  }
0xb0: {  	[dreg:$0x4] =	wrdreg $0x9  }
0xb1: {  	_ =	task.clear_ibuf [dreg:s7], $0x5FFFF;
	_ =	strace $0x90000046  }
0xb2: {  	s29 =	simm.s32 $0x9;
	_ =	strace $0x80000048  }
0xb3: {  	_ =	swait.ge [sflag:s29], $0x1  }
0xb4: {  	[sflag:s29] =	ssyncadd.s32 $0xFFFFFFFF  }
0xb5: {  	_ =	strace $0x90000048  }
0xb6: {  	_ =	sfence  }
0xb7: {  	s30 =	sld [smem:$0x0];
	_ =	sdelay $0x2  }
0xb8: {  	s31 =	sshll.u32 s1, $0xD;
	s1 =	sshrl.u32 s1, $0x2  }
0xb9: {  	s3 =	sand.u32 $0x4000, s31;
	s1 =	sadd.s32 s1, s30  }
0xba: {  	s0 =	sor.u32 s3, s0;
	s1 =	sshll.u32 s1, $0x11  }
0xbb: {  	s0 =	sor.u32 s1, s0  }
0xbc: {  	s0 =	sadd.s32 $0x8F2B, s0  }
0xbd: {  	[sflag:s0] =	ssyncadd.remote.s32 $0x1  }
0xbe: {  	_ =	sfence.sel $0xFFFF  }
0xbf: {  	[dreg:$0x0] =	wrdreg $0xFFFFFFFF;
	(pc) =	sbr.abs _section_cstart, $3  }
0xc0: {  	[dreg:$0x1] =	wrdreg $0xFFFFFFFF  }
0xc1: {  	_ =	task.clear_ibuf [dreg:s7], $0x2FFFF;
	_ =	strace $0x9FFFFFFF  }
0xc2: {  	(tm) =	ssettm $0x7FFFFFFF  }
0xc3: {  	_ =	shalt  }
tec
execute0_lowered:
.L_overlay_start_1:
0x0: {  	(tag) =	ssettag $0x1  }
0x1: {  	s4 =	rddreg [dreg:$0x0]  }
0x2: {  	s5 =	rddreg [dreg:$0x1]  }
0x3: {  	s0 =	rddreg [dreg:$0x2];
	s1 =	stileid.u32  }
0x4: {  	s3 =	srdreg.scid;
	s2 =	simm.s32 $0x0;
	s7 =	smul.u32 $0xC800, s1  }
0x5: {  	s6 =	sand.u32 $0x1, s3;
	[smem:$0x7FF] =	sst s2;
	s10 =	smul.u32 $0x64000, s1  }
0x6: {  	s3 =	sadd.s32 $0x1A1800, s4;
	s8 =	smul.u32 $0x6400, s6;
	s9 =	ssub.s32 $0x2, s6  }
0x7: {  	_ =	strace $0x80000047;
	s6 =	smul.u32 $0x32000, s6;
	s31 =	sshrl.u32 s9, $0x1  }
0x8: {  	s5 =	sadd.s32 s10, s5;
	s10 =	simm.s32 $0x0;
	s7 =	sadd.s32 s8, s7  }
0x9: {  	s8 =	ssub.s32 s9, s31;
	s5 =	sadd.s32 s6, s5;
	s7 =	sshrl.u32 s7, $0x3  }
0xa: {  	s9 =	simm.s32 $0x1;
	s7 =	sadd.s32 s7, s4;
	s4 =	smax.u32 s8, $0x1  }
0xb: {  	s8 =	simm.s32 $0x200;
	s6 =	sadd.s32 $0x1E00, s7;
	s7 =	simm.s32 $0x2  }
.LBB2_1:
0xc: {  	s11 =	sadd.s32 $0x0, s6  }
0xd: {  	[tilespmem:s2], [sflag:$0x2] =	stream.linear.gather [hbm4b:s11+s2], $0x200, $0x38;
	[tilespmem:$0x8200] =	vst v63  }
0xe: {  	_ =	swait.ge [sflag:s7], $0x200  }
0xf: {  	[sflag:s7] =	ssyncset.done $0x0  }
0x10: {  	[sflag:s7] =	ssyncadd.s32 $0xFFFFFE00  }
0x11: {  	[tilespmem:s8], [sflag:$0x1] =	stream.indirect.gather [hbm4b:s3+s8], $0x40, s2, s8, $0xb8;
	[tilespmem:$0x8200] =	vst v63  }
0x12: {  	_ =	swait.ge [sflag:s9], $0x8000  }
0x13: {  	[sflag:s9] =	ssyncset.done $0x0  }
0x14: {  	[sflag:s9] =	ssyncadd.s32 $0xFFFF8000  }
0x15: {  	[hbm4b:s5+s2] =	stream.linear.scatter [tilespmem:s8], [sflag:$0x2], $0x8000, $0x38;
	[tilespmem:$0x8200] =	vst v63  }
0x16: {  	s12 =	simm.s32 $0x40;
	_ =	swait.ge [sflag:s7], $0x8000  }
0x17: {  	s13 =	simm.s32 $0x80;
	s11 =	sadd.s32 $0x1000, s5;
	[sflag:s7] =	ssyncset.done $0x0  }
.LBB2_2:
0x18: {  	s14 =	sadd.s32 s12, s6  }
0x19: {  	[sflag:s7] =	ssyncadd.s32 $0xFFFF8000;
	s12 =	smov.u32 s13;
	s15 =	sadd.s32 $0x40, s13  }
0x1a: {  	[tilespmem:s2], [sflag:$0x2] =	stream.linear.gather [hbm4b:s14+s2], $0x200, $0x38;
	[tilespmem:$0x8200] =	vst v63  }
0x1b: {  	p0 =	sne.s32 s13, $0xC40;
	_ =	swait.ge [sflag:s7], $0x200  }
0x1c: {  	[sflag:s7] =	ssyncset.done $0x0  }
0x1d: {  	[sflag:s7] =	ssyncadd.s32 $0xFFFFFE00  }
0x1e: {  	[tilespmem:s8], [sflag:$0x1] =	stream.indirect.gather [hbm4b:s3+s8], $0x40, s2, s8, $0xb8;
	[tilespmem:$0x8200] =	vst v63  }
0x1f: {  	_ =	swait.ge [sflag:s9], $0x8000  }
.Ltmp0:
0x20: {  	[sflag:s9] =	ssyncset.done $0x0;
	(pc) =	sbr.rel @p0 .LBB2_2-.Ltmp0, $4  }
0x21: {  	[sflag:s9] =	ssyncadd.s32 $0xFFFF8000  }
0x22: {  	[hbm4b:s11+s2] =	stream.linear.scatter [tilespmem:s8], [sflag:$0x2], $0x8000, $0x38;
	[tilespmem:$0x8200] =	vst v63  }
0x23: {  	_ =	swait.ge [sflag:s7], $0x8000  }
0x24: {  	s13 =	smov.u32 s15;
	s11 =	sadd.s32 $0x1000, s11;
	[sflag:s7] =	ssyncset.done $0x0  }
0x25: {  	s12 =	sadd.s32 s12, s6;
	[sflag:s7] =	ssyncadd.s32 $0xFFFF8000  }
0x26: {  	[tilespmem:s2], [sflag:$0x2] =	stream.linear.gather [hbm4b:s12+s2], $0x200, $0x38;
	[tilespmem:$0x8200] =	vst v63  }
0x27: {  	_ =	swait.ge [sflag:s7], $0x200  }
0x28: {  	[sflag:s7] =	ssyncset.done $0x0  }
0x29: {  	[sflag:s7] =	ssyncadd.s32 $0xFFFFFE00  }
0x2a: {  	[tilespmem:s8], [sflag:$0x1] =	stream.indirect.gather [hbm4b:s3+s8], $0x40, s2, s8, $0xb8;
	[tilespmem:$0x8200] =	vst v63  }
0x2b: {  	s10 =	sadd.s32 $0x1, s10;
	_ =	swait.ge [sflag:s9], $0x8000  }
0x2c: {  	p0 =	sne.s32 s10, s4;
	[sflag:s9] =	ssyncset.done $0x0  }
.Ltmp1:
0x2d: {  	[sflag:s9] =	ssyncadd.s32 $0xFFFF8000;
	(pc) =	sbr.rel @p0 .LBB2_1-.Ltmp1, $4  }
0x2e: {  	[hbm4b:s11+s2] =	stream.linear.scatter [tilespmem:s8], [sflag:$0x2], $0x8000, $0x38;
	[tilespmem:$0x8200] =	vst v63  }
0x2f: {  	_ =	swait.ge [sflag:s7], $0x8000  }
0x30: {  	[sflag:s7] =	ssyncset.done $0x0  }
0x31: {  	[sflag:s7] =	ssyncadd.s32 $0xFFFF8000  }
0x32: {  	_ =	sfence.sel $0x180000  }
0x33: {  	[bflag:$0x0] =	sbarrier.arrive $0xFFFF  }
0x34: {  	p0 =	sne.s32 s1, $0x0;
	_ =	strace $0x90000047  }
0x35: {  	s0 =	sadd.s32 @!p0 $0x100000, s0;
	[bflag:$0x2] =	sbarrier.arrive $0xFFFF  }
0x36: {  	[sflag:s0] =	ssyncadd.tile.s32 @!p0 $0x1;
	_ =	shalt  }
.Lfunc_end2:
_tile_overlayer_lowered:
.L_overlay_start_2:
0x37: {  	(tag) =	ssettag $0x2  }
0x38: {  	s0 =	rddreg [dreg:$0x0];
	s2 =	stileid.u32  }
0x39: {  	s1 =	rddreg [dreg:$0x1];
	p0 =	sne.s32 s2, $0x0  }
0x3a: {  	s3 =	rddreg [dreg:$0x2];
	[bflag:$0x3] =	sbarrier.arrive $0xFFFF;
	s2 =	simm.s32 @!p0 $0x1C02  }
0x3b: {  	[timem:s3], [sflag:s2] =	dma.local @!p0 [hbm:s0], s1  }
0x3c: {  	s0 =	simm.s32 @!p0 $0x2  }
0x3d: {  	_ =	swait.ge @!p0 [sflag:s0], s1  }
0x3e: {  	s1 =	ssub.s32 @!p0 $0x0, s1;
	[sflag:s0] =	ssyncset.done @!p0 $0x0  }
0x3f: {  	[sflag:s0] =	ssyncadd.s32 @!p0 s1  }
0x40: {  	[bflag:$0x3] =	sbarrier.arrive $0xFFFF  }
0x41: {  	_ =	shalt  }

// kernel: kernel.8.cloned.1.call-start
scs
__scs_entry_jumppad:
0x0: {  	(pc) =	sbr.rel $0x88, $3  }
0x1: {  	(tag) =	ssettag $0x0;
	lr =	simm.s32 $0x1  }
0x2: {  	[smem:$0x3F9D] =	sst lr;
	_ =	strace $0xD0000000  }
0x3: {  	_ = 	snop  }
0x4: {  	_ = 	snop  }
0x5: {  	_ = 	snop  }
0x6: {  	_ = 	snop  }
0x7: {  	_ = 	snop  }
__scs_overlays_trampoline_lowered:
0x8: {  	[smem:$0x3FAC] =	sst s0  }
0x9: {  	[smem:$0x3FAD] =	sst s1  }
0xa: {  	[smem:$0x3FAE] =	sst s2  }
0xb: {  	[smem:$0x3FAF] =	sst s3  }
0xc: {  	[smem:$0x3FB0] =	sst s4  }
0xd: {  	[smem:$0x3FB1] =	sst s5  }
0xe: {  	[smem:$0x3FB2] =	sst s6  }
0xf: {  	[smem:$0x3FB3] =	sst s7  }
0x10: {  	[smem:$0x3FB4] =	sst s8  }
0x11: {  	[smem:$0x3FB5] =	sst s9;
	s0 =	simm.s32 @!p0 $0x0  }
0x12: {  	s1 =	sld [smem:$0x3F9B];
	s0 =	simm.s32 @p0 $0x1  }
0x13: {  	[smem:$0x3FB6] =	sst s0;
	s0 =	simm.s32 @!p1 $0x0  }
0x14: {  	s2 =	sld [smem:$0x3F9A];
	s0 =	simm.s32 @p1 $0x1  }
0x15: {  	[smem:$0x3FB7] =	sst s0;
	s0 =	simm.s32 @!p2 $0x0  }
0x16: {  	s3 =	sld [smem:$0x3FDB];
	s0 =	simm.s32 @p2 $0x1  }
0x17: {  	s4 =	simm.s32 $0x1BF5;
	[smem:$0x3FB9] =	sst s0  }
0x18: {  	s0 =	sld [smem:$0x3F9C];
	_ =	swait.ge [sflag:s4], $0x0  }
0x19: {  	s7 =	sld [smem:$0x3F9D]  }
0x1a: {  	s8 =	sadd.s32 $0xFFFFE003, lr  }
0x1b: {  	s9 =	sadd.s32 $0xFFFFFEF7, lr;
	s5 =	simm.s32 $0xFFFFFFFF;
	p2 =	slt.u32 s8, $0xFFFFF086  }
0x1c: {  	p1 =	slt.u32 s9, $0xF7A;
	s5 =	simm.s32 @!p2 $0x0  }
0x1d: {  	s5 =	simm.s32 @p1 $0x1;
	p0 =	seq.s32 s7, s2  }
0x1e: {  	s7 =	smul.u32 @!p0 $0xF7A, s2;
	p2 =	seq.s32 @!p0 s5, $0x0  }
0x1f: {  	s9 =	smul.u32 $0xF7A, s1;
	s8 =	simm.s32 @!p0 $0x1BF5;
	p2 =	por !p2, p0  }
0x20: {  	[sflag:s8] =	ssyncset.s32 @!p0 $0xFFFFF086;
	s6 =	sadd.s32 @!p0 s3, s7;
	s7 =	simm.s32 @!p0 $0x108  }
0x21: {  	s3 =	sadd.s32 s3, s9;
	s6 =	sadd.s32 @!p0 $0x88, s6;
	s7 =	simm.s32 @p2 $0x1082  }
0x22: {  	[simem:s7], [sflag:s8] =	dma.local @!p0 [hbm:s6], $0xF7A  }
0x23: {  	s9 =	sor.u32 $0xD0000000, s2;
	s6 =	simm.s32 $0x108;
	_ =	swait.ge @!p0 [sflag:s8], $0x0  }
0x24: {  	s3 =	sadd.s32 $0x88, s3;
	s6 =	simm.s32 @!p1 $0x1082;
	[sflag:s4] =	ssyncset.s32 $0xFFFFF086  }
0x25: {  	[simem:s6], [sflag:s4] =	dma.local [hbm:s3], $0xF7A  }
0x26: {  	[smem:$0x3F9D] =	sst s1;
	(tag) =	ssettag s2;
	_ =	strace s9  }
0x27: {  	s1 =	sld [smem:$0x3FAD]  }
0x28: {  	s2 =	sld [smem:$0x3FAE]  }
0x29: {  	s4 =	sld [smem:$0x3FB0]  }
0x2a: {  	p0 =	seq.s32 s5, $0x0;
	s5 =	sld [smem:$0x3FB1]  }
0x2b: {  	s6 =	sld [smem:$0x3FB2]  }
0x2c: {  	s7 =	sld [smem:$0x3FB3]  }
0x2d: {  	s3 =	simm.s32 $0x108;
	s8 =	sld [smem:$0x3FB4]  }
0x2e: {  	s3 =	simm.s32 @!p0 $0x1082;
	s9 =	sld [smem:$0x3FB5]  }
0x2f: {  	lr =	sadd.s32 s0, s3;
	s0 =	sld [smem:$0x3FAC]  }
0x30: {  	s3 =	sld [smem:$0x3FAF]  }
0x31: {  	[smem:$0x3FB8] =	sst s10  }
0x32: {  	s10 =	sld [smem:$0x3FB6];
	_ =	sdelay $0x3  }
0x33: {  	p0 =	seq.s32 s10, $0x1;
	s10 =	sld [smem:$0x3FB8];
	_ =	sdelay $0x3  }
0x34: {  	[smem:$0x3FB8] =	sst s10  }
0x35: {  	s10 =	sld [smem:$0x3FB7];
	_ =	sdelay $0x3  }
0x36: {  	p1 =	seq.s32 s10, $0x1;
	s10 =	sld [smem:$0x3FB8];
	_ =	sdelay $0x3  }
0x37: {  	[smem:$0x3FB8] =	sst s10  }
0x38: {  	s10 =	sld [smem:$0x3FB9]  }
0x39: {  	_ = 	snop;
	(pc) =	sbr.ind lr, $3  }
0x3a: {  	_ = 	snop  }
0x3b: {  	_ = 	snop  }
0x3c: {  	p2 =	seq.s32 s10, $0x1;
	s10 =	sld [smem:$0x3FB8]  }
0x3d: {  	_ =	shalt  }
0x3e: {  	_ =	shalt  }
0x3f: {  	_ =	shalt  }
0x40: {  	_ =	shalt  }
0x41: {  	_ =	shalt  }
0x42: {  	_ =	shalt  }
0x43: {  	_ =	shalt  }
0x44: {  	_ =	shalt  }
0x45: {  	_ =	shalt  }
0x46: {  	_ =	shalt  }
0x47: {  	_ =	shalt  }
0x48: {  	_ =	shalt  }
0x49: {  	_ =	shalt  }
0x4a: {  	_ =	shalt  }
0x4b: {  	_ =	shalt  }
0x4c: {  	_ =	shalt  }
0x4d: {  	_ =	shalt  }
0x4e: {  	_ =	shalt  }
0x4f: {  	_ =	shalt  }
0x50: {  	_ =	shalt  }
0x51: {  	_ =	shalt  }
0x52: {  	_ =	shalt  }
0x53: {  	_ =	shalt  }
0x54: {  	_ =	shalt  }
0x55: {  	_ =	shalt  }
0x56: {  	_ =	shalt  }
0x57: {  	_ =	shalt  }
0x58: {  	_ =	shalt  }
0x59: {  	_ =	shalt  }
0x5a: {  	_ =	shalt  }
0x5b: {  	_ =	shalt  }
0x5c: {  	_ =	shalt  }
0x5d: {  	_ =	shalt  }
0x5e: {  	_ =	shalt  }
0x5f: {  	_ =	shalt  }
0x60: {  	_ =	shalt  }
0x61: {  	_ =	shalt  }
0x62: {  	_ =	shalt  }
0x63: {  	_ =	shalt  }
0x64: {  	_ =	shalt  }
0x65: {  	_ =	shalt  }
0x66: {  	_ =	shalt  }
0x67: {  	_ =	shalt  }
0x68: {  	_ =	shalt  }
0x69: {  	_ =	shalt  }
0x6a: {  	_ =	shalt  }
0x6b: {  	_ =	shalt  }
0x6c: {  	_ =	shalt  }
0x6d: {  	_ =	shalt  }
0x6e: {  	_ =	shalt  }
0x6f: {  	_ =	shalt  }
0x70: {  	_ =	shalt  }
0x71: {  	_ =	shalt  }
0x72: {  	_ =	shalt  }
0x73: {  	_ =	shalt  }
0x74: {  	_ =	shalt  }
0x75: {  	_ =	shalt  }
0x76: {  	_ =	shalt  }
0x77: {  	_ =	shalt  }
0x78: {  	_ =	shalt  }
0x79: {  	_ =	shalt  }
0x7a: {  	_ =	shalt  }
0x7b: {  	_ =	shalt  }
0x7c: {  	_ =	shalt  }
0x7d: {  	_ =	shalt  }
0x7e: {  	_ =	shalt  }
0x7f: {  	_ =	shalt  }
0x80: {  	_ =	shalt  }
0x81: {  	_ =	shalt  }
0x82: {  	_ =	shalt  }
0x83: {  	_ =	shalt  }
0x84: {  	_ =	shalt  }
0x85: {  	_ =	shalt  }
0x86: {  	_ =	shalt  }
0x87: {  	_ =	shalt  }
.Lfunc_end0:
.L_simem_size_0:
called_computation.2_lowered:
.L_overlay_start_0:
0x88: {  	s2 =	sld [smem:$0x3FD9]  }
0x89: {  	s3 =	sld [smem:$0x3FFE];
	_ =	sdelay $0x1  }
0x8a: {  	s1 =	srdreg.scid  }
0x8b: {  	s0 =	sand.u32 $0x1, s1  }
0x8c: {  	s17 =	sshll.u32 s0, $0xA;
	s2 =	sadd.s32 s3, s2  }
0x8d: {  	s2 =	sadd.s32 s2, s17  }
0x8e: {  	[smem:$0x3FC4] =	sst s2  }
0x8f: {  	_ = 	snop  }
0x90: {  	s2 =	sld [smem:$0x3FD0];
	(tm) =	ssettm $0x1  }
0x91: {  	s18 =	sld [smem:$0x3FFB];
	_ =	sdelay $0x3  }
0x92: {  	_ =	strace s18  }
0x93: {  	s3 =	sld [smem:$0x3FFC];
	_ =	sdelay $0x3  }
0x94: {  	_ =	strace s3  }
0x95: {  	s3 =	sld [smem:$0x3FFD];
	_ =	sdelay $0x3  }
0x96: {  	_ =	strace s3  }
0x97: {  	_ =	strace $0x8FFFFFFF  }
0x98: {  	s19 =	sld [smem:$0x3FDB];
	_ =	sdelay $0x1  }
0x99: {  	s4 =	simm.s32 $_scs_section_size  }
0x9a: {  	s5 =	simm.s32 $_size__tile_overlayer_lowered;
	s6 =	simm.s32 $_tile_overlayer_lowered  }
0x9b: {  	s22 =	simm.s32 $0x1BFF;
	s21 =	sshll.u32 s6, $0x1;
	s3 =	sadd.s32 s4, s19  }
0x9c: {  	s7 =	simm.s32 $0x0;
	s20 =	sshll.u32 s5, $0x1;
	s5 =	sadd.s32 s21, s3  }
0x9d: {  	[timem:s7], [sflag:s22] =	dma.local [hbm:s5], s20  }
0x9e: {  	_ =	swait.ge [sflag:s22], s20  }
0x9f: {  	s4 =	ssub.s32 $0x0, s20;
	[sflag:s22] =	ssyncset.done $0x0  }
0xa0: {  	[sflag:s22] =	ssyncadd.s32 s4;
	_ =	sdelay $0x1  }
0xa1: {  	s23 =	simm.s32 $0x1B8B  }
0xa2: {  	_ =	swait.ge [sflag:s23], $0x1  }
0xa3: {  	[sflag:s23] =	ssyncset.done $0x0  }
0xa4: {  	s25 =	simm.s32 $0x1B8E;
	s24 =	sld [smem:$0x3FFE];
	[sflag:s23] =	ssyncadd.s32 $0xFFFFFFFF  }
0xa5: {  	s26 =	simm.s32 $execute0_lowered;
	[smem:$0x3FD2] =	sst s25  }
0xa6: {  	s5 =	sshll.u32 s26, $0x1;
	_ =	strace $0x80000049;
	[dreg:$0x1] =	wrdreg $0xFFFFFFFF  }
0xa7: {  	s28 =	simm.s32 $_size_execute0_lowered;
	s3 =	sadd.s32 s3, s5;
	[dreg:$0x0] =	wrdreg $0x0  }
0xa8: {  	s5 =	sshll.u32 s28, $0x1;
	[dreg:$0x2] =	wrdreg s3  }
0xa9: {  	[dreg:$0x3] =	wrdreg s5  }
0xaa: {  	[dreg:$0x4] =	wrdreg $0xC0  }
0xab: {  	_ =	task [dreg:s7], $0x5FFFF  }
0xac: {  	[dreg:$0x1] =	wrdreg $0xFFFFFFFF  }
0xad: {  	[dreg:$0x0] =	wrdreg $0x60  }
0xae: {  	[dreg:$0x2] =	wrdreg s24  }
0xaf: {  	[dreg:$0x3] =	wrdreg s2  }
0xb0: {  	[dreg:$0x4] =	wrdreg $0x9  }
0xb1: {  	_ =	task.clear_ibuf [dreg:s7], $0x5FFFF;
	_ =	strace $0x90000049  }
0xb2: {  	s29 =	simm.s32 $0x9;
	_ =	strace $0x8000004B  }
0xb3: {  	_ =	swait.ge [sflag:s29], $0x1  }
0xb4: {  	[sflag:s29] =	ssyncadd.s32 $0xFFFFFFFF  }
0xb5: {  	_ =	strace $0x9000004B  }
0xb6: {  	_ =	sfence  }
0xb7: {  	s30 =	sld [smem:$0x0];
	_ =	sdelay $0x2  }
0xb8: {  	s31 =	sshll.u32 s1, $0xD;
	s1 =	sshrl.u32 s1, $0x2  }
0xb9: {  	s3 =	sand.u32 $0x4000, s31;
	s1 =	sadd.s32 s1, s30  }
0xba: {  	s0 =	sor.u32 s3, s0;
	s1 =	sshll.u32 s1, $0x11  }
0xbb: {  	s0 =	sor.u32 s1, s0  }
0xbc: {  	s0 =	sadd.s32 $0x8F2B, s0  }
0xbd: {  	[sflag:s0] =	ssyncadd.remote.s32 $0x1  }
0xbe: {  	_ =	sfence.sel $0xFFFF  }
0xbf: {  	[dreg:$0x0] =	wrdreg $0xFFFFFFFF;
	(pc) =	sbr.abs _section_cstart, $3  }
0xc0: {  	[dreg:$0x1] =	wrdreg $0xFFFFFFFF  }
0xc1: {  	_ =	task.clear_ibuf [dreg:s7], $0x2FFFF;
	_ =	strace $0x9FFFFFFF  }
0xc2: {  	(tm) =	ssettm $0x7FFFFFFF  }
0xc3: {  	_ =	shalt  }
tec
execute0_lowered:
.L_overlay_start_1:
0x0: {  	(tag) =	ssettag $0x1  }
0x1: {  	s1 =	srdreg.scid;
	s0 =	stileid.u32  }
0x2: {  	s9 =	sand.u32 $0x1, s1;
	s31 =	sshll.u32 s0, $0x1  }
0x3: {  	s1 =	sor.u32 s9, s31  }
0x4: {  	s8 =	rddreg [dreg:$0x0];
	s4 =	smul.u32 $0x50, s1  }
0x5: {  	s2 =	rddreg [dreg:$0x1];
	s3 =	simm.s32 $0x0  }
0x6: {  	s5 =	simm.s32 $0x2;
	[smem:$0x7FF] =	sst s3;
	s6 =	sadd.s32 s4, s8  }
0x7: {  	s1 =	rddreg [dreg:$0x2];
	_ =	strace $0x8000004A;
	s4 =	sadd.s32 $0x1B800, s6  }
0x8: {  	[tilespmem:s3], [sflag:$0x2] =	stream.linear.gather [hbm4b:s4+s3], $0x280, $0x38;
	[tilespmem:$0xA500] =	vst v63  }
0x9: {  	_ =	swait.ge [sflag:s5], $0x280  }
0xa: {  	s7 =	simm.s32 $0x280;
	[sflag:s5] =	ssyncset.done $0x0  }
0xb: {  	s11 =	ssub.s32 $0x2, s9;
	s6 =	sadd.s32 $0x1AE00, s6;
	[sflag:s5] =	ssyncadd.s32 $0xFFFFFD80  }
0xc: {  	[tilespmem:s7], [sflag:$0x2] =	stream.linear.gather [hbm4b:s6+s3], $0x280, $0x38;
	[tilespmem:$0xA500] =	vst v63  }
0xd: {  	s10 =	simm.s32 $0x500;
	s12 =	sshrl.u32 s11, $0x1;
	_ =	swait.ge [sflag:s5], $0x280  }
0xe: {  	s9 =	simm.s32 $0x1;
	s11 =	ssub.s32 s11, s12;
	[sflag:s5] =	ssyncset.done $0x0  }
0xf: {  	s8 =	sadd.s32 $0x1C200, s8;
	s11 =	smax.u32 s11, $0x1;
	[sflag:s5] =	ssyncadd.s32 $0xFFFFFD80  }
0x10: {  	[tilespmem:s10], [sflag:$0x1] =	stream.indirect.gather [hbm4b:s8+s7], $0x40, s3, s7, $0xb8;
	[tilespmem:$0xA500] =	vst v63  }
0x11: {  	p0 =	sne.s32 s11, $0x1;
	_ =	swait.ge [sflag:s9], $0xA000  }
.Ltmp0:
0x12: {  	[sflag:s9] =	ssyncset.done $0x0;
	(pc) =	sbr.rel @!p0 .LBB2_2-.Ltmp0, $4  }
0x13: {  	[sflag:s9] =	ssyncadd.s32 $0xFFFF6000  }
0x14: {  	[hbm4b:s2+s7] =	stream.indirect.scatter [tilespmem:s10], [sflag:$0x1], $0x40, s7, s7, $0xb8;
	[tilespmem:$0xA500] =	vst v63  }
0x15: {  	_ =	swait.ge [sflag:s9], $0xA000  }
0x16: {  	s11 =	sadd.s32 $0xFFFFFFFF, s11;
	[sflag:s9] =	ssyncset.done $0x0  }
.LBB2_1:
0x17: {  	p0 =	sne.s32 s11, $0x1;
	s11 =	sadd.s32 $0xFFFFFFFF, s11;
	[sflag:s9] =	ssyncadd.s32 $0xFFFF6000  }
0x18: {  	[tilespmem:s3], [sflag:$0x2] =	stream.linear.gather [hbm4b:s4+s3], $0x280, $0x38;
	[tilespmem:$0xA500] =	vst v63  }
0x19: {  	_ =	swait.ge [sflag:s5], $0x280  }
0x1a: {  	[sflag:s5] =	ssyncset.done $0x0  }
0x1b: {  	[sflag:s5] =	ssyncadd.s32 $0xFFFFFD80  }
0x1c: {  	[tilespmem:s7], [sflag:$0x2] =	stream.linear.gather [hbm4b:s6+s3], $0x280, $0x38;
	[tilespmem:$0xA500] =	vst v63  }
0x1d: {  	_ =	swait.ge [sflag:s5], $0x280  }
0x1e: {  	[sflag:s5] =	ssyncset.done $0x0  }
0x1f: {  	[sflag:s5] =	ssyncadd.s32 $0xFFFFFD80  }
0x20: {  	[tilespmem:s10], [sflag:$0x1] =	stream.indirect.gather [hbm4b:s8+s7], $0x40, s3, s7, $0xb8;
	[tilespmem:$0xA500] =	vst v63  }
0x21: {  	_ =	swait.ge [sflag:s9], $0xA000  }
.Ltmp1:
0x22: {  	[sflag:s9] =	ssyncset.done $0x0;
	(pc) =	sbr.rel @p0 .LBB2_1-.Ltmp1, $4  }
0x23: {  	[sflag:s9] =	ssyncadd.s32 $0xFFFF6000  }
0x24: {  	[hbm4b:s2+s7] =	stream.indirect.scatter [tilespmem:s10], [sflag:$0x1], $0x40, s7, s7, $0xb8;
	[tilespmem:$0xA500] =	vst v63  }
0x25: {  	_ =	swait.ge [sflag:s9], $0xA000  }
0x26: {  	[sflag:s9] =	ssyncset.done $0x0  }
.LBB2_2:
0x27: {  	[sflag:s9] =	ssyncadd.s32 $0xFFFF6000  }
0x28: {  	_ =	sfence.sel $0x180000  }
0x29: {  	[bflag:$0x0] =	sbarrier.arrive $0xFFFF  }
0x2a: {  	p0 =	sne.s32 s0, $0x0;
	_ =	strace $0x9000004A  }
0x2b: {  	s0 =	sadd.s32 @!p0 $0x100000, s1;
	[bflag:$0x2] =	sbarrier.arrive $0xFFFF  }
0x2c: {  	[sflag:s0] =	ssyncadd.tile.s32 @!p0 $0x1;
	_ =	shalt  }
.Lfunc_end2:
_tile_overlayer_lowered:
.L_overlay_start_2:
0x2d: {  	(tag) =	ssettag $0x2  }
0x2e: {  	s0 =	rddreg [dreg:$0x0];
	s2 =	stileid.u32  }
0x2f: {  	s1 =	rddreg [dreg:$0x1];
	p0 =	sne.s32 s2, $0x0  }
0x30: {  	s3 =	rddreg [dreg:$0x2];
	[bflag:$0x3] =	sbarrier.arrive $0xFFFF;
	s2 =	simm.s32 @!p0 $0x1C02  }
0x31: {  	[timem:s3], [sflag:s2] =	dma.local @!p0 [hbm:s0], s1  }
0x32: {  	s0 =	simm.s32 @!p0 $0x2  }
0x33: {  	_ =	swait.ge @!p0 [sflag:s0], s1  }
0x34: {  	s1 =	ssub.s32 @!p0 $0x0, s1;
	[sflag:s0] =	ssyncset.done @!p0 $0x0  }
0x35: {  	[sflag:s0] =	ssyncadd.s32 @!p0 s1  }
0x36: {  	[bflag:$0x3] =	sbarrier.arrive $0xFFFF  }
0x37: {  	_ =	shalt  }

// kernel: sparse-core-data-format-call.cloned.1.call-start
scs
called_computation_lowered:
.L_overlay_start_0:
0x0: {  	s2 =	sld [smem:$0x3FD9]  }
0x1: {  	s3 =	sld [smem:$0x3FFE];
	_ =	sdelay $0x1  }
0x2: {  	s1 =	srdreg.scid  }
0x3: {  	s0 =	sand.u32 $0x1, s1  }
0x4: {  	s18 =	sshll.u32 s0, $0xA;
	s2 =	sadd.s32 s3, s2  }
0x5: {  	s2 =	sadd.s32 s2, s18  }
0x6: {  	[smem:$0x3FC4] =	sst s2  }
0x7: {  	_ = 	snop  }
0x8: {  	s2 =	sld [smem:$0x3FD0];
	(tm) =	ssettm $0x1  }
0x9: {  	s19 =	sld [smem:$0x3FFB];
	_ =	sdelay $0x3  }
0xa: {  	_ =	strace s19  }
0xb: {  	s3 =	sld [smem:$0x3FFC];
	_ =	sdelay $0x3  }
0xc: {  	_ =	strace s3  }
0xd: {  	s3 =	sld [smem:$0x3FFD];
	_ =	sdelay $0x3  }
0xe: {  	_ =	strace s3  }
0xf: {  	_ =	strace $0x8FFFFFFF  }
0x10: {  	s20 =	sld [smem:$0x3FDB];
	_ =	sdelay $0x1  }
0x11: {  	s4 =	simm.s32 $_scs_section_size  }
0x12: {  	s5 =	simm.s32 $_size__tile_overlayer_lowered;
	s6 =	simm.s32 $_tile_overlayer_lowered  }
0x13: {  	s23 =	simm.s32 $0x1BFF;
	s22 =	sshll.u32 s6, $0x1;
	s3 =	sadd.s32 s4, s20  }
0x14: {  	s7 =	simm.s32 $0x0;
	s21 =	sshll.u32 s5, $0x1;
	s5 =	sadd.s32 s22, s3  }
0x15: {  	[timem:s7], [sflag:s23] =	dma.local [hbm:s5], s21  }
0x16: {  	_ =	swait.ge [sflag:s23], s21  }
0x17: {  	s4 =	ssub.s32 $0x0, s21;
	[sflag:s23] =	ssyncset.done $0x0  }
0x18: {  	[sflag:s23] =	ssyncadd.s32 s4;
	_ =	sdelay $0x1  }
0x19: {  	s24 =	simm.s32 $0x1B8B  }
0x1a: {  	_ =	swait.ge [sflag:s24], $0x1  }
0x1b: {  	[sflag:s24] =	ssyncset.done $0x0  }
0x1c: {  	s26 =	simm.s32 $0x1B8E;
	s25 =	sld [smem:$0x3FFE];
	[sflag:s24] =	ssyncadd.s32 $0xFFFFFFFF  }
0x1d: {  	s27 =	simm.s32 $execute0_lowered;
	[smem:$0x3FD2] =	sst s26  }
0x1e: {  	s5 =	sshll.u32 s27, $0x1;
	_ =	strace $0x8000004C;
	[dreg:$0x1] =	wrdreg $0xFFFFFFFF  }
0x1f: {  	s28 =	simm.s32 $_size_execute0_lowered;
	s3 =	sadd.s32 s3, s5;
	[dreg:$0x0] =	wrdreg $0x0  }
0x20: {  	s5 =	sshll.u32 s28, $0x1;
	[dreg:$0x2] =	wrdreg s3  }
0x21: {  	[dreg:$0x3] =	wrdreg s5  }
0x22: {  	[dreg:$0x4] =	wrdreg $0xC0  }
0x23: {  	_ =	task [dreg:s7], $0x5FFFF  }
0x24: {  	[dreg:$0x1] =	wrdreg $0xFFFFFFFF  }
0x25: {  	[dreg:$0x0] =	wrdreg $0x60  }
0x26: {  	[dreg:$0x2] =	wrdreg s25  }
0x27: {  	[dreg:$0x3] =	wrdreg s2  }
0x28: {  	[dreg:$0x4] =	wrdreg $0x9  }
0x29: {  	_ =	task.clear_ibuf [dreg:s7], $0x5FFFF;
	_ =	strace $0x9000004C  }
0x2a: {  	s29 =	simm.s32 $0x9;
	_ =	strace $0x8000004E  }
0x2b: {  	_ =	swait.ge [sflag:s29], $0x1  }
0x2c: {  	[sflag:s29] =	ssyncadd.s32 $0xFFFFFFFF  }
0x2d: {  	_ =	strace $0x9000004E  }
0x2e: {  	_ =	sfence  }
0x2f: {  	s30 =	sld [smem:$0x0];
	_ =	sdelay $0x2  }
0x30: {  	s31 =	sshll.u32 s1, $0xD;
	s1 =	sshrl.u32 s1, $0x2  }
0x31: {  	s3 =	sand.u32 $0x4000, s31;
	s1 =	sadd.s32 s1, s30  }
0x32: {  	s0 =	sor.u32 s3, s0;
	s1 =	sshll.u32 s1, $0x11  }
0x33: {  	s0 =	sor.u32 s1, s0  }
0x34: {  	s0 =	sadd.s32 $0x8F2B, s0  }
0x35: {  	[sflag:s0] =	ssyncadd.remote.s32 $0x1  }
0x36: {  	_ =	sfence.sel $0xFFFF  }
0x37: {  	[dreg:$0x0] =	wrdreg $0xFFFFFFFF;
	(pc) =	sbr.abs _section_cstart, $3  }
0x38: {  	[dreg:$0x1] =	wrdreg $0xFFFFFFFF  }
0x39: {  	_ =	task.clear_ibuf [dreg:s7], $0x2FFFF;
	_ =	strace $0x9FFFFFFF  }
0x3a: {  	(tm) =	ssettm $0x7FFFFFFF  }
0x3b: {  	_ =	shalt  }
tec
execute0_lowered:
.L_overlay_start_1:
0x0: {  	(tag) =	ssettag $0x1  }
0x1: {  	s0 =	srdreg.scid  }
0x2: {  	s1 =	sshll.u32 s0, $0x4  }
0x3: {  	s0 =	stileid.u32;
	s1 =	sand.u32 $0x10, s1  }
0x4: {  	s1 =	sor.u32 s0, s1  }
0x5: {  	s6 =	rddreg [dreg:$0x0];
	s4 =	simm.s32 $0x1;
	s2 =	sshll.u32 s1, $0x7  }
0x6: {  	s7 =	simm.s32 $0x2;
	s12 =	simm.s32 $0x0;
	s1 =	ssub.s32 $0x1000, s2  }
0x7: {  	s8 =	simm.s32 $0x8000;
	s13 =	simm.s32 $0x0;
	s3 =	sand.u32 $0xF80, s1  }
0x8: {  	s9 =	simm.s32 $0x0;
	s5 =	sshrl.u32 s1, $0xC;
	p0 =	sne.s32 s3, $0x0  }
.Ltmp0:
0x9: {  	s1 =	rddreg [dreg:$0x2];
	s4 =	simm.s32 @!p0 $0x0;
	(pc) =	sbr.rel .LBB1_1-.Ltmp0, $4  }
0xa: {  	s11 =	simm.s32 $0x0;
	s3 =	rddreg [dreg:$0x1];
	s5 =	sadd.s32 s4, s5  }
0xb: {  	_ =	strace $0x8000004D;
	s4 =	simm.s32 $0x1;
	s5 =	smul.u32 $0xC8, s5  }
0xc: {  	s6 =	sadd.s32 $0x1E00, s6;
	s10 =	smov.u32 s2;
	[sflag:s4] =	ssyncpa.u1 $0x0  }
0xd: {  	p0 =	por $0x0, $0x0;
	[sflag:s7] =	ssyncpa.u1 $0x0;
	s7 =	sor.u32 $0x1, s5  }
.LBB1_4:
0xe: {  	s16 =	sshll.u32 s13, $0x3;
	s17 =	sand.u32 $0x78, s13  }
0xf: {  	s30 =	sand.u32 $0x7E00, s13;
	s12 =	sshll.u32 s12, $0xF;
	s16 =	sand.u32 $0xC00, s16  }
0x10: {  	[tilespmem:s15+$0x810 ss:$0x81] =	vst.msk $0xffff, v2;
	s31 =	sand.u32 $0x7, s13;
	s16 =	sor.u32 s17, s16;
	s17 =	sadd.s32 s3, s30  }
0x11: {  	[tilespmem:s15+$0x1020 ss:$0x81] =	vst.msk $0xffff, v0;
	s13 =	sshll.u32 s31, $0x12;
	s12 =	sadd.s32 s12, s17;
	s16 =	sshrl.u32 s16, $0x3  }
0x12: {  	[tilespmem:s15+$0x0 ss:$0x81] =	vst.msk $0xffff, v1;
	s13 =	sor.u32 $0x400, s13;
	s12 =	sadd.s32 s16, s12  }
0x13: {  	[hbm4b:s12+s13] =	stream.strided.scatter [tilespmem:s14], [sflag:$0x2], $0x2000, s8, s13, $0x20;
	[tilespmem:$0x8080] =	vst v63  }
.LBB1_5:
0x14: {  	s14 =	sadd.s32 $0x1, s9  }
0x15: {  	s12 =	sadd.s32 $0x1000, s10;
	s16 =	smov.u32 s10;
	p2 =	sgt.s32 s14, $0xC7  }
0x16: {  	s16 =	smov.u32 @p2 s12  }
0x17: {  	s14 =	simm.s32 @p2 $0x0;
	p2 =	sgt.s32 s16, $0xFFF  }
0x18: {  	s16 =	smov.u32 @p2 s2;
	p2 =	sne.s32 s11, s7  }
.Ltmp1:
0x19: {  	p1 =	slt.u32 s11, $0x2;
	(pc) =	sbr.rel @!p2 .LBB1_6-.Ltmp1, $4  }
0x1a: {  	s15 =	simm.s32 @!p1 $0x2  }
0x1b: {  	s13 =	smov.u32 s10;
	p0 =	por !p0, !p0;
	_ =	swait.ge @!p1 [sflag:s15], $0x2000  }
0x1c: {  	s12 =	smov.u32 s9;
	[sflag:s15] =	ssyncset.done @!p1 $0x0;
	s9 =	smov.u32 s14  }
0x1d: {  	s11 =	sadd.s32 $0x1, s11;
	[sflag:s15] =	ssyncadd.s32 @!p1 $0xFFFFE000;
	s10 =	smov.u32 s16  }
.LBB1_1:
0x1e: {  	p1 =	sge.u32 s11, s5  }
0x1f: {  	s14 =	sand.u32 @!p1 $0x1FFFFFF, s9  }
0x20: {  	s15 =	smulhi.u32 @!p1 $0x147AE15, s14;
	_ =	sdelay $0x1  }
0x21: {  	s15 =	smul.u32 @!p1 $0xC8, s15  }
0x22: {  	s16 =	sxor.u32 @!p1 $0xFFFFFFFF, s11;
	s17 =	smul.u32 @!p1 $0xC80, s10  }
0x23: {  	s31 =	sadd.s32 $0xFFFFFFFF, s11;
	s16 =	sshll.u32 @!p1 s16, $0xD;
	s14 =	ssub.s32 @!p1 s14, s15  }
0x24: {  	s15 =	sand.u32 @!p1 $0x2000, s16;
	s16 =	sadd.s32 @!p1 s6, s17;
	s14 =	sshll.u32 @!p1 s14, $0x4  }
0x25: {  	s17 =	simm.s32 @!p1 $0x6400;
	s14 =	sadd.s32 @!p1 s14, s16;
	s16 =	simm.s32 @!p1 $0x40  }
0x26: {  	[tilespmem:s15], [sflag:$0x1] =	stream.strided.gather @!p1 [hbm4b:s14+s16], $0x2000, s17, s16, $0x38;
	[tilespmem:$0x8080] =	vst v63  }
0x27: {  	p1 =	sge.u32 s31, s5  }
.Ltmp2:
0x28: {  	_ = 	snop;
	(pc) =	sbr.rel @p1 .LBB1_5-.Ltmp2, $1  }
0x29: {  	_ =	sdelay $0x3  }
0x2a: {  	s14 =	simm.s32 $0x1  }
0x2b: {  	_ =	swait.ge [sflag:s4], $0x2000;
	s14 =	simm.s32 @!p0 $0x0  }
0x2c: {  	[sflag:s4] =	ssyncset.done $0x0;
	s15 =	sshll.u32 s14, $0xD  }
0x2d: {  	[sflag:s4] =	ssyncadd.s32 $0xFFFFE000;
	s18 =	sor.u32 $0x20, s15  }
0x2e: {  	s14 =	smul.u32 $0x8100, s14;
	v3 =	vld [tilespmem:s18+$0x10]  }
0x2f: {  	s30 =	sand.u32 $0x1, s11;
	v2 =	vld [tilespmem:s18+$0xFFFFFFF0]  }
0x30: {  	s15 =	smul.u32 $0x8100, s30;
	s14 =	sshrl.u32 s14, $0x2;
	v0 =	vld [tilespmem:s18+$0x0]  }
0x31: {  	v1 =	vld [tilespmem:s18+$0xFFFFFFE0];
	s16 =	sor.u32 $0x4000, s14  }
0x32: {  	s31 =	sshrl.u32 s15, $0x2;
	s15 =	sadd.s32 $0x0, s16  }
0x33: {  	s17 =	simm.s32 $0x4;
	s18 =	sadd.s32 $0x40, s18;
	s14 =	sor.u32 $0x4000, s31;
	[tilespmem:s15+$0x1830 ss:$0x81] =	vst.msk $0xffff, v3  }
.LBB1_3:
0x34: {  	v3 =	vld [tilespmem:s18+$0x10];
	p1 =	sne.s32 s17, $0x1FC;
	[tilespmem:s15+$0x810 ss:$0x81] =	vst.msk $0xffff, v2;
	s19 =	smov.u32 s17;
	s17 =	sadd.s32 $0x4, s17  }
.Ltmp3:
0x35: {  	v2 =	vld [tilespmem:s18+$0xFFFFFFF0];
	[tilespmem:s15+$0x1020 ss:$0x81] =	vst.msk $0xffff, v0;
	(pc) =	sbr.rel @p1 .LBB1_3-.Ltmp3, $4  }
0x36: {  	v0 =	vld [tilespmem:s18+$0x0];
	[tilespmem:s15+$0x0 ss:$0x81] =	vst.msk $0xffff, v1  }
0x37: {  	s15 =	sshra.s32 s19, $0x2;
	v1 =	vld [tilespmem:s18+$0xFFFFFFE0]  }
0x38: {  	s15 =	sadd.s32 s15, s16  }
0x39: {  	s18 =	sadd.s32 $0x40, s18;
	[tilespmem:s15+$0x1830 ss:$0x81] =	vst.msk $0xffff, v3  }
.Ltmp4:
0x3a: {  	_ = 	snop;
	(pc) =	sbr.rel .LBB1_4-.Ltmp4, $1  }
0x3b: {  	_ =	sdelay $0x3  }
.LBB1_6:
0x3c: {  	_ =	sfence.sel $0x180000  }
0x3d: {  	s2 =	simm.s32 $0x1;
	[bflag:$0x0] =	sbarrier.arrive $0xFFFF  }
0x3e: {  	s31 =	simm.s32 $0x2;
	[sflag:s2] =	ssyncpa.u1 $0x1  }
0x3f: {  	[sflag:s31] =	ssyncpa.u1 $0x1  }
0x40: {  	p0 =	sne.s32 s0, $0x0;
	_ =	strace $0x9000004D  }
0x41: {  	s0 =	sadd.s32 @!p0 $0x100000, s1;
	[bflag:$0x2] =	sbarrier.arrive $0xFFFF  }
0x42: {  	[sflag:s0] =	ssyncadd.tile.s32 @!p0 $0x1;
	_ =	shalt  }
.Lfunc_end1:
_tile_overlayer_lowered:
.L_overlay_start_2:
0x43: {  	(tag) =	ssettag $0x2  }
0x44: {  	s0 =	rddreg [dreg:$0x0];
	s2 =	stileid.u32  }
0x45: {  	s1 =	rddreg [dreg:$0x1];
	p0 =	sne.s32 s2, $0x0  }
0x46: {  	s3 =	rddreg [dreg:$0x2];
	[bflag:$0x3] =	sbarrier.arrive $0xFFFF;
	s2 =	simm.s32 @!p0 $0x1C01  }
0x47: {  	[timem:s3], [sflag:s2] =	dma.local @!p0 [hbm:s0], s1  }
0x48: {  	s0 =	simm.s32 @!p0 $0x1  }
0x49: {  	_ =	swait.ge @!p0 [sflag:s0], s1  }
0x4a: {  	s1 =	ssub.s32 @!p0 $0x0, s1;
	[sflag:s0] =	ssyncset.done @!p0 $0x0  }
0x4b: {  	[sflag:s0] =	ssyncadd.s32 @!p0 s1  }
0x4c: {  	[bflag:$0x3] =	sbarrier.arrive $0xFFFF  }
0x4d: {  	_ =	shalt  }

</sc_bundles>
